<compile_context>
chip_gen: v7x
topology: tpu7x:2x2x1
jax: 0.10.2.dev20260603
libtpu: 0.0.44.dev20260713+nightly
codegen_flags: <defaults>
</compile_context>

<pallas_src>
import functools

import jax
import jax.numpy as jnp
from jax import lax
from jax.experimental import pallas as pl
from jax.experimental.pallas import tpu as pltpu
from jax.experimental.pallas import tpu_sc as plsc

N = 10000
E = 320000
HID = 128
NLAYERS = 4
NGRAPHS = 100

NPAD = 10240
BLK = 1024
NBLK = NPAD // BLK

NC = 2
NS = 16
NW = NC * NS
CH = 80
NCHUNK = 128
EPW = NCHUNK * CH
EPAD = NW * EPW
RPT = NPAD // NS

_f32 = jnp.float32



def _sc_agg_body(g_hbm, cidx_hbm, dst_hbm, zeros_hbm, out_hbm, *sc):
    rows = sc[0:4]
    cid = sc[4:8]
    dst = sc[8:12]
    agg_sh = sc[12]
    gsem = sc[13:17]
    isem = sc[17:21]
    dsem = sc[21:25]
    ssem = sc[25:29]
    c = lax.axis_index("c")
    s = lax.axis_index("s")
    wid = s * NC + c
    ebase = wid * EPW
    K = NCHUNK // 4

    def load_cidx(chunk, j):
        pltpu.async_copy(cidx_hbm.at[pl.ds(ebase + chunk * CH, CH)], cid[j],
                         isem[j])

    def load_dst(chunk, j):
        pltpu.async_copy(dst_hbm.at[pl.ds(ebase + chunk * CH, CH)], dst[j],
                         dsem[j])

    pltpu.sync_copy(zeros_hbm, rows[0])
    for j in range(RPT // CH):
        pltpu.async_copy(rows[0], agg_sh.at[pl.ds(s * RPT + j * CH, CH)],
                         gsem[j % 4])
    for j in range(RPT // CH):
        pltpu.make_async_copy(
            rows[0], agg_sh.at[pl.ds(s * RPT + (j % 4) * CH, CH)],
            gsem[j % 4]).wait()
    plsc.subcore_barrier()

    for j in range(4):
        load_cidx(j, j)
    for j in range(2):
        load_dst(j, j)
    for j in range(2):
        pltpu.make_async_copy(cidx_hbm.at[pl.ds(0, CH)], cid[j], isem[j]).wait()
        pltpu.async_copy(g_hbm.at[cid[j]], rows[j], gsem[j])

    def body(k, carry):
        for j in range(4):
            jp = (j + 2) % 4
            i = 4 * k + j
            pltpu.make_async_copy(g_hbm.at[cid[j]], rows[j], gsem[j]).wait()

            @pl.when(k < K - 1)
            def _(i=i, j=j):
                load_cidx(i + 4, j)

            def wait_prev_scatter(jp=jp):
                pltpu.make_async_copy(rows[jp], agg_sh.at[dst[jp]],
                                      ssem[jp]).wait()
            if j < 2:
                pl.when(k > 0)(wait_prev_scatter)
            else:
                wait_prev_scatter()

            def issue_next(i=i, jp=jp):
                pltpu.make_async_copy(cidx_hbm.at[pl.ds(0, CH)], cid[jp],
                                      isem[jp]).wait()
                pltpu.async_copy(g_hbm.at[cid[jp]], rows[jp], gsem[jp])
                load_dst(i + 2, jp)
            if j < 2:
                issue_next()
            else:
                pl.when(k < K - 1)(issue_next)

            pltpu.make_async_copy(dst_hbm.at[pl.ds(0, CH)], dst[j],
                                  dsem[j]).wait()
            pltpu.async_copy(rows[j], agg_sh.at[dst[j]], ssem[j], add=True)
        return carry

    lax.fori_loop(0, K, body, 0)
    for j in (2, 3):
        pltpu.make_async_copy(rows[j], agg_sh.at[dst[j]], ssem[j]).wait()
    plsc.subcore_barrier()
    NWB = RPT // CH

    def wb_load(j):
        pltpu.async_copy(agg_sh.at[pl.ds(s * RPT + j * CH, CH)], rows[j % 4],
                         gsem[j % 4])

    for j in range(4):
        wb_load(j)
    for j in range(NWB):
        b = j % 4
        pltpu.make_async_copy(agg_sh.at[pl.ds(0, CH)], rows[b],
                              gsem[b]).wait()
        pltpu.async_copy(rows[b],
                         out_hbm.at[pl.ds(c * NPAD + s * RPT + j * CH, CH)],
                         ssem[b])
        if j + 4 < NWB:
            pltpu.make_async_copy(rows[b], out_hbm.at[pl.ds(0, CH)],
                                  ssem[b]).wait()
            wb_load(j + 4)
    for j in range(NWB - 4, NWB):
        pltpu.make_async_copy(rows[j % 4], out_hbm.at[pl.ds(0, CH)],
                              ssem[j % 4]).wait()


@functools.cache
def _build_sc_agg():
    return pl.kernel(
        _sc_agg_body,
        out_type=jax.ShapeDtypeStruct((NC * NPAD, HID), _f32),
        mesh=plsc.VectorSubcoreMesh(core_axis_name="c", subcore_axis_name="s",
                                    num_cores=NC, num_subcores=NS),
        scratch_types=(
            [pltpu.VMEM((CH, HID), _f32)] * 4
            + [pltpu.VMEM((CH,), jnp.int32)] * 8
            + [pltpu.VMEM_SHARED((NPAD, HID), _f32)]
            + [pltpu.SemaphoreType.DMA] * 16
        ),
    )


def _sc_agg(g, cidx_p, dst_p, zeros_c):
    return _build_sc_agg()(g.reshape(4 * NPAD, HID), cidx_p, dst_p, zeros_c)



def _encode_body(xv_ref, atom_ref, bond_ref, h_ref, g_ref):
    ids = xv_ref[...]
    oh = (ids == lax.broadcasted_iota(jnp.int32, (BLK, 32), 1).astype(_f32)
          ).astype(_f32)
    h = jnp.dot(oh, atom_ref[...], preferred_element_type=_f32)
    h_ref[...] = h
    for t in range(4):
        g_ref[t] = jnp.maximum(h + bond_ref[t], 0.0)


def _encode(xvf, atom_p, bond_p):
    return pl.pallas_call(
        _encode_body,
        grid=(NBLK,),
        in_specs=[
            pl.BlockSpec((BLK, 1), lambda b: (b, 0)),
            pl.BlockSpec((32, HID), lambda b: (0, 0)),
            pl.BlockSpec((8, HID), lambda b: (0, 0)),
        ],
        out_specs=[
            pl.BlockSpec((BLK, HID), lambda b: (b, 0)),
            pl.BlockSpec((4, BLK, HID), lambda b: (0, b, 0)),
        ],
        out_shape=[
            jax.ShapeDtypeStruct((NPAD, HID), _f32),
            jax.ShapeDtypeStruct((4, NPAD, HID), _f32),
        ],
    )(xvf, atom_p, bond_p)


def _layer_body(h_ref, agg_ref, w1_ref, b1_ref, w2_ref, b2_ref, eps_ref,
                bond_ref, hout_ref, g_ref):
    pre = h_ref[...] * eps_ref[...] + agg_ref[0] + agg_ref[1]
    t = jnp.maximum(
        jnp.dot(pre, w1_ref[...], preferred_element_type=_f32) + b1_ref[...],
        0.0)
    out = jnp.dot(t, w2_ref[...], preferred_element_type=_f32) + b2_ref[...]
    hout_ref[...] = out
    for k in range(4):
        g_ref[k] = jnp.maximum(out + bond_ref[k], 0.0)


def _layer(h, agg2, w1, b1, w2, b2, epsr, bond_p):
    return pl.pallas_call(
        _layer_body,
        grid=(NBLK,),
        in_specs=[
            pl.BlockSpec((BLK, HID), lambda b: (b, 0)),
            pl.BlockSpec((2, BLK, HID), lambda b: (0, b, 0)),
            pl.BlockSpec((HID, HID), lambda b: (0, 0)),
            pl.BlockSpec((1, HID), lambda b: (0, 0)),
            pl.BlockSpec((HID, HID), lambda b: (0, 0)),
            pl.BlockSpec((1, HID), lambda b: (0, 0)),
            pl.BlockSpec((1, HID), lambda b: (0, 0)),
            pl.BlockSpec((8, HID), lambda b: (0, 0)),
        ],
        out_specs=[
            pl.BlockSpec((BLK, HID), lambda b: (b, 0)),
            pl.BlockSpec((4, BLK, HID), lambda b: (0, b, 0)),
        ],
        out_shape=[
            jax.ShapeDtypeStruct((NPAD, HID), _f32),
            jax.ShapeDtypeStruct((4, NPAD, HID), _f32),
        ],
    )(h, agg2, w1, b1, w2, b2, epsr, bond_p)


def _final_body(h_ref, agg_ref, w1_ref, b1_ref, w2_ref, b2_ref, eps_ref,
                bat_ref, fcw_ref, fcb_ref, pred_ref, sums, cnt):
    b = pl.program_id(0)
    pre = h_ref[...] * eps_ref[...] + agg_ref[0] + agg_ref[1]
    t = jnp.maximum(
        jnp.dot(pre, w1_ref[...], preferred_element_type=_f32) + b1_ref[...],
        0.0)
    out = jnp.dot(t, w2_ref[...], preferred_element_type=_f32) + b2_ref[...]
    oh = (bat_ref[...] ==
          lax.broadcasted_iota(jnp.int32, (BLK, HID), 1).astype(_f32)
          ).astype(_f32)
    part = lax.dot_general(oh, out, (((0,), (0,)), ((), ())),
                           preferred_element_type=_f32)
    cpart = lax.dot_general(oh, jnp.ones((BLK, HID), _f32),
                            (((0,), (0,)), ((), ())),
                            preferred_element_type=_f32)

    @pl.when(b == 0)
    def _():
        sums[...] = jnp.zeros_like(sums)
        cnt[...] = jnp.zeros_like(cnt)

    sums[...] += part
    cnt[...] += cpart

    @pl.when(b == NBLK - 1)
    def _():
        ge = sums[...] / jnp.maximum(cnt[...], 1.0)
        pred_ref[...] = (jnp.dot(ge, fcw_ref[...], preferred_element_type=_f32)
                         + fcb_ref[...])


def _final(h, agg2, w1, b1, w2, b2, epsr, batf, fcw, fcb):
    return pl.pallas_call(
        _final_body,
        grid=(NBLK,),
        in_specs=[
            pl.BlockSpec((BLK, HID), lambda b: (b, 0)),
            pl.BlockSpec((2, BLK, HID), lambda b: (0, b, 0)),
            pl.BlockSpec((HID, HID), lambda b: (0, 0)),
            pl.BlockSpec((1, HID), lambda b: (0, 0)),
            pl.BlockSpec((HID, HID), lambda b: (0, 0)),
            pl.BlockSpec((1, HID), lambda b: (0, 0)),
            pl.BlockSpec((1, HID), lambda b: (0, 0)),
            pl.BlockSpec((BLK, 1), lambda b: (b, 0)),
            pl.BlockSpec((HID, HID), lambda b: (0, 0)),
            pl.BlockSpec((1, HID), lambda b: (0, 0)),
        ],
        out_specs=pl.BlockSpec((HID, HID), lambda b: (0, 0)),
        out_shape=jax.ShapeDtypeStruct((HID, HID), _f32),
        scratch_shapes=[
            pltpu.VMEM((HID, HID), _f32),
            pltpu.VMEM((HID, HID), _f32),
        ],
    )(h, agg2, w1, b1, w2, b2, epsr, batf, fcw, fcb)



def kernel(x, edge_index, edge_attr, batch, atom_emb, bond_emb,
           conv_W1, conv_b1, conv_W2, conv_b2, conv_eps, fc_W, fc_b):
    xvf = jnp.concatenate(
        [x[:, 0].astype(_f32), jnp.full((NPAD - N,), -1.0, _f32)]
    ).reshape(NPAD, 1)
    src = edge_index[0].astype(jnp.int32)
    dst = edge_index[1].astype(jnp.int32)
    attr = edge_attr.astype(jnp.int32)
    padr = N + (jnp.arange(EPAD - E, dtype=jnp.int32) % (NPAD - N))
    cidx_p = jnp.concatenate([attr * NPAD + src, 3 * NPAD + padr])
    dst_p = jnp.concatenate([dst, padr])
    batf = jnp.concatenate(
        [batch.astype(_f32), jnp.full((NPAD - N,), 127.0, _f32)]
    ).reshape(NPAD, 1)
    atom_p = jnp.zeros((32, HID), _f32).at[:28].set(atom_emb)
    bond_p = jnp.zeros((8, HID), _f32).at[:4].set(bond_emb)
    zeros_c = jnp.zeros((CH, HID), _f32)
    b1 = conv_b1.reshape(NLAYERS, 1, HID)
    b2 = conv_b2.reshape(NLAYERS, 1, HID)
    epsr = jnp.broadcast_to((1.0 + conv_eps)[:, None, None],
                            (NLAYERS, 1, HID)).astype(_f32)
    fcb = fc_b.reshape(1, HID)

    h, g = _encode(xvf, atom_p, bond_p)
    for i in range(NLAYERS - 1):
        agg2 = _sc_agg(g, cidx_p, dst_p, zeros_c).reshape(NC, NPAD, HID)
        h, g = _layer(h, agg2, conv_W1[i], b1[i], conv_W2[i], b2[i],
                      epsr[i], bond_p)
    agg2 = _sc_agg(g, cidx_p, dst_p, zeros_c).reshape(NC, NPAD, HID)
    pred = _final(h, agg2, conv_W1[3], b1[3], conv_W2[3], b2[3],
                  epsr[3], batf, fc_W, fcb)
    return pred[:NGRAPHS]

# --- scband reference (transcript-rebuilt; emitter-appended) ---
"""Pipeline reference for scband-encoder-28269474743134 (READ-ONLY COPY).

The authoritative reference and input builder live on the scoring server;
editing this copy changes nothing except your own understanding.
"""

import jax, jax.numpy as jnp
import numpy as np

N_NODES = 10000
N_EDGES = 320000
HID = 128
N_LAYERS = 4
N_GRAPHS = 100


def setup_inputs(seed: int = 0) -> dict:
    key = jax.random.key(seed)
    ks = jax.random.split(key, 16)
    x = jax.random.randint(ks[0], (N_NODES, 1), 0, 28, dtype=jnp.int64)
    edge_index = jax.random.randint(ks[1], (2, N_EDGES), 0, N_NODES, dtype=jnp.int64)
    edge_attr = jax.random.randint(ks[2], (N_EDGES,), 0, 4, dtype=jnp.int64)
    batch = jnp.sort(jax.random.randint(ks[3], (N_NODES,), 0, N_GRAPHS, dtype=jnp.int64))
    # learned parameters
    atom_emb = jax.random.normal(ks[4], (28, HID), dtype=jnp.float32) * (6.0 / (28 + HID)) ** 0.5
    bond_emb = jax.random.normal(ks[5], (4, HID), dtype=jnp.float32) * (6.0 / (4 + HID)) ** 0.5
    conv_W1 = jax.random.normal(ks[6], (N_LAYERS, HID, HID), dtype=jnp.float32) * (1.0 / HID) ** 0.5
    conv_b1 = jnp.zeros((N_LAYERS, HID), dtype=jnp.float32)
    conv_W2 = jax.random.normal(ks[7], (N_LAYERS, HID, HID), dtype=jnp.float32) * (1.0 / HID) ** 0.5
    conv_b2 = jnp.zeros((N_LAYERS, HID), dtype=jnp.float32)
    conv_eps = jnp.zeros((N_LAYERS,), dtype=jnp.float32)
    fc_W = jax.random.normal(ks[8], (HID, HID), dtype=jnp.float32) * (1.0 / HID) ** 0.5
    fc_b = jnp.zeros((HID,), dtype=jnp.float32)
    return {"x": x, "edge_index": edge_index, "edge_attr": edge_attr, "batch": batch,
            "atom_emb": atom_emb, "bond_emb": bond_emb,
            "conv_W1": conv_W1, "conv_b1": conv_b1, "conv_W2": conv_W2, "conv_b2": conv_b2,
            "conv_eps": conv_eps, "fc_W": fc_W, "fc_b": fc_b}


def reference(x, edge_index, edge_attr, batch, atom_emb, bond_emb,
              conv_W1, conv_b1, conv_W2, conv_b2, conv_eps, fc_W, fc_b):
    N = x.shape[0]
    # ZINCAtomEncoder: squeeze, mask -1 entries, embed, zero masked rows
    xv = x.squeeze(1)
    masked = xv == -1
    xv = jnp.where(masked, 0, xv)
    h = jnp.take(atom_emb, xv, axis=0)
    h = jnp.where(masked[:, None], 0.0, h)
    # ZINCBondEncoder
    ea = jnp.take(bond_emb, edge_attr, axis=0)
    src = edge_index[0]
    dst = edge_index[1]
    # GINEConv layers: MLP((1+eps)*x + sum_{j in N(i)} relu(x_j + e_ji))
    for i in range(N_LAYERS):
        msg = jax.nn.relu(jnp.take(h, src, axis=0) + ea)
        agg = jax.ops.segment_sum(msg, dst, num_segments=N)
        out = (1.0 + conv_eps[i]) * h + agg
        out = jax.nn.relu(out @ conv_W1[i] + conv_b1[i])
        out = out @ conv_W2[i] + conv_b2[i]
        h = out
    # global_mean_pool over batch segment ids
    sums = jax.ops.segment_sum(h, batch, num_segments=N_GRAPHS)
    counts = jax.ops.segment_sum(jnp.ones((N,), dtype=h.dtype), batch, num_segments=N_GRAPHS)
    graph_emb = sums / jnp.maximum(counts, 1.0)[:, None]
    # fc_obj: MLP([hid, hid]) -> single linear
    pred = graph_emb @ fc_W + fc_b
    return pred

if __name__ == "__main__":
    import jax
    _d = setup_inputs()
    print(jax.jit(kernel)(*tuple(_d.values())))

</pallas_src>

<mosaic_0001>
#map = affine_map<(d0, d1) -> (0, 0)>
#map1 = affine_map<(d0, d1) -> (0)>
module attributes {stable_mosaic.version = 14 : i64} {
  func.func @_sc_agg_body(%arg0: i32, %arg1: i32, %arg2: memref<40960x128xf32, #tpu.memory_space<hbm>>, %arg3: memref<327680xi32, #tpu.memory_space<hbm>>, %arg4: memref<327680xi32, #tpu.memory_space<hbm>>, %arg5: memref<80x128xf32, #tpu.memory_space<hbm>>, %arg6: memref<20480x128xf32, #tpu.memory_space<hbm>>, %arg7: memref<80x128xf32, #tpu.memory_space<vmem>>, %arg8: memref<80x128xf32, #tpu.memory_space<vmem>>, %arg9: memref<80x128xf32, #tpu.memory_space<vmem>>, %arg10: memref<80x128xf32, #tpu.memory_space<vmem>>, %arg11: memref<80xi32, #tpu.memory_space<vmem>>, %arg12: memref<80xi32, #tpu.memory_space<vmem>>, %arg13: memref<80xi32, #tpu.memory_space<vmem>>, %arg14: memref<80xi32, #tpu.memory_space<vmem>>, %arg15: memref<80xi32, #tpu.memory_space<vmem>>, %arg16: memref<80xi32, #tpu.memory_space<vmem>>, %arg17: memref<80xi32, #tpu.memory_space<vmem>>, %arg18: memref<80xi32, #tpu.memory_space<vmem>>, %arg19: memref<10240x128xf32, #tpu.memory_space<vmem_shared>>, %arg20: memref<!tpu.dma_semaphore, #tpu.memory_space<semaphore_mem>>, %arg21: memref<!tpu.dma_semaphore, #tpu.memory_space<semaphore_mem>>, %arg22: memref<!tpu.dma_semaphore, #tpu.memory_space<semaphore_mem>>, %arg23: memref<!tpu.dma_semaphore, #tpu.memory_space<semaphore_mem>>, %arg24: memref<!tpu.dma_semaphore, #tpu.memory_space<semaphore_mem>>, %arg25: memref<!tpu.dma_semaphore, #tpu.memory_space<semaphore_mem>>, %arg26: memref<!tpu.dma_semaphore, #tpu.memory_space<semaphore_mem>>, %arg27: memref<!tpu.dma_semaphore, #tpu.memory_space<semaphore_mem>>, %arg28: memref<!tpu.dma_semaphore, #tpu.memory_space<semaphore_mem>>, %arg29: memref<!tpu.dma_semaphore, #tpu.memory_space<semaphore_mem>>, %arg30: memref<!tpu.dma_semaphore, #tpu.memory_space<semaphore_mem>>, %arg31: memref<!tpu.dma_semaphore, #tpu.memory_space<semaphore_mem>>, %arg32: memref<!tpu.dma_semaphore, #tpu.memory_space<semaphore_mem>>, %arg33: memref<!tpu.dma_semaphore, #tpu.memory_space<semaphore_mem>>, %arg34: memref<!tpu.dma_semaphore, #tpu.memory_space<semaphore_mem>>, %arg35: memref<!tpu.dma_semaphore, #tpu.memory_space<semaphore_mem>>) attributes {dimension_semantics = [#tpu.dimension_semantics<core_parallel>, #tpu.dimension_semantics<subcore_parallel>], iteration_bounds = array<i64: 2, 16>, scalar_prefetch = 0 : i64, scratch_operands = 29 : i64, tpu.core_type = #tpu.core_type<sc_vector_subcore>, window_params = [{transform_indices = #map}, {transform_indices = #map1}, {transform_indices = #map1}, {transform_indices = #map}, {transform_indices = #map}]} {
    %mul3A = arith.constant 2 : i32
    %mul3A_0 = arith.muli %arg1, %mul3A : i32
    %add3A = arith.addi %mul3A_0, %arg0 : i32
    %mul3A_1 = arith.constant 10240 : i32
    %mul3A_2 = arith.muli %add3A, %mul3A_1 : i32
    "tpu.region"() ({
      %run_scoped3A = tpu.sem_alloc : memref<!tpu.dma_semaphore, #tpu.memory_space<semaphore_mem>>
      tpu.enqueue_dma source(%arg5 : memref<80x128xf32, #tpu.memory_space<hbm>>) target(%arg7 : memref<80x128xf32, #tpu.memory_space<vmem>>) target_semaphore(%run_scoped3A : memref<!tpu.dma_semaphore, #tpu.memory_space<semaphore_mem>>)
      tpu.wait_dma2 semaphore(%run_scoped3A : memref<!tpu.dma_semaphore, #tpu.memory_space<semaphore_mem>>) src(%arg5 : memref<80x128xf32, #tpu.memory_space<hbm>>) dst(%arg7 : memref<80x128xf32, #tpu.memory_space<vmem>>)
      tpu.yield
    }) : () -> ()
    %mul3A_3 = arith.constant 640 : i32
    %mul3A_4 = arith.muli %arg1, %mul3A_3 : i32
    %add3A_5 = arith.constant 0 : i32
    %add3A_6 = arith.addi %mul3A_4, %add3A_5 : i32
    %dma_start3A = arith.constant 0 : i32
    %dma_start3A_7 = tpu.memref_slice %arg19[%add3A_6, %dma_start3A] : memref<10240x128xf32, #tpu.memory_space<vmem_shared>> -> memref<80x128xf32, #tpu.memory_space<vmem_shared>>
    %dma_start3A_8 = arith.constant 0 : i32
    %dma_start3A_9 = tpu.memref_slice %arg19[%add3A_6, %dma_start3A_8] : memref<10240x128xf32, #tpu.memory_space<vmem_shared>> -> memref<80x128xf32, #tpu.memory_space<vmem_shared>>
    tpu.enqueue_dma source(%arg7 : memref<80x128xf32, #tpu.memory_space<vmem>>) target(%dma_start3A_9 : memref<80x128xf32, #tpu.memory_space<vmem_shared>>) target_semaphore(%arg20 : memref<!tpu.dma_semaphore, #tpu.memory_space<semaphore_mem>>)
    %mul3A_10 = arith.constant 640 : i32
    %mul3A_11 = arith.muli %arg1, %mul3A_10 : i32
    %add3A_12 = arith.constant 80 : i32
    %add3A_13 = arith.addi %mul3A_11, %add3A_12 : i32
    %dma_start3A_14 = arith.constant 0 : i32
    %dma_start3A_15 = tpu.memref_slice %arg19[%add3A_13, %dma_start3A_14] : memref<10240x128xf32, #tpu.memory_space<vmem_shared>> -> memref<80x128xf32, #tpu.memory_space<vmem_shared>>
    %dma_start3A_16 = arith.constant 0 : i32
    %dma_start3A_17 = tpu.memref_slice %arg19[%add3A_13, %dma_start3A_16] : memref<10240x128xf32, #tpu.memory_space<vmem_shared>> -> memref<80x128xf32, #tpu.memory_space<vmem_shared>>
    tpu.enqueue_dma source(%arg7 : memref<80x128xf32, #tpu.memory_space<vmem>>) target(%dma_start3A_17 : memref<80x128xf32, #tpu.memory_space<vmem_shared>>) target_semaphore(%arg21 : memref<!tpu.dma_semaphore, #tpu.memory_space<semaphore_mem>>)
    %mul3A_18 = arith.constant 640 : i32
    %mul3A_19 = arith.muli %arg1, %mul3A_18 : i32
    %add3A_20 = arith.constant 160 : i32
    %add3A_21 = arith.addi %mul3A_19, %add3A_20 : i32
    %dma_start3A_22 = arith.constant 0 : i32
    %dma_start3A_23 = tpu.memref_slice %arg19[%add3A_21, %dma_start3A_22] : memref<10240x128xf32, #tpu.memory_space<vmem_shared>> -> memref<80x128xf32, #tpu.memory_space<vmem_shared>>
    %dma_start3A_24 = arith.constant 0 : i32
    %dma_start3A_25 = tpu.memref_slice %arg19[%add3A_21, %dma_start3A_24] : memref<10240x128xf32, #tpu.memory_space<vmem_shared>> -> memref<80x128xf32, #tpu.memory_space<vmem_shared>>
    tpu.enqueue_dma source(%arg7 : memref<80x128xf32, #tpu.memory_space<vmem>>) target(%dma_start3A_25 : memref<80x128xf32, #tpu.memory_space<vmem_shared>>) target_semaphore(%arg22 : memref<!tpu.dma_semaphore, #tpu.memory_space<semaphore_mem>>)
    %mul3A_26 = arith.constant 640 : i32
    %mul3A_27 = arith.muli %arg1, %mul3A_26 : i32
    %add3A_28 = arith.constant 240 : i32
    %add3A_29 = arith.addi %mul3A_27, %add3A_28 : i32
    %dma_start3A_30 = arith.constant 0 : i32
    %dma_start3A_31 = tpu.memref_slice %arg19[%add3A_29, %dma_start3A_30] : memref<10240x128xf32, #tpu.memory_space<vmem_shared>> -> memref<80x128xf32, #tpu.memory_space<vmem_shared>>
    %dma_start3A_32 = arith.constant 0 : i32
    %dma_start3A_33 = tpu.memref_slice %arg19[%add3A_29, %dma_start3A_32] : memref<10240x128xf32, #tpu.memory_space<vmem_shared>> -> memref<80x128xf32, #tpu.memory_space<vmem_shared>>
    tpu.enqueue_dma source(%arg7 : memref<80x128xf32, #tpu.memory_space<vmem>>) target(%dma_start3A_33 : memref<80x128xf32, #tpu.memory_space<vmem_shared>>) target_semaphore(%arg23 : memref<!tpu.dma_semaphore, #tpu.memory_space<semaphore_mem>>)
    %mul3A_34 = arith.constant 640 : i32
    %mul3A_35 = arith.muli %arg1, %mul3A_34 : i32
    %add3A_36 = arith.constant 320 : i32
    %add3A_37 = arith.addi %mul3A_35, %add3A_36 : i32
    %dma_start3A_38 = arith.constant 0 : i32
    %dma_start3A_39 = tpu.memref_slice %arg19[%add3A_37, %dma_start3A_38] : memref<10240x128xf32, #tpu.memory_space<vmem_shared>> -> memref<80x128xf32, #tpu.memory_space<vmem_shared>>
    %dma_start3A_40 = arith.constant 0 : i32
    %dma_start3A_41 = tpu.memref_slice %arg19[%add3A_37, %dma_start3A_40] : memref<10240x128xf32, #tpu.memory_space<vmem_shared>> -> memref<80x128xf32, #tpu.memory_space<vmem_shared>>
    tpu.enqueue_dma source(%arg7 : memref<80x128xf32, #tpu.memory_space<vmem>>) target(%dma_start3A_41 : memref<80x128xf32, #tpu.memory_space<vmem_shared>>) target_semaphore(%arg20 : memref<!tpu.dma_semaphore, #tpu.memory_space<semaphore_mem>>)
    %mul3A_42 = arith.constant 640 : i32
    %mul3A_43 = arith.muli %arg1, %mul3A_42 : i32
    %add3A_44 = arith.constant 400 : i32
    %add3A_45 = arith.addi %mul3A_43, %add3A_44 : i32
    %dma_start3A_46 = arith.constant 0 : i32
    %dma_start3A_47 = tpu.memref_slice %arg19[%add3A_45, %dma_start3A_46] : memref<10240x128xf32, #tpu.memory_space<vmem_shared>> -> memref<80x128xf32, #tpu.memory_space<vmem_shared>>
    %dma_start3A_48 = arith.constant 0 : i32
    %dma_start3A_49 = tpu.memref_slice %arg19[%add3A_45, %dma_start3A_48] : memref<10240x128xf32, #tpu.memory_space<vmem_shared>> -> memref<80x128xf32, #tpu.memory_space<vmem_shared>>
    tpu.enqueue_dma source(%arg7 : memref<80x128xf32, #tpu.memory_space<vmem>>) target(%dma_start3A_49 : memref<80x128xf32, #tpu.memory_space<vmem_shared>>) target_semaphore(%arg21 : memref<!tpu.dma_semaphore, #tpu.memory_space<semaphore_mem>>)
    %mul3A_50 = arith.constant 640 : i32
    %mul3A_51 = arith.muli %arg1, %mul3A_50 : i32
    %add3A_52 = arith.constant 480 : i32
    %add3A_53 = arith.addi %mul3A_51, %add3A_52 : i32
    %dma_start3A_54 = arith.constant 0 : i32
    %dma_start3A_55 = tpu.memref_slice %arg19[%add3A_53, %dma_start3A_54] : memref<10240x128xf32, #tpu.memory_space<vmem_shared>> -> memref<80x128xf32, #tpu.memory_space<vmem_shared>>
    %dma_start3A_56 = arith.constant 0 : i32
    %dma_start3A_57 = tpu.memref_slice %arg19[%add3A_53, %dma_start3A_56] : memref<10240x128xf32, #tpu.memory_space<vmem_shared>> -> memref<80x128xf32, #tpu.memory_space<vmem_shared>>
    tpu.enqueue_dma source(%arg7 : memref<80x128xf32, #tpu.memory_space<vmem>>) target(%dma_start3A_57 : memref<80x128xf32, #tpu.memory_space<vmem_shared>>) target_semaphore(%arg22 : memref<!tpu.dma_semaphore, #tpu.memory_space<semaphore_mem>>)
    %mul3A_58 = arith.constant 640 : i32
    %mul3A_59 = arith.muli %arg1, %mul3A_58 : i32
    %add3A_60 = arith.constant 560 : i32
    %add3A_61 = arith.addi %mul3A_59, %add3A_60 : i32
    %dma_start3A_62 = arith.constant 0 : i32
    %dma_start3A_63 = tpu.memref_slice %arg19[%add3A_61, %dma_start3A_62] : memref<10240x128xf32, #tpu.memory_space<vmem_shared>> -> memref<80x128xf32, #tpu.memory_space<vmem_shared>>
    %dma_start3A_64 = arith.constant 0 : i32
    %dma_start3A_65 = tpu.memref_slice %arg19[%add3A_61, %dma_start3A_64] : memref<10240x128xf32, #tpu.memory_space<vmem_shared>> -> memref<80x128xf32, #tpu.memory_space<vmem_shared>>
    tpu.enqueue_dma source(%arg7 : memref<80x128xf32, #tpu.memory_space<vmem>>) target(%dma_start3A_65 : memref<80x128xf32, #tpu.memory_space<vmem_shared>>) target_semaphore(%arg23 : memref<!tpu.dma_semaphore, #tpu.memory_space<semaphore_mem>>)
    %mul3A_66 = arith.constant 640 : i32
    %mul3A_67 = arith.muli %arg1, %mul3A_66 : i32
    %add3A_68 = arith.constant 0 : i32
    %add3A_69 = arith.addi %mul3A_67, %add3A_68 : i32
    %dma_wait3A = arith.constant 0 : i32
    %dma_wait3A_70 = tpu.memref_slice %arg19[%add3A_69, %dma_wait3A] : memref<10240x128xf32, #tpu.memory_space<vmem_shared>> -> memref<80x128xf32, #tpu.memory_space<vmem_shared>>
    %dma_wait3A_71 = arith.constant 0 : i32
    %dma_wait3A_72 = tpu.memref_slice %arg19[%add3A_69, %dma_wait3A_71] : memref<10240x128xf32, #tpu.memory_space<vmem_shared>> -> memref<80x128xf32, #tpu.memory_space<vmem_shared>>
    tpu.wait_dma2 semaphore(%arg20 : memref<!tpu.dma_semaphore, #tpu.memory_space<semaphore_mem>>) src(%arg7 : memref<80x128xf32, #tpu.memory_space<vmem>>) dst(%dma_wait3A_72 : memref<80x128xf32, #tpu.memory_space<vmem_shared>>)
    %mul3A_73 = arith.constant 640 : i32
    %mul3A_74 = arith.muli %arg1, %mul3A_73 : i32
    %add3A_75 = arith.constant 80 : i32
    %add3A_76 = arith.addi %mul3A_74, %add3A_75 : i32
    %dma_wait3A_77 = arith.constant 0 : i32
    %dma_wait3A_78 = tpu.memref_slice %arg19[%add3A_76, %dma_wait3A_77] : memref<10240x128xf32, #tpu.memory_space<vmem_shared>> -> memref<80x128xf32, #tpu.memory_space<vmem_shared>>
    %dma_wait3A_79 = arith.constant 0 : i32
    %dma_wait3A_80 = tpu.memref_slice %arg19[%add3A_76, %dma_wait3A_79] : memref<10240x128xf32, #tpu.memory_space<vmem_shared>> -> memref<80x128xf32, #tpu.memory_space<vmem_shared>>
    tpu.wait_dma2 semaphore(%arg21 : memref<!tpu.dma_semaphore, #tpu.memory_space<semaphore_mem>>) src(%arg7 : memref<80x128xf32, #tpu.memory_space<vmem>>) dst(%dma_wait3A_80 : memref<80x128xf32, #tpu.memory_space<vmem_shared>>)
    %mul3A_81 = arith.constant 640 : i32
    %mul3A_82 = arith.muli %arg1, %mul3A_81 : i32
    %add3A_83 = arith.constant 160 : i32
    %add3A_84 = arith.addi %mul3A_82, %add3A_83 : i32
    %dma_wait3A_85 = arith.constant 0 : i32
    %dma_wait3A_86 = tpu.memref_slice %arg19[%add3A_84, %dma_wait3A_85] : memref<10240x128xf32, #tpu.memory_space<vmem_shared>> -> memref<80x128xf32, #tpu.memory_space<vmem_shared>>
    %dma_wait3A_87 = arith.constant 0 : i32
    %dma_wait3A_88 = tpu.memref_slice %arg19[%add3A_84, %dma_wait3A_87] : memref<10240x128xf32, #tpu.memory_space<vmem_shared>> -> memref<80x128xf32, #tpu.memory_space<vmem_shared>>
    tpu.wait_dma2 semaphore(%arg22 : memref<!tpu.dma_semaphore, #tpu.memory_space<semaphore_mem>>) src(%arg7 : memref<80x128xf32, #tpu.memory_space<vmem>>) dst(%dma_wait3A_88 : memref<80x128xf32, #tpu.memory_space<vmem_shared>>)
    %mul3A_89 = arith.constant 640 : i32
    %mul3A_90 = arith.muli %arg1, %mul3A_89 : i32
    %add3A_91 = arith.constant 240 : i32
    %add3A_92 = arith.addi %mul3A_90, %add3A_91 : i32
    %dma_wait3A_93 = arith.constant 0 : i32
    %dma_wait3A_94 = tpu.memref_slice %arg19[%add3A_92, %dma_wait3A_93] : memref<10240x128xf32, #tpu.memory_space<vmem_shared>> -> memref<80x128xf32, #tpu.memory_space<vmem_shared>>
    %dma_wait3A_95 = arith.constant 0 : i32
    %dma_wait3A_96 = tpu.memref_slice %arg19[%add3A_92, %dma_wait3A_95] : memref<10240x128xf32, #tpu.memory_space<vmem_shared>> -> memref<80x128xf32, #tpu.memory_space<vmem_shared>>
    tpu.wait_dma2 semaphore(%arg23 : memref<!tpu.dma_semaphore, #tpu.memory_space<semaphore_mem>>) src(%arg7 : memref<80x128xf32, #tpu.memory_space<vmem>>) dst(%dma_wait3A_96 : memref<80x128xf32, #tpu.memory_space<vmem_shared>>)
    %mul3A_97 = arith.constant 640 : i32
    %mul3A_98 = arith.muli %arg1, %mul3A_97 : i32
    %add3A_99 = arith.constant 0 : i32
    %add3A_100 = arith.addi %mul3A_98, %add3A_99 : i32
    %dma_wait3A_101 = arith.constant 0 : i32
    %dma_wait3A_102 = tpu.memref_slice %arg19[%add3A_100, %dma_wait3A_101] : memref<10240x128xf32, #tpu.memory_space<vmem_shared>> -> memref<80x128xf32, #tpu.memory_space<vmem_shared>>
    %dma_wait3A_103 = arith.constant 0 : i32
    %dma_wait3A_104 = tpu.memref_slice %arg19[%add3A_100, %dma_wait3A_103] : memref<10240x128xf32, #tpu.memory_space<vmem_shared>> -> memref<80x128xf32, #tpu.memory_space<vmem_shared>>
    tpu.wait_dma2 semaphore(%arg20 : memref<!tpu.dma_semaphore, #tpu.memory_space<semaphore_mem>>) src(%arg7 : memref<80x128xf32, #tpu.memory_space<vmem>>) dst(%dma_wait3A_104 : memref<80x128xf32, #tpu.memory_space<vmem_shared>>)
    %mul3A_105 = arith.constant 640 : i32
    %mul3A_106 = arith.muli %arg1, %mul3A_105 : i32
    %add3A_107 = arith.constant 80 : i32
    %add3A_108 = arith.addi %mul3A_106, %add3A_107 : i32
    %dma_wait3A_109 = arith.constant 0 : i32
    %dma_wait3A_110 = tpu.memref_slice %arg19[%add3A_108, %dma_wait3A_109] : memref<10240x128xf32, #tpu.memory_space<vmem_shared>> -> memref<80x128xf32, #tpu.memory_space<vmem_shared>>
    %dma_wait3A_111 = arith.constant 0 : i32
    %dma_wait3A_112 = tpu.memref_slice %arg19[%add3A_108, %dma_wait3A_111] : memref<10240x128xf32, #tpu.memory_space<vmem_shared>> -> memref<80x128xf32, #tpu.memory_space<vmem_shared>>
    tpu.wait_dma2 semaphore(%arg21 : memref<!tpu.dma_semaphore, #tpu.memory_space<semaphore_mem>>) src(%arg7 : memref<80x128xf32, #tpu.memory_space<vmem>>) dst(%dma_wait3A_112 : memref<80x128xf32, #tpu.memory_space<vmem_shared>>)
    %mul3A_113 = arith.constant 640 : i32
    %mul3A_114 = arith.muli %arg1, %mul3A_113 : i32
    %add3A_115 = arith.constant 160 : i32
    %add3A_116 = arith.addi %mul3A_114, %add3A_115 : i32
    %dma_wait3A_117 = arith.constant 0 : i32
    %dma_wait3A_118 = tpu.memref_slice %arg19[%add3A_116, %dma_wait3A_117] : memref<10240x128xf32, #tpu.memory_space<vmem_shared>> -> memref<80x128xf32, #tpu.memory_space<vmem_shared>>
    %dma_wait3A_119 = arith.constant 0 : i32
    %dma_wait3A_120 = tpu.memref_slice %arg19[%add3A_116, %dma_wait3A_119] : memref<10240x128xf32, #tpu.memory_space<vmem_shared>> -> memref<80x128xf32, #tpu.memory_space<vmem_shared>>
    tpu.wait_dma2 semaphore(%arg22 : memref<!tpu.dma_semaphore, #tpu.memory_space<semaphore_mem>>) src(%arg7 : memref<80x128xf32, #tpu.memory_space<vmem>>) dst(%dma_wait3A_120 : memref<80x128xf32, #tpu.memory_space<vmem_shared>>)
    %mul3A_121 = arith.constant 640 : i32
    %mul3A_122 = arith.muli %arg1, %mul3A_121 : i32
    %add3A_123 = arith.constant 240 : i32
    %add3A_124 = arith.addi %mul3A_122, %add3A_123 : i32
    %dma_wait3A_125 = arith.constant 0 : i32
    %dma_wait3A_126 = tpu.memref_slice %arg19[%add3A_124, %dma_wait3A_125] : memref<10240x128xf32, #tpu.memory_space<vmem_shared>> -> memref<80x128xf32, #tpu.memory_space<vmem_shared>>
    %dma_wait3A_127 = arith.constant 0 : i32
    %dma_wait3A_128 = tpu.memref_slice %arg19[%add3A_124, %dma_wait3A_127] : memref<10240x128xf32, #tpu.memory_space<vmem_shared>> -> memref<80x128xf32, #tpu.memory_space<vmem_shared>>
    tpu.wait_dma2 semaphore(%arg23 : memref<!tpu.dma_semaphore, #tpu.memory_space<semaphore_mem>>) src(%arg7 : memref<80x128xf32, #tpu.memory_space<vmem>>) dst(%dma_wait3A_128 : memref<80x128xf32, #tpu.memory_space<vmem_shared>>)
    %barrier3A = arith.constant 0 : index
    tpu.barrier barrier_id(%barrier3A)
    %add3A_129 = arith.constant 0 : i32
    %add3A_130 = arith.addi %mul3A_2, %add3A_129 : i32
    %dma_start3A_131 = tpu.memref_slice %arg3[%add3A_130] : memref<327680xi32, #tpu.memory_space<hbm>> -> memref<80xi32, #tpu.memory_space<hbm>>
    %dma_start3A_132 = tpu.memref_slice %arg3[%add3A_130] : memref<327680xi32, #tpu.memory_space<hbm>> -> memref<80xi32, #tpu.memory_space<hbm>>
    tpu.enqueue_dma source(%dma_start3A_132 : memref<80xi32, #tpu.memory_space<hbm>>) target(%arg11 : memref<80xi32, #tpu.memory_space<vmem>>) target_semaphore(%arg24 : memref<!tpu.dma_semaphore, #tpu.memory_space<semaphore_mem>>)
    %add3A_133 = arith.constant 80 : i32
    %add3A_134 = arith.addi %mul3A_2, %add3A_133 : i32
    %dma_start3A_135 = tpu.memref_slice %arg3[%add3A_134] : memref<327680xi32, #tpu.memory_space<hbm>> -> memref<80xi32, #tpu.memory_space<hbm>>
    %dma_start3A_136 = tpu.memref_slice %arg3[%add3A_134] : memref<327680xi32, #tpu.memory_space<hbm>> -> memref<80xi32, #tpu.memory_space<hbm>>
    tpu.enqueue_dma source(%dma_start3A_136 : memref<80xi32, #tpu.memory_space<hbm>>) target(%arg12 : memref<80xi32, #tpu.memory_space<vmem>>) target_semaphore(%arg25 : memref<!tpu.dma_semaphore, #tpu.memory_space<semaphore_mem>>)
    %add3A_137 = arith.constant 160 : i32
    %add3A_138 = arith.addi %mul3A_2, %add3A_137 : i32
    %dma_start3A_139 = tpu.memref_slice %arg3[%add3A_138] : memref<327680xi32, #tpu.memory_space<hbm>> -> memref<80xi32, #tpu.memory_space<hbm>>
    %dma_start3A_140 = tpu.memref_slice %arg3[%add3A_138] : memref<327680xi32, #tpu.memory_space<hbm>> -> memref<80xi32, #tpu.memory_space<hbm>>
    tpu.enqueue_dma source(%dma_start3A_140 : memref<80xi32, #tpu.memory_space<hbm>>) target(%arg13 : memref<80xi32, #tpu.memory_space<vmem>>) target_semaphore(%arg26 : memref<!tpu.dma_semaphore, #tpu.memory_space<semaphore_mem>>)
    %add3A_141 = arith.constant 240 : i32
    %add3A_142 = arith.addi %mul3A_2, %add3A_141 : i32
    %dma_start3A_143 = tpu.memref_slice %arg3[%add3A_142] : memref<327680xi32, #tpu.memory_space<hbm>> -> memref<80xi32, #tpu.memory_space<hbm>>
    %dma_start3A_144 = tpu.memref_slice %arg3[%add3A_142] : memref<327680xi32, #tpu.memory_space<hbm>> -> memref<80xi32, #tpu.memory_space<hbm>>
    tpu.enqueue_dma source(%dma_start3A_144 : memref<80xi32, #tpu.memory_space<hbm>>) target(%arg14 : memref<80xi32, #tpu.memory_space<vmem>>) target_semaphore(%arg27 : memref<!tpu.dma_semaphore, #tpu.memory_space<semaphore_mem>>)
    %add3A_145 = arith.constant 0 : i32
    %add3A_146 = arith.addi %mul3A_2, %add3A_145 : i32
    %dma_start3A_147 = tpu.memref_slice %arg4[%add3A_146] : memref<327680xi32, #tpu.memory_space<hbm>> -> memref<80xi32, #tpu.memory_space<hbm>>
    %dma_start3A_148 = tpu.memref_slice %arg4[%add3A_146] : memref<327680xi32, #tpu.memory_space<hbm>> -> memref<80xi32, #tpu.memory_space<hbm>>
    tpu.enqueue_dma source(%dma_start3A_148 : memref<80xi32, #tpu.memory_space<hbm>>) target(%arg15 : memref<80xi32, #tpu.memory_space<vmem>>) target_semaphore(%arg28 : memref<!tpu.dma_semaphore, #tpu.memory_space<semaphore_mem>>)
    %add3A_149 = arith.constant 80 : i32
    %add3A_150 = arith.addi %mul3A_2, %add3A_149 : i32
    %dma_start3A_151 = tpu.memref_slice %arg4[%add3A_150] : memref<327680xi32, #tpu.memory_space<hbm>> -> memref<80xi32, #tpu.memory_space<hbm>>
    %dma_start3A_152 = tpu.memref_slice %arg4[%add3A_150] : memref<327680xi32, #tpu.memory_space<hbm>> -> memref<80xi32, #tpu.memory_space<hbm>>
    tpu.enqueue_dma source(%dma_start3A_152 : memref<80xi32, #tpu.memory_space<hbm>>) target(%arg16 : memref<80xi32, #tpu.memory_space<vmem>>) target_semaphore(%arg29 : memref<!tpu.dma_semaphore, #tpu.memory_space<semaphore_mem>>)
    %dma_wait3A_153 = arith.constant 0 : i32
    %dma_wait3A_154 = tpu.memref_slice %arg3[%dma_wait3A_153] : memref<327680xi32, #tpu.memory_space<hbm>> -> memref<80xi32, #tpu.memory_space<hbm>>
    %dma_wait3A_155 = arith.constant 0 : i32
    %dma_wait3A_156 = tpu.memref_slice %arg3[%dma_wait3A_155] : memref<327680xi32, #tpu.memory_space<hbm>> -> memref<80xi32, #tpu.memory_space<hbm>>
    tpu.wait_dma2 semaphore(%arg24 : memref<!tpu.dma_semaphore, #tpu.memory_space<semaphore_mem>>) src(%dma_wait3A_156 : memref<80xi32, #tpu.memory_space<hbm>>) dst(%arg11 : memref<80xi32, #tpu.memory_space<vmem>>)
    %dma_start3A_157 = arith.constant 0 : i32
    %dma_start3A_158 = arith.constant 0 : i32
    %dma_start3A_159 = tpu.memref_slice %arg2[%dma_start3A_157, %dma_start3A_158] : memref<40960x128xf32, #tpu.memory_space<hbm>> -> memref<40960x128xf32, #tpu.memory_space<hbm>>
    tpu.enqueue_indirect_dma source(%dma_start3A_159 : memref<40960x128xf32, #tpu.memory_space<hbm>>) target(%arg7 : memref<80x128xf32, #tpu.memory_space<vmem>>) offsets(%arg11 : memref<80xi32, #tpu.memory_space<vmem>>) semaphore(%arg20 : memref<!tpu.dma_semaphore, #tpu.memory_space<semaphore_mem>>)
    %dma_wait3A_160 = arith.constant 0 : i32
    %dma_wait3A_161 = tpu.memref_slice %arg3[%dma_wait3A_160] : memref<327680xi32, #tpu.memory_space<hbm>> -> memref<80xi32, #tpu.memory_space<hbm>>
    %dma_wait3A_162 = arith.constant 0 : i32
    %dma_wait3A_163 = tpu.memref_slice %arg3[%dma_wait3A_162] : memref<327680xi32, #tpu.memory_space<hbm>> -> memref<80xi32, #tpu.memory_space<hbm>>
    tpu.wait_dma2 semaphore(%arg25 : memref<!tpu.dma_semaphore, #tpu.memory_space<semaphore_mem>>) src(%dma_wait3A_163 : memref<80xi32, #tpu.memory_space<hbm>>) dst(%arg12 : memref<80xi32, #tpu.memory_space<vmem>>)
    %dma_start3A_164 = arith.constant 0 : i32
    %dma_start3A_165 = arith.constant 0 : i32
    %dma_start3A_166 = tpu.memref_slice %arg2[%dma_start3A_164, %dma_start3A_165] : memref<40960x128xf32, #tpu.memory_space<hbm>> -> memref<40960x128xf32, #tpu.memory_space<hbm>>
    tpu.enqueue_indirect_dma source(%dma_start3A_166 : memref<40960x128xf32, #tpu.memory_space<hbm>>) target(%arg8 : memref<80x128xf32, #tpu.memory_space<vmem>>) offsets(%arg12 : memref<80xi32, #tpu.memory_space<vmem>>) semaphore(%arg21 : memref<!tpu.dma_semaphore, #tpu.memory_space<semaphore_mem>>)
    %scan3A = arith.constant 0 : i32
    %scan3A_167 = arith.constant 0 : i32
    %scan3A_168 = arith.constant 32 : i32
    %scan3A_169 = arith.addi %scan3A_167, %scan3A_168 : i32
    %scan3A_170 = arith.constant 1 : i32
    scf.for %scan3A_427 = %scan3A_167 to %scan3A_169 step %scan3A_170  : i32 {
      %mul3A_428 = arith.constant 4 : i32
      %mul3A_429 = arith.muli %mul3A_428, %scan3A_427 : i32
      %add3A_430 = arith.constant 0 : i32
      %add3A_431 = arith.addi %mul3A_429, %add3A_430 : i32
      %dma_wait3A_432 = arith.constant 0 : i32
      %dma_wait3A_433 = arith.constant 0 : i32
      %dma_wait3A_434 = tpu.memref_slice %arg2[%dma_wait3A_432, %dma_wait3A_433] : memref<40960x128xf32, #tpu.memory_space<hbm>> -> memref<40960x128xf32, #tpu.memory_space<hbm>>
      tpu.wait_indirect_dma semaphore(%arg20 : memref<!tpu.dma_semaphore, #tpu.memory_space<semaphore_mem>>) src(%dma_wait3A_434 : memref<40960x128xf32, #tpu.memory_space<hbm>>) dst(%arg7 : memref<80x128xf32, #tpu.memory_space<vmem>>)
      %lt3A = arith.constant 31 : i32
      %lt3A_435 = arith.cmpi slt, %scan3A_427, %lt3A : i32
      %convert_element_type3A = arith.extui %lt3A_435 : i1 to i32
      %cond3A = arith.constant 0 : i32
      %cond3A_436 = arith.cmpi ne, %convert_element_type3A, %cond3A : i32
      scf.if %cond3A_436 {
        %add3A_554 = arith.constant 4 : i32
        %add3A_555 = arith.addi %add3A_431, %add3A_554 : i32
        %mul3A_556 = arith.constant 80 : i32
        %mul3A_557 = arith.muli %add3A_555, %mul3A_556 : i32
        %add3A_558 = arith.addi %mul3A_2, %mul3A_557 : i32
        %dma_start3A_559 = tpu.memref_slice %arg3[%add3A_558] : memref<327680xi32, #tpu.memory_space<hbm>> -> memref<80xi32, #tpu.memory_space<hbm>>
        %dma_start3A_560 = tpu.memref_slice %arg3[%add3A_558] : memref<327680xi32, #tpu.memory_space<hbm>> -> memref<80xi32, #tpu.memory_space<hbm>>
        tpu.enqueue_dma source(%dma_start3A_560 : memref<80xi32, #tpu.memory_space<hbm>>) target(%arg11 : memref<80xi32, #tpu.memory_space<vmem>>) target_semaphore(%arg24 : memref<!tpu.dma_semaphore, #tpu.memory_space<semaphore_mem>>)
      } else {
      }
      %gt3A = arith.constant 0 : i32
      %gt3A_437 = arith.cmpi sgt, %scan3A_427, %gt3A : i32
      %convert_element_type3A_438 = arith.extui %gt3A_437 : i1 to i32
      %cond3A_439 = arith.constant 0 : i32
      %cond3A_440 = arith.cmpi ne, %convert_element_type3A_438, %cond3A_439 : i32
      scf.if %cond3A_440 {
        %dma_wait3A_554 = arith.constant 0 : i32
        %dma_wait3A_555 = arith.constant 0 : i32
        %dma_wait3A_556 = tpu.memref_slice %arg19[%dma_wait3A_554, %dma_wait3A_555] : memref<10240x128xf32, #tpu.memory_space<vmem_shared>> -> memref<10240x128xf32, #tpu.memory_space<vmem_shared>>
        tpu.wait_indirect_dma semaphore(%arg34 : memref<!tpu.dma_semaphore, #tpu.memory_space<semaphore_mem>>) src(%arg9 : memref<80x128xf32, #tpu.memory_space<vmem>>) dst(%dma_wait3A_556 : memref<10240x128xf32, #tpu.memory_space<vmem_shared>>)
      } else {
      }
      %dma_wait3A_441 = arith.constant 0 : i32
      %dma_wait3A_442 = tpu.memref_slice %arg3[%dma_wait3A_441] : memref<327680xi32, #tpu.memory_space<hbm>> -> memref<80xi32, #tpu.memory_space<hbm>>
      %dma_wait3A_443 = arith.constant 0 : i32
      %dma_wait3A_444 = tpu.memref_slice %arg3[%dma_wait3A_443] : memref<327680xi32, #tpu.memory_space<hbm>> -> memref<80xi32, #tpu.memory_space<hbm>>
      tpu.wait_dma2 semaphore(%arg26 : memref<!tpu.dma_semaphore, #tpu.memory_space<semaphore_mem>>) src(%dma_wait3A_444 : memref<80xi32, #tpu.memory_space<hbm>>) dst(%arg13 : memref<80xi32, #tpu.memory_space<vmem>>)
      %dma_start3A_445 = arith.constant 0 : i32
      %dma_start3A_446 = arith.constant 0 : i32
      %dma_start3A_447 = tpu.memref_slice %arg2[%dma_start3A_445, %dma_start3A_446] : memref<40960x128xf32, #tpu.memory_space<hbm>> -> memref<40960x128xf32, #tpu.memory_space<hbm>>
      tpu.enqueue_indirect_dma source(%dma_start3A_447 : memref<40960x128xf32, #tpu.memory_space<hbm>>) target(%arg9 : memref<80x128xf32, #tpu.memory_space<vmem>>) offsets(%arg13 : memref<80xi32, #tpu.memory_space<vmem>>) semaphore(%arg22 : memref<!tpu.dma_semaphore, #tpu.memory_space<semaphore_mem>>)
      %add3A_448 = arith.constant 2 : i32
      %add3A_449 = arith.addi %add3A_431, %add3A_448 : i32
      %mul3A_450 = arith.constant 80 : i32
      %mul3A_451 = arith.muli %add3A_449, %mul3A_450 : i32
      %add3A_452 = arith.addi %mul3A_2, %mul3A_451 : i32
      %dma_start3A_453 = tpu.memref_slice %arg4[%add3A_452] : memref<327680xi32, #tpu.memory_space<hbm>> -> memref<80xi32, #tpu.memory_space<hbm>>
      %dma_start3A_454 = tpu.memref_slice %arg4[%add3A_452] : memref<327680xi32, #tpu.memory_space<hbm>> -> memref<80xi32, #tpu.memory_space<hbm>>
      tpu.enqueue_dma source(%dma_start3A_454 : memref<80xi32, #tpu.memory_space<hbm>>) target(%arg17 : memref<80xi32, #tpu.memory_space<vmem>>) target_semaphore(%arg30 : memref<!tpu.dma_semaphore, #tpu.memory_space<semaphore_mem>>)
      %dma_wait3A_455 = arith.constant 0 : i32
      %dma_wait3A_456 = tpu.memref_slice %arg4[%dma_wait3A_455] : memref<327680xi32, #tpu.memory_space<hbm>> -> memref<80xi32, #tpu.memory_space<hbm>>
      %dma_wait3A_457 = arith.constant 0 : i32
      %dma_wait3A_458 = tpu.memref_slice %arg4[%dma_wait3A_457] : memref<327680xi32, #tpu.memory_space<hbm>> -> memref<80xi32, #tpu.memory_space<hbm>>
      tpu.wait_dma2 semaphore(%arg28 : memref<!tpu.dma_semaphore, #tpu.memory_space<semaphore_mem>>) src(%dma_wait3A_458 : memref<80xi32, #tpu.memory_space<hbm>>) dst(%arg15 : memref<80xi32, #tpu.memory_space<vmem>>)
      %dma_start3A_459 = arith.constant 0 : i32
      %dma_start3A_460 = arith.constant 0 : i32
      %dma_start3A_461 = tpu.memref_slice %arg19[%dma_start3A_459, %dma_start3A_460] : memref<10240x128xf32, #tpu.memory_space<vmem_shared>> -> memref<10240x128xf32, #tpu.memory_space<vmem_shared>>
      tpu.enqueue_indirect_dma source(%arg7 : memref<80x128xf32, #tpu.memory_space<vmem>>) target(%dma_start3A_461 : memref<10240x128xf32, #tpu.memory_space<vmem_shared>>) offsets(%arg15 : memref<80xi32, #tpu.memory_space<vmem>>) semaphore(%arg32 : memref<!tpu.dma_semaphore, #tpu.memory_space<semaphore_mem>>) {add = true}
      %mul3A_462 = arith.constant 4 : i32
      %mul3A_463 = arith.muli %mul3A_462, %scan3A_427 : i32
      %add3A_464 = arith.constant 1 : i32
      %add3A_465 = arith.addi %mul3A_463, %add3A_464 : i32
      %dma_wait3A_466 = arith.constant 0 : i32
      %dma_wait3A_467 = arith.constant 0 : i32
      %dma_wait3A_468 = tpu.memref_slice %arg2[%dma_wait3A_466, %dma_wait3A_467] : memref<40960x128xf32, #tpu.memory_space<hbm>> -> memref<40960x128xf32, #tpu.memory_space<hbm>>
      tpu.wait_indirect_dma semaphore(%arg21 : memref<!tpu.dma_semaphore, #tpu.memory_space<semaphore_mem>>) src(%dma_wait3A_468 : memref<40960x128xf32, #tpu.memory_space<hbm>>) dst(%arg8 : memref<80x128xf32, #tpu.memory_space<vmem>>)
      %lt3A_469 = arith.constant 31 : i32
      %lt3A_470 = arith.cmpi slt, %scan3A_427, %lt3A_469 : i32
      %convert_element_type3A_471 = arith.extui %lt3A_470 : i1 to i32
      %cond3A_472 = arith.constant 0 : i32
      %cond3A_473 = arith.cmpi ne, %convert_element_type3A_471, %cond3A_472 : i32
      scf.if %cond3A_473 {
        %add3A_554 = arith.constant 4 : i32
        %add3A_555 = arith.addi %add3A_465, %add3A_554 : i32
        %mul3A_556 = arith.constant 80 : i32
        %mul3A_557 = arith.muli %add3A_555, %mul3A_556 : i32
        %add3A_558 = arith.addi %mul3A_2, %mul3A_557 : i32
        %dma_start3A_559 = tpu.memref_slice %arg3[%add3A_558] : memref<327680xi32, #tpu.memory_space<hbm>> -> memref<80xi32, #tpu.memory_space<hbm>>
        %dma_start3A_560 = tpu.memref_slice %arg3[%add3A_558] : memref<327680xi32, #tpu.memory_space<hbm>> -> memref<80xi32, #tpu.memory_space<hbm>>
        tpu.enqueue_dma source(%dma_start3A_560 : memref<80xi32, #tpu.memory_space<hbm>>) target(%arg12 : memref<80xi32, #tpu.memory_space<vmem>>) target_semaphore(%arg25 : memref<!tpu.dma_semaphore, #tpu.memory_space<semaphore_mem>>)
      } else {
      }
      %gt3A_474 = arith.constant 0 : i32
      %gt3A_475 = arith.cmpi sgt, %scan3A_427, %gt3A_474 : i32
      %convert_element_type3A_476 = arith.extui %gt3A_475 : i1 to i32
      %cond3A_477 = arith.constant 0 : i32
      %cond3A_478 = arith.cmpi ne, %convert_element_type3A_476, %cond3A_477 : i32
      scf.if %cond3A_478 {
        %dma_wait3A_554 = arith.constant 0 : i32
        %dma_wait3A_555 = arith.constant 0 : i32
        %dma_wait3A_556 = tpu.memref_slice %arg19[%dma_wait3A_554, %dma_wait3A_555] : memref<10240x128xf32, #tpu.memory_space<vmem_shared>> -> memref<10240x128xf32, #tpu.memory_space<vmem_shared>>
        tpu.wait_indirect_dma semaphore(%arg35 : memref<!tpu.dma_semaphore, #tpu.memory_space<semaphore_mem>>) src(%arg10 : memref<80x128xf32, #tpu.memory_space<vmem>>) dst(%dma_wait3A_556 : memref<10240x128xf32, #tpu.memory_space<vmem_shared>>)
      } else {
      }
      %dma_wait3A_479 = arith.constant 0 : i32
      %dma_wait3A_480 = tpu.memref_slice %arg3[%dma_wait3A_479] : memref<327680xi32, #tpu.memory_space<hbm>> -> memref<80xi32, #tpu.memory_space<hbm>>
      %dma_wait3A_481 = arith.constant 0 : i32
      %dma_wait3A_482 = tpu.memref_slice %arg3[%dma_wait3A_481] : memref<327680xi32, #tpu.memory_space<hbm>> -> memref<80xi32, #tpu.memory_space<hbm>>
      tpu.wait_dma2 semaphore(%arg27 : memref<!tpu.dma_semaphore, #tpu.memory_space<semaphore_mem>>) src(%dma_wait3A_482 : memref<80xi32, #tpu.memory_space<hbm>>) dst(%arg14 : memref<80xi32, #tpu.memory_space<vmem>>)
      %dma_start3A_483 = arith.constant 0 : i32
      %dma_start3A_484 = arith.constant 0 : i32
      %dma_start3A_485 = tpu.memref_slice %arg2[%dma_start3A_483, %dma_start3A_484] : memref<40960x128xf32, #tpu.memory_space<hbm>> -> memref<40960x128xf32, #tpu.memory_space<hbm>>
      tpu.enqueue_indirect_dma source(%dma_start3A_485 : memref<40960x128xf32, #tpu.memory_space<hbm>>) target(%arg10 : memref<80x128xf32, #tpu.memory_space<vmem>>) offsets(%arg14 : memref<80xi32, #tpu.memory_space<vmem>>) semaphore(%arg23 : memref<!tpu.dma_semaphore, #tpu.memory_space<semaphore_mem>>)
      %add3A_486 = arith.constant 2 : i32
      %add3A_487 = arith.addi %add3A_465, %add3A_486 : i32
      %mul3A_488 = arith.constant 80 : i32
      %mul3A_489 = arith.muli %add3A_487, %mul3A_488 : i32
      %add3A_490 = arith.addi %mul3A_2, %mul3A_489 : i32
      %dma_start3A_491 = tpu.memref_slice %arg4[%add3A_490] : memref<327680xi32, #tpu.memory_space<hbm>> -> memref<80xi32, #tpu.memory_space<hbm>>
      %dma_start3A_492 = tpu.memref_slice %arg4[%add3A_490] : memref<327680xi32, #tpu.memory_space<hbm>> -> memref<80xi32, #tpu.memory_space<hbm>>
      tpu.enqueue_dma source(%dma_start3A_492 : memref<80xi32, #tpu.memory_space<hbm>>) target(%arg18 : memref<80xi32, #tpu.memory_space<vmem>>) target_semaphore(%arg31 : memref<!tpu.dma_semaphore, #tpu.memory_space<semaphore_mem>>)
      %dma_wait3A_493 = arith.constant 0 : i32
      %dma_wait3A_494 = tpu.memref_slice %arg4[%dma_wait3A_493] : memref<327680xi32, #tpu.memory_space<hbm>> -> memref<80xi32, #tpu.memory_space<hbm>>
      %dma_wait3A_495 = arith.constant 0 : i32
      %dma_wait3A_496 = tpu.memref_slice %arg4[%dma_wait3A_495] : memref<327680xi32, #tpu.memory_space<hbm>> -> memref<80xi32, #tpu.memory_space<hbm>>
      tpu.wait_dma2 semaphore(%arg29 : memref<!tpu.dma_semaphore, #tpu.memory_space<semaphore_mem>>) src(%dma_wait3A_496 : memref<80xi32, #tpu.memory_space<hbm>>) dst(%arg16 : memref<80xi32, #tpu.memory_space<vmem>>)
      %dma_start3A_497 = arith.constant 0 : i32
      %dma_start3A_498 = arith.constant 0 : i32
      %dma_start3A_499 = tpu.memref_slice %arg19[%dma_start3A_497, %dma_start3A_498] : memref<10240x128xf32, #tpu.memory_space<vmem_shared>> -> memref<10240x128xf32, #tpu.memory_space<vmem_shared>>
      tpu.enqueue_indirect_dma source(%arg8 : memref<80x128xf32, #tpu.memory_space<vmem>>) target(%dma_start3A_499 : memref<10240x128xf32, #tpu.memory_space<vmem_shared>>) offsets(%arg16 : memref<80xi32, #tpu.memory_space<vmem>>) semaphore(%arg33 : memref<!tpu.dma_semaphore, #tpu.memory_space<semaphore_mem>>) {add = true}
      %mul3A_500 = arith.constant 4 : i32
      %mul3A_501 = arith.muli %mul3A_500, %scan3A_427 : i32
      %add3A_502 = arith.constant 2 : i32
      %add3A_503 = arith.addi %mul3A_501, %add3A_502 : i32
      %dma_wait3A_504 = arith.constant 0 : i32
      %dma_wait3A_505 = arith.constant 0 : i32
      %dma_wait3A_506 = tpu.memref_slice %arg2[%dma_wait3A_504, %dma_wait3A_505] : memref<40960x128xf32, #tpu.memory_space<hbm>> -> memref<40960x128xf32, #tpu.memory_space<hbm>>
      tpu.wait_indirect_dma semaphore(%arg22 : memref<!tpu.dma_semaphore, #tpu.memory_space<semaphore_mem>>) src(%dma_wait3A_506 : memref<40960x128xf32, #tpu.memory_space<hbm>>) dst(%arg9 : memref<80x128xf32, #tpu.memory_space<vmem>>)
      %lt3A_507 = arith.constant 31 : i32
      %lt3A_508 = arith.cmpi slt, %scan3A_427, %lt3A_507 : i32
      %convert_element_type3A_509 = arith.extui %lt3A_508 : i1 to i32
      %cond3A_510 = arith.constant 0 : i32
      %cond3A_511 = arith.cmpi ne, %convert_element_type3A_509, %cond3A_510 : i32
      scf.if %cond3A_511 {
        %add3A_554 = arith.constant 4 : i32
        %add3A_555 = arith.addi %add3A_503, %add3A_554 : i32
        %mul3A_556 = arith.constant 80 : i32
        %mul3A_557 = arith.muli %add3A_555, %mul3A_556 : i32
        %add3A_558 = arith.addi %mul3A_2, %mul3A_557 : i32
        %dma_start3A_559 = tpu.memref_slice %arg3[%add3A_558] : memref<327680xi32, #tpu.memory_space<hbm>> -> memref<80xi32, #tpu.memory_space<hbm>>
        %dma_start3A_560 = tpu.memref_slice %arg3[%add3A_558] : memref<327680xi32, #tpu.memory_space<hbm>> -> memref<80xi32, #tpu.memory_space<hbm>>
        tpu.enqueue_dma source(%dma_start3A_560 : memref<80xi32, #tpu.memory_space<hbm>>) target(%arg13 : memref<80xi32, #tpu.memory_space<vmem>>) target_semaphore(%arg26 : memref<!tpu.dma_semaphore, #tpu.memory_space<semaphore_mem>>)
      } else {
      }
      %dma_wait3A_512 = arith.constant 0 : i32
      %dma_wait3A_513 = arith.constant 0 : i32
      %dma_wait3A_514 = tpu.memref_slice %arg19[%dma_wait3A_512, %dma_wait3A_513] : memref<10240x128xf32, #tpu.memory_space<vmem_shared>> -> memref<10240x128xf32, #tpu.memory_space<vmem_shared>>
      tpu.wait_indirect_dma semaphore(%arg32 : memref<!tpu.dma_semaphore, #tpu.memory_space<semaphore_mem>>) src(%arg7 : memref<80x128xf32, #tpu.memory_space<vmem>>) dst(%dma_wait3A_514 : memref<10240x128xf32, #tpu.memory_space<vmem_shared>>)
      %lt3A_515 = arith.constant 31 : i32
      %lt3A_516 = arith.cmpi slt, %scan3A_427, %lt3A_515 : i32
      %convert_element_type3A_517 = arith.extui %lt3A_516 : i1 to i32
      %cond3A_518 = arith.constant 0 : i32
      %cond3A_519 = arith.cmpi ne, %convert_element_type3A_517, %cond3A_518 : i32
      scf.if %cond3A_519 {
        %dma_wait3A_554 = arith.constant 0 : i32
        %dma_wait3A_555 = tpu.memref_slice %arg3[%dma_wait3A_554] : memref<327680xi32, #tpu.memory_space<hbm>> -> memref<80xi32, #tpu.memory_space<hbm>>
        %dma_wait3A_556 = arith.constant 0 : i32
        %dma_wait3A_557 = tpu.memref_slice %arg3[%dma_wait3A_556] : memref<327680xi32, #tpu.memory_space<hbm>> -> memref<80xi32, #tpu.memory_space<hbm>>
        tpu.wait_dma2 semaphore(%arg24 : memref<!tpu.dma_semaphore, #tpu.memory_space<semaphore_mem>>) src(%dma_wait3A_557 : memref<80xi32, #tpu.memory_space<hbm>>) dst(%arg11 : memref<80xi32, #tpu.memory_space<vmem>>)
        %dma_start3A_558 = arith.constant 0 : i32
        %dma_start3A_559 = arith.constant 0 : i32
        %dma_start3A_560 = tpu.memref_slice %arg2[%dma_start3A_558, %dma_start3A_559] : memref<40960x128xf32, #tpu.memory_space<hbm>> -> memref<40960x128xf32, #tpu.memory_space<hbm>>
        tpu.enqueue_indirect_dma source(%dma_start3A_560 : memref<40960x128xf32, #tpu.memory_space<hbm>>) target(%arg7 : memref<80x128xf32, #tpu.memory_space<vmem>>) offsets(%arg11 : memref<80xi32, #tpu.memory_space<vmem>>) semaphore(%arg20 : memref<!tpu.dma_semaphore, #tpu.memory_space<semaphore_mem>>)
        %add3A_561 = arith.constant 2 : i32
        %add3A_562 = arith.addi %add3A_503, %add3A_561 : i32
        %mul3A_563 = arith.constant 80 : i32
        %mul3A_564 = arith.muli %add3A_562, %mul3A_563 : i32
        %add3A_565 = arith.addi %mul3A_2, %mul3A_564 : i32
        %dma_start3A_566 = tpu.memref_slice %arg4[%add3A_565] : memref<327680xi32, #tpu.memory_space<hbm>> -> memref<80xi32, #tpu.memory_space<hbm>>
        %dma_start3A_567 = tpu.memref_slice %arg4[%add3A_565] : memref<327680xi32, #tpu.memory_space<hbm>> -> memref<80xi32, #tpu.memory_space<hbm>>
        tpu.enqueue_dma source(%dma_start3A_567 : memref<80xi32, #tpu.memory_space<hbm>>) target(%arg15 : memref<80xi32, #tpu.memory_space<vmem>>) target_semaphore(%arg28 : memref<!tpu.dma_semaphore, #tpu.memory_space<semaphore_mem>>)
      } else {
      }
      %dma_wait3A_520 = arith.constant 0 : i32
      %dma_wait3A_521 = tpu.memref_slice %arg4[%dma_wait3A_520] : memref<327680xi32, #tpu.memory_space<hbm>> -> memref<80xi32, #tpu.memory_space<hbm>>
      %dma_wait3A_522 = arith.constant 0 : i32
      %dma_wait3A_523 = tpu.memref_slice %arg4[%dma_wait3A_522] : memref<327680xi32, #tpu.memory_space<hbm>> -> memref<80xi32, #tpu.memory_space<hbm>>
      tpu.wait_dma2 semaphore(%arg30 : memref<!tpu.dma_semaphore, #tpu.memory_space<semaphore_mem>>) src(%dma_wait3A_523 : memref<80xi32, #tpu.memory_space<hbm>>) dst(%arg17 : memref<80xi32, #tpu.memory_space<vmem>>)
      %dma_start3A_524 = arith.constant 0 : i32
      %dma_start3A_525 = arith.constant 0 : i32
      %dma_start3A_526 = tpu.memref_slice %arg19[%dma_start3A_524, %dma_start3A_525] : memref<10240x128xf32, #tpu.memory_space<vmem_shared>> -> memref<10240x128xf32, #tpu.memory_space<vmem_shared>>
      tpu.enqueue_indirect_dma source(%arg9 : memref<80x128xf32, #tpu.memory_space<vmem>>) target(%dma_start3A_526 : memref<10240x128xf32, #tpu.memory_space<vmem_shared>>) offsets(%arg17 : memref<80xi32, #tpu.memory_space<vmem>>) semaphore(%arg34 : memref<!tpu.dma_semaphore, #tpu.memory_space<semaphore_mem>>) {add = true}
      %mul3A_527 = arith.constant 4 : i32
      %mul3A_528 = arith.muli %mul3A_527, %scan3A_427 : i32
      %add3A_529 = arith.constant 3 : i32
      %add3A_530 = arith.addi %mul3A_528, %add3A_529 : i32
      %dma_wait3A_531 = arith.constant 0 : i32
      %dma_wait3A_532 = arith.constant 0 : i32
      %dma_wait3A_533 = tpu.memref_slice %arg2[%dma_wait3A_531, %dma_wait3A_532] : memref<40960x128xf32, #tpu.memory_space<hbm>> -> memref<40960x128xf32, #tpu.memory_space<hbm>>
      tpu.wait_indirect_dma semaphore(%arg23 : memref<!tpu.dma_semaphore, #tpu.memory_space<semaphore_mem>>) src(%dma_wait3A_533 : memref<40960x128xf32, #tpu.memory_space<hbm>>) dst(%arg10 : memref<80x128xf32, #tpu.memory_space<vmem>>)
      %lt3A_534 = arith.constant 31 : i32
      %lt3A_535 = arith.cmpi slt, %scan3A_427, %lt3A_534 : i32
      %convert_element_type3A_536 = arith.extui %lt3A_535 : i1 to i32
      %cond3A_537 = arith.constant 0 : i32
      %cond3A_538 = arith.cmpi ne, %convert_element_type3A_536, %cond3A_537 : i32
      scf.if %cond3A_538 {
        %add3A_554 = arith.constant 4 : i32
        %add3A_555 = arith.addi %add3A_530, %add3A_554 : i32
        %mul3A_556 = arith.constant 80 : i32
        %mul3A_557 = arith.muli %add3A_555, %mul3A_556 : i32
        %add3A_558 = arith.addi %mul3A_2, %mul3A_557 : i32
        %dma_start3A_559 = tpu.memref_slice %arg3[%add3A_558] : memref<327680xi32, #tpu.memory_space<hbm>> -> memref<80xi32, #tpu.memory_space<hbm>>
        %dma_start3A_560 = tpu.memref_slice %arg3[%add3A_558] : memref<327680xi32, #tpu.memory_space<hbm>> -> memref<80xi32, #tpu.memory_space<hbm>>
        tpu.enqueue_dma source(%dma_start3A_560 : memref<80xi32, #tpu.memory_space<hbm>>) target(%arg14 : memref<80xi32, #tpu.memory_space<vmem>>) target_semaphore(%arg27 : memref<!tpu.dma_semaphore, #tpu.memory_space<semaphore_mem>>)
      } else {
      }
      %dma_wait3A_539 = arith.constant 0 : i32
      %dma_wait3A_540 = arith.constant 0 : i32
      %dma_wait3A_541 = tpu.memref_slice %arg19[%dma_wait3A_539, %dma_wait3A_540] : memref<10240x128xf32, #tpu.memory_space<vmem_shared>> -> memref<10240x128xf32, #tpu.memory_space<vmem_shared>>
      tpu.wait_indirect_dma semaphore(%arg33 : memref<!tpu.dma_semaphore, #tpu.memory_space<semaphore_mem>>) src(%arg8 : memref<80x128xf32, #tpu.memory_space<vmem>>) dst(%dma_wait3A_541 : memref<10240x128xf32, #tpu.memory_space<vmem_shared>>)
      %lt3A_542 = arith.constant 31 : i32
      %lt3A_543 = arith.cmpi slt, %scan3A_427, %lt3A_542 : i32
      %convert_element_type3A_544 = arith.extui %lt3A_543 : i1 to i32
      %cond3A_545 = arith.constant 0 : i32
      %cond3A_546 = arith.cmpi ne, %convert_element_type3A_544, %cond3A_545 : i32
      scf.if %cond3A_546 {
        %dma_wait3A_554 = arith.constant 0 : i32
        %dma_wait3A_555 = tpu.memref_slice %arg3[%dma_wait3A_554] : memref<327680xi32, #tpu.memory_space<hbm>> -> memref<80xi32, #tpu.memory_space<hbm>>
        %dma_wait3A_556 = arith.constant 0 : i32
        %dma_wait3A_557 = tpu.memref_slice %arg3[%dma_wait3A_556] : memref<327680xi32, #tpu.memory_space<hbm>> -> memref<80xi32, #tpu.memory_space<hbm>>
        tpu.wait_dma2 semaphore(%arg25 : memref<!tpu.dma_semaphore, #tpu.memory_space<semaphore_mem>>) src(%dma_wait3A_557 : memref<80xi32, #tpu.memory_space<hbm>>) dst(%arg12 : memref<80xi32, #tpu.memory_space<vmem>>)
        %dma_start3A_558 = arith.constant 0 : i32
        %dma_start3A_559 = arith.constant 0 : i32
        %dma_start3A_560 = tpu.memref_slice %arg2[%dma_start3A_558, %dma_start3A_559] : memref<40960x128xf32, #tpu.memory_space<hbm>> -> memref<40960x128xf32, #tpu.memory_space<hbm>>
        tpu.enqueue_indirect_dma source(%dma_start3A_560 : memref<40960x128xf32, #tpu.memory_space<hbm>>) target(%arg8 : memref<80x128xf32, #tpu.memory_space<vmem>>) offsets(%arg12 : memref<80xi32, #tpu.memory_space<vmem>>) semaphore(%arg21 : memref<!tpu.dma_semaphore, #tpu.memory_space<semaphore_mem>>)
        %add3A_561 = arith.constant 2 : i32
        %add3A_562 = arith.addi %add3A_530, %add3A_561 : i32
        %mul3A_563 = arith.constant 80 : i32
        %mul3A_564 = arith.muli %add3A_562, %mul3A_563 : i32
        %add3A_565 = arith.addi %mul3A_2, %mul3A_564 : i32
        %dma_start3A_566 = tpu.memref_slice %arg4[%add3A_565] : memref<327680xi32, #tpu.memory_space<hbm>> -> memref<80xi32, #tpu.memory_space<hbm>>
        %dma_start3A_567 = tpu.memref_slice %arg4[%add3A_565] : memref<327680xi32, #tpu.memory_space<hbm>> -> memref<80xi32, #tpu.memory_space<hbm>>
        tpu.enqueue_dma source(%dma_start3A_567 : memref<80xi32, #tpu.memory_space<hbm>>) target(%arg16 : memref<80xi32, #tpu.memory_space<vmem>>) target_semaphore(%arg29 : memref<!tpu.dma_semaphore, #tpu.memory_space<semaphore_mem>>)
      } else {
      }
      %dma_wait3A_547 = arith.constant 0 : i32
      %dma_wait3A_548 = tpu.memref_slice %arg4[%dma_wait3A_547] : memref<327680xi32, #tpu.memory_space<hbm>> -> memref<80xi32, #tpu.memory_space<hbm>>
      %dma_wait3A_549 = arith.constant 0 : i32
      %dma_wait3A_550 = tpu.memref_slice %arg4[%dma_wait3A_549] : memref<327680xi32, #tpu.memory_space<hbm>> -> memref<80xi32, #tpu.memory_space<hbm>>
      tpu.wait_dma2 semaphore(%arg31 : memref<!tpu.dma_semaphore, #tpu.memory_space<semaphore_mem>>) src(%dma_wait3A_550 : memref<80xi32, #tpu.memory_space<hbm>>) dst(%arg18 : memref<80xi32, #tpu.memory_space<vmem>>)
      %dma_start3A_551 = arith.constant 0 : i32
      %dma_start3A_552 = arith.constant 0 : i32
      %dma_start3A_553 = tpu.memref_slice %arg19[%dma_start3A_551, %dma_start3A_552] : memref<10240x128xf32, #tpu.memory_space<vmem_shared>> -> memref<10240x128xf32, #tpu.memory_space<vmem_shared>>
      tpu.enqueue_indirect_dma source(%arg10 : memref<80x128xf32, #tpu.memory_space<vmem>>) target(%dma_start3A_553 : memref<10240x128xf32, #tpu.memory_space<vmem_shared>>) offsets(%arg18 : memref<80xi32, #tpu.memory_space<vmem>>) semaphore(%arg35 : memref<!tpu.dma_semaphore, #tpu.memory_space<semaphore_mem>>) {add = true}
    }
    %scan3A_171 = arith.constant 32 : i32
    %dma_wait3A_172 = arith.constant 0 : i32
    %dma_wait3A_173 = arith.constant 0 : i32
    %dma_wait3A_174 = tpu.memref_slice %arg19[%dma_wait3A_172, %dma_wait3A_173] : memref<10240x128xf32, #tpu.memory_space<vmem_shared>> -> memref<10240x128xf32, #tpu.memory_space<vmem_shared>>
    tpu.wait_indirect_dma semaphore(%arg34 : memref<!tpu.dma_semaphore, #tpu.memory_space<semaphore_mem>>) src(%arg9 : memref<80x128xf32, #tpu.memory_space<vmem>>) dst(%dma_wait3A_174 : memref<10240x128xf32, #tpu.memory_space<vmem_shared>>)
    %dma_wait3A_175 = arith.constant 0 : i32
    %dma_wait3A_176 = arith.constant 0 : i32
    %dma_wait3A_177 = tpu.memref_slice %arg19[%dma_wait3A_175, %dma_wait3A_176] : memref<10240x128xf32, #tpu.memory_space<vmem_shared>> -> memref<10240x128xf32, #tpu.memory_space<vmem_shared>>
    tpu.wait_indirect_dma semaphore(%arg35 : memref<!tpu.dma_semaphore, #tpu.memory_space<semaphore_mem>>) src(%arg10 : memref<80x128xf32, #tpu.memory_space<vmem>>) dst(%dma_wait3A_177 : memref<10240x128xf32, #tpu.memory_space<vmem_shared>>)
    %barrier3A_178 = arith.constant 0 : index
    tpu.barrier barrier_id(%barrier3A_178)
    %mul3A_179 = arith.constant 640 : i32
    %mul3A_180 = arith.muli %arg1, %mul3A_179 : i32
    %add3A_181 = arith.constant 0 : i32
    %add3A_182 = arith.addi %mul3A_180, %add3A_181 : i32
    %dma_start3A_183 = arith.constant 0 : i32
    %dma_start3A_184 = tpu.memref_slice %arg19[%add3A_182, %dma_start3A_183] : memref<10240x128xf32, #tpu.memory_space<vmem_shared>> -> memref<80x128xf32, #tpu.memory_space<vmem_shared>>
    %dma_start3A_185 = arith.constant 0 : i32
    %dma_start3A_186 = tpu.memref_slice %arg19[%add3A_182, %dma_start3A_185] : memref<10240x128xf32, #tpu.memory_space<vmem_shared>> -> memref<80x128xf32, #tpu.memory_space<vmem_shared>>
    tpu.enqueue_dma source(%dma_start3A_186 : memref<80x128xf32, #tpu.memory_space<vmem_shared>>) target(%arg7 : memref<80x128xf32, #tpu.memory_space<vmem>>) target_semaphore(%arg20 : memref<!tpu.dma_semaphore, #tpu.memory_space<semaphore_mem>>)
    %mul3A_187 = arith.constant 640 : i32
    %mul3A_188 = arith.muli %arg1, %mul3A_187 : i32
    %add3A_189 = arith.constant 80 : i32
    %add3A_190 = arith.addi %mul3A_188, %add3A_189 : i32
    %dma_start3A_191 = arith.constant 0 : i32
    %dma_start3A_192 = tpu.memref_slice %arg19[%add3A_190, %dma_start3A_191] : memref<10240x128xf32, #tpu.memory_space<vmem_shared>> -> memref<80x128xf32, #tpu.memory_space<vmem_shared>>
    %dma_start3A_193 = arith.constant 0 : i32
    %dma_start3A_194 = tpu.memref_slice %arg19[%add3A_190, %dma_start3A_193] : memref<10240x128xf32, #tpu.memory_space<vmem_shared>> -> memref<80x128xf32, #tpu.memory_space<vmem_shared>>
    tpu.enqueue_dma source(%dma_start3A_194 : memref<80x128xf32, #tpu.memory_space<vmem_shared>>) target(%arg8 : memref<80x128xf32, #tpu.memory_space<vmem>>) target_semaphore(%arg21 : memref<!tpu.dma_semaphore, #tpu.memory_space<semaphore_mem>>)
    %mul3A_195 = arith.constant 640 : i32
    %mul3A_196 = arith.muli %arg1, %mul3A_195 : i32
    %add3A_197 = arith.constant 160 : i32
    %add3A_198 = arith.addi %mul3A_196, %add3A_197 : i32
    %dma_start3A_199 = arith.constant 0 : i32
    %dma_start3A_200 = tpu.memref_slice %arg19[%add3A_198, %dma_start3A_199] : memref<10240x128xf32, #tpu.memory_space<vmem_shared>> -> memref<80x128xf32, #tpu.memory_space<vmem_shared>>
    %dma_start3A_201 = arith.constant 0 : i32
    %dma_start3A_202 = tpu.memref_slice %arg19[%add3A_198, %dma_start3A_201] : memref<10240x128xf32, #tpu.memory_space<vmem_shared>> -> memref<80x128xf32, #tpu.memory_space<vmem_shared>>
    tpu.enqueue_dma source(%dma_start3A_202 : memref<80x128xf32, #tpu.memory_space<vmem_shared>>) target(%arg9 : memref<80x128xf32, #tpu.memory_space<vmem>>) target_semaphore(%arg22 : memref<!tpu.dma_semaphore, #tpu.memory_space<semaphore_mem>>)
    %mul3A_203 = arith.constant 640 : i32
    %mul3A_204 = arith.muli %arg1, %mul3A_203 : i32
    %add3A_205 = arith.constant 240 : i32
    %add3A_206 = arith.addi %mul3A_204, %add3A_205 : i32
    %dma_start3A_207 = arith.constant 0 : i32
    %dma_start3A_208 = tpu.memref_slice %arg19[%add3A_206, %dma_start3A_207] : memref<10240x128xf32, #tpu.memory_space<vmem_shared>> -> memref<80x128xf32, #tpu.memory_space<vmem_shared>>
    %dma_start3A_209 = arith.constant 0 : i32
    %dma_start3A_210 = tpu.memref_slice %arg19[%add3A_206, %dma_start3A_209] : memref<10240x128xf32, #tpu.memory_space<vmem_shared>> -> memref<80x128xf32, #tpu.memory_space<vmem_shared>>
    tpu.enqueue_dma source(%dma_start3A_210 : memref<80x128xf32, #tpu.memory_space<vmem_shared>>) target(%arg10 : memref<80x128xf32, #tpu.memory_space<vmem>>) target_semaphore(%arg23 : memref<!tpu.dma_semaphore, #tpu.memory_space<semaphore_mem>>)
    %dma_wait3A_211 = arith.constant 0 : i32
    %dma_wait3A_212 = arith.constant 0 : i32
    %dma_wait3A_213 = tpu.memref_slice %arg19[%dma_wait3A_211, %dma_wait3A_212] : memref<10240x128xf32, #tpu.memory_space<vmem_shared>> -> memref<80x128xf32, #tpu.memory_space<vmem_shared>>
    %dma_wait3A_214 = arith.constant 0 : i32
    %dma_wait3A_215 = arith.constant 0 : i32
    %dma_wait3A_216 = tpu.memref_slice %arg19[%dma_wait3A_214, %dma_wait3A_215] : memref<10240x128xf32, #tpu.memory_space<vmem_shared>> -> memref<80x128xf32, #tpu.memory_space<vmem_shared>>
    tpu.wait_dma2 semaphore(%arg20 : memref<!tpu.dma_semaphore, #tpu.memory_space<semaphore_mem>>) src(%dma_wait3A_216 : memref<80x128xf32, #tpu.memory_space<vmem_shared>>) dst(%arg7 : memref<80x128xf32, #tpu.memory_space<vmem>>)
    %mul3A_217 = arith.constant 10240 : i32
    %mul3A_218 = arith.muli %arg0, %mul3A_217 : i32
    %mul3A_219 = arith.constant 640 : i32
    %mul3A_220 = arith.muli %arg1, %mul3A_219 : i32
    %add3A_221 = arith.addi %mul3A_218, %mul3A_220 : i32
    %add3A_222 = arith.constant 0 : i32
    %add3A_223 = arith.addi %add3A_221, %add3A_222 : i32
    %dma_start3A_224 = arith.constant 0 : i32
    %dma_start3A_225 = tpu.memref_slice %arg6[%add3A_223, %dma_start3A_224] : memref<20480x128xf32, #tpu.memory_space<hbm>> -> memref<80x128xf32, #tpu.memory_space<hbm>>
    %dma_start3A_226 = arith.constant 0 : i32
    %dma_start3A_227 = tpu.memref_slice %arg6[%add3A_223, %dma_start3A_226] : memref<20480x128xf32, #tpu.memory_space<hbm>> -> memref<80x128xf32, #tpu.memory_space<hbm>>
    tpu.enqueue_dma source(%arg7 : memref<80x128xf32, #tpu.memory_space<vmem>>) target(%dma_start3A_227 : memref<80x128xf32, #tpu.memory_space<hbm>>) target_semaphore(%arg32 : memref<!tpu.dma_semaphore, #tpu.memory_space<semaphore_mem>>)
    %dma_wait3A_228 = arith.constant 0 : i32
    %dma_wait3A_229 = arith.constant 0 : i32
    %dma_wait3A_230 = tpu.memref_slice %arg6[%dma_wait3A_228, %dma_wait3A_229] : memref<20480x128xf32, #tpu.memory_space<hbm>> -> memref<80x128xf32, #tpu.memory_space<hbm>>
    %dma_wait3A_231 = arith.constant 0 : i32
    %dma_wait3A_232 = arith.constant 0 : i32
    %dma_wait3A_233 = tpu.memref_slice %arg6[%dma_wait3A_231, %dma_wait3A_232] : memref<20480x128xf32, #tpu.memory_space<hbm>> -> memref<80x128xf32, #tpu.memory_space<hbm>>
    tpu.wait_dma2 semaphore(%arg32 : memref<!tpu.dma_semaphore, #tpu.memory_space<semaphore_mem>>) src(%arg7 : memref<80x128xf32, #tpu.memory_space<vmem>>) dst(%dma_wait3A_233 : memref<80x128xf32, #tpu.memory_space<hbm>>)
    %mul3A_234 = arith.constant 640 : i32
    %mul3A_235 = arith.muli %arg1, %mul3A_234 : i32
    %add3A_236 = arith.constant 320 : i32
    %add3A_237 = arith.addi %mul3A_235, %add3A_236 : i32
    %dma_start3A_238 = arith.constant 0 : i32
    %dma_start3A_239 = tpu.memref_slice %arg19[%add3A_237, %dma_start3A_238] : memref<10240x128xf32, #tpu.memory_space<vmem_shared>> -> memref<80x128xf32, #tpu.memory_space<vmem_shared>>
    %dma_start3A_240 = arith.constant 0 : i32
    %dma_start3A_241 = tpu.memref_slice %arg19[%add3A_237, %dma_start3A_240] : memref<10240x128xf32, #tpu.memory_space<vmem_shared>> -> memref<80x128xf32, #tpu.memory_space<vmem_shared>>
    tpu.enqueue_dma source(%dma_start3A_241 : memref<80x128xf32, #tpu.memory_space<vmem_shared>>) target(%arg7 : memref<80x128xf32, #tpu.memory_space<vmem>>) target_semaphore(%arg20 : memref<!tpu.dma_semaphore, #tpu.memory_space<semaphore_mem>>)
    %dma_wait3A_242 = arith.constant 0 : i32
    %dma_wait3A_243 = arith.constant 0 : i32
    %dma_wait3A_244 = tpu.memref_slice %arg19[%dma_wait3A_242, %dma_wait3A_243] : memref<10240x128xf32, #tpu.memory_space<vmem_shared>> -> memref<80x128xf32, #tpu.memory_space<vmem_shared>>
    %dma_wait3A_245 = arith.constant 0 : i32
    %dma_wait3A_246 = arith.constant 0 : i32
    %dma_wait3A_247 = tpu.memref_slice %arg19[%dma_wait3A_245, %dma_wait3A_246] : memref<10240x128xf32, #tpu.memory_space<vmem_shared>> -> memref<80x128xf32, #tpu.memory_space<vmem_shared>>
    tpu.wait_dma2 semaphore(%arg21 : memref<!tpu.dma_semaphore, #tpu.memory_space<semaphore_mem>>) src(%dma_wait3A_247 : memref<80x128xf32, #tpu.memory_space<vmem_shared>>) dst(%arg8 : memref<80x128xf32, #tpu.memory_space<vmem>>)
    %mul3A_248 = arith.constant 10240 : i32
    %mul3A_249 = arith.muli %arg0, %mul3A_248 : i32
    %mul3A_250 = arith.constant 640 : i32
    %mul3A_251 = arith.muli %arg1, %mul3A_250 : i32
    %add3A_252 = arith.addi %mul3A_249, %mul3A_251 : i32
    %add3A_253 = arith.constant 80 : i32
    %add3A_254 = arith.addi %add3A_252, %add3A_253 : i32
    %dma_start3A_255 = arith.constant 0 : i32
    %dma_start3A_256 = tpu.memref_slice %arg6[%add3A_254, %dma_start3A_255] : memref<20480x128xf32, #tpu.memory_space<hbm>> -> memref<80x128xf32, #tpu.memory_space<hbm>>
    %dma_start3A_257 = arith.constant 0 : i32
    %dma_start3A_258 = tpu.memref_slice %arg6[%add3A_254, %dma_start3A_257] : memref<20480x128xf32, #tpu.memory_space<hbm>> -> memref<80x128xf32, #tpu.memory_space<hbm>>
    tpu.enqueue_dma source(%arg8 : memref<80x128xf32, #tpu.memory_space<vmem>>) target(%dma_start3A_258 : memref<80x128xf32, #tpu.memory_space<hbm>>) target_semaphore(%arg33 : memref<!tpu.dma_semaphore, #tpu.memory_space<semaphore_mem>>)
    %dma_wait3A_259 = arith.constant 0 : i32
    %dma_wait3A_260 = arith.constant 0 : i32
    %dma_wait3A_261 = tpu.memref_slice %arg6[%dma_wait3A_259, %dma_wait3A_260] : memref<20480x128xf32, #tpu.memory_space<hbm>> -> memref<80x128xf32, #tpu.memory_space<hbm>>
    %dma_wait3A_262 = arith.constant 0 : i32
    %dma_wait3A_263 = arith.constant 0 : i32
    %dma_wait3A_264 = tpu.memref_slice %arg6[%dma_wait3A_262, %dma_wait3A_263] : memref<20480x128xf32, #tpu.memory_space<hbm>> -> memref<80x128xf32, #tpu.memory_space<hbm>>
    tpu.wait_dma2 semaphore(%arg33 : memref<!tpu.dma_semaphore, #tpu.memory_space<semaphore_mem>>) src(%arg8 : memref<80x128xf32, #tpu.memory_space<vmem>>) dst(%dma_wait3A_264 : memref<80x128xf32, #tpu.memory_space<hbm>>)
    %mul3A_265 = arith.constant 640 : i32
    %mul3A_266 = arith.muli %arg1, %mul3A_265 : i32
    %add3A_267 = arith.constant 400 : i32
    %add3A_268 = arith.addi %mul3A_266, %add3A_267 : i32
    %dma_start3A_269 = arith.constant 0 : i32
    %dma_start3A_270 = tpu.memref_slice %arg19[%add3A_268, %dma_start3A_269] : memref<10240x128xf32, #tpu.memory_space<vmem_shared>> -> memref<80x128xf32, #tpu.memory_space<vmem_shared>>
    %dma_start3A_271 = arith.constant 0 : i32
    %dma_start3A_272 = tpu.memref_slice %arg19[%add3A_268, %dma_start3A_271] : memref<10240x128xf32, #tpu.memory_space<vmem_shared>> -> memref<80x128xf32, #tpu.memory_space<vmem_shared>>
    tpu.enqueue_dma source(%dma_start3A_272 : memref<80x128xf32, #tpu.memory_space<vmem_shared>>) target(%arg8 : memref<80x128xf32, #tpu.memory_space<vmem>>) target_semaphore(%arg21 : memref<!tpu.dma_semaphore, #tpu.memory_space<semaphore_mem>>)
    %dma_wait3A_273 = arith.constant 0 : i32
    %dma_wait3A_274 = arith.constant 0 : i32
    %dma_wait3A_275 = tpu.memref_slice %arg19[%dma_wait3A_273, %dma_wait3A_274] : memref<10240x128xf32, #tpu.memory_space<vmem_shared>> -> memref<80x128xf32, #tpu.memory_space<vmem_shared>>
    %dma_wait3A_276 = arith.constant 0 : i32
    %dma_wait3A_277 = arith.constant 0 : i32
    %dma_wait3A_278 = tpu.memref_slice %arg19[%dma_wait3A_276, %dma_wait3A_277] : memref<10240x128xf32, #tpu.memory_space<vmem_shared>> -> memref<80x128xf32, #tpu.memory_space<vmem_shared>>
    tpu.wait_dma2 semaphore(%arg22 : memref<!tpu.dma_semaphore, #tpu.memory_space<semaphore_mem>>) src(%dma_wait3A_278 : memref<80x128xf32, #tpu.memory_space<vmem_shared>>) dst(%arg9 : memref<80x128xf32, #tpu.memory_space<vmem>>)
    %mul3A_279 = arith.constant 10240 : i32
    %mul3A_280 = arith.muli %arg0, %mul3A_279 : i32
    %mul3A_281 = arith.constant 640 : i32
    %mul3A_282 = arith.muli %arg1, %mul3A_281 : i32
    %add3A_283 = arith.addi %mul3A_280, %mul3A_282 : i32
    %add3A_284 = arith.constant 160 : i32
    %add3A_285 = arith.addi %add3A_283, %add3A_284 : i32
    %dma_start3A_286 = arith.constant 0 : i32
    %dma_start3A_287 = tpu.memref_slice %arg6[%add3A_285, %dma_start3A_286] : memref<20480x128xf32, #tpu.memory_space<hbm>> -> memref<80x128xf32, #tpu.memory_space<hbm>>
    %dma_start3A_288 = arith.constant 0 : i32
    %dma_start3A_289 = tpu.memref_slice %arg6[%add3A_285, %dma_start3A_288] : memref<20480x128xf32, #tpu.memory_space<hbm>> -> memref<80x128xf32, #tpu.memory_space<hbm>>
    tpu.enqueue_dma source(%arg9 : memref<80x128xf32, #tpu.memory_space<vmem>>) target(%dma_start3A_289 : memref<80x128xf32, #tpu.memory_space<hbm>>) target_semaphore(%arg34 : memref<!tpu.dma_semaphore, #tpu.memory_space<semaphore_mem>>)
    %dma_wait3A_290 = arith.constant 0 : i32
    %dma_wait3A_291 = arith.constant 0 : i32
    %dma_wait3A_292 = tpu.memref_slice %arg6[%dma_wait3A_290, %dma_wait3A_291] : memref<20480x128xf32, #tpu.memory_space<hbm>> -> memref<80x128xf32, #tpu.memory_space<hbm>>
    %dma_wait3A_293 = arith.constant 0 : i32
    %dma_wait3A_294 = arith.constant 0 : i32
    %dma_wait3A_295 = tpu.memref_slice %arg6[%dma_wait3A_293, %dma_wait3A_294] : memref<20480x128xf32, #tpu.memory_space<hbm>> -> memref<80x128xf32, #tpu.memory_space<hbm>>
    tpu.wait_dma2 semaphore(%arg34 : memref<!tpu.dma_semaphore, #tpu.memory_space<semaphore_mem>>) src(%arg9 : memref<80x128xf32, #tpu.memory_space<vmem>>) dst(%dma_wait3A_295 : memref<80x128xf32, #tpu.memory_space<hbm>>)
    %mul3A_296 = arith.constant 640 : i32
    %mul3A_297 = arith.muli %arg1, %mul3A_296 : i32
    %add3A_298 = arith.constant 480 : i32
    %add3A_299 = arith.addi %mul3A_297, %add3A_298 : i32
    %dma_start3A_300 = arith.constant 0 : i32
    %dma_start3A_301 = tpu.memref_slice %arg19[%add3A_299, %dma_start3A_300] : memref<10240x128xf32, #tpu.memory_space<vmem_shared>> -> memref<80x128xf32, #tpu.memory_space<vmem_shared>>
    %dma_start3A_302 = arith.constant 0 : i32
    %dma_start3A_303 = tpu.memref_slice %arg19[%add3A_299, %dma_start3A_302] : memref<10240x128xf32, #tpu.memory_space<vmem_shared>> -> memref<80x128xf32, #tpu.memory_space<vmem_shared>>
    tpu.enqueue_dma source(%dma_start3A_303 : memref<80x128xf32, #tpu.memory_space<vmem_shared>>) target(%arg9 : memref<80x128xf32, #tpu.memory_space<vmem>>) target_semaphore(%arg22 : memref<!tpu.dma_semaphore, #tpu.memory_space<semaphore_mem>>)
    %dma_wait3A_304 = arith.constant 0 : i32
    %dma_wait3A_305 = arith.constant 0 : i32
    %dma_wait3A_306 = tpu.memref_slice %arg19[%dma_wait3A_304, %dma_wait3A_305] : memref<10240x128xf32, #tpu.memory_space<vmem_shared>> -> memref<80x128xf32, #tpu.memory_space<vmem_shared>>
    %dma_wait3A_307 = arith.constant 0 : i32
    %dma_wait3A_308 = arith.constant 0 : i32
    %dma_wait3A_309 = tpu.memref_slice %arg19[%dma_wait3A_307, %dma_wait3A_308] : memref<10240x128xf32, #tpu.memory_space<vmem_shared>> -> memref<80x128xf32, #tpu.memory_space<vmem_shared>>
    tpu.wait_dma2 semaphore(%arg23 : memref<!tpu.dma_semaphore, #tpu.memory_space<semaphore_mem>>) src(%dma_wait3A_309 : memref<80x128xf32, #tpu.memory_space<vmem_shared>>) dst(%arg10 : memref<80x128xf32, #tpu.memory_space<vmem>>)
    %mul3A_310 = arith.constant 10240 : i32
    %mul3A_311 = arith.muli %arg0, %mul3A_310 : i32
    %mul3A_312 = arith.constant 640 : i32
    %mul3A_313 = arith.muli %arg1, %mul3A_312 : i32
    %add3A_314 = arith.addi %mul3A_311, %mul3A_313 : i32
    %add3A_315 = arith.constant 240 : i32
    %add3A_316 = arith.addi %add3A_314, %add3A_315 : i32
    %dma_start3A_317 = arith.constant 0 : i32
    %dma_start3A_318 = tpu.memref_slice %arg6[%add3A_316, %dma_start3A_317] : memref<20480x128xf32, #tpu.memory_space<hbm>> -> memref<80x128xf32, #tpu.memory_space<hbm>>
    %dma_start3A_319 = arith.constant 0 : i32
    %dma_start3A_320 = tpu.memref_slice %arg6[%add3A_316, %dma_start3A_319] : memref<20480x128xf32, #tpu.memory_space<hbm>> -> memref<80x128xf32, #tpu.memory_space<hbm>>
    tpu.enqueue_dma source(%arg10 : memref<80x128xf32, #tpu.memory_space<vmem>>) target(%dma_start3A_320 : memref<80x128xf32, #tpu.memory_space<hbm>>) target_semaphore(%arg35 : memref<!tpu.dma_semaphore, #tpu.memory_space<semaphore_mem>>)
    %dma_wait3A_321 = arith.constant 0 : i32
    %dma_wait3A_322 = arith.constant 0 : i32
    %dma_wait3A_323 = tpu.memref_slice %arg6[%dma_wait3A_321, %dma_wait3A_322] : memref<20480x128xf32, #tpu.memory_space<hbm>> -> memref<80x128xf32, #tpu.memory_space<hbm>>
    %dma_wait3A_324 = arith.constant 0 : i32
    %dma_wait3A_325 = arith.constant 0 : i32
    %dma_wait3A_326 = tpu.memref_slice %arg6[%dma_wait3A_324, %dma_wait3A_325] : memref<20480x128xf32, #tpu.memory_space<hbm>> -> memref<80x128xf32, #tpu.memory_space<hbm>>
    tpu.wait_dma2 semaphore(%arg35 : memref<!tpu.dma_semaphore, #tpu.memory_space<semaphore_mem>>) src(%arg10 : memref<80x128xf32, #tpu.memory_space<vmem>>) dst(%dma_wait3A_326 : memref<80x128xf32, #tpu.memory_space<hbm>>)
    %mul3A_327 = arith.constant 640 : i32
    %mul3A_328 = arith.muli %arg1, %mul3A_327 : i32
    %add3A_329 = arith.constant 560 : i32
    %add3A_330 = arith.addi %mul3A_328, %add3A_329 : i32
    %dma_start3A_331 = arith.constant 0 : i32
    %dma_start3A_332 = tpu.memref_slice %arg19[%add3A_330, %dma_start3A_331] : memref<10240x128xf32, #tpu.memory_space<vmem_shared>> -> memref<80x128xf32, #tpu.memory_space<vmem_shared>>
    %dma_start3A_333 = arith.constant 0 : i32
    %dma_start3A_334 = tpu.memref_slice %arg19[%add3A_330, %dma_start3A_333] : memref<10240x128xf32, #tpu.memory_space<vmem_shared>> -> memref<80x128xf32, #tpu.memory_space<vmem_shared>>
    tpu.enqueue_dma source(%dma_start3A_334 : memref<80x128xf32, #tpu.memory_space<vmem_shared>>) target(%arg10 : memref<80x128xf32, #tpu.memory_space<vmem>>) target_semaphore(%arg23 : memref<!tpu.dma_semaphore, #tpu.memory_space<semaphore_mem>>)
    %dma_wait3A_335 = arith.constant 0 : i32
    %dma_wait3A_336 = arith.constant 0 : i32
    %dma_wait3A_337 = tpu.memref_slice %arg19[%dma_wait3A_335, %dma_wait3A_336] : memref<10240x128xf32, #tpu.memory_space<vmem_shared>> -> memref<80x128xf32, #tpu.memory_space<vmem_shared>>
    %dma_wait3A_338 = arith.constant 0 : i32
    %dma_wait3A_339 = arith.constant 0 : i32
    %dma_wait3A_340 = tpu.memref_slice %arg19[%dma_wait3A_338, %dma_wait3A_339] : memref<10240x128xf32, #tpu.memory_space<vmem_shared>> -> memref<80x128xf32, #tpu.memory_space<vmem_shared>>
    tpu.wait_dma2 semaphore(%arg20 : memref<!tpu.dma_semaphore, #tpu.memory_space<semaphore_mem>>) src(%dma_wait3A_340 : memref<80x128xf32, #tpu.memory_space<vmem_shared>>) dst(%arg7 : memref<80x128xf32, #tpu.memory_space<vmem>>)
    %mul3A_341 = arith.constant 10240 : i32
    %mul3A_342 = arith.muli %arg0, %mul3A_341 : i32
    %mul3A_343 = arith.constant 640 : i32
    %mul3A_344 = arith.muli %arg1, %mul3A_343 : i32
    %add3A_345 = arith.addi %mul3A_342, %mul3A_344 : i32
    %add3A_346 = arith.constant 320 : i32
    %add3A_347 = arith.addi %add3A_345, %add3A_346 : i32
    %dma_start3A_348 = arith.constant 0 : i32
    %dma_start3A_349 = tpu.memref_slice %arg6[%add3A_347, %dma_start3A_348] : memref<20480x128xf32, #tpu.memory_space<hbm>> -> memref<80x128xf32, #tpu.memory_space<hbm>>
    %dma_start3A_350 = arith.constant 0 : i32
    %dma_start3A_351 = tpu.memref_slice %arg6[%add3A_347, %dma_start3A_350] : memref<20480x128xf32, #tpu.memory_space<hbm>> -> memref<80x128xf32, #tpu.memory_space<hbm>>
    tpu.enqueue_dma source(%arg7 : memref<80x128xf32, #tpu.memory_space<vmem>>) target(%dma_start3A_351 : memref<80x128xf32, #tpu.memory_space<hbm>>) target_semaphore(%arg32 : memref<!tpu.dma_semaphore, #tpu.memory_space<semaphore_mem>>)
    %dma_wait3A_352 = arith.constant 0 : i32
    %dma_wait3A_353 = arith.constant 0 : i32
    %dma_wait3A_354 = tpu.memref_slice %arg19[%dma_wait3A_352, %dma_wait3A_353] : memref<10240x128xf32, #tpu.memory_space<vmem_shared>> -> memref<80x128xf32, #tpu.memory_space<vmem_shared>>
    %dma_wait3A_355 = arith.constant 0 : i32
    %dma_wait3A_356 = arith.constant 0 : i32
    %dma_wait3A_357 = tpu.memref_slice %arg19[%dma_wait3A_355, %dma_wait3A_356] : memref<10240x128xf32, #tpu.memory_space<vmem_shared>> -> memref<80x128xf32, #tpu.memory_space<vmem_shared>>
    tpu.wait_dma2 semaphore(%arg21 : memref<!tpu.dma_semaphore, #tpu.memory_space<semaphore_mem>>) src(%dma_wait3A_357 : memref<80x128xf32, #tpu.memory_space<vmem_shared>>) dst(%arg8 : memref<80x128xf32, #tpu.memory_space<vmem>>)
    %mul3A_358 = arith.constant 10240 : i32
    %mul3A_359 = arith.muli %arg0, %mul3A_358 : i32
    %mul3A_360 = arith.constant 640 : i32
    %mul3A_361 = arith.muli %arg1, %mul3A_360 : i32
    %add3A_362 = arith.addi %mul3A_359, %mul3A_361 : i32
    %add3A_363 = arith.constant 400 : i32
    %add3A_364 = arith.addi %add3A_362, %add3A_363 : i32
    %dma_start3A_365 = arith.constant 0 : i32
    %dma_start3A_366 = tpu.memref_slice %arg6[%add3A_364, %dma_start3A_365] : memref<20480x128xf32, #tpu.memory_space<hbm>> -> memref<80x128xf32, #tpu.memory_space<hbm>>
    %dma_start3A_367 = arith.constant 0 : i32
    %dma_start3A_368 = tpu.memref_slice %arg6[%add3A_364, %dma_start3A_367] : memref<20480x128xf32, #tpu.memory_space<hbm>> -> memref<80x128xf32, #tpu.memory_space<hbm>>
    tpu.enqueue_dma source(%arg8 : memref<80x128xf32, #tpu.memory_space<vmem>>) target(%dma_start3A_368 : memref<80x128xf32, #tpu.memory_space<hbm>>) target_semaphore(%arg33 : memref<!tpu.dma_semaphore, #tpu.memory_space<semaphore_mem>>)
    %dma_wait3A_369 = arith.constant 0 : i32
    %dma_wait3A_370 = arith.constant 0 : i32
    %dma_wait3A_371 = tpu.memref_slice %arg19[%dma_wait3A_369, %dma_wait3A_370] : memref<10240x128xf32, #tpu.memory_space<vmem_shared>> -> memref<80x128xf32, #tpu.memory_space<vmem_shared>>
    %dma_wait3A_372 = arith.constant 0 : i32
    %dma_wait3A_373 = arith.constant 0 : i32
    %dma_wait3A_374 = tpu.memref_slice %arg19[%dma_wait3A_372, %dma_wait3A_373] : memref<10240x128xf32, #tpu.memory_space<vmem_shared>> -> memref<80x128xf32, #tpu.memory_space<vmem_shared>>
    tpu.wait_dma2 semaphore(%arg22 : memref<!tpu.dma_semaphore, #tpu.memory_space<semaphore_mem>>) src(%dma_wait3A_374 : memref<80x128xf32, #tpu.memory_space<vmem_shared>>) dst(%arg9 : memref<80x128xf32, #tpu.memory_space<vmem>>)
    %mul3A_375 = arith.constant 10240 : i32
    %mul3A_376 = arith.muli %arg0, %mul3A_375 : i32
    %mul3A_377 = arith.constant 640 : i32
    %mul3A_378 = arith.muli %arg1, %mul3A_377 : i32
    %add3A_379 = arith.addi %mul3A_376, %mul3A_378 : i32
    %add3A_380 = arith.constant 480 : i32
    %add3A_381 = arith.addi %add3A_379, %add3A_380 : i32
    %dma_start3A_382 = arith.constant 0 : i32
    %dma_start3A_383 = tpu.memref_slice %arg6[%add3A_381, %dma_start3A_382] : memref<20480x128xf32, #tpu.memory_space<hbm>> -> memref<80x128xf32, #tpu.memory_space<hbm>>
    %dma_start3A_384 = arith.constant 0 : i32
    %dma_start3A_385 = tpu.memref_slice %arg6[%add3A_381, %dma_start3A_384] : memref<20480x128xf32, #tpu.memory_space<hbm>> -> memref<80x128xf32, #tpu.memory_space<hbm>>
    tpu.enqueue_dma source(%arg9 : memref<80x128xf32, #tpu.memory_space<vmem>>) target(%dma_start3A_385 : memref<80x128xf32, #tpu.memory_space<hbm>>) target_semaphore(%arg34 : memref<!tpu.dma_semaphore, #tpu.memory_space<semaphore_mem>>)
    %dma_wait3A_386 = arith.constant 0 : i32
    %dma_wait3A_387 = arith.constant 0 : i32
    %dma_wait3A_388 = tpu.memref_slice %arg19[%dma_wait3A_386, %dma_wait3A_387] : memref<10240x128xf32, #tpu.memory_space<vmem_shared>> -> memref<80x128xf32, #tpu.memory_space<vmem_shared>>
    %dma_wait3A_389 = arith.constant 0 : i32
    %dma_wait3A_390 = arith.constant 0 : i32
    %dma_wait3A_391 = tpu.memref_slice %arg19[%dma_wait3A_389, %dma_wait3A_390] : memref<10240x128xf32, #tpu.memory_space<vmem_shared>> -> memref<80x128xf32, #tpu.memory_space<vmem_shared>>
    tpu.wait_dma2 semaphore(%arg23 : memref<!tpu.dma_semaphore, #tpu.memory_space<semaphore_mem>>) src(%dma_wait3A_391 : memref<80x128xf32, #tpu.memory_space<vmem_shared>>) dst(%arg10 : memref<80x128xf32, #tpu.memory_space<vmem>>)
    %mul3A_392 = arith.constant 10240 : i32
    %mul3A_393 = arith.muli %arg0, %mul3A_392 : i32
    %mul3A_394 = arith.constant 640 : i32
    %mul3A_395 = arith.muli %arg1, %mul3A_394 : i32
    %add3A_396 = arith.addi %mul3A_393, %mul3A_395 : i32
    %add3A_397 = arith.constant 560 : i32
    %add3A_398 = arith.addi %add3A_396, %add3A_397 : i32
    %dma_start3A_399 = arith.constant 0 : i32
    %dma_start3A_400 = tpu.memref_slice %arg6[%add3A_398, %dma_start3A_399] : memref<20480x128xf32, #tpu.memory_space<hbm>> -> memref<80x128xf32, #tpu.memory_space<hbm>>
    %dma_start3A_401 = arith.constant 0 : i32
    %dma_start3A_402 = tpu.memref_slice %arg6[%add3A_398, %dma_start3A_401] : memref<20480x128xf32, #tpu.memory_space<hbm>> -> memref<80x128xf32, #tpu.memory_space<hbm>>
    tpu.enqueue_dma source(%arg10 : memref<80x128xf32, #tpu.memory_space<vmem>>) target(%dma_start3A_402 : memref<80x128xf32, #tpu.memory_space<hbm>>) target_semaphore(%arg35 : memref<!tpu.dma_semaphore, #tpu.memory_space<semaphore_mem>>)
    %dma_wait3A_403 = arith.constant 0 : i32
    %dma_wait3A_404 = arith.constant 0 : i32
    %dma_wait3A_405 = tpu.memref_slice %arg6[%dma_wait3A_403, %dma_wait3A_404] : memref<20480x128xf32, #tpu.memory_space<hbm>> -> memref<80x128xf32, #tpu.memory_space<hbm>>
    %dma_wait3A_406 = arith.constant 0 : i32
    %dma_wait3A_407 = arith.constant 0 : i32
    %dma_wait3A_408 = tpu.memref_slice %arg6[%dma_wait3A_406, %dma_wait3A_407] : memref<20480x128xf32, #tpu.memory_space<hbm>> -> memref<80x128xf32, #tpu.memory_space<hbm>>
    tpu.wait_dma2 semaphore(%arg32 : memref<!tpu.dma_semaphore, #tpu.memory_space<semaphore_mem>>) src(%arg7 : memref<80x128xf32, #tpu.memory_space<vmem>>) dst(%dma_wait3A_408 : memref<80x128xf32, #tpu.memory_space<hbm>>)
    %dma_wait3A_409 = arith.constant 0 : i32
    %dma_wait3A_410 = arith.constant 0 : i32
    %dma_wait3A_411 = tpu.memref_slice %arg6[%dma_wait3A_409, %dma_wait3A_410] : memref<20480x128xf32, #tpu.memory_space<hbm>> -> memref<80x128xf32, #tpu.memory_space<hbm>>
    %dma_wait3A_412 = arith.constant 0 : i32
    %dma_wait3A_413 = arith.constant 0 : i32
    %dma_wait3A_414 = tpu.memref_slice %arg6[%dma_wait3A_412, %dma_wait3A_413] : memref<20480x128xf32, #tpu.memory_space<hbm>> -> memref<80x128xf32, #tpu.memory_space<hbm>>
    tpu.wait_dma2 semaphore(%arg33 : memref<!tpu.dma_semaphore, #tpu.memory_space<semaphore_mem>>) src(%arg8 : memref<80x128xf32, #tpu.memory_space<vmem>>) dst(%dma_wait3A_414 : memref<80x128xf32, #tpu.memory_space<hbm>>)
    %dma_wait3A_415 = arith.constant 0 : i32
    %dma_wait3A_416 = arith.constant 0 : i32
    %dma_wait3A_417 = tpu.memref_slice %arg6[%dma_wait3A_415, %dma_wait3A_416] : memref<20480x128xf32, #tpu.memory_space<hbm>> -> memref<80x128xf32, #tpu.memory_space<hbm>>
    %dma_wait3A_418 = arith.constant 0 : i32
    %dma_wait3A_419 = arith.constant 0 : i32
    %dma_wait3A_420 = tpu.memref_slice %arg6[%dma_wait3A_418, %dma_wait3A_419] : memref<20480x128xf32, #tpu.memory_space<hbm>> -> memref<80x128xf32, #tpu.memory_space<hbm>>
    tpu.wait_dma2 semaphore(%arg34 : memref<!tpu.dma_semaphore, #tpu.memory_space<semaphore_mem>>) src(%arg9 : memref<80x128xf32, #tpu.memory_space<vmem>>) dst(%dma_wait3A_420 : memref<80x128xf32, #tpu.memory_space<hbm>>)
    %dma_wait3A_421 = arith.constant 0 : i32
    %dma_wait3A_422 = arith.constant 0 : i32
    %dma_wait3A_423 = tpu.memref_slice %arg6[%dma_wait3A_421, %dma_wait3A_422] : memref<20480x128xf32, #tpu.memory_space<hbm>> -> memref<80x128xf32, #tpu.memory_space<hbm>>
    %dma_wait3A_424 = arith.constant 0 : i32
    %dma_wait3A_425 = arith.constant 0 : i32
    %dma_wait3A_426 = tpu.memref_slice %arg6[%dma_wait3A_424, %dma_wait3A_425] : memref<20480x128xf32, #tpu.memory_space<hbm>> -> memref<80x128xf32, #tpu.memory_space<hbm>>
    tpu.wait_dma2 semaphore(%arg35 : memref<!tpu.dma_semaphore, #tpu.memory_space<semaphore_mem>>) src(%arg10 : memref<80x128xf32, #tpu.memory_space<vmem>>) dst(%dma_wait3A_426 : memref<80x128xf32, #tpu.memory_space<hbm>>)
    return
  }
}

#map = affine_map<(d0, d1) -> (0, 0)>
#map1 = affine_map<(d0, d1) -> (0)>
module attributes {stable_mosaic.version = 14 : i64} {
  func.func @_sc_agg_body(%arg0: i32, %arg1: i32, %arg2: memref<40960x128xf32, #tpu.memory_space<hbm>>, %arg3: memref<327680xi32, #tpu.memory_space<hbm>>, %arg4: memref<327680xi32, #tpu.memory_space<hbm>>, %arg5: memref<80x128xf32, #tpu.memory_space<hbm>>, %arg6: memref<20480x128xf32, #tpu.memory_space<hbm>>, %arg7: memref<80x128xf32, #tpu.memory_space<vmem>>, %arg8: memref<80x128xf32, #tpu.memory_space<vmem>>, %arg9: memref<80x128xf32, #tpu.memory_space<vmem>>, %arg10: memref<80x128xf32, #tpu.memory_space<vmem>>, %arg11: memref<80xi32, #tpu.memory_space<vmem>>, %arg12: memref<80xi32, #tpu.memory_space<vmem>>, %arg13: memref<80xi32, #tpu.memory_space<vmem>>, %arg14: memref<80xi32, #tpu.memory_space<vmem>>, %arg15: memref<80xi32, #tpu.memory_space<vmem>>, %arg16: memref<80xi32, #tpu.memory_space<vmem>>, %arg17: memref<80xi32, #tpu.memory_space<vmem>>, %arg18: memref<80xi32, #tpu.memory_space<vmem>>, %arg19: memref<10240x128xf32, #tpu.memory_space<vmem_shared>>, %arg20: memref<!tpu.dma_semaphore, #tpu.memory_space<semaphore_mem>>, %arg21: memref<!tpu.dma_semaphore, #tpu.memory_space<semaphore_mem>>, %arg22: memref<!tpu.dma_semaphore, #tpu.memory_space<semaphore_mem>>, %arg23: memref<!tpu.dma_semaphore, #tpu.memory_space<semaphore_mem>>, %arg24: memref<!tpu.dma_semaphore, #tpu.memory_space<semaphore_mem>>, %arg25: memref<!tpu.dma_semaphore, #tpu.memory_space<semaphore_mem>>, %arg26: memref<!tpu.dma_semaphore, #tpu.memory_space<semaphore_mem>>, %arg27: memref<!tpu.dma_semaphore, #tpu.memory_space<semaphore_mem>>, %arg28: memref<!tpu.dma_semaphore, #tpu.memory_space<semaphore_mem>>, %arg29: memref<!tpu.dma_semaphore, #tpu.memory_space<semaphore_mem>>, %arg30: memref<!tpu.dma_semaphore, #tpu.memory_space<semaphore_mem>>, %arg31: memref<!tpu.dma_semaphore, #tpu.memory_space<semaphore_mem>>, %arg32: memref<!tpu.dma_semaphore, #tpu.memory_space<semaphore_mem>>, %arg33: memref<!tpu.dma_semaphore, #tpu.memory_space<semaphore_mem>>, %arg34: memref<!tpu.dma_semaphore, #tpu.memory_space<semaphore_mem>>, %arg35: memref<!tpu.dma_semaphore, #tpu.memory_space<semaphore_mem>>) attributes {dimension_semantics = [#tpu.dimension_semantics<core_parallel>, #tpu.dimension_semantics<subcore_parallel>], iteration_bounds = array<i64: 2, 16>, scalar_prefetch = 0 : i64, scratch_operands = 29 : i64, tpu.core_type = #tpu.core_type<sc_vector_subcore>, window_params = [{transform_indices = #map}, {transform_indices = #map1}, {transform_indices = #map1}, {transform_indices = #map}, {transform_indices = #map}]} {
    %mul3A = arith.constant 2 : i32
    %mul3A_0 = arith.muli %arg1, %mul3A : i32
    %add3A = arith.addi %mul3A_0, %arg0 : i32
    %mul3A_1 = arith.constant 10240 : i32
    %mul3A_2 = arith.muli %add3A, %mul3A_1 : i32
    "tpu.region"() ({
      %run_scoped3A = tpu.sem_alloc : memref<!tpu.dma_semaphore, #tpu.memory_space<semaphore_mem>>
      tpu.enqueue_dma source(%arg5 : memref<80x128xf32, #tpu.memory_space<hbm>>) target(%arg7 : memref<80x128xf32, #tpu.memory_space<vmem>>) target_semaphore(%run_scoped3A : memref<!tpu.dma_semaphore, #tpu.memory_space<semaphore_mem>>)
      tpu.wait_dma2 semaphore(%run_scoped3A : memref<!tpu.dma_semaphore, #tpu.memory_space<semaphore_mem>>) src(%arg5 : memref<80x128xf32, #tpu.memory_space<hbm>>) dst(%arg7 : memref<80x128xf32, #tpu.memory_space<vmem>>)
      tpu.yield
    }) : () -> ()
    %mul3A_3 = arith.constant 640 : i32
    %mul3A_4 = arith.muli %arg1, %mul3A_3 : i32
    %add3A_5 = arith.constant 0 : i32
    %add3A_6 = arith.addi %mul3A_4, %add3A_5 : i32
    %dma_start3A = arith.constant 0 : i32
    %dma_start3A_7 = tpu.memref_slice %arg19[%add3A_6, %dma_start3A] : memref<10240x128xf32, #tpu.memory_space<vmem_shared>> -> memref<80x128xf32, #tpu.memory_space<vmem_shared>>
    %dma_start3A_8 = arith.constant 0 : i32
    %dma_start3A_9 = tpu.memref_slice %arg19[%add3A_6, %dma_start3A_8] : memref<10240x128xf32, #tpu.memory_space<vmem_shared>> -> memref<80x128xf32, #tpu.memory_space<vmem_shared>>
    tpu.enqueue_dma source(%arg7 : memref<80x128xf32, #tpu.memory_space<vmem>>) target(%dma_start3A_9 : memref<80x128xf32, #tpu.memory_space<vmem_shared>>) target_semaphore(%arg20 : memref<!tpu.dma_semaphore, #tpu.memory_space<semaphore_mem>>)
    %mul3A_10 = arith.constant 640 : i32
    %mul3A_11 = arith.muli %arg1, %mul3A_10 : i32
    %add3A_12 = arith.constant 80 : i32
    %add3A_13 = arith.addi %mul3A_11, %add3A_12 : i32
    %dma_start3A_14 = arith.constant 0 : i32
    %dma_start3A_15 = tpu.memref_slice %arg19[%add3A_13, %dma_start3A_14] : memref<10240x128xf32, #tpu.memory_space<vmem_shared>> -> memref<80x128xf32, #tpu.memory_space<vmem_shared>>
    %dma_start3A_16 = arith.constant 0 : i32
    %dma_start3A_17 = tpu.memref_slice %arg19[%add3A_13, %dma_start3A_16] : memref<10240x128xf32, #tpu.memory_space<vmem_shared>> -> memref<80x128xf32, #tpu.memory_space<vmem_shared>>
    tpu.enqueue_dma source(%arg7 : memref<80x128xf32, #tpu.memory_space<vmem>>) target(%dma_start3A_17 : memref<80x128xf32, #tpu.memory_space<vmem_shared>>) target_semaphore(%arg21 : memref<!tpu.dma_semaphore, #tpu.memory_space<semaphore_mem>>)
    %mul3A_18 = arith.constant 640 : i32
    %mul3A_19 = arith.muli %arg1, %mul3A_18 : i32
    %add3A_20 = arith.constant 160 : i32
    %add3A_21 = arith.addi %mul3A_19, %add3A_20 : i32
    %dma_start3A_22 = arith.constant 0 : i32
    %dma_start3A_23 = tpu.memref_slice %arg19[%add3A_21, %dma_start3A_22] : memref<10240x128xf32, #tpu.memory_space<vmem_shared>> -> memref<80x128xf32, #tpu.memory_space<vmem_shared>>
    %dma_start3A_24 = arith.constant 0 : i32
    %dma_start3A_25 = tpu.memref_slice %arg19[%add3A_21, %dma_start3A_24] : memref<10240x128xf32, #tpu.memory_space<vmem_shared>> -> memref<80x128xf32, #tpu.memory_space<vmem_shared>>
    tpu.enqueue_dma source(%arg7 : memref<80x128xf32, #tpu.memory_space<vmem>>) target(%dma_start3A_25 : memref<80x128xf32, #tpu.memory_space<vmem_shared>>) target_semaphore(%arg22 : memref<!tpu.dma_semaphore, #tpu.memory_space<semaphore_mem>>)
    %mul3A_26 = arith.constant 640 : i32
    %mul3A_27 = arith.muli %arg1, %mul3A_26 : i32
    %add3A_28 = arith.constant 240 : i32
    %add3A_29 = arith.addi %mul3A_27, %add3A_28 : i32
    %dma_start3A_30 = arith.constant 0 : i32
    %dma_start3A_31 = tpu.memref_slice %arg19[%add3A_29, %dma_start3A_30] : memref<10240x128xf32, #tpu.memory_space<vmem_shared>> -> memref<80x128xf32, #tpu.memory_space<vmem_shared>>
    %dma_start3A_32 = arith.constant 0 : i32
    %dma_start3A_33 = tpu.memref_slice %arg19[%add3A_29, %dma_start3A_32] : memref<10240x128xf32, #tpu.memory_space<vmem_shared>> -> memref<80x128xf32, #tpu.memory_space<vmem_shared>>
    tpu.enqueue_dma source(%arg7 : memref<80x128xf32, #tpu.memory_space<vmem>>) target(%dma_start3A_33 : memref<80x128xf32, #tpu.memory_space<vmem_shared>>) target_semaphore(%arg23 : memref<!tpu.dma_semaphore, #tpu.memory_space<semaphore_mem>>)
    %mul3A_34 = arith.constant 640 : i32
    %mul3A_35 = arith.muli %arg1, %mul3A_34 : i32
    %add3A_36 = arith.constant 320 : i32
    %add3A_37 = arith.addi %mul3A_35, %add3A_36 : i32
    %dma_start3A_38 = arith.constant 0 : i32
    %dma_start3A_39 = tpu.memref_slice %arg19[%add3A_37, %dma_start3A_38] : memref<10240x128xf32, #tpu.memory_space<vmem_shared>> -> memref<80x128xf32, #tpu.memory_space<vmem_shared>>
    %dma_start3A_40 = arith.constant 0 : i32
    %dma_start3A_41 = tpu.memref_slice %arg19[%add3A_37, %dma_start3A_40] : memref<10240x128xf32, #tpu.memory_space<vmem_shared>> -> memref<80x128xf32, #tpu.memory_space<vmem_shared>>
    tpu.enqueue_dma source(%arg7 : memref<80x128xf32, #tpu.memory_space<vmem>>) target(%dma_start3A_41 : memref<80x128xf32, #tpu.memory_space<vmem_shared>>) target_semaphore(%arg20 : memref<!tpu.dma_semaphore, #tpu.memory_space<semaphore_mem>>)
    %mul3A_42 = arith.constant 640 : i32
    %mul3A_43 = arith.muli %arg1, %mul3A_42 : i32
    %add3A_44 = arith.constant 400 : i32
    %add3A_45 = arith.addi %mul3A_43, %add3A_44 : i32
    %dma_start3A_46 = arith.constant 0 : i32
    %dma_start3A_47 = tpu.memref_slice %arg19[%add3A_45, %dma_start3A_46] : memref<10240x128xf32, #tpu.memory_space<vmem_shared>> -> memref<80x128xf32, #tpu.memory_space<vmem_shared>>
    %dma_start3A_48 = arith.constant 0 : i32
    %dma_start3A_49 = tpu.memref_slice %arg19[%add3A_45, %dma_start3A_48] : memref<10240x128xf32, #tpu.memory_space<vmem_shared>> -> memref<80x128xf32, #tpu.memory_space<vmem_shared>>
    tpu.enqueue_dma source(%arg7 : memref<80x128xf32, #tpu.memory_space<vmem>>) target(%dma_start3A_49 : memref<80x128xf32, #tpu.memory_space<vmem_shared>>) target_semaphore(%arg21 : memref<!tpu.dma_semaphore, #tpu.memory_space<semaphore_mem>>)
    %mul3A_50 = arith.constant 640 : i32
    %mul3A_51 = arith.muli %arg1, %mul3A_50 : i32
    %add3A_52 = arith.constant 480 : i32
    %add3A_53 = arith.addi %mul3A_51, %add3A_52 : i32
    %dma_start3A_54 = arith.constant 0 : i32
    %dma_start3A_55 = tpu.memref_slice %arg19[%add3A_53, %dma_start3A_54] : memref<10240x128xf32, #tpu.memory_space<vmem_shared>> -> memref<80x128xf32, #tpu.memory_space<vmem_shared>>
    %dma_start3A_56 = arith.constant 0 : i32
    %dma_start3A_57 = tpu.memref_slice %arg19[%add3A_53, %dma_start3A_56] : memref<10240x128xf32, #tpu.memory_space<vmem_shared>> -> memref<80x128xf32, #tpu.memory_space<vmem_shared>>
    tpu.enqueue_dma source(%arg7 : memref<80x128xf32, #tpu.memory_space<vmem>>) target(%dma_start3A_57 : memref<80x128xf32, #tpu.memory_space<vmem_shared>>) target_semaphore(%arg22 : memref<!tpu.dma_semaphore, #tpu.memory_space<semaphore_mem>>)
    %mul3A_58 = arith.constant 640 : i32
    %mul3A_59 = arith.muli %arg1, %mul3A_58 : i32
    %add3A_60 = arith.constant 560 : i32
    %add3A_61 = arith.addi %mul3A_59, %add3A_60 : i32
    %dma_start3A_62 = arith.constant 0 : i32
    %dma_start3A_63 = tpu.memref_slice %arg19[%add3A_61, %dma_start3A_62] : memref<10240x128xf32, #tpu.memory_space<vmem_shared>> -> memref<80x128xf32, #tpu.memory_space<vmem_shared>>
    %dma_start3A_64 = arith.constant 0 : i32
    %dma_start3A_65 = tpu.memref_slice %arg19[%add3A_61, %dma_start3A_64] : memref<10240x128xf32, #tpu.memory_space<vmem_shared>> -> memref<80x128xf32, #tpu.memory_space<vmem_shared>>
    tpu.enqueue_dma source(%arg7 : memref<80x128xf32, #tpu.memory_space<vmem>>) target(%dma_start3A_65 : memref<80x128xf32, #tpu.memory_space<vmem_shared>>) target_semaphore(%arg23 : memref<!tpu.dma_semaphore, #tpu.memory_space<semaphore_mem>>)
    %mul3A_66 = arith.constant 640 : i32
    %mul3A_67 = arith.muli %arg1, %mul3A_66 : i32
    %add3A_68 = arith.constant 0 : i32
    %add3A_69 = arith.addi %mul3A_67, %add3A_68 : i32
    %dma_wait3A = arith.constant 0 : i32
    %dma_wait3A_70 = tpu.memref_slice %arg19[%add3A_69, %dma_wait3A] : memref<10240x128xf32, #tpu.memory_space<vmem_shared>> -> memref<80x128xf32, #tpu.memory_space<vmem_shared>>
    %dma_wait3A_71 = arith.constant 0 : i32
    %dma_wait3A_72 = tpu.memref_slice %arg19[%add3A_69, %dma_wait3A_71] : memref<10240x128xf32, #tpu.memory_space<vmem_shared>> -> memref<80x128xf32, #tpu.memory_space<vmem_shared>>
    tpu.wait_dma2 semaphore(%arg20 : memref<!tpu.dma_semaphore, #tpu.memory_space<semaphore_mem>>) src(%arg7 : memref<80x128xf32, #tpu.memory_space<vmem>>) dst(%dma_wait3A_72 : memref<80x128xf32, #tpu.memory_space<vmem_shared>>)
    %mul3A_73 = arith.constant 640 : i32
    %mul3A_74 = arith.muli %arg1, %mul3A_73 : i32
    %add3A_75 = arith.constant 80 : i32
    %add3A_76 = arith.addi %mul3A_74, %add3A_75 : i32
    %dma_wait3A_77 = arith.constant 0 : i32
    %dma_wait3A_78 = tpu.memref_slice %arg19[%add3A_76, %dma_wait3A_77] : memref<10240x128xf32, #tpu.memory_space<vmem_shared>> -> memref<80x128xf32, #tpu.memory_space<vmem_shared>>
    %dma_wait3A_79 = arith.constant 0 : i32
    %dma_wait3A_80 = tpu.memref_slice %arg19[%add3A_76, %dma_wait3A_79] : memref<10240x128xf32, #tpu.memory_space<vmem_shared>> -> memref<80x128xf32, #tpu.memory_space<vmem_shared>>
    tpu.wait_dma2 semaphore(%arg21 : memref<!tpu.dma_semaphore, #tpu.memory_space<semaphore_mem>>) src(%arg7 : memref<80x128xf32, #tpu.memory_space<vmem>>) dst(%dma_wait3A_80 : memref<80x128xf32, #tpu.memory_space<vmem_shared>>)
    %mul3A_81 = arith.constant 640 : i32
    %mul3A_82 = arith.muli %arg1, %mul3A_81 : i32
    %add3A_83 = arith.constant 160 : i32
    %add3A_84 = arith.addi %mul3A_82, %add3A_83 : i32
    %dma_wait3A_85 = arith.constant 0 : i32
    %dma_wait3A_86 = tpu.memref_slice %arg19[%add3A_84, %dma_wait3A_85] : memref<10240x128xf32, #tpu.memory_space<vmem_shared>> -> memref<80x128xf32, #tpu.memory_space<vmem_shared>>
    %dma_wait3A_87 = arith.constant 0 : i32
    %dma_wait3A_88 = tpu.memref_slice %arg19[%add3A_84, %dma_wait3A_87] : memref<10240x128xf32, #tpu.memory_space<vmem_shared>> -> memref<80x128xf32, #tpu.memory_space<vmem_shared>>
    tpu.wait_dma2 semaphore(%arg22 : memref<!tpu.dma_semaphore, #tpu.memory_space<semaphore_mem>>) src(%arg7 : memref<80x128xf32, #tpu.memory_space<vmem>>) dst(%dma_wait3A_88 : memref<80x128xf32, #tpu.memory_space<vmem_shared>>)
    %mul3A_89 = arith.constant 640 : i32
    %mul3A_90 = arith.muli %arg1, %mul3A_89 : i32
    %add3A_91 = arith.constant 240 : i32
    %add3A_92 = arith.addi %mul3A_90, %add3A_91 : i32
    %dma_wait3A_93 = arith.constant 0 : i32
    %dma_wait3A_94 = tpu.memref_slice %arg19[%add3A_92, %dma_wait3A_93] : memref<10240x128xf32, #tpu.memory_space<vmem_shared>> -> memref<80x128xf32, #tpu.memory_space<vmem_shared>>
    %dma_wait3A_95 = arith.constant 0 : i32
    %dma_wait3A_96 = tpu.memref_slice %arg19[%add3A_92, %dma_wait3A_95] : memref<10240x128xf32, #tpu.memory_space<vmem_shared>> -> memref<80x128xf32, #tpu.memory_space<vmem_shared>>
    tpu.wait_dma2 semaphore(%arg23 : memref<!tpu.dma_semaphore, #tpu.memory_space<semaphore_mem>>) src(%arg7 : memref<80x128xf32, #tpu.memory_space<vmem>>) dst(%dma_wait3A_96 : memref<80x128xf32, #tpu.memory_space<vmem_shared>>)
    %mul3A_97 = arith.constant 640 : i32
    %mul3A_98 = arith.muli %arg1, %mul3A_97 : i32
    %add3A_99 = arith.constant 0 : i32
    %add3A_100 = arith.addi %mul3A_98, %add3A_99 : i32
    %dma_wait3A_101 = arith.constant 0 : i32
    %dma_wait3A_102 = tpu.memref_slice %arg19[%add3A_100, %dma_wait3A_101] : memref<10240x128xf32, #tpu.memory_space<vmem_shared>> -> memref<80x128xf32, #tpu.memory_space<vmem_shared>>
    %dma_wait3A_103 = arith.constant 0 : i32
    %dma_wait3A_104 = tpu.memref_slice %arg19[%add3A_100, %dma_wait3A_103] : memref<10240x128xf32, #tpu.memory_space<vmem_shared>> -> memref<80x128xf32, #tpu.memory_space<vmem_shared>>
    tpu.wait_dma2 semaphore(%arg20 : memref<!tpu.dma_semaphore, #tpu.memory_space<semaphore_mem>>) src(%arg7 : memref<80x128xf32, #tpu.memory_space<vmem>>) dst(%dma_wait3A_104 : memref<80x128xf32, #tpu.memory_space<vmem_shared>>)
    %mul3A_105 = arith.constant 640 : i32
    %mul3A_106 = arith.muli %arg1, %mul3A_105 : i32
    %add3A_107 = arith.constant 80 : i32
    %add3A_108 = arith.addi %mul3A_106, %add3A_107 : i32
    %dma_wait3A_109 = arith.constant 0 : i32
    %dma_wait3A_110 = tpu.memref_slice %arg19[%add3A_108, %dma_wait3A_109] : memref<10240x128xf32, #tpu.memory_space<vmem_shared>> -> memref<80x128xf32, #tpu.memory_space<vmem_shared>>
    %dma_wait3A_111 = arith.constant 0 : i32
    %dma_wait3A_112 = tpu.memref_slice %arg19[%add3A_108, %dma_wait3A_111] : memref<10240x128xf32, #tpu.memory_space<vmem_shared>> -> memref<80x128xf32, #tpu.memory_space<vmem_shared>>
    tpu.wait_dma2 semaphore(%arg21 : memref<!tpu.dma_semaphore, #tpu.memory_space<semaphore_mem>>) src(%arg7 : memref<80x128xf32, #tpu.memory_space<vmem>>) dst(%dma_wait3A_112 : memref<80x128xf32, #tpu.memory_space<vmem_shared>>)
    %mul3A_113 = arith.constant 640 : i32
    %mul3A_114 = arith.muli %arg1, %mul3A_113 : i32
    %add3A_115 = arith.constant 160 : i32
    %add3A_116 = arith.addi %mul3A_114, %add3A_115 : i32
    %dma_wait3A_117 = arith.constant 0 : i32
    %dma_wait3A_118 = tpu.memref_slice %arg19[%add3A_116, %dma_wait3A_117] : memref<10240x128xf32, #tpu.memory_space<vmem_shared>> -> memref<80x128xf32, #tpu.memory_space<vmem_shared>>
    %dma_wait3A_119 = arith.constant 0 : i32
    %dma_wait3A_120 = tpu.memref_slice %arg19[%add3A_116, %dma_wait3A_119] : memref<10240x128xf32, #tpu.memory_space<vmem_shared>> -> memref<80x128xf32, #tpu.memory_space<vmem_shared>>
    tpu.wait_dma2 semaphore(%arg22 : memref<!tpu.dma_semaphore, #tpu.memory_space<semaphore_mem>>) src(%arg7 : memref<80x128xf32, #tpu.memory_space<vmem>>) dst(%dma_wait3A_120 : memref<80x128xf32, #tpu.memory_space<vmem_shared>>)
    %mul3A_121 = arith.constant 640 : i32
    %mul3A_122 = arith.muli %arg1, %mul3A_121 : i32
    %add3A_123 = arith.constant 240 : i32
    %add3A_124 = arith.addi %mul3A_122, %add3A_123 : i32
    %dma_wait3A_125 = arith.constant 0 : i32
    %dma_wait3A_126 = tpu.memref_slice %arg19[%add3A_124, %dma_wait3A_125] : memref<10240x128xf32, #tpu.memory_space<vmem_shared>> -> memref<80x128xf32, #tpu.memory_space<vmem_shared>>
    %dma_wait3A_127 = arith.constant 0 : i32
    %dma_wait3A_128 = tpu.memref_slice %arg19[%add3A_124, %dma_wait3A_127] : memref<10240x128xf32, #tpu.memory_space<vmem_shared>> -> memref<80x128xf32, #tpu.memory_space<vmem_shared>>
    tpu.wait_dma2 semaphore(%arg23 : memref<!tpu.dma_semaphore, #tpu.memory_space<semaphore_mem>>) src(%arg7 : memref<80x128xf32, #tpu.memory_space<vmem>>) dst(%dma_wait3A_128 : memref<80x128xf32, #tpu.memory_space<vmem_shared>>)
    %barrier3A = arith.constant 0 : index
    tpu.barrier barrier_id(%barrier3A)
    %add3A_129 = arith.constant 0 : i32
    %add3A_130 = arith.addi %mul3A_2, %add3A_129 : i32
    %dma_start3A_131 = tpu.memref_slice %arg3[%add3A_130] : memref<327680xi32, #tpu.memory_space<hbm>> -> memref<80xi32, #tpu.memory_space<hbm>>
    %dma_start3A_132 = tpu.memref_slice %arg3[%add3A_130] : memref<327680xi32, #tpu.memory_space<hbm>> -> memref<80xi32, #tpu.memory_space<hbm>>
    tpu.enqueue_dma source(%dma_start3A_132 : memref<80xi32, #tpu.memory_space<hbm>>) target(%arg11 : memref<80xi32, #tpu.memory_space<vmem>>) target_semaphore(%arg24 : memref<!tpu.dma_semaphore, #tpu.memory_space<semaphore_mem>>)
    %add3A_133 = arith.constant 80 : i32
    %add3A_134 = arith.addi %mul3A_2, %add3A_133 : i32
    %dma_start3A_135 = tpu.memref_slice %arg3[%add3A_134] : memref<327680xi32, #tpu.memory_space<hbm>> -> memref<80xi32, #tpu.memory_space<hbm>>
    %dma_start3A_136 = tpu.memref_slice %arg3[%add3A_134] : memref<327680xi32, #tpu.memory_space<hbm>> -> memref<80xi32, #tpu.memory_space<hbm>>
    tpu.enqueue_dma source(%dma_start3A_136 : memref<80xi32, #tpu.memory_space<hbm>>) target(%arg12 : memref<80xi32, #tpu.memory_space<vmem>>) target_semaphore(%arg25 : memref<!tpu.dma_semaphore, #tpu.memory_space<semaphore_mem>>)
    %add3A_137 = arith.constant 160 : i32
    %add3A_138 = arith.addi %mul3A_2, %add3A_137 : i32
    %dma_start3A_139 = tpu.memref_slice %arg3[%add3A_138] : memref<327680xi32, #tpu.memory_space<hbm>> -> memref<80xi32, #tpu.memory_space<hbm>>
    %dma_start3A_140 = tpu.memref_slice %arg3[%add3A_138] : memref<327680xi32, #tpu.memory_space<hbm>> -> memref<80xi32, #tpu.memory_space<hbm>>
    tpu.enqueue_dma source(%dma_start3A_140 : memref<80xi32, #tpu.memory_space<hbm>>) target(%arg13 : memref<80xi32, #tpu.memory_space<vmem>>) target_semaphore(%arg26 : memref<!tpu.dma_semaphore, #tpu.memory_space<semaphore_mem>>)
    %add3A_141 = arith.constant 240 : i32
    %add3A_142 = arith.addi %mul3A_2, %add3A_141 : i32
    %dma_start3A_143 = tpu.memref_slice %arg3[%add3A_142] : memref<327680xi32, #tpu.memory_space<hbm>> -> memref<80xi32, #tpu.memory_space<hbm>>
    %dma_start3A_144 = tpu.memref_slice %arg3[%add3A_142] : memref<327680xi32, #tpu.memory_space<hbm>> -> memref<80xi32, #tpu.memory_space<hbm>>
    tpu.enqueue_dma source(%dma_start3A_144 : memref<80xi32, #tpu.memory_space<hbm>>) target(%arg14 : memref<80xi32, #tpu.memory_space<vmem>>) target_semaphore(%arg27 : memref<!tpu.dma_semaphore, #tpu.memory_space<semaphore_mem>>)
    %add3A_145 = arith.constant 0 : i32
    %add3A_146 = arith.addi %mul3A_2, %add3A_145 : i32
    %dma_start3A_147 = tpu.memref_slice %arg4[%add3A_146] : memref<327680xi32, #tpu.memory_space<hbm>> -> memref<80xi32, #tpu.memory_space<hbm>>
    %dma_start3A_148 = tpu.memref_slice %arg4[%add3A_146] : memref<327680xi32, #tpu.memory_space<hbm>> -> memref<80xi32, #tpu.memory_space<hbm>>
    tpu.enqueue_dma source(%dma_start3A_148 : memref<80xi32, #tpu.memory_space<hbm>>) target(%arg15 : memref<80xi32, #tpu.memory_space<vmem>>) target_semaphore(%arg28 : memref<!tpu.dma_semaphore, #tpu.memory_space<semaphore_mem>>)
    %add3A_149 = arith.constant 80 : i32
    %add3A_150 = arith.addi %mul3A_2, %add3A_149 : i32
    %dma_start3A_151 = tpu.memref_slice %arg4[%add3A_150] : memref<327680xi32, #tpu.memory_space<hbm>> -> memref<80xi32, #tpu.memory_space<hbm>>
    %dma_start3A_152 = tpu.memref_slice %arg4[%add3A_150] : memref<327680xi32, #tpu.memory_space<hbm>> -> memref<80xi32, #tpu.memory_space<hbm>>
    tpu.enqueue_dma source(%dma_start3A_152 : memref<80xi32, #tpu.memory_space<hbm>>) target(%arg16 : memref<80xi32, #tpu.memory_space<vmem>>) target_semaphore(%arg29 : memref<!tpu.dma_semaphore, #tpu.memory_space<semaphore_mem>>)
    %dma_wait3A_153 = arith.constant 0 : i32
    %dma_wait3A_154 = tpu.memref_slice %arg3[%dma_wait3A_153] : memref<327680xi32, #tpu.memory_space<hbm>> -> memref<80xi32, #tpu.memory_space<hbm>>
    %dma_wait3A_155 = arith.constant 0 : i32
    %dma_wait3A_156 = tpu.memref_slice %arg3[%dma_wait3A_155] : memref<327680xi32, #tpu.memory_space<hbm>> -> memref<80xi32, #tpu.memory_space<hbm>>
    tpu.wait_dma2 semaphore(%arg24 : memref<!tpu.dma_semaphore, #tpu.memory_space<semaphore_mem>>) src(%dma_wait3A_156 : memref<80xi32, #tpu.memory_space<hbm>>) dst(%arg11 : memref<80xi32, #tpu.memory_space<vmem>>)
    %dma_start3A_157 = arith.constant 0 : i32
    %dma_start3A_158 = arith.constant 0 : i32
    %dma_start3A_159 = tpu.memref_slice %arg2[%dma_start3A_157, %dma_start3A_158] : memref<40960x128xf32, #tpu.memory_space<hbm>> -> memref<40960x128xf32, #tpu.memory_space<hbm>>
    tpu.enqueue_indirect_dma source(%dma_start3A_159 : memref<40960x128xf32, #tpu.memory_space<hbm>>) target(%arg7 : memref<80x128xf32, #tpu.memory_space<vmem>>) offsets(%arg11 : memref<80xi32, #tpu.memory_space<vmem>>) semaphore(%arg20 : memref<!tpu.dma_semaphore, #tpu.memory_space<semaphore_mem>>)
    %dma_wait3A_160 = arith.constant 0 : i32
    %dma_wait3A_161 = tpu.memref_slice %arg3[%dma_wait3A_160] : memref<327680xi32, #tpu.memory_space<hbm>> -> memref<80xi32, #tpu.memory_space<hbm>>
    %dma_wait3A_162 = arith.constant 0 : i32
    %dma_wait3A_163 = tpu.memref_slice %arg3[%dma_wait3A_162] : memref<327680xi32, #tpu.memory_space<hbm>> -> memref<80xi32, #tpu.memory_space<hbm>>
    tpu.wait_dma2 semaphore(%arg25 : memref<!tpu.dma_semaphore, #tpu.memory_space<semaphore_mem>>) src(%dma_wait3A_163 : memref<80xi32, #tpu.memory_space<hbm>>) dst(%arg12 : memref<80xi32, #tpu.memory_space<vmem>>)
    %dma_start3A_164 = arith.constant 0 : i32
    %dma_start3A_165 = arith.constant 0 : i32
    %dma_start3A_166 = tpu.memref_slice %arg2[%dma_start3A_164, %dma_start3A_165] : memref<40960x128xf32, #tpu.memory_space<hbm>> -> memref<40960x128xf32, #tpu.memory_space<hbm>>
    tpu.enqueue_indirect_dma source(%dma_start3A_166 : memref<40960x128xf32, #tpu.memory_space<hbm>>) target(%arg8 : memref<80x128xf32, #tpu.memory_space<vmem>>) offsets(%arg12 : memref<80xi32, #tpu.memory_space<vmem>>) semaphore(%arg21 : memref<!tpu.dma_semaphore, #tpu.memory_space<semaphore_mem>>)
    %scan3A = arith.constant 0 : i32
    %scan3A_167 = arith.constant 0 : i32
    %scan3A_168 = arith.constant 32 : i32
    %scan3A_169 = arith.addi %scan3A_167, %scan3A_168 : i32
    %scan3A_170 = arith.constant 1 : i32
    scf.for %scan3A_427 = %scan3A_167 to %scan3A_169 step %scan3A_170  : i32 {
      %mul3A_428 = arith.constant 4 : i32
      %mul3A_429 = arith.muli %mul3A_428, %scan3A_427 : i32
      %add3A_430 = arith.constant 0 : i32
      %add3A_431 = arith.addi %mul3A_429, %add3A_430 : i32
      %dma_wait3A_432 = arith.constant 0 : i32
      %dma_wait3A_433 = arith.constant 0 : i32
      %dma_wait3A_434 = tpu.memref_slice %arg2[%dma_wait3A_432, %dma_wait3A_433] : memref<40960x128xf32, #tpu.memory_space<hbm>> -> memref<40960x128xf32, #tpu.memory_space<hbm>>
      tpu.wait_indirect_dma semaphore(%arg20 : memref<!tpu.dma_semaphore, #tpu.memory_space<semaphore_mem>>) src(%dma_wait3A_434 : memref<40960x128xf32, #tpu.memory_space<hbm>>) dst(%arg7 : memref<80x128xf32, #tpu.memory_space<vmem>>)
      %lt3A = arith.constant 31 : i32
      %lt3A_435 = arith.cmpi slt, %scan3A_427, %lt3A : i32
      %convert_element_type3A = arith.extui %lt3A_435 : i1 to i32
      %cond3A = arith.constant 0 : i32
      %cond3A_436 = arith.cmpi ne, %convert_element_type3A, %cond3A : i32
      scf.if %cond3A_436 {
        %add3A_554 = arith.constant 4 : i32
        %add3A_555 = arith.addi %add3A_431, %add3A_554 : i32
        %mul3A_556 = arith.constant 80 : i32
        %mul3A_557 = arith.muli %add3A_555, %mul3A_556 : i32
        %add3A_558 = arith.addi %mul3A_2, %mul3A_557 : i32
        %dma_start3A_559 = tpu.memref_slice %arg3[%add3A_558] : memref<327680xi32, #tpu.memory_space<hbm>> -> memref<80xi32, #tpu.memory_space<hbm>>
        %dma_start3A_560 = tpu.memref_slice %arg3[%add3A_558] : memref<327680xi32, #tpu.memory_space<hbm>> -> memref<80xi32, #tpu.memory_space<hbm>>
        tpu.enqueue_dma source(%dma_start3A_560 : memref<80xi32, #tpu.memory_space<hbm>>) target(%arg11 : memref<80xi32, #tpu.memory_space<vmem>>) target_semaphore(%arg24 : memref<!tpu.dma_semaphore, #tpu.memory_space<semaphore_mem>>)
      } else {
      }
      %gt3A = arith.constant 0 : i32
      %gt3A_437 = arith.cmpi sgt, %scan3A_427, %gt3A : i32
      %convert_element_type3A_438 = arith.extui %gt3A_437 : i1 to i32
      %cond3A_439 = arith.constant 0 : i32
      %cond3A_440 = arith.cmpi ne, %convert_element_type3A_438, %cond3A_439 : i32
      scf.if %cond3A_440 {
        %dma_wait3A_554 = arith.constant 0 : i32
        %dma_wait3A_555 = arith.constant 0 : i32
        %dma_wait3A_556 = tpu.memref_slice %arg19[%dma_wait3A_554, %dma_wait3A_555] : memref<10240x128xf32, #tpu.memory_space<vmem_shared>> -> memref<10240x128xf32, #tpu.memory_space<vmem_shared>>
        tpu.wait_indirect_dma semaphore(%arg34 : memref<!tpu.dma_semaphore, #tpu.memory_space<semaphore_mem>>) src(%arg9 : memref<80x128xf32, #tpu.memory_space<vmem>>) dst(%dma_wait3A_556 : memref<10240x128xf32, #tpu.memory_space<vmem_shared>>)
      } else {
      }
      %dma_wait3A_441 = arith.constant 0 : i32
      %dma_wait3A_442 = tpu.memref_slice %arg3[%dma_wait3A_441] : memref<327680xi32, #tpu.memory_space<hbm>> -> memref<80xi32, #tpu.memory_space<hbm>>
      %dma_wait3A_443 = arith.constant 0 : i32
      %dma_wait3A_444 = tpu.memref_slice %arg3[%dma_wait3A_443] : memref<327680xi32, #tpu.memory_space<hbm>> -> memref<80xi32, #tpu.memory_space<hbm>>
      tpu.wait_dma2 semaphore(%arg26 : memref<!tpu.dma_semaphore, #tpu.memory_space<semaphore_mem>>) src(%dma_wait3A_444 : memref<80xi32, #tpu.memory_space<hbm>>) dst(%arg13 : memref<80xi32, #tpu.memory_space<vmem>>)
      %dma_start3A_445 = arith.constant 0 : i32
      %dma_start3A_446 = arith.constant 0 : i32
      %dma_start3A_447 = tpu.memref_slice %arg2[%dma_start3A_445, %dma_start3A_446] : memref<40960x128xf32, #tpu.memory_space<hbm>> -> memref<40960x128xf32, #tpu.memory_space<hbm>>
      tpu.enqueue_indirect_dma source(%dma_start3A_447 : memref<40960x128xf32, #tpu.memory_space<hbm>>) target(%arg9 : memref<80x128xf32, #tpu.memory_space<vmem>>) offsets(%arg13 : memref<80xi32, #tpu.memory_space<vmem>>) semaphore(%arg22 : memref<!tpu.dma_semaphore, #tpu.memory_space<semaphore_mem>>)
      %add3A_448 = arith.constant 2 : i32
      %add3A_449 = arith.addi %add3A_431, %add3A_448 : i32
      %mul3A_450 = arith.constant 80 : i32
      %mul3A_451 = arith.muli %add3A_449, %mul3A_450 : i32
      %add3A_452 = arith.addi %mul3A_2, %mul3A_451 : i32
      %dma_start3A_453 = tpu.memref_slice %arg4[%add3A_452] : memref<327680xi32, #tpu.memory_space<hbm>> -> memref<80xi32, #tpu.memory_space<hbm>>
      %dma_start3A_454 = tpu.memref_slice %arg4[%add3A_452] : memref<327680xi32, #tpu.memory_space<hbm>> -> memref<80xi32, #tpu.memory_space<hbm>>
      tpu.enqueue_dma source(%dma_start3A_454 : memref<80xi32, #tpu.memory_space<hbm>>) target(%arg17 : memref<80xi32, #tpu.memory_space<vmem>>) target_semaphore(%arg30 : memref<!tpu.dma_semaphore, #tpu.memory_space<semaphore_mem>>)
      %dma_wait3A_455 = arith.constant 0 : i32
      %dma_wait3A_456 = tpu.memref_slice %arg4[%dma_wait3A_455] : memref<327680xi32, #tpu.memory_space<hbm>> -> memref<80xi32, #tpu.memory_space<hbm>>
      %dma_wait3A_457 = arith.constant 0 : i32
      %dma_wait3A_458 = tpu.memref_slice %arg4[%dma_wait3A_457] : memref<327680xi32, #tpu.memory_space<hbm>> -> memref<80xi32, #tpu.memory_space<hbm>>
      tpu.wait_dma2 semaphore(%arg28 : memref<!tpu.dma_semaphore, #tpu.memory_space<semaphore_mem>>) src(%dma_wait3A_458 : memref<80xi32, #tpu.memory_space<hbm>>) dst(%arg15 : memref<80xi32, #tpu.memory_space<vmem>>)
      %dma_start3A_459 = arith.constant 0 : i32
      %dma_start3A_460 = arith.constant 0 : i32
      %dma_start3A_461 = tpu.memref_slice %arg19[%dma_start3A_459, %dma_start3A_460] : memref<10240x128xf32, #tpu.memory_space<vmem_shared>> -> memref<10240x128xf32, #tpu.memory_space<vmem_shared>>
      tpu.enqueue_indirect_dma source(%arg7 : memref<80x128xf32, #tpu.memory_space<vmem>>) target(%dma_start3A_461 : memref<10240x128xf32, #tpu.memory_space<vmem_shared>>) offsets(%arg15 : memref<80xi32, #tpu.memory_space<vmem>>) semaphore(%arg32 : memref<!tpu.dma_semaphore, #tpu.memory_space<semaphore_mem>>) {add = true}
      %mul3A_462 = arith.constant 4 : i32
      %mul3A_463 = arith.muli %mul3A_462, %scan3A_427 : i32
      %add3A_464 = arith.constant 1 : i32
      %add3A_465 = arith.addi %mul3A_463, %add3A_464 : i32
      %dma_wait3A_466 = arith.constant 0 : i32
      %dma_wait3A_467 = arith.constant 0 : i32
      %dma_wait3A_468 = tpu.memref_slice %arg2[%dma_wait3A_466, %dma_wait3A_467] : memref<40960x128xf32, #tpu.memory_space<hbm>> -> memref<40960x128xf32, #tpu.memory_space<hbm>>
      tpu.wait_indirect_dma semaphore(%arg21 : memref<!tpu.dma_semaphore, #tpu.memory_space<semaphore_mem>>) src(%dma_wait3A_468 : memref<40960x128xf32, #tpu.memory_space<hbm>>) dst(%arg8 : memref<80x128xf32, #tpu.memory_space<vmem>>)
      %lt3A_469 = arith.constant 31 : i32
      %lt3A_470 = arith.cmpi slt, %scan3A_427, %lt3A_469 : i32
      %convert_element_type3A_471 = arith.extui %lt3A_470 : i1 to i32
      %cond3A_472 = arith.constant 0 : i32
      %cond3A_473 = arith.cmpi ne, %convert_element_type3A_471, %cond3A_472 : i32
      scf.if %cond3A_473 {
        %add3A_554 = arith.constant 4 : i32
        %add3A_555 = arith.addi %add3A_465, %add3A_554 : i32
        %mul3A_556 = arith.constant 80 : i32
        %mul3A_557 = arith.muli %add3A_555, %mul3A_556 : i32
        %add3A_558 = arith.addi %mul3A_2, %mul3A_557 : i32
        %dma_start3A_559 = tpu.memref_slice %arg3[%add3A_558] : memref<327680xi32, #tpu.memory_space<hbm>> -> memref<80xi32, #tpu.memory_space<hbm>>
        %dma_start3A_560 = tpu.memref_slice %arg3[%add3A_558] : memref<327680xi32, #tpu.memory_space<hbm>> -> memref<80xi32, #tpu.memory_space<hbm>>
        tpu.enqueue_dma source(%dma_start3A_560 : memref<80xi32, #tpu.memory_space<hbm>>) target(%arg12 : memref<80xi32, #tpu.memory_space<vmem>>) target_semaphore(%arg25 : memref<!tpu.dma_semaphore, #tpu.memory_space<semaphore_mem>>)
      } else {
      }
      %gt3A_474 = arith.constant 0 : i32
      %gt3A_475 = arith.cmpi sgt, %scan3A_427, %gt3A_474 : i32
      %convert_element_type3A_476 = arith.extui %gt3A_475 : i1 to i32
      %cond3A_477 = arith.constant 0 : i32
      %cond3A_478 = arith.cmpi ne, %convert_element_type3A_476, %cond3A_477 : i32
      scf.if %cond3A_478 {
        %dma_wait3A_554 = arith.constant 0 : i32
        %dma_wait3A_555 = arith.constant 0 : i32
        %dma_wait3A_556 = tpu.memref_slice %arg19[%dma_wait3A_554, %dma_wait3A_555] : memref<10240x128xf32, #tpu.memory_space<vmem_shared>> -> memref<10240x128xf32, #tpu.memory_space<vmem_shared>>
        tpu.wait_indirect_dma semaphore(%arg35 : memref<!tpu.dma_semaphore, #tpu.memory_space<semaphore_mem>>) src(%arg10 : memref<80x128xf32, #tpu.memory_space<vmem>>) dst(%dma_wait3A_556 : memref<10240x128xf32, #tpu.memory_space<vmem_shared>>)
      } else {
      }
      %dma_wait3A_479 = arith.constant 0 : i32
      %dma_wait3A_480 = tpu.memref_slice %arg3[%dma_wait3A_479] : memref<327680xi32, #tpu.memory_space<hbm>> -> memref<80xi32, #tpu.memory_space<hbm>>
      %dma_wait3A_481 = arith.constant 0 : i32
      %dma_wait3A_482 = tpu.memref_slice %arg3[%dma_wait3A_481] : memref<327680xi32, #tpu.memory_space<hbm>> -> memref<80xi32, #tpu.memory_space<hbm>>
      tpu.wait_dma2 semaphore(%arg27 : memref<!tpu.dma_semaphore, #tpu.memory_space<semaphore_mem>>) src(%dma_wait3A_482 : memref<80xi32, #tpu.memory_space<hbm>>) dst(%arg14 : memref<80xi32, #tpu.memory_space<vmem>>)
      %dma_start3A_483 = arith.constant 0 : i32
      %dma_start3A_484 = arith.constant 0 : i32
      %dma_start3A_485 = tpu.memref_slice %arg2[%dma_start3A_483, %dma_start3A_484] : memref<40960x128xf32, #tpu.memory_space<hbm>> -> memref<40960x128xf32, #tpu.memory_space<hbm>>
      tpu.enqueue_indirect_dma source(%dma_start3A_485 : memref<40960x128xf32, #tpu.memory_space<hbm>>) target(%arg10 : memref<80x128xf32, #tpu.memory_space<vmem>>) offsets(%arg14 : memref<80xi32, #tpu.memory_space<vmem>>) semaphore(%arg23 : memref<!tpu.dma_semaphore, #tpu.memory_space<semaphore_mem>>)
      %add3A_486 = arith.constant 2 : i32
      %add3A_487 = arith.addi %add3A_465, %add3A_486 : i32
      %mul3A_488 = arith.constant 80 : i32
      %mul3A_489 = arith.muli %add3A_487, %mul3A_488 : i32
      %add3A_490 = arith.addi %mul3A_2, %mul3A_489 : i32
      %dma_start3A_491 = tpu.memref_slice %arg4[%add3A_490] : memref<327680xi32, #tpu.memory_space<hbm>> -> memref<80xi32, #tpu.memory_space<hbm>>
      %dma_start3A_492 = tpu.memref_slice %arg4[%add3A_490] : memref<327680xi32, #tpu.memory_space<hbm>> -> memref<80xi32, #tpu.memory_space<hbm>>
      tpu.enqueue_dma source(%dma_start3A_492 : memref<80xi32, #tpu.memory_space<hbm>>) target(%arg18 : memref<80xi32, #tpu.memory_space<vmem>>) target_semaphore(%arg31 : memref<!tpu.dma_semaphore, #tpu.memory_space<semaphore_mem>>)
      %dma_wait3A_493 = arith.constant 0 : i32
      %dma_wait3A_494 = tpu.memref_slice %arg4[%dma_wait3A_493] : memref<327680xi32, #tpu.memory_space<hbm>> -> memref<80xi32, #tpu.memory_space<hbm>>
      %dma_wait3A_495 = arith.constant 0 : i32
      %dma_wait3A_496 = tpu.memref_slice %arg4[%dma_wait3A_495] : memref<327680xi32, #tpu.memory_space<hbm>> -> memref<80xi32, #tpu.memory_space<hbm>>
      tpu.wait_dma2 semaphore(%arg29 : memref<!tpu.dma_semaphore, #tpu.memory_space<semaphore_mem>>) src(%dma_wait3A_496 : memref<80xi32, #tpu.memory_space<hbm>>) dst(%arg16 : memref<80xi32, #tpu.memory_space<vmem>>)
      %dma_start3A_497 = arith.constant 0 : i32
      %dma_start3A_498 = arith.constant 0 : i32
      %dma_start3A_499 = tpu.memref_slice %arg19[%dma_start3A_497, %dma_start3A_498] : memref<10240x128xf32, #tpu.memory_space<vmem_shared>> -> memref<10240x128xf32, #tpu.memory_space<vmem_shared>>
      tpu.enqueue_indirect_dma source(%arg8 : memref<80x128xf32, #tpu.memory_space<vmem>>) target(%dma_start3A_499 : memref<10240x128xf32, #tpu.memory_space<vmem_shared>>) offsets(%arg16 : memref<80xi32, #tpu.memory_space<vmem>>) semaphore(%arg33 : memref<!tpu.dma_semaphore, #tpu.memory_space<semaphore_mem>>) {add = true}
      %mul3A_500 = arith.constant 4 : i32
      %mul3A_501 = arith.muli %mul3A_500, %scan3A_427 : i32
      %add3A_502 = arith.constant 2 : i32
      %add3A_503 = arith.addi %mul3A_501, %add3A_502 : i32
      %dma_wait3A_504 = arith.constant 0 : i32
      %dma_wait3A_505 = arith.constant 0 : i32
      %dma_wait3A_506 = tpu.memref_slice %arg2[%dma_wait3A_504, %dma_wait3A_505] : memref<40960x128xf32, #tpu.memory_space<hbm>> -> memref<40960x128xf32, #tpu.memory_space<hbm>>
      tpu.wait_indirect_dma semaphore(%arg22 : memref<!tpu.dma_semaphore, #tpu.memory_space<semaphore_mem>>) src(%dma_wait3A_506 : memref<40960x128xf32, #tpu.memory_space<hbm>>) dst(%arg9 : memref<80x128xf32, #tpu.memory_space<vmem>>)
      %lt3A_507 = arith.constant 31 : i32
      %lt3A_508 = arith.cmpi slt, %scan3A_427, %lt3A_507 : i32
      %convert_element_type3A_509 = arith.extui %lt3A_508 : i1 to i32
      %cond3A_510 = arith.constant 0 : i32
      %cond3A_511 = arith.cmpi ne, %convert_element_type3A_509, %cond3A_510 : i32
      scf.if %cond3A_511 {
        %add3A_554 = arith.constant 4 : i32
        %add3A_555 = arith.addi %add3A_503, %add3A_554 : i32
        %mul3A_556 = arith.constant 80 : i32
        %mul3A_557 = arith.muli %add3A_555, %mul3A_556 : i32
        %add3A_558 = arith.addi %mul3A_2, %mul3A_557 : i32
        %dma_start3A_559 = tpu.memref_slice %arg3[%add3A_558] : memref<327680xi32, #tpu.memory_space<hbm>> -> memref<80xi32, #tpu.memory_space<hbm>>
        %dma_start3A_560 = tpu.memref_slice %arg3[%add3A_558] : memref<327680xi32, #tpu.memory_space<hbm>> -> memref<80xi32, #tpu.memory_space<hbm>>
        tpu.enqueue_dma source(%dma_start3A_560 : memref<80xi32, #tpu.memory_space<hbm>>) target(%arg13 : memref<80xi32, #tpu.memory_space<vmem>>) target_semaphore(%arg26 : memref<!tpu.dma_semaphore, #tpu.memory_space<semaphore_mem>>)
      } else {
      }
      %dma_wait3A_512 = arith.constant 0 : i32
      %dma_wait3A_513 = arith.constant 0 : i32
      %dma_wait3A_514 = tpu.memref_slice %arg19[%dma_wait3A_512, %dma_wait3A_513] : memref<10240x128xf32, #tpu.memory_space<vmem_shared>> -> memref<10240x128xf32, #tpu.memory_space<vmem_shared>>
      tpu.wait_indirect_dma semaphore(%arg32 : memref<!tpu.dma_semaphore, #tpu.memory_space<semaphore_mem>>) src(%arg7 : memref<80x128xf32, #tpu.memory_space<vmem>>) dst(%dma_wait3A_514 : memref<10240x128xf32, #tpu.memory_space<vmem_shared>>)
      %lt3A_515 = arith.constant 31 : i32
      %lt3A_516 = arith.cmpi slt, %scan3A_427, %lt3A_515 : i32
      %convert_element_type3A_517 = arith.extui %lt3A_516 : i1 to i32
      %cond3A_518 = arith.constant 0 : i32
      %cond3A_519 = arith.cmpi ne, %convert_element_type3A_517, %cond3A_518 : i32
      scf.if %cond3A_519 {
        %dma_wait3A_554 = arith.constant 0 : i32
        %dma_wait3A_555 = tpu.memref_slice %arg3[%dma_wait3A_554] : memref<327680xi32, #tpu.memory_space<hbm>> -> memref<80xi32, #tpu.memory_space<hbm>>
        %dma_wait3A_556 = arith.constant 0 : i32
        %dma_wait3A_557 = tpu.memref_slice %arg3[%dma_wait3A_556] : memref<327680xi32, #tpu.memory_space<hbm>> -> memref<80xi32, #tpu.memory_space<hbm>>
        tpu.wait_dma2 semaphore(%arg24 : memref<!tpu.dma_semaphore, #tpu.memory_space<semaphore_mem>>) src(%dma_wait3A_557 : memref<80xi32, #tpu.memory_space<hbm>>) dst(%arg11 : memref<80xi32, #tpu.memory_space<vmem>>)
        %dma_start3A_558 = arith.constant 0 : i32
        %dma_start3A_559 = arith.constant 0 : i32
        %dma_start3A_560 = tpu.memref_slice %arg2[%dma_start3A_558, %dma_start3A_559] : memref<40960x128xf32, #tpu.memory_space<hbm>> -> memref<40960x128xf32, #tpu.memory_space<hbm>>
        tpu.enqueue_indirect_dma source(%dma_start3A_560 : memref<40960x128xf32, #tpu.memory_space<hbm>>) target(%arg7 : memref<80x128xf32, #tpu.memory_space<vmem>>) offsets(%arg11 : memref<80xi32, #tpu.memory_space<vmem>>) semaphore(%arg20 : memref<!tpu.dma_semaphore, #tpu.memory_space<semaphore_mem>>)
        %add3A_561 = arith.constant 2 : i32
        %add3A_562 = arith.addi %add3A_503, %add3A_561 : i32
        %mul3A_563 = arith.constant 80 : i32
        %mul3A_564 = arith.muli %add3A_562, %mul3A_563 : i32
        %add3A_565 = arith.addi %mul3A_2, %mul3A_564 : i32
        %dma_start3A_566 = tpu.memref_slice %arg4[%add3A_565] : memref<327680xi32, #tpu.memory_space<hbm>> -> memref<80xi32, #tpu.memory_space<hbm>>
        %dma_start3A_567 = tpu.memref_slice %arg4[%add3A_565] : memref<327680xi32, #tpu.memory_space<hbm>> -> memref<80xi32, #tpu.memory_space<hbm>>
        tpu.enqueue_dma source(%dma_start3A_567 : memref<80xi32, #tpu.memory_space<hbm>>) target(%arg15 : memref<80xi32, #tpu.memory_space<vmem>>) target_semaphore(%arg28 : memref<!tpu.dma_semaphore, #tpu.memory_space<semaphore_mem>>)
      } else {
      }
      %dma_wait3A_520 = arith.constant 0 : i32
      %dma_wait3A_521 = tpu.memref_slice %arg4[%dma_wait3A_520] : memref<327680xi32, #tpu.memory_space<hbm>> -> memref<80xi32, #tpu.memory_space<hbm>>
      %dma_wait3A_522 = arith.constant 0 : i32
      %dma_wait3A_523 = tpu.memref_slice %arg4[%dma_wait3A_522] : memref<327680xi32, #tpu.memory_space<hbm>> -> memref<80xi32, #tpu.memory_space<hbm>>
      tpu.wait_dma2 semaphore(%arg30 : memref<!tpu.dma_semaphore, #tpu.memory_space<semaphore_mem>>) src(%dma_wait3A_523 : memref<80xi32, #tpu.memory_space<hbm>>) dst(%arg17 : memref<80xi32, #tpu.memory_space<vmem>>)
      %dma_start3A_524 = arith.constant 0 : i32
      %dma_start3A_525 = arith.constant 0 : i32
      %dma_start3A_526 = tpu.memref_slice %arg19[%dma_start3A_524, %dma_start3A_525] : memref<10240x128xf32, #tpu.memory_space<vmem_shared>> -> memref<10240x128xf32, #tpu.memory_space<vmem_shared>>
      tpu.enqueue_indirect_dma source(%arg9 : memref<80x128xf32, #tpu.memory_space<vmem>>) target(%dma_start3A_526 : memref<10240x128xf32, #tpu.memory_space<vmem_shared>>) offsets(%arg17 : memref<80xi32, #tpu.memory_space<vmem>>) semaphore(%arg34 : memref<!tpu.dma_semaphore, #tpu.memory_space<semaphore_mem>>) {add = true}
      %mul3A_527 = arith.constant 4 : i32
      %mul3A_528 = arith.muli %mul3A_527, %scan3A_427 : i32
      %add3A_529 = arith.constant 3 : i32
      %add3A_530 = arith.addi %mul3A_528, %add3A_529 : i32
      %dma_wait3A_531 = arith.constant 0 : i32
      %dma_wait3A_532 = arith.constant 0 : i32
      %dma_wait3A_533 = tpu.memref_slice %arg2[%dma_wait3A_531, %dma_wait3A_532] : memref<40960x128xf32, #tpu.memory_space<hbm>> -> memref<40960x128xf32, #tpu.memory_space<hbm>>
      tpu.wait_indirect_dma semaphore(%arg23 : memref<!tpu.dma_semaphore, #tpu.memory_space<semaphore_mem>>) src(%dma_wait3A_533 : memref<40960x128xf32, #tpu.memory_space<hbm>>) dst(%arg10 : memref<80x128xf32, #tpu.memory_space<vmem>>)
      %lt3A_534 = arith.constant 31 : i32
      %lt3A_535 = arith.cmpi slt, %scan3A_427, %lt3A_534 : i32
      %convert_element_type3A_536 = arith.extui %lt3A_535 : i1 to i32
      %cond3A_537 = arith.constant 0 : i32
      %cond3A_538 = arith.cmpi ne, %convert_element_type3A_536, %cond3A_537 : i32
      scf.if %cond3A_538 {
        %add3A_554 = arith.constant 4 : i32
        %add3A_555 = arith.addi %add3A_530, %add3A_554 : i32
        %mul3A_556 = arith.constant 80 : i32
        %mul3A_557 = arith.muli %add3A_555, %mul3A_556 : i32
        %add3A_558 = arith.addi %mul3A_2, %mul3A_557 : i32
        %dma_start3A_559 = tpu.memref_slice %arg3[%add3A_558] : memref<327680xi32, #tpu.memory_space<hbm>> -> memref<80xi32, #tpu.memory_space<hbm>>
        %dma_start3A_560 = tpu.memref_slice %arg3[%add3A_558] : memref<327680xi32, #tpu.memory_space<hbm>> -> memref<80xi32, #tpu.memory_space<hbm>>
        tpu.enqueue_dma source(%dma_start3A_560 : memref<80xi32, #tpu.memory_space<hbm>>) target(%arg14 : memref<80xi32, #tpu.memory_space<vmem>>) target_semaphore(%arg27 : memref<!tpu.dma_semaphore, #tpu.memory_space<semaphore_mem>>)
      } else {
      }
      %dma_wait3A_539 = arith.constant 0 : i32
      %dma_wait3A_540 = arith.constant 0 : i32
      %dma_wait3A_541 = tpu.memref_slice %arg19[%dma_wait3A_539, %dma_wait3A_540] : memref<10240x128xf32, #tpu.memory_space<vmem_shared>> -> memref<10240x128xf32, #tpu.memory_space<vmem_shared>>
      tpu.wait_indirect_dma semaphore(%arg33 : memref<!tpu.dma_semaphore, #tpu.memory_space<semaphore_mem>>) src(%arg8 : memref<80x128xf32, #tpu.memory_space<vmem>>) dst(%dma_wait3A_541 : memref<10240x128xf32, #tpu.memory_space<vmem_shared>>)
      %lt3A_542 = arith.constant 31 : i32
      %lt3A_543 = arith.cmpi slt, %scan3A_427, %lt3A_542 : i32
      %convert_element_type3A_544 = arith.extui %lt3A_543 : i1 to i32
      %cond3A_545 = arith.constant 0 : i32
      %cond3A_546 = arith.cmpi ne, %convert_element_type3A_544, %cond3A_545 : i32
      scf.if %cond3A_546 {
        %dma_wait3A_554 = arith.constant 0 : i32
        %dma_wait3A_555 = tpu.memref_slice %arg3[%dma_wait3A_554] : memref<327680xi32, #tpu.memory_space<hbm>> -> memref<80xi32, #tpu.memory_space<hbm>>
        %dma_wait3A_556 = arith.constant 0 : i32
        %dma_wait3A_557 = tpu.memref_slice %arg3[%dma_wait3A_556] : memref<327680xi32, #tpu.memory_space<hbm>> -> memref<80xi32, #tpu.memory_space<hbm>>
        tpu.wait_dma2 semaphore(%arg25 : memref<!tpu.dma_semaphore, #tpu.memory_space<semaphore_mem>>) src(%dma_wait3A_557 : memref<80xi32, #tpu.memory_space<hbm>>) dst(%arg12 : memref<80xi32, #tpu.memory_space<vmem>>)
        %dma_start3A_558 = arith.constant 0 : i32
        %dma_start3A_559 = arith.constant 0 : i32
        %dma_start3A_560 = tpu.memref_slice %arg2[%dma_start3A_558, %dma_start3A_559] : memref<40960x128xf32, #tpu.memory_space<hbm>> -> memref<40960x128xf32, #tpu.memory_space<hbm>>
        tpu.enqueue_indirect_dma source(%dma_start3A_560 : memref<40960x128xf32, #tpu.memory_space<hbm>>) target(%arg8 : memref<80x128xf32, #tpu.memory_space<vmem>>) offsets(%arg12 : memref<80xi32, #tpu.memory_space<vmem>>) semaphore(%arg21 : memref<!tpu.dma_semaphore, #tpu.memory_space<semaphore_mem>>)
        %add3A_561 = arith.constant 2 : i32
        %add3A_562 = arith.addi %add3A_530, %add3A_561 : i32
        %mul3A_563 = arith.constant 80 : i32
        %mul3A_564 = arith.muli %add3A_562, %mul3A_563 : i32
        %add3A_565 = arith.addi %mul3A_2, %mul3A_564 : i32
        %dma_start3A_566 = tpu.memref_slice %arg4[%add3A_565] : memref<327680xi32, #tpu.memory_space<hbm>> -> memref<80xi32, #tpu.memory_space<hbm>>
        %dma_start3A_567 = tpu.memref_slice %arg4[%add3A_565] : memref<327680xi32, #tpu.memory_space<hbm>> -> memref<80xi32, #tpu.memory_space<hbm>>
        tpu.enqueue_dma source(%dma_start3A_567 : memref<80xi32, #tpu.memory_space<hbm>>) target(%arg16 : memref<80xi32, #tpu.memory_space<vmem>>) target_semaphore(%arg29 : memref<!tpu.dma_semaphore, #tpu.memory_space<semaphore_mem>>)
      } else {
      }
      %dma_wait3A_547 = arith.constant 0 : i32
      %dma_wait3A_548 = tpu.memref_slice %arg4[%dma_wait3A_547] : memref<327680xi32, #tpu.memory_space<hbm>> -> memref<80xi32, #tpu.memory_space<hbm>>
      %dma_wait3A_549 = arith.constant 0 : i32
      %dma_wait3A_550 = tpu.memref_slice %arg4[%dma_wait3A_549] : memref<327680xi32, #tpu.memory_space<hbm>> -> memref<80xi32, #tpu.memory_space<hbm>>
      tpu.wait_dma2 semaphore(%arg31 : memref<!tpu.dma_semaphore, #tpu.memory_space<semaphore_mem>>) src(%dma_wait3A_550 : memref<80xi32, #tpu.memory_space<hbm>>) dst(%arg18 : memref<80xi32, #tpu.memory_space<vmem>>)
      %dma_start3A_551 = arith.constant 0 : i32
      %dma_start3A_552 = arith.constant 0 : i32
      %dma_start3A_553 = tpu.memref_slice %arg19[%dma_start3A_551, %dma_start3A_552] : memref<10240x128xf32, #tpu.memory_space<vmem_shared>> -> memref<10240x128xf32, #tpu.memory_space<vmem_shared>>
      tpu.enqueue_indirect_dma source(%arg10 : memref<80x128xf32, #tpu.memory_space<vmem>>) target(%dma_start3A_553 : memref<10240x128xf32, #tpu.memory_space<vmem_shared>>) offsets(%arg18 : memref<80xi32, #tpu.memory_space<vmem>>) semaphore(%arg35 : memref<!tpu.dma_semaphore, #tpu.memory_space<semaphore_mem>>) {add = true}
    }
    %scan3A_171 = arith.constant 32 : i32
    %dma_wait3A_172 = arith.constant 0 : i32
    %dma_wait3A_173 = arith.constant 0 : i32
    %dma_wait3A_174 = tpu.memref_slice %arg19[%dma_wait3A_172, %dma_wait3A_173] : memref<10240x128xf32, #tpu.memory_space<vmem_shared>> -> memref<10240x128xf32, #tpu.memory_space<vmem_shared>>
    tpu.wait_indirect_dma semaphore(%arg34 : memref<!tpu.dma_semaphore, #tpu.memory_space<semaphore_mem>>) src(%arg9 : memref<80x128xf32, #tpu.memory_space<vmem>>) dst(%dma_wait3A_174 : memref<10240x128xf32, #tpu.memory_space<vmem_shared>>)
    %dma_wait3A_175 = arith.constant 0 : i32
    %dma_wait3A_176 = arith.constant 0 : i32
    %dma_wait3A_177 = tpu.memref_slice %arg19[%dma_wait3A_175, %dma_wait3A_176] : memref<10240x128xf32, #tpu.memory_space<vmem_shared>> -> memref<10240x128xf32, #tpu.memory_space<vmem_shared>>
    tpu.wait_indirect_dma semaphore(%arg35 : memref<!tpu.dma_semaphore, #tpu.memory_space<semaphore_mem>>) src(%arg10 : memref<80x128xf32, #tpu.memory_space<vmem>>) dst(%dma_wait3A_177 : memref<10240x128xf32, #tpu.memory_space<vmem_shared>>)
    %barrier3A_178 = arith.constant 0 : index
    tpu.barrier barrier_id(%barrier3A_178)
    %mul3A_179 = arith.constant 640 : i32
    %mul3A_180 = arith.muli %arg1, %mul3A_179 : i32
    %add3A_181 = arith.constant 0 : i32
    %add3A_182 = arith.addi %mul3A_180, %add3A_181 : i32
    %dma_start3A_183 = arith.constant 0 : i32
    %dma_start3A_184 = tpu.memref_slice %arg19[%add3A_182, %dma_start3A_183] : memref<10240x128xf32, #tpu.memory_space<vmem_shared>> -> memref<80x128xf32, #tpu.memory_space<vmem_shared>>
    %dma_start3A_185 = arith.constant 0 : i32
    %dma_start3A_186 = tpu.memref_slice %arg19[%add3A_182, %dma_start3A_185] : memref<10240x128xf32, #tpu.memory_space<vmem_shared>> -> memref<80x128xf32, #tpu.memory_space<vmem_shared>>
    tpu.enqueue_dma source(%dma_start3A_186 : memref<80x128xf32, #tpu.memory_space<vmem_shared>>) target(%arg7 : memref<80x128xf32, #tpu.memory_space<vmem>>) target_semaphore(%arg20 : memref<!tpu.dma_semaphore, #tpu.memory_space<semaphore_mem>>)
    %mul3A_187 = arith.constant 640 : i32
    %mul3A_188 = arith.muli %arg1, %mul3A_187 : i32
    %add3A_189 = arith.constant 80 : i32
    %add3A_190 = arith.addi %mul3A_188, %add3A_189 : i32
    %dma_start3A_191 = arith.constant 0 : i32
    %dma_start3A_192 = tpu.memref_slice %arg19[%add3A_190, %dma_start3A_191] : memref<10240x128xf32, #tpu.memory_space<vmem_shared>> -> memref<80x128xf32, #tpu.memory_space<vmem_shared>>
    %dma_start3A_193 = arith.constant 0 : i32
    %dma_start3A_194 = tpu.memref_slice %arg19[%add3A_190, %dma_start3A_193] : memref<10240x128xf32, #tpu.memory_space<vmem_shared>> -> memref<80x128xf32, #tpu.memory_space<vmem_shared>>
    tpu.enqueue_dma source(%dma_start3A_194 : memref<80x128xf32, #tpu.memory_space<vmem_shared>>) target(%arg8 : memref<80x128xf32, #tpu.memory_space<vmem>>) target_semaphore(%arg21 : memref<!tpu.dma_semaphore, #tpu.memory_space<semaphore_mem>>)
    %mul3A_195 = arith.constant 640 : i32
    %mul3A_196 = arith.muli %arg1, %mul3A_195 : i32
    %add3A_197 = arith.constant 160 : i32
    %add3A_198 = arith.addi %mul3A_196, %add3A_197 : i32
    %dma_start3A_199 = arith.constant 0 : i32
    %dma_start3A_200 = tpu.memref_slice %arg19[%add3A_198, %dma_start3A_199] : memref<10240x128xf32, #tpu.memory_space<vmem_shared>> -> memref<80x128xf32, #tpu.memory_space<vmem_shared>>
    %dma_start3A_201 = arith.constant 0 : i32
    %dma_start3A_202 = tpu.memref_slice %arg19[%add3A_198, %dma_start3A_201] : memref<10240x128xf32, #tpu.memory_space<vmem_shared>> -> memref<80x128xf32, #tpu.memory_space<vmem_shared>>
    tpu.enqueue_dma source(%dma_start3A_202 : memref<80x128xf32, #tpu.memory_space<vmem_shared>>) target(%arg9 : memref<80x128xf32, #tpu.memory_space<vmem>>) target_semaphore(%arg22 : memref<!tpu.dma_semaphore, #tpu.memory_space<semaphore_mem>>)
    %mul3A_203 = arith.constant 640 : i32
    %mul3A_204 = arith.muli %arg1, %mul3A_203 : i32
    %add3A_205 = arith.constant 240 : i32
    %add3A_206 = arith.addi %mul3A_204, %add3A_205 : i32
    %dma_start3A_207 = arith.constant 0 : i32
    %dma_start3A_208 = tpu.memref_slice %arg19[%add3A_206, %dma_start3A_207] : memref<10240x128xf32, #tpu.memory_space<vmem_shared>> -> memref<80x128xf32, #tpu.memory_space<vmem_shared>>
    %dma_start3A_209 = arith.constant 0 : i32
    %dma_start3A_210 = tpu.memref_slice %arg19[%add3A_206, %dma_start3A_209] : memref<10240x128xf32, #tpu.memory_space<vmem_shared>> -> memref<80x128xf32, #tpu.memory_space<vmem_shared>>
    tpu.enqueue_dma source(%dma_start3A_210 : memref<80x128xf32, #tpu.memory_space<vmem_shared>>) target(%arg10 : memref<80x128xf32, #tpu.memory_space<vmem>>) target_semaphore(%arg23 : memref<!tpu.dma_semaphore, #tpu.memory_space<semaphore_mem>>)
    %dma_wait3A_211 = arith.constant 0 : i32
    %dma_wait3A_212 = arith.constant 0 : i32
    %dma_wait3A_213 = tpu.memref_slice %arg19[%dma_wait3A_211, %dma_wait3A_212] : memref<10240x128xf32, #tpu.memory_space<vmem_shared>> -> memref<80x128xf32, #tpu.memory_space<vmem_shared>>
    %dma_wait3A_214 = arith.constant 0 : i32
    %dma_wait3A_215 = arith.constant 0 : i32
    %dma_wait3A_216 = tpu.memref_slice %arg19[%dma_wait3A_214, %dma_wait3A_215] : memref<10240x128xf32, #tpu.memory_space<vmem_shared>> -> memref<80x128xf32, #tpu.memory_space<vmem_shared>>
    tpu.wait_dma2 semaphore(%arg20 : memref<!tpu.dma_semaphore, #tpu.memory_space<semaphore_mem>>) src(%dma_wait3A_216 : memref<80x128xf32, #tpu.memory_space<vmem_shared>>) dst(%arg7 : memref<80x128xf32, #tpu.memory_space<vmem>>)
    %mul3A_217 = arith.constant 10240 : i32
    %mul3A_218 = arith.muli %arg0, %mul3A_217 : i32
    %mul3A_219 = arith.constant 640 : i32
    %mul3A_220 = arith.muli %arg1, %mul3A_219 : i32
    %add3A_221 = arith.addi %mul3A_218, %mul3A_220 : i32
    %add3A_222 = arith.constant 0 : i32
    %add3A_223 = arith.addi %add3A_221, %add3A_222 : i32
    %dma_start3A_224 = arith.constant 0 : i32
    %dma_start3A_225 = tpu.memref_slice %arg6[%add3A_223, %dma_start3A_224] : memref<20480x128xf32, #tpu.memory_space<hbm>> -> memref<80x128xf32, #tpu.memory_space<hbm>>
    %dma_start3A_226 = arith.constant 0 : i32
    %dma_start3A_227 = tpu.memref_slice %arg6[%add3A_223, %dma_start3A_226] : memref<20480x128xf32, #tpu.memory_space<hbm>> -> memref<80x128xf32, #tpu.memory_space<hbm>>
    tpu.enqueue_dma source(%arg7 : memref<80x128xf32, #tpu.memory_space<vmem>>) target(%dma_start3A_227 : memref<80x128xf32, #tpu.memory_space<hbm>>) target_semaphore(%arg32 : memref<!tpu.dma_semaphore, #tpu.memory_space<semaphore_mem>>)
    %dma_wait3A_228 = arith.constant 0 : i32
    %dma_wait3A_229 = arith.constant 0 : i32
    %dma_wait3A_230 = tpu.memref_slice %arg6[%dma_wait3A_228, %dma_wait3A_229] : memref<20480x128xf32, #tpu.memory_space<hbm>> -> memref<80x128xf32, #tpu.memory_space<hbm>>
    %dma_wait3A_231 = arith.constant 0 : i32
    %dma_wait3A_232 = arith.constant 0 : i32
    %dma_wait3A_233 = tpu.memref_slice %arg6[%dma_wait3A_231, %dma_wait3A_232] : memref<20480x128xf32, #tpu.memory_space<hbm>> -> memref<80x128xf32, #tpu.memory_space<hbm>>
    tpu.wait_dma2 semaphore(%arg32 : memref<!tpu.dma_semaphore, #tpu.memory_space<semaphore_mem>>) src(%arg7 : memref<80x128xf32, #tpu.memory_space<vmem>>) dst(%dma_wait3A_233 : memref<80x128xf32, #tpu.memory_space<hbm>>)
    %mul3A_234 = arith.constant 640 : i32
    %mul3A_235 = arith.muli %arg1, %mul3A_234 : i32
    %add3A_236 = arith.constant 320 : i32
    %add3A_237 = arith.addi %mul3A_235, %add3A_236 : i32
    %dma_start3A_238 = arith.constant 0 : i32
    %dma_start3A_239 = tpu.memref_slice %arg19[%add3A_237, %dma_start3A_238] : memref<10240x128xf32, #tpu.memory_space<vmem_shared>> -> memref<80x128xf32, #tpu.memory_space<vmem_shared>>
    %dma_start3A_240 = arith.constant 0 : i32
    %dma_start3A_241 = tpu.memref_slice %arg19[%add3A_237, %dma_start3A_240] : memref<10240x128xf32, #tpu.memory_space<vmem_shared>> -> memref<80x128xf32, #tpu.memory_space<vmem_shared>>
    tpu.enqueue_dma source(%dma_start3A_241 : memref<80x128xf32, #tpu.memory_space<vmem_shared>>) target(%arg7 : memref<80x128xf32, #tpu.memory_space<vmem>>) target_semaphore(%arg20 : memref<!tpu.dma_semaphore, #tpu.memory_space<semaphore_mem>>)
    %dma_wait3A_242 = arith.constant 0 : i32
    %dma_wait3A_243 = arith.constant 0 : i32
    %dma_wait3A_244 = tpu.memref_slice %arg19[%dma_wait3A_242, %dma_wait3A_243] : memref<10240x128xf32, #tpu.memory_space<vmem_shared>> -> memref<80x128xf32, #tpu.memory_space<vmem_shared>>
    %dma_wait3A_245 = arith.constant 0 : i32
    %dma_wait3A_246 = arith.constant 0 : i32
    %dma_wait3A_247 = tpu.memref_slice %arg19[%dma_wait3A_245, %dma_wait3A_246] : memref<10240x128xf32, #tpu.memory_space<vmem_shared>> -> memref<80x128xf32, #tpu.memory_space<vmem_shared>>
    tpu.wait_dma2 semaphore(%arg21 : memref<!tpu.dma_semaphore, #tpu.memory_space<semaphore_mem>>) src(%dma_wait3A_247 : memref<80x128xf32, #tpu.memory_space<vmem_shared>>) dst(%arg8 : memref<80x128xf32, #tpu.memory_space<vmem>>)
    %mul3A_248 = arith.constant 10240 : i32
    %mul3A_249 = arith.muli %arg0, %mul3A_248 : i32
    %mul3A_250 = arith.constant 640 : i32
    %mul3A_251 = arith.muli %arg1, %mul3A_250 : i32
    %add3A_252 = arith.addi %mul3A_249, %mul3A_251 : i32
    %add3A_253 = arith.constant 80 : i32
    %add3A_254 = arith.addi %add3A_252, %add3A_253 : i32
    %dma_start3A_255 = arith.constant 0 : i32
    %dma_start3A_256 = tpu.memref_slice %arg6[%add3A_254, %dma_start3A_255] : memref<20480x128xf32, #tpu.memory_space<hbm>> -> memref<80x128xf32, #tpu.memory_space<hbm>>
    %dma_start3A_257 = arith.constant 0 : i32
    %dma_start3A_258 = tpu.memref_slice %arg6[%add3A_254, %dma_start3A_257] : memref<20480x128xf32, #tpu.memory_space<hbm>> -> memref<80x128xf32, #tpu.memory_space<hbm>>
    tpu.enqueue_dma source(%arg8 : memref<80x128xf32, #tpu.memory_space<vmem>>) target(%dma_start3A_258 : memref<80x128xf32, #tpu.memory_space<hbm>>) target_semaphore(%arg33 : memref<!tpu.dma_semaphore, #tpu.memory_space<semaphore_mem>>)
    %dma_wait3A_259 = arith.constant 0 : i32
    %dma_wait3A_260 = arith.constant 0 : i32
    %dma_wait3A_261 = tpu.memref_slice %arg6[%dma_wait3A_259, %dma_wait3A_260] : memref<20480x128xf32, #tpu.memory_space<hbm>> -> memref<80x128xf32, #tpu.memory_space<hbm>>
    %dma_wait3A_262 = arith.constant 0 : i32
    %dma_wait3A_263 = arith.constant 0 : i32
    %dma_wait3A_264 = tpu.memref_slice %arg6[%dma_wait3A_262, %dma_wait3A_263] : memref<20480x128xf32, #tpu.memory_space<hbm>> -> memref<80x128xf32, #tpu.memory_space<hbm>>
    tpu.wait_dma2 semaphore(%arg33 : memref<!tpu.dma_semaphore, #tpu.memory_space<semaphore_mem>>) src(%arg8 : memref<80x128xf32, #tpu.memory_space<vmem>>) dst(%dma_wait3A_264 : memref<80x128xf32, #tpu.memory_space<hbm>>)
    %mul3A_265 = arith.constant 640 : i32
    %mul3A_266 = arith.muli %arg1, %mul3A_265 : i32
    %add3A_267 = arith.constant 400 : i32
    %add3A_268 = arith.addi %mul3A_266, %add3A_267 : i32
    %dma_start3A_269 = arith.constant 0 : i32
    %dma_start3A_270 = tpu.memref_slice %arg19[%add3A_268, %dma_start3A_269] : memref<10240x128xf32, #tpu.memory_space<vmem_shared>> -> memref<80x128xf32, #tpu.memory_space<vmem_shared>>
    %dma_start3A_271 = arith.constant 0 : i32
    %dma_start3A_272 = tpu.memref_slice %arg19[%add3A_268, %dma_start3A_271] : memref<10240x128xf32, #tpu.memory_space<vmem_shared>> -> memref<80x128xf32, #tpu.memory_space<vmem_shared>>
    tpu.enqueue_dma source(%dma_start3A_272 : memref<80x128xf32, #tpu.memory_space<vmem_shared>>) target(%arg8 : memref<80x128xf32, #tpu.memory_space<vmem>>) target_semaphore(%arg21 : memref<!tpu.dma_semaphore, #tpu.memory_space<semaphore_mem>>)
    %dma_wait3A_273 = arith.constant 0 : i32
    %dma_wait3A_274 = arith.constant 0 : i32
    %dma_wait3A_275 = tpu.memref_slice %arg19[%dma_wait3A_273, %dma_wait3A_274] : memref<10240x128xf32, #tpu.memory_space<vmem_shared>> -> memref<80x128xf32, #tpu.memory_space<vmem_shared>>
    %dma_wait3A_276 = arith.constant 0 : i32
    %dma_wait3A_277 = arith.constant 0 : i32
    %dma_wait3A_278 = tpu.memref_slice %arg19[%dma_wait3A_276, %dma_wait3A_277] : memref<10240x128xf32, #tpu.memory_space<vmem_shared>> -> memref<80x128xf32, #tpu.memory_space<vmem_shared>>
    tpu.wait_dma2 semaphore(%arg22 : memref<!tpu.dma_semaphore, #tpu.memory_space<semaphore_mem>>) src(%dma_wait3A_278 : memref<80x128xf32, #tpu.memory_space<vmem_shared>>) dst(%arg9 : memref<80x128xf32, #tpu.memory_space<vmem>>)
    %mul3A_279 = arith.constant 10240 : i32
    %mul3A_280 = arith.muli %arg0, %mul3A_279 : i32
    %mul3A_281 = arith.constant 640 : i32
    %mul3A_282 = arith.muli %arg1, %mul3A_281 : i32
    %add3A_283 = arith.addi %mul3A_280, %mul3A_282 : i32
    %add3A_284 = arith.constant 160 : i32
    %add3A_285 = arith.addi %add3A_283, %add3A_284 : i32
    %dma_start3A_286 = arith.constant 0 : i32
    %dma_start3A_287 = tpu.memref_slice %arg6[%add3A_285, %dma_start3A_286] : memref<20480x128xf32, #tpu.memory_space<hbm>> -> memref<80x128xf32, #tpu.memory_space<hbm>>
    %dma_start3A_288 = arith.constant 0 : i32
    %dma_start3A_289 = tpu.memref_slice %arg6[%add3A_285, %dma_start3A_288] : memref<20480x128xf32, #tpu.memory_space<hbm>> -> memref<80x128xf32, #tpu.memory_space<hbm>>
    tpu.enqueue_dma source(%arg9 : memref<80x128xf32, #tpu.memory_space<vmem>>) target(%dma_start3A_289 : memref<80x128xf32, #tpu.memory_space<hbm>>) target_semaphore(%arg34 : memref<!tpu.dma_semaphore, #tpu.memory_space<semaphore_mem>>)
    %dma_wait3A_290 = arith.constant 0 : i32
    %dma_wait3A_291 = arith.constant 0 : i32
    %dma_wait3A_292 = tpu.memref_slice %arg6[%dma_wait3A_290, %dma_wait3A_291] : memref<20480x128xf32, #tpu.memory_space<hbm>> -> memref<80x128xf32, #tpu.memory_space<hbm>>
    %dma_wait3A_293 = arith.constant 0 : i32
    %dma_wait3A_294 = arith.constant 0 : i32
    %dma_wait3A_295 = tpu.memref_slice %arg6[%dma_wait3A_293, %dma_wait3A_294] : memref<20480x128xf32, #tpu.memory_space<hbm>> -> memref<80x128xf32, #tpu.memory_space<hbm>>
    tpu.wait_dma2 semaphore(%arg34 : memref<!tpu.dma_semaphore, #tpu.memory_space<semaphore_mem>>) src(%arg9 : memref<80x128xf32, #tpu.memory_space<vmem>>) dst(%dma_wait3A_295 : memref<80x128xf32, #tpu.memory_space<hbm>>)
    %mul3A_296 = arith.constant 640 : i32
    %mul3A_297 = arith.muli %arg1, %mul3A_296 : i32
    %add3A_298 = arith.constant 480 : i32
    %add3A_299 = arith.addi %mul3A_297, %add3A_298 : i32
    %dma_start3A_300 = arith.constant 0 : i32
    %dma_start3A_301 = tpu.memref_slice %arg19[%add3A_299, %dma_start3A_300] : memref<10240x128xf32, #tpu.memory_space<vmem_shared>> -> memref<80x128xf32, #tpu.memory_space<vmem_shared>>
    %dma_start3A_302 = arith.constant 0 : i32
    %dma_start3A_303 = tpu.memref_slice %arg19[%add3A_299, %dma_start3A_302] : memref<10240x128xf32, #tpu.memory_space<vmem_shared>> -> memref<80x128xf32, #tpu.memory_space<vmem_shared>>
    tpu.enqueue_dma source(%dma_start3A_303 : memref<80x128xf32, #tpu.memory_space<vmem_shared>>) target(%arg9 : memref<80x128xf32, #tpu.memory_space<vmem>>) target_semaphore(%arg22 : memref<!tpu.dma_semaphore, #tpu.memory_space<semaphore_mem>>)
    %dma_wait3A_304 = arith.constant 0 : i32
    %dma_wait3A_305 = arith.constant 0 : i32
    %dma_wait3A_306 = tpu.memref_slice %arg19[%dma_wait3A_304, %dma_wait3A_305] : memref<10240x128xf32, #tpu.memory_space<vmem_shared>> -> memref<80x128xf32, #tpu.memory_space<vmem_shared>>
    %dma_wait3A_307 = arith.constant 0 : i32
    %dma_wait3A_308 = arith.constant 0 : i32
    %dma_wait3A_309 = tpu.memref_slice %arg19[%dma_wait3A_307, %dma_wait3A_308] : memref<10240x128xf32, #tpu.memory_space<vmem_shared>> -> memref<80x128xf32, #tpu.memory_space<vmem_shared>>
    tpu.wait_dma2 semaphore(%arg23 : memref<!tpu.dma_semaphore, #tpu.memory_space<semaphore_mem>>) src(%dma_wait3A_309 : memref<80x128xf32, #tpu.memory_space<vmem_shared>>) dst(%arg10 : memref<80x128xf32, #tpu.memory_space<vmem>>)
    %mul3A_310 = arith.constant 10240 : i32
    %mul3A_311 = arith.muli %arg0, %mul3A_310 : i32
    %mul3A_312 = arith.constant 640 : i32
    %mul3A_313 = arith.muli %arg1, %mul3A_312 : i32
    %add3A_314 = arith.addi %mul3A_311, %mul3A_313 : i32
    %add3A_315 = arith.constant 240 : i32
    %add3A_316 = arith.addi %add3A_314, %add3A_315 : i32
    %dma_start3A_317 = arith.constant 0 : i32
    %dma_start3A_318 = tpu.memref_slice %arg6[%add3A_316, %dma_start3A_317] : memref<20480x128xf32, #tpu.memory_space<hbm>> -> memref<80x128xf32, #tpu.memory_space<hbm>>
    %dma_start3A_319 = arith.constant 0 : i32
    %dma_start3A_320 = tpu.memref_slice %arg6[%add3A_316, %dma_start3A_319] : memref<20480x128xf32, #tpu.memory_space<hbm>> -> memref<80x128xf32, #tpu.memory_space<hbm>>
    tpu.enqueue_dma source(%arg10 : memref<80x128xf32, #tpu.memory_space<vmem>>) target(%dma_start3A_320 : memref<80x128xf32, #tpu.memory_space<hbm>>) target_semaphore(%arg35 : memref<!tpu.dma_semaphore, #tpu.memory_space<semaphore_mem>>)
    %dma_wait3A_321 = arith.constant 0 : i32
    %dma_wait3A_322 = arith.constant 0 : i32
    %dma_wait3A_323 = tpu.memref_slice %arg6[%dma_wait3A_321, %dma_wait3A_322] : memref<20480x128xf32, #tpu.memory_space<hbm>> -> memref<80x128xf32, #tpu.memory_space<hbm>>
    %dma_wait3A_324 = arith.constant 0 : i32
    %dma_wait3A_325 = arith.constant 0 : i32
    %dma_wait3A_326 = tpu.memref_slice %arg6[%dma_wait3A_324, %dma_wait3A_325] : memref<20480x128xf32, #tpu.memory_space<hbm>> -> memref<80x128xf32, #tpu.memory_space<hbm>>
    tpu.wait_dma2 semaphore(%arg35 : memref<!tpu.dma_semaphore, #tpu.memory_space<semaphore_mem>>) src(%arg10 : memref<80x128xf32, #tpu.memory_space<vmem>>) dst(%dma_wait3A_326 : memref<80x128xf32, #tpu.memory_space<hbm>>)
    %mul3A_327 = arith.constant 640 : i32
    %mul3A_328 = arith.muli %arg1, %mul3A_327 : i32
    %add3A_329 = arith.constant 560 : i32
    %add3A_330 = arith.addi %mul3A_328, %add3A_329 : i32
    %dma_start3A_331 = arith.constant 0 : i32
    %dma_start3A_332 = tpu.memref_slice %arg19[%add3A_330, %dma_start3A_331] : memref<10240x128xf32, #tpu.memory_space<vmem_shared>> -> memref<80x128xf32, #tpu.memory_space<vmem_shared>>
    %dma_start3A_333 = arith.constant 0 : i32
    %dma_start3A_334 = tpu.memref_slice %arg19[%add3A_330, %dma_start3A_333] : memref<10240x128xf32, #tpu.memory_space<vmem_shared>> -> memref<80x128xf32, #tpu.memory_space<vmem_shared>>
    tpu.enqueue_dma source(%dma_start3A_334 : memref<80x128xf32, #tpu.memory_space<vmem_shared>>) target(%arg10 : memref<80x128xf32, #tpu.memory_space<vmem>>) target_semaphore(%arg23 : memref<!tpu.dma_semaphore, #tpu.memory_space<semaphore_mem>>)
    %dma_wait3A_335 = arith.constant 0 : i32
    %dma_wait3A_336 = arith.constant 0 : i32
    %dma_wait3A_337 = tpu.memref_slice %arg19[%dma_wait3A_335, %dma_wait3A_336] : memref<10240x128xf32, #tpu.memory_space<vmem_shared>> -> memref<80x128xf32, #tpu.memory_space<vmem_shared>>
    %dma_wait3A_338 = arith.constant 0 : i32
    %dma_wait3A_339 = arith.constant 0 : i32
    %dma_wait3A_340 = tpu.memref_slice %arg19[%dma_wait3A_338, %dma_wait3A_339] : memref<10240x128xf32, #tpu.memory_space<vmem_shared>> -> memref<80x128xf32, #tpu.memory_space<vmem_shared>>
    tpu.wait_dma2 semaphore(%arg20 : memref<!tpu.dma_semaphore, #tpu.memory_space<semaphore_mem>>) src(%dma_wait3A_340 : memref<80x128xf32, #tpu.memory_space<vmem_shared>>) dst(%arg7 : memref<80x128xf32, #tpu.memory_space<vmem>>)
    %mul3A_341 = arith.constant 10240 : i32
    %mul3A_342 = arith.muli %arg0, %mul3A_341 : i32
    %mul3A_343 = arith.constant 640 : i32
    %mul3A_344 = arith.muli %arg1, %mul3A_343 : i32
    %add3A_345 = arith.addi %mul3A_342, %mul3A_344 : i32
    %add3A_346 = arith.constant 320 : i32
    %add3A_347 = arith.addi %add3A_345, %add3A_346 : i32
    %dma_start3A_348 = arith.constant 0 : i32
    %dma_start3A_349 = tpu.memref_slice %arg6[%add3A_347, %dma_start3A_348] : memref<20480x128xf32, #tpu.memory_space<hbm>> -> memref<80x128xf32, #tpu.memory_space<hbm>>
    %dma_start3A_350 = arith.constant 0 : i32
    %dma_start3A_351 = tpu.memref_slice %arg6[%add3A_347, %dma_start3A_350] : memref<20480x128xf32, #tpu.memory_space<hbm>> -> memref<80x128xf32, #tpu.memory_space<hbm>>
    tpu.enqueue_dma source(%arg7 : memref<80x128xf32, #tpu.memory_space<vmem>>) target(%dma_start3A_351 : memref<80x128xf32, #tpu.memory_space<hbm>>) target_semaphore(%arg32 : memref<!tpu.dma_semaphore, #tpu.memory_space<semaphore_mem>>)
    %dma_wait3A_352 = arith.constant 0 : i32
    %dma_wait3A_353 = arith.constant 0 : i32
    %dma_wait3A_354 = tpu.memref_slice %arg19[%dma_wait3A_352, %dma_wait3A_353] : memref<10240x128xf32, #tpu.memory_space<vmem_shared>> -> memref<80x128xf32, #tpu.memory_space<vmem_shared>>
    %dma_wait3A_355 = arith.constant 0 : i32
    %dma_wait3A_356 = arith.constant 0 : i32
    %dma_wait3A_357 = tpu.memref_slice %arg19[%dma_wait3A_355, %dma_wait3A_356] : memref<10240x128xf32, #tpu.memory_space<vmem_shared>> -> memref<80x128xf32, #tpu.memory_space<vmem_shared>>
    tpu.wait_dma2 semaphore(%arg21 : memref<!tpu.dma_semaphore, #tpu.memory_space<semaphore_mem>>) src(%dma_wait3A_357 : memref<80x128xf32, #tpu.memory_space<vmem_shared>>) dst(%arg8 : memref<80x128xf32, #tpu.memory_space<vmem>>)
    %mul3A_358 = arith.constant 10240 : i32
    %mul3A_359 = arith.muli %arg0, %mul3A_358 : i32
    %mul3A_360 = arith.constant 640 : i32
    %mul3A_361 = arith.muli %arg1, %mul3A_360 : i32
    %add3A_362 = arith.addi %mul3A_359, %mul3A_361 : i32
    %add3A_363 = arith.constant 400 : i32
    %add3A_364 = arith.addi %add3A_362, %add3A_363 : i32
    %dma_start3A_365 = arith.constant 0 : i32
    %dma_start3A_366 = tpu.memref_slice %arg6[%add3A_364, %dma_start3A_365] : memref<20480x128xf32, #tpu.memory_space<hbm>> -> memref<80x128xf32, #tpu.memory_space<hbm>>
    %dma_start3A_367 = arith.constant 0 : i32
    %dma_start3A_368 = tpu.memref_slice %arg6[%add3A_364, %dma_start3A_367] : memref<20480x128xf32, #tpu.memory_space<hbm>> -> memref<80x128xf32, #tpu.memory_space<hbm>>
    tpu.enqueue_dma source(%arg8 : memref<80x128xf32, #tpu.memory_space<vmem>>) target(%dma_start3A_368 : memref<80x128xf32, #tpu.memory_space<hbm>>) target_semaphore(%arg33 : memref<!tpu.dma_semaphore, #tpu.memory_space<semaphore_mem>>)
    %dma_wait3A_369 = arith.constant 0 : i32
    %dma_wait3A_370 = arith.constant 0 : i32
    %dma_wait3A_371 = tpu.memref_slice %arg19[%dma_wait3A_369, %dma_wait3A_370] : memref<10240x128xf32, #tpu.memory_space<vmem_shared>> -> memref<80x128xf32, #tpu.memory_space<vmem_shared>>
    %dma_wait3A_372 = arith.constant 0 : i32
    %dma_wait3A_373 = arith.constant 0 : i32
    %dma_wait3A_374 = tpu.memref_slice %arg19[%dma_wait3A_372, %dma_wait3A_373] : memref<10240x128xf32, #tpu.memory_space<vmem_shared>> -> memref<80x128xf32, #tpu.memory_space<vmem_shared>>
    tpu.wait_dma2 semaphore(%arg22 : memref<!tpu.dma_semaphore, #tpu.memory_space<semaphore_mem>>) src(%dma_wait3A_374 : memref<80x128xf32, #tpu.memory_space<vmem_shared>>) dst(%arg9 : memref<80x128xf32, #tpu.memory_space<vmem>>)
    %mul3A_375 = arith.constant 10240 : i32
    %mul3A_376 = arith.muli %arg0, %mul3A_375 : i32
    %mul3A_377 = arith.constant 640 : i32
    %mul3A_378 = arith.muli %arg1, %mul3A_377 : i32
    %add3A_379 = arith.addi %mul3A_376, %mul3A_378 : i32
    %add3A_380 = arith.constant 480 : i32
    %add3A_381 = arith.addi %add3A_379, %add3A_380 : i32
    %dma_start3A_382 = arith.constant 0 : i32
    %dma_start3A_383 = tpu.memref_slice %arg6[%add3A_381, %dma_start3A_382] : memref<20480x128xf32, #tpu.memory_space<hbm>> -> memref<80x128xf32, #tpu.memory_space<hbm>>
    %dma_start3A_384 = arith.constant 0 : i32
    %dma_start3A_385 = tpu.memref_slice %arg6[%add3A_381, %dma_start3A_384] : memref<20480x128xf32, #tpu.memory_space<hbm>> -> memref<80x128xf32, #tpu.memory_space<hbm>>
    tpu.enqueue_dma source(%arg9 : memref<80x128xf32, #tpu.memory_space<vmem>>) target(%dma_start3A_385 : memref<80x128xf32, #tpu.memory_space<hbm>>) target_semaphore(%arg34 : memref<!tpu.dma_semaphore, #tpu.memory_space<semaphore_mem>>)
    %dma_wait3A_386 = arith.constant 0 : i32
    %dma_wait3A_387 = arith.constant 0 : i32
    %dma_wait3A_388 = tpu.memref_slice %arg19[%dma_wait3A_386, %dma_wait3A_387] : memref<10240x128xf32, #tpu.memory_space<vmem_shared>> -> memref<80x128xf32, #tpu.memory_space<vmem_shared>>
    %dma_wait3A_389 = arith.constant 0 : i32
    %dma_wait3A_390 = arith.constant 0 : i32
    %dma_wait3A_391 = tpu.memref_slice %arg19[%dma_wait3A_389, %dma_wait3A_390] : memref<10240x128xf32, #tpu.memory_space<vmem_shared>> -> memref<80x128xf32, #tpu.memory_space<vmem_shared>>
    tpu.wait_dma2 semaphore(%arg23 : memref<!tpu.dma_semaphore, #tpu.memory_space<semaphore_mem>>) src(%dma_wait3A_391 : memref<80x128xf32, #tpu.memory_space<vmem_shared>>) dst(%arg10 : memref<80x128xf32, #tpu.memory_space<vmem>>)
    %mul3A_392 = arith.constant 10240 : i32
    %mul3A_393 = arith.muli %arg0, %mul3A_392 : i32
    %mul3A_394 = arith.constant 640 : i32
    %mul3A_395 = arith.muli %arg1, %mul3A_394 : i32
    %add3A_396 = arith.addi %mul3A_393, %mul3A_395 : i32
    %add3A_397 = arith.constant 560 : i32
    %add3A_398 = arith.addi %add3A_396, %add3A_397 : i32
    %dma_start3A_399 = arith.constant 0 : i32
    %dma_start3A_400 = tpu.memref_slice %arg6[%add3A_398, %dma_start3A_399] : memref<20480x128xf32, #tpu.memory_space<hbm>> -> memref<80x128xf32, #tpu.memory_space<hbm>>
    %dma_start3A_401 = arith.constant 0 : i32
    %dma_start3A_402 = tpu.memref_slice %arg6[%add3A_398, %dma_start3A_401] : memref<20480x128xf32, #tpu.memory_space<hbm>> -> memref<80x128xf32, #tpu.memory_space<hbm>>
    tpu.enqueue_dma source(%arg10 : memref<80x128xf32, #tpu.memory_space<vmem>>) target(%dma_start3A_402 : memref<80x128xf32, #tpu.memory_space<hbm>>) target_semaphore(%arg35 : memref<!tpu.dma_semaphore, #tpu.memory_space<semaphore_mem>>)
    %dma_wait3A_403 = arith.constant 0 : i32
    %dma_wait3A_404 = arith.constant 0 : i32
    %dma_wait3A_405 = tpu.memref_slice %arg6[%dma_wait3A_403, %dma_wait3A_404] : memref<20480x128xf32, #tpu.memory_space<hbm>> -> memref<80x128xf32, #tpu.memory_space<hbm>>
    %dma_wait3A_406 = arith.constant 0 : i32
    %dma_wait3A_407 = arith.constant 0 : i32
    %dma_wait3A_408 = tpu.memref_slice %arg6[%dma_wait3A_406, %dma_wait3A_407] : memref<20480x128xf32, #tpu.memory_space<hbm>> -> memref<80x128xf32, #tpu.memory_space<hbm>>
    tpu.wait_dma2 semaphore(%arg32 : memref<!tpu.dma_semaphore, #tpu.memory_space<semaphore_mem>>) src(%arg7 : memref<80x128xf32, #tpu.memory_space<vmem>>) dst(%dma_wait3A_408 : memref<80x128xf32, #tpu.memory_space<hbm>>)
    %dma_wait3A_409 = arith.constant 0 : i32
    %dma_wait3A_410 = arith.constant 0 : i32
    %dma_wait3A_411 = tpu.memref_slice %arg6[%dma_wait3A_409, %dma_wait3A_410] : memref<20480x128xf32, #tpu.memory_space<hbm>> -> memref<80x128xf32, #tpu.memory_space<hbm>>
    %dma_wait3A_412 = arith.constant 0 : i32
    %dma_wait3A_413 = arith.constant 0 : i32
    %dma_wait3A_414 = tpu.memref_slice %arg6[%dma_wait3A_412, %dma_wait3A_413] : memref<20480x128xf32, #tpu.memory_space<hbm>> -> memref<80x128xf32, #tpu.memory_space<hbm>>
    tpu.wait_dma2 semaphore(%arg33 : memref<!tpu.dma_semaphore, #tpu.memory_space<semaphore_mem>>) src(%arg8 : memref<80x128xf32, #tpu.memory_space<vmem>>) dst(%dma_wait3A_414 : memref<80x128xf32, #tpu.memory_space<hbm>>)
    %dma_wait3A_415 = arith.constant 0 : i32
    %dma_wait3A_416 = arith.constant 0 : i32
    %dma_wait3A_417 = tpu.memref_slice %arg6[%dma_wait3A_415, %dma_wait3A_416] : memref<20480x128xf32, #tpu.memory_space<hbm>> -> memref<80x128xf32, #tpu.memory_space<hbm>>
    %dma_wait3A_418 = arith.constant 0 : i32
    %dma_wait3A_419 = arith.constant 0 : i32
    %dma_wait3A_420 = tpu.memref_slice %arg6[%dma_wait3A_418, %dma_wait3A_419] : memref<20480x128xf32, #tpu.memory_space<hbm>> -> memref<80x128xf32, #tpu.memory_space<hbm>>
    tpu.wait_dma2 semaphore(%arg34 : memref<!tpu.dma_semaphore, #tpu.memory_space<semaphore_mem>>) src(%arg9 : memref<80x128xf32, #tpu.memory_space<vmem>>) dst(%dma_wait3A_420 : memref<80x128xf32, #tpu.memory_space<hbm>>)
    %dma_wait3A_421 = arith.constant 0 : i32
    %dma_wait3A_422 = arith.constant 0 : i32
    %dma_wait3A_423 = tpu.memref_slice %arg6[%dma_wait3A_421, %dma_wait3A_422] : memref<20480x128xf32, #tpu.memory_space<hbm>> -> memref<80x128xf32, #tpu.memory_space<hbm>>
    %dma_wait3A_424 = arith.constant 0 : i32
    %dma_wait3A_425 = arith.constant 0 : i32
    %dma_wait3A_426 = tpu.memref_slice %arg6[%dma_wait3A_424, %dma_wait3A_425] : memref<20480x128xf32, #tpu.memory_space<hbm>> -> memref<80x128xf32, #tpu.memory_space<hbm>>
    tpu.wait_dma2 semaphore(%arg35 : memref<!tpu.dma_semaphore, #tpu.memory_space<semaphore_mem>>) src(%arg10 : memref<80x128xf32, #tpu.memory_space<vmem>>) dst(%dma_wait3A_426 : memref<80x128xf32, #tpu.memory_space<hbm>>)
    return
  }
}

#map = affine_map<(d0, d1) -> (0, 0)>
#map1 = affine_map<(d0, d1) -> (0)>
module attributes {stable_mosaic.version = 14 : i64} {
  func.func @_sc_agg_body(%arg0: i32, %arg1: i32, %arg2: memref<40960x128xf32, #tpu.memory_space<hbm>>, %arg3: memref<327680xi32, #tpu.memory_space<hbm>>, %arg4: memref<327680xi32, #tpu.memory_space<hbm>>, %arg5: memref<80x128xf32, #tpu.memory_space<hbm>>, %arg6: memref<20480x128xf32, #tpu.memory_space<hbm>>, %arg7: memref<80x128xf32, #tpu.memory_space<vmem>>, %arg8: memref<80x128xf32, #tpu.memory_space<vmem>>, %arg9: memref<80x128xf32, #tpu.memory_space<vmem>>, %arg10: memref<80x128xf32, #tpu.memory_space<vmem>>, %arg11: memref<80xi32, #tpu.memory_space<vmem>>, %arg12: memref<80xi32, #tpu.memory_space<vmem>>, %arg13: memref<80xi32, #tpu.memory_space<vmem>>, %arg14: memref<80xi32, #tpu.memory_space<vmem>>, %arg15: memref<80xi32, #tpu.memory_space<vmem>>, %arg16: memref<80xi32, #tpu.memory_space<vmem>>, %arg17: memref<80xi32, #tpu.memory_space<vmem>>, %arg18: memref<80xi32, #tpu.memory_space<vmem>>, %arg19: memref<10240x128xf32, #tpu.memory_space<vmem_shared>>, %arg20: memref<!tpu.dma_semaphore, #tpu.memory_space<semaphore_mem>>, %arg21: memref<!tpu.dma_semaphore, #tpu.memory_space<semaphore_mem>>, %arg22: memref<!tpu.dma_semaphore, #tpu.memory_space<semaphore_mem>>, %arg23: memref<!tpu.dma_semaphore, #tpu.memory_space<semaphore_mem>>, %arg24: memref<!tpu.dma_semaphore, #tpu.memory_space<semaphore_mem>>, %arg25: memref<!tpu.dma_semaphore, #tpu.memory_space<semaphore_mem>>, %arg26: memref<!tpu.dma_semaphore, #tpu.memory_space<semaphore_mem>>, %arg27: memref<!tpu.dma_semaphore, #tpu.memory_space<semaphore_mem>>, %arg28: memref<!tpu.dma_semaphore, #tpu.memory_space<semaphore_mem>>, %arg29: memref<!tpu.dma_semaphore, #tpu.memory_space<semaphore_mem>>, %arg30: memref<!tpu.dma_semaphore, #tpu.memory_space<semaphore_mem>>, %arg31: memref<!tpu.dma_semaphore, #tpu.memory_space<semaphore_mem>>, %arg32: memref<!tpu.dma_semaphore, #tpu.memory_space<semaphore_mem>>, %arg33: memref<!tpu.dma_semaphore, #tpu.memory_space<semaphore_mem>>, %arg34: memref<!tpu.dma_semaphore, #tpu.memory_space<semaphore_mem>>, %arg35: memref<!tpu.dma_semaphore, #tpu.memory_space<semaphore_mem>>) attributes {dimension_semantics = [#tpu.dimension_semantics<core_parallel>, #tpu.dimension_semantics<subcore_parallel>], iteration_bounds = array<i64: 2, 16>, scalar_prefetch = 0 : i64, scratch_operands = 29 : i64, tpu.core_type = #tpu.core_type<sc_vector_subcore>, window_params = [{transform_indices = #map}, {transform_indices = #map1}, {transform_indices = #map1}, {transform_indices = #map}, {transform_indices = #map}]} {
    %mul3A = arith.constant 2 : i32
    %mul3A_0 = arith.muli %arg1, %mul3A : i32
    %add3A = arith.addi %mul3A_0, %arg0 : i32
    %mul3A_1 = arith.constant 10240 : i32
    %mul3A_2 = arith.muli %add3A, %mul3A_1 : i32
    "tpu.region"() ({
      %run_scoped3A = tpu.sem_alloc : memref<!tpu.dma_semaphore, #tpu.memory_space<semaphore_mem>>
      tpu.enqueue_dma source(%arg5 : memref<80x128xf32, #tpu.memory_space<hbm>>) target(%arg7 : memref<80x128xf32, #tpu.memory_space<vmem>>) target_semaphore(%run_scoped3A : memref<!tpu.dma_semaphore, #tpu.memory_space<semaphore_mem>>)
      tpu.wait_dma2 semaphore(%run_scoped3A : memref<!tpu.dma_semaphore, #tpu.memory_space<semaphore_mem>>) src(%arg5 : memref<80x128xf32, #tpu.memory_space<hbm>>) dst(%arg7 : memref<80x128xf32, #tpu.memory_space<vmem>>)
      tpu.yield
    }) : () -> ()
    %mul3A_3 = arith.constant 640 : i32
    %mul3A_4 = arith.muli %arg1, %mul3A_3 : i32
    %add3A_5 = arith.constant 0 : i32
    %add3A_6 = arith.addi %mul3A_4, %add3A_5 : i32
    %dma_start3A = arith.constant 0 : i32
    %dma_start3A_7 = tpu.memref_slice %arg19[%add3A_6, %dma_start3A] : memref<10240x128xf32, #tpu.memory_space<vmem_shared>> -> memref<80x128xf32, #tpu.memory_space<vmem_shared>>
    %dma_start3A_8 = arith.constant 0 : i32
    %dma_start3A_9 = tpu.memref_slice %arg19[%add3A_6, %dma_start3A_8] : memref<10240x128xf32, #tpu.memory_space<vmem_shared>> -> memref<80x128xf32, #tpu.memory_space<vmem_shared>>
    tpu.enqueue_dma source(%arg7 : memref<80x128xf32, #tpu.memory_space<vmem>>) target(%dma_start3A_9 : memref<80x128xf32, #tpu.memory_space<vmem_shared>>) target_semaphore(%arg20 : memref<!tpu.dma_semaphore, #tpu.memory_space<semaphore_mem>>)
    %mul3A_10 = arith.constant 640 : i32
    %mul3A_11 = arith.muli %arg1, %mul3A_10 : i32
    %add3A_12 = arith.constant 80 : i32
    %add3A_13 = arith.addi %mul3A_11, %add3A_12 : i32
    %dma_start3A_14 = arith.constant 0 : i32
    %dma_start3A_15 = tpu.memref_slice %arg19[%add3A_13, %dma_start3A_14] : memref<10240x128xf32, #tpu.memory_space<vmem_shared>> -> memref<80x128xf32, #tpu.memory_space<vmem_shared>>
    %dma_start3A_16 = arith.constant 0 : i32
    %dma_start3A_17 = tpu.memref_slice %arg19[%add3A_13, %dma_start3A_16] : memref<10240x128xf32, #tpu.memory_space<vmem_shared>> -> memref<80x128xf32, #tpu.memory_space<vmem_shared>>
    tpu.enqueue_dma source(%arg7 : memref<80x128xf32, #tpu.memory_space<vmem>>) target(%dma_start3A_17 : memref<80x128xf32, #tpu.memory_space<vmem_shared>>) target_semaphore(%arg21 : memref<!tpu.dma_semaphore, #tpu.memory_space<semaphore_mem>>)
    %mul3A_18 = arith.constant 640 : i32
    %mul3A_19 = arith.muli %arg1, %mul3A_18 : i32
    %add3A_20 = arith.constant 160 : i32
    %add3A_21 = arith.addi %mul3A_19, %add3A_20 : i32
    %dma_start3A_22 = arith.constant 0 : i32
    %dma_start3A_23 = tpu.memref_slice %arg19[%add3A_21, %dma_start3A_22] : memref<10240x128xf32, #tpu.memory_space<vmem_shared>> -> memref<80x128xf32, #tpu.memory_space<vmem_shared>>
    %dma_start3A_24 = arith.constant 0 : i32
    %dma_start3A_25 = tpu.memref_slice %arg19[%add3A_21, %dma_start3A_24] : memref<10240x128xf32, #tpu.memory_space<vmem_shared>> -> memref<80x128xf32, #tpu.memory_space<vmem_shared>>
    tpu.enqueue_dma source(%arg7 : memref<80x128xf32, #tpu.memory_space<vmem>>) target(%dma_start3A_25 : memref<80x128xf32, #tpu.memory_space<vmem_shared>>) target_semaphore(%arg22 : memref<!tpu.dma_semaphore, #tpu.memory_space<semaphore_mem>>)
    %mul3A_26 = arith.constant 640 : i32
    %mul3A_27 = arith.muli %arg1, %mul3A_26 : i32
    %add3A_28 = arith.constant 240 : i32
    %add3A_29 = arith.addi %mul3A_27, %add3A_28 : i32
    %dma_start3A_30 = arith.constant 0 : i32
    %dma_start3A_31 = tpu.memref_slice %arg19[%add3A_29, %dma_start3A_30] : memref<10240x128xf32, #tpu.memory_space<vmem_shared>> -> memref<80x128xf32, #tpu.memory_space<vmem_shared>>
    %dma_start3A_32 = arith.constant 0 : i32
    %dma_start3A_33 = tpu.memref_slice %arg19[%add3A_29, %dma_start3A_32] : memref<10240x128xf32, #tpu.memory_space<vmem_shared>> -> memref<80x128xf32, #tpu.memory_space<vmem_shared>>
    tpu.enqueue_dma source(%arg7 : memref<80x128xf32, #tpu.memory_space<vmem>>) target(%dma_start3A_33 : memref<80x128xf32, #tpu.memory_space<vmem_shared>>) target_semaphore(%arg23 : memref<!tpu.dma_semaphore, #tpu.memory_space<semaphore_mem>>)
    %mul3A_34 = arith.constant 640 : i32
    %mul3A_35 = arith.muli %arg1, %mul3A_34 : i32
    %add3A_36 = arith.constant 320 : i32
    %add3A_37 = arith.addi %mul3A_35, %add3A_36 : i32
    %dma_start3A_38 = arith.constant 0 : i32
    %dma_start3A_39 = tpu.memref_slice %arg19[%add3A_37, %dma_start3A_38] : memref<10240x128xf32, #tpu.memory_space<vmem_shared>> -> memref<80x128xf32, #tpu.memory_space<vmem_shared>>
    %dma_start3A_40 = arith.constant 0 : i32
    %dma_start3A_41 = tpu.memref_slice %arg19[%add3A_37, %dma_start3A_40] : memref<10240x128xf32, #tpu.memory_space<vmem_shared>> -> memref<80x128xf32, #tpu.memory_space<vmem_shared>>
    tpu.enqueue_dma source(%arg7 : memref<80x128xf32, #tpu.memory_space<vmem>>) target(%dma_start3A_41 : memref<80x128xf32, #tpu.memory_space<vmem_shared>>) target_semaphore(%arg20 : memref<!tpu.dma_semaphore, #tpu.memory_space<semaphore_mem>>)
    %mul3A_42 = arith.constant 640 : i32
    %mul3A_43 = arith.muli %arg1, %mul3A_42 : i32
    %add3A_44 = arith.constant 400 : i32
    %add3A_45 = arith.addi %mul3A_43, %add3A_44 : i32
    %dma_start3A_46 = arith.constant 0 : i32
    %dma_start3A_47 = tpu.memref_slice %arg19[%add3A_45, %dma_start3A_46] : memref<10240x128xf32, #tpu.memory_space<vmem_shared>> -> memref<80x128xf32, #tpu.memory_space<vmem_shared>>
    %dma_start3A_48 = arith.constant 0 : i32
    %dma_start3A_49 = tpu.memref_slice %arg19[%add3A_45, %dma_start3A_48] : memref<10240x128xf32, #tpu.memory_space<vmem_shared>> -> memref<80x128xf32, #tpu.memory_space<vmem_shared>>
    tpu.enqueue_dma source(%arg7 : memref<80x128xf32, #tpu.memory_space<vmem>>) target(%dma_start3A_49 : memref<80x128xf32, #tpu.memory_space<vmem_shared>>) target_semaphore(%arg21 : memref<!tpu.dma_semaphore, #tpu.memory_space<semaphore_mem>>)
    %mul3A_50 = arith.constant 640 : i32
    %mul3A_51 = arith.muli %arg1, %mul3A_50 : i32
    %add3A_52 = arith.constant 480 : i32
    %add3A_53 = arith.addi %mul3A_51, %add3A_52 : i32
    %dma_start3A_54 = arith.constant 0 : i32
    %dma_start3A_55 = tpu.memref_slice %arg19[%add3A_53, %dma_start3A_54] : memref<10240x128xf32, #tpu.memory_space<vmem_shared>> -> memref<80x128xf32, #tpu.memory_space<vmem_shared>>
    %dma_start3A_56 = arith.constant 0 : i32
    %dma_start3A_57 = tpu.memref_slice %arg19[%add3A_53, %dma_start3A_56] : memref<10240x128xf32, #tpu.memory_space<vmem_shared>> -> memref<80x128xf32, #tpu.memory_space<vmem_shared>>
    tpu.enqueue_dma source(%arg7 : memref<80x128xf32, #tpu.memory_space<vmem>>) target(%dma_start3A_57 : memref<80x128xf32, #tpu.memory_space<vmem_shared>>) target_semaphore(%arg22 : memref<!tpu.dma_semaphore, #tpu.memory_space<semaphore_mem>>)
    %mul3A_58 = arith.constant 640 : i32
    %mul3A_59 = arith.muli %arg1, %mul3A_58 : i32
    %add3A_60 = arith.constant 560 : i32
    %add3A_61 = arith.addi %mul3A_59, %add3A_60 : i32
    %dma_start3A_62 = arith.constant 0 : i32
    %dma_start3A_63 = tpu.memref_slice %arg19[%add3A_61, %dma_start3A_62] : memref<10240x128xf32, #tpu.memory_space<vmem_shared>> -> memref<80x128xf32, #tpu.memory_space<vmem_shared>>
    %dma_start3A_64 = arith.constant 0 : i32
    %dma_start3A_65 = tpu.memref_slice %arg19[%add3A_61, %dma_start3A_64] : memref<10240x128xf32, #tpu.memory_space<vmem_shared>> -> memref<80x128xf32, #tpu.memory_space<vmem_shared>>
    tpu.enqueue_dma source(%arg7 : memref<80x128xf32, #tpu.memory_space<vmem>>) target(%dma_start3A_65 : memref<80x128xf32, #tpu.memory_space<vmem_shared>>) target_semaphore(%arg23 : memref<!tpu.dma_semaphore, #tpu.memory_space<semaphore_mem>>)
    %mul3A_66 = arith.constant 640 : i32
    %mul3A_67 = arith.muli %arg1, %mul3A_66 : i32
    %add3A_68 = arith.constant 0 : i32
    %add3A_69 = arith.addi %mul3A_67, %add3A_68 : i32
    %dma_wait3A = arith.constant 0 : i32
    %dma_wait3A_70 = tpu.memref_slice %arg19[%add3A_69, %dma_wait3A] : memref<10240x128xf32, #tpu.memory_space<vmem_shared>> -> memref<80x128xf32, #tpu.memory_space<vmem_shared>>
    %dma_wait3A_71 = arith.constant 0 : i32
    %dma_wait3A_72 = tpu.memref_slice %arg19[%add3A_69, %dma_wait3A_71] : memref<10240x128xf32, #tpu.memory_space<vmem_shared>> -> memref<80x128xf32, #tpu.memory_space<vmem_shared>>
    tpu.wait_dma2 semaphore(%arg20 : memref<!tpu.dma_semaphore, #tpu.memory_space<semaphore_mem>>) src(%arg7 : memref<80x128xf32, #tpu.memory_space<vmem>>) dst(%dma_wait3A_72 : memref<80x128xf32, #tpu.memory_space<vmem_shared>>)
    %mul3A_73 = arith.constant 640 : i32
    %mul3A_74 = arith.muli %arg1, %mul3A_73 : i32
    %add3A_75 = arith.constant 80 : i32
    %add3A_76 = arith.addi %mul3A_74, %add3A_75 : i32
    %dma_wait3A_77 = arith.constant 0 : i32
    %dma_wait3A_78 = tpu.memref_slice %arg19[%add3A_76, %dma_wait3A_77] : memref<10240x128xf32, #tpu.memory_space<vmem_shared>> -> memref<80x128xf32, #tpu.memory_space<vmem_shared>>
    %dma_wait3A_79 = arith.constant 0 : i32
    %dma_wait3A_80 = tpu.memref_slice %arg19[%add3A_76, %dma_wait3A_79] : memref<10240x128xf32, #tpu.memory_space<vmem_shared>> -> memref<80x128xf32, #tpu.memory_space<vmem_shared>>
    tpu.wait_dma2 semaphore(%arg21 : memref<!tpu.dma_semaphore, #tpu.memory_space<semaphore_mem>>) src(%arg7 : memref<80x128xf32, #tpu.memory_space<vmem>>) dst(%dma_wait3A_80 : memref<80x128xf32, #tpu.memory_space<vmem_shared>>)
    %mul3A_81 = arith.constant 640 : i32
    %mul3A_82 = arith.muli %arg1, %mul3A_81 : i32
    %add3A_83 = arith.constant 160 : i32
    %add3A_84 = arith.addi %mul3A_82, %add3A_83 : i32
    %dma_wait3A_85 = arith.constant 0 : i32
    %dma_wait3A_86 = tpu.memref_slice %arg19[%add3A_84, %dma_wait3A_85] : memref<10240x128xf32, #tpu.memory_space<vmem_shared>> -> memref<80x128xf32, #tpu.memory_space<vmem_shared>>
    %dma_wait3A_87 = arith.constant 0 : i32
    %dma_wait3A_88 = tpu.memref_slice %arg19[%add3A_84, %dma_wait3A_87] : memref<10240x128xf32, #tpu.memory_space<vmem_shared>> -> memref<80x128xf32, #tpu.memory_space<vmem_shared>>
    tpu.wait_dma2 semaphore(%arg22 : memref<!tpu.dma_semaphore, #tpu.memory_space<semaphore_mem>>) src(%arg7 : memref<80x128xf32, #tpu.memory_space<vmem>>) dst(%dma_wait3A_88 : memref<80x128xf32, #tpu.memory_space<vmem_shared>>)
    %mul3A_89 = arith.constant 640 : i32
    %mul3A_90 = arith.muli %arg1, %mul3A_89 : i32
    %add3A_91 = arith.constant 240 : i32
    %add3A_92 = arith.addi %mul3A_90, %add3A_91 : i32
    %dma_wait3A_93 = arith.constant 0 : i32
    %dma_wait3A_94 = tpu.memref_slice %arg19[%add3A_92, %dma_wait3A_93] : memref<10240x128xf32, #tpu.memory_space<vmem_shared>> -> memref<80x128xf32, #tpu.memory_space<vmem_shared>>
    %dma_wait3A_95 = arith.constant 0 : i32
    %dma_wait3A_96 = tpu.memref_slice %arg19[%add3A_92, %dma_wait3A_95] : memref<10240x128xf32, #tpu.memory_space<vmem_shared>> -> memref<80x128xf32, #tpu.memory_space<vmem_shared>>
    tpu.wait_dma2 semaphore(%arg23 : memref<!tpu.dma_semaphore, #tpu.memory_space<semaphore_mem>>) src(%arg7 : memref<80x128xf32, #tpu.memory_space<vmem>>) dst(%dma_wait3A_96 : memref<80x128xf32, #tpu.memory_space<vmem_shared>>)
    %mul3A_97 = arith.constant 640 : i32
    %mul3A_98 = arith.muli %arg1, %mul3A_97 : i32
    %add3A_99 = arith.constant 0 : i32
    %add3A_100 = arith.addi %mul3A_98, %add3A_99 : i32
    %dma_wait3A_101 = arith.constant 0 : i32
    %dma_wait3A_102 = tpu.memref_slice %arg19[%add3A_100, %dma_wait3A_101] : memref<10240x128xf32, #tpu.memory_space<vmem_shared>> -> memref<80x128xf32, #tpu.memory_space<vmem_shared>>
    %dma_wait3A_103 = arith.constant 0 : i32
    %dma_wait3A_104 = tpu.memref_slice %arg19[%add3A_100, %dma_wait3A_103] : memref<10240x128xf32, #tpu.memory_space<vmem_shared>> -> memref<80x128xf32, #tpu.memory_space<vmem_shared>>
    tpu.wait_dma2 semaphore(%arg20 : memref<!tpu.dma_semaphore, #tpu.memory_space<semaphore_mem>>) src(%arg7 : memref<80x128xf32, #tpu.memory_space<vmem>>) dst(%dma_wait3A_104 : memref<80x128xf32, #tpu.memory_space<vmem_shared>>)
    %mul3A_105 = arith.constant 640 : i32
    %mul3A_106 = arith.muli %arg1, %mul3A_105 : i32
    %add3A_107 = arith.constant 80 : i32
    %add3A_108 = arith.addi %mul3A_106, %add3A_107 : i32
    %dma_wait3A_109 = arith.constant 0 : i32
    %dma_wait3A_110 = tpu.memref_slice %arg19[%add3A_108, %dma_wait3A_109] : memref<10240x128xf32, #tpu.memory_space<vmem_shared>> -> memref<80x128xf32, #tpu.memory_space<vmem_shared>>
    %dma_wait3A_111 = arith.constant 0 : i32
    %dma_wait3A_112 = tpu.memref_slice %arg19[%add3A_108, %dma_wait3A_111] : memref<10240x128xf32, #tpu.memory_space<vmem_shared>> -> memref<80x128xf32, #tpu.memory_space<vmem_shared>>
    tpu.wait_dma2 semaphore(%arg21 : memref<!tpu.dma_semaphore, #tpu.memory_space<semaphore_mem>>) src(%arg7 : memref<80x128xf32, #tpu.memory_space<vmem>>) dst(%dma_wait3A_112 : memref<80x128xf32, #tpu.memory_space<vmem_shared>>)
    %mul3A_113 = arith.constant 640 : i32
    %mul3A_114 = arith.muli %arg1, %mul3A_113 : i32
    %add3A_115 = arith.constant 160 : i32
    %add3A_116 = arith.addi %mul3A_114, %add3A_115 : i32
    %dma_wait3A_117 = arith.constant 0 : i32
    %dma_wait3A_118 = tpu.memref_slice %arg19[%add3A_116, %dma_wait3A_117] : memref<10240x128xf32, #tpu.memory_space<vmem_shared>> -> memref<80x128xf32, #tpu.memory_space<vmem_shared>>
    %dma_wait3A_119 = arith.constant 0 : i32
    %dma_wait3A_120 = tpu.memref_slice %arg19[%add3A_116, %dma_wait3A_119] : memref<10240x128xf32, #tpu.memory_space<vmem_shared>> -> memref<80x128xf32, #tpu.memory_space<vmem_shared>>
    tpu.wait_dma2 semaphore(%arg22 : memref<!tpu.dma_semaphore, #tpu.memory_space<semaphore_mem>>) src(%arg7 : memref<80x128xf32, #tpu.memory_space<vmem>>) dst(%dma_wait3A_120 : memref<80x128xf32, #tpu.memory_space<vmem_shared>>)
    %mul3A_121 = arith.constant 640 : i32
    %mul3A_122 = arith.muli %arg1, %mul3A_121 : i32
    %add3A_123 = arith.constant 240 : i32
    %add3A_124 = arith.addi %mul3A_122, %add3A_123 : i32
    %dma_wait3A_125 = arith.constant 0 : i32
    %dma_wait3A_126 = tpu.memref_slice %arg19[%add3A_124, %dma_wait3A_125] : memref<10240x128xf32, #tpu.memory_space<vmem_shared>> -> memref<80x128xf32, #tpu.memory_space<vmem_shared>>
    %dma_wait3A_127 = arith.constant 0 : i32
    %dma_wait3A_128 = tpu.memref_slice %arg19[%add3A_124, %dma_wait3A_127] : memref<10240x128xf32, #tpu.memory_space<vmem_shared>> -> memref<80x128xf32, #tpu.memory_space<vmem_shared>>
    tpu.wait_dma2 semaphore(%arg23 : memref<!tpu.dma_semaphore, #tpu.memory_space<semaphore_mem>>) src(%arg7 : memref<80x128xf32, #tpu.memory_space<vmem>>) dst(%dma_wait3A_128 : memref<80x128xf32, #tpu.memory_space<vmem_shared>>)
    %barrier3A = arith.constant 0 : index
    tpu.barrier barrier_id(%barrier3A)
    %add3A_129 = arith.constant 0 : i32
    %add3A_130 = arith.addi %mul3A_2, %add3A_129 : i32
    %dma_start3A_131 = tpu.memref_slice %arg3[%add3A_130] : memref<327680xi32, #tpu.memory_space<hbm>> -> memref<80xi32, #tpu.memory_space<hbm>>
    %dma_start3A_132 = tpu.memref_slice %arg3[%add3A_130] : memref<327680xi32, #tpu.memory_space<hbm>> -> memref<80xi32, #tpu.memory_space<hbm>>
    tpu.enqueue_dma source(%dma_start3A_132 : memref<80xi32, #tpu.memory_space<hbm>>) target(%arg11 : memref<80xi32, #tpu.memory_space<vmem>>) target_semaphore(%arg24 : memref<!tpu.dma_semaphore, #tpu.memory_space<semaphore_mem>>)
    %add3A_133 = arith.constant 80 : i32
    %add3A_134 = arith.addi %mul3A_2, %add3A_133 : i32
    %dma_start3A_135 = tpu.memref_slice %arg3[%add3A_134] : memref<327680xi32, #tpu.memory_space<hbm>> -> memref<80xi32, #tpu.memory_space<hbm>>
    %dma_start3A_136 = tpu.memref_slice %arg3[%add3A_134] : memref<327680xi32, #tpu.memory_space<hbm>> -> memref<80xi32, #tpu.memory_space<hbm>>
    tpu.enqueue_dma source(%dma_start3A_136 : memref<80xi32, #tpu.memory_space<hbm>>) target(%arg12 : memref<80xi32, #tpu.memory_space<vmem>>) target_semaphore(%arg25 : memref<!tpu.dma_semaphore, #tpu.memory_space<semaphore_mem>>)
    %add3A_137 = arith.constant 160 : i32
    %add3A_138 = arith.addi %mul3A_2, %add3A_137 : i32
    %dma_start3A_139 = tpu.memref_slice %arg3[%add3A_138] : memref<327680xi32, #tpu.memory_space<hbm>> -> memref<80xi32, #tpu.memory_space<hbm>>
    %dma_start3A_140 = tpu.memref_slice %arg3[%add3A_138] : memref<327680xi32, #tpu.memory_space<hbm>> -> memref<80xi32, #tpu.memory_space<hbm>>
    tpu.enqueue_dma source(%dma_start3A_140 : memref<80xi32, #tpu.memory_space<hbm>>) target(%arg13 : memref<80xi32, #tpu.memory_space<vmem>>) target_semaphore(%arg26 : memref<!tpu.dma_semaphore, #tpu.memory_space<semaphore_mem>>)
    %add3A_141 = arith.constant 240 : i32
    %add3A_142 = arith.addi %mul3A_2, %add3A_141 : i32
    %dma_start3A_143 = tpu.memref_slice %arg3[%add3A_142] : memref<327680xi32, #tpu.memory_space<hbm>> -> memref<80xi32, #tpu.memory_space<hbm>>
    %dma_start3A_144 = tpu.memref_slice %arg3[%add3A_142] : memref<327680xi32, #tpu.memory_space<hbm>> -> memref<80xi32, #tpu.memory_space<hbm>>
    tpu.enqueue_dma source(%dma_start3A_144 : memref<80xi32, #tpu.memory_space<hbm>>) target(%arg14 : memref<80xi32, #tpu.memory_space<vmem>>) target_semaphore(%arg27 : memref<!tpu.dma_semaphore, #tpu.memory_space<semaphore_mem>>)
    %add3A_145 = arith.constant 0 : i32
    %add3A_146 = arith.addi %mul3A_2, %add3A_145 : i32
    %dma_start3A_147 = tpu.memref_slice %arg4[%add3A_146] : memref<327680xi32, #tpu.memory_space<hbm>> -> memref<80xi32, #tpu.memory_space<hbm>>
    %dma_start3A_148 = tpu.memref_slice %arg4[%add3A_146] : memref<327680xi32, #tpu.memory_space<hbm>> -> memref<80xi32, #tpu.memory_space<hbm>>
    tpu.enqueue_dma source(%dma_start3A_148 : memref<80xi32, #tpu.memory_space<hbm>>) target(%arg15 : memref<80xi32, #tpu.memory_space<vmem>>) target_semaphore(%arg28 : memref<!tpu.dma_semaphore, #tpu.memory_space<semaphore_mem>>)
    %add3A_149 = arith.constant 80 : i32
    %add3A_150 = arith.addi %mul3A_2, %add3A_149 : i32
    %dma_start3A_151 = tpu.memref_slice %arg4[%add3A_150] : memref<327680xi32, #tpu.memory_space<hbm>> -> memref<80xi32, #tpu.memory_space<hbm>>
    %dma_start3A_152 = tpu.memref_slice %arg4[%add3A_150] : memref<327680xi32, #tpu.memory_space<hbm>> -> memref<80xi32, #tpu.memory_space<hbm>>
    tpu.enqueue_dma source(%dma_start3A_152 : memref<80xi32, #tpu.memory_space<hbm>>) target(%arg16 : memref<80xi32, #tpu.memory_space<vmem>>) target_semaphore(%arg29 : memref<!tpu.dma_semaphore, #tpu.memory_space<semaphore_mem>>)
    %dma_wait3A_153 = arith.constant 0 : i32
    %dma_wait3A_154 = tpu.memref_slice %arg3[%dma_wait3A_153] : memref<327680xi32, #tpu.memory_space<hbm>> -> memref<80xi32, #tpu.memory_space<hbm>>
    %dma_wait3A_155 = arith.constant 0 : i32
    %dma_wait3A_156 = tpu.memref_slice %arg3[%dma_wait3A_155] : memref<327680xi32, #tpu.memory_space<hbm>> -> memref<80xi32, #tpu.memory_space<hbm>>
    tpu.wait_dma2 semaphore(%arg24 : memref<!tpu.dma_semaphore, #tpu.memory_space<semaphore_mem>>) src(%dma_wait3A_156 : memref<80xi32, #tpu.memory_space<hbm>>) dst(%arg11 : memref<80xi32, #tpu.memory_space<vmem>>)
    %dma_start3A_157 = arith.constant 0 : i32
    %dma_start3A_158 = arith.constant 0 : i32
    %dma_start3A_159 = tpu.memref_slice %arg2[%dma_start3A_157, %dma_start3A_158] : memref<40960x128xf32, #tpu.memory_space<hbm>> -> memref<40960x128xf32, #tpu.memory_space<hbm>>
    tpu.enqueue_indirect_dma source(%dma_start3A_159 : memref<40960x128xf32, #tpu.memory_space<hbm>>) target(%arg7 : memref<80x128xf32, #tpu.memory_space<vmem>>) offsets(%arg11 : memref<80xi32, #tpu.memory_space<vmem>>) semaphore(%arg20 : memref<!tpu.dma_semaphore, #tpu.memory_space<semaphore_mem>>)
    %dma_wait3A_160 = arith.constant 0 : i32
    %dma_wait3A_161 = tpu.memref_slice %arg3[%dma_wait3A_160] : memref<327680xi32, #tpu.memory_space<hbm>> -> memref<80xi32, #tpu.memory_space<hbm>>
    %dma_wait3A_162 = arith.constant 0 : i32
    %dma_wait3A_163 = tpu.memref_slice %arg3[%dma_wait3A_162] : memref<327680xi32, #tpu.memory_space<hbm>> -> memref<80xi32, #tpu.memory_space<hbm>>
    tpu.wait_dma2 semaphore(%arg25 : memref<!tpu.dma_semaphore, #tpu.memory_space<semaphore_mem>>) src(%dma_wait3A_163 : memref<80xi32, #tpu.memory_space<hbm>>) dst(%arg12 : memref<80xi32, #tpu.memory_space<vmem>>)
    %dma_start3A_164 = arith.constant 0 : i32
    %dma_start3A_165 = arith.constant 0 : i32
    %dma_start3A_166 = tpu.memref_slice %arg2[%dma_start3A_164, %dma_start3A_165] : memref<40960x128xf32, #tpu.memory_space<hbm>> -> memref<40960x128xf32, #tpu.memory_space<hbm>>
    tpu.enqueue_indirect_dma source(%dma_start3A_166 : memref<40960x128xf32, #tpu.memory_space<hbm>>) target(%arg8 : memref<80x128xf32, #tpu.memory_space<vmem>>) offsets(%arg12 : memref<80xi32, #tpu.memory_space<vmem>>) semaphore(%arg21 : memref<!tpu.dma_semaphore, #tpu.memory_space<semaphore_mem>>)
    %scan3A = arith.constant 0 : i32
    %scan3A_167 = arith.constant 0 : i32
    %scan3A_168 = arith.constant 32 : i32
    %scan3A_169 = arith.addi %scan3A_167, %scan3A_168 : i32
    %scan3A_170 = arith.constant 1 : i32
    scf.for %scan3A_427 = %scan3A_167 to %scan3A_169 step %scan3A_170  : i32 {
      %mul3A_428 = arith.constant 4 : i32
      %mul3A_429 = arith.muli %mul3A_428, %scan3A_427 : i32
      %add3A_430 = arith.constant 0 : i32
      %add3A_431 = arith.addi %mul3A_429, %add3A_430 : i32
      %dma_wait3A_432 = arith.constant 0 : i32
      %dma_wait3A_433 = arith.constant 0 : i32
      %dma_wait3A_434 = tpu.memref_slice %arg2[%dma_wait3A_432, %dma_wait3A_433] : memref<40960x128xf32, #tpu.memory_space<hbm>> -> memref<40960x128xf32, #tpu.memory_space<hbm>>
      tpu.wait_indirect_dma semaphore(%arg20 : memref<!tpu.dma_semaphore, #tpu.memory_space<semaphore_mem>>) src(%dma_wait3A_434 : memref<40960x128xf32, #tpu.memory_space<hbm>>) dst(%arg7 : memref<80x128xf32, #tpu.memory_space<vmem>>)
      %lt3A = arith.constant 31 : i32
      %lt3A_435 = arith.cmpi slt, %scan3A_427, %lt3A : i32
      %convert_element_type3A = arith.extui %lt3A_435 : i1 to i32
      %cond3A = arith.constant 0 : i32
      %cond3A_436 = arith.cmpi ne, %convert_element_type3A, %cond3A : i32
      scf.if %cond3A_436 {
        %add3A_554 = arith.constant 4 : i32
        %add3A_555 = arith.addi %add3A_431, %add3A_554 : i32
        %mul3A_556 = arith.constant 80 : i32
        %mul3A_557 = arith.muli %add3A_555, %mul3A_556 : i32
        %add3A_558 = arith.addi %mul3A_2, %mul3A_557 : i32
        %dma_start3A_559 = tpu.memref_slice %arg3[%add3A_558] : memref<327680xi32, #tpu.memory_space<hbm>> -> memref<80xi32, #tpu.memory_space<hbm>>
        %dma_start3A_560 = tpu.memref_slice %arg3[%add3A_558] : memref<327680xi32, #tpu.memory_space<hbm>> -> memref<80xi32, #tpu.memory_space<hbm>>
        tpu.enqueue_dma source(%dma_start3A_560 : memref<80xi32, #tpu.memory_space<hbm>>) target(%arg11 : memref<80xi32, #tpu.memory_space<vmem>>) target_semaphore(%arg24 : memref<!tpu.dma_semaphore, #tpu.memory_space<semaphore_mem>>)
      } else {
      }
      %gt3A = arith.constant 0 : i32
      %gt3A_437 = arith.cmpi sgt, %scan3A_427, %gt3A : i32
      %convert_element_type3A_438 = arith.extui %gt3A_437 : i1 to i32
      %cond3A_439 = arith.constant 0 : i32
      %cond3A_440 = arith.cmpi ne, %convert_element_type3A_438, %cond3A_439 : i32
      scf.if %cond3A_440 {
        %dma_wait3A_554 = arith.constant 0 : i32
        %dma_wait3A_555 = arith.constant 0 : i32
        %dma_wait3A_556 = tpu.memref_slice %arg19[%dma_wait3A_554, %dma_wait3A_555] : memref<10240x128xf32, #tpu.memory_space<vmem_shared>> -> memref<10240x128xf32, #tpu.memory_space<vmem_shared>>
        tpu.wait_indirect_dma semaphore(%arg34 : memref<!tpu.dma_semaphore, #tpu.memory_space<semaphore_mem>>) src(%arg9 : memref<80x128xf32, #tpu.memory_space<vmem>>) dst(%dma_wait3A_556 : memref<10240x128xf32, #tpu.memory_space<vmem_shared>>)
      } else {
      }
      %dma_wait3A_441 = arith.constant 0 : i32
      %dma_wait3A_442 = tpu.memref_slice %arg3[%dma_wait3A_441] : memref<327680xi32, #tpu.memory_space<hbm>> -> memref<80xi32, #tpu.memory_space<hbm>>
      %dma_wait3A_443 = arith.constant 0 : i32
      %dma_wait3A_444 = tpu.memref_slice %arg3[%dma_wait3A_443] : memref<327680xi32, #tpu.memory_space<hbm>> -> memref<80xi32, #tpu.memory_space<hbm>>
      tpu.wait_dma2 semaphore(%arg26 : memref<!tpu.dma_semaphore, #tpu.memory_space<semaphore_mem>>) src(%dma_wait3A_444 : memref<80xi32, #tpu.memory_space<hbm>>) dst(%arg13 : memref<80xi32, #tpu.memory_space<vmem>>)
      %dma_start3A_445 = arith.constant 0 : i32
      %dma_start3A_446 = arith.constant 0 : i32
      %dma_start3A_447 = tpu.memref_slice %arg2[%dma_start3A_445, %dma_start3A_446] : memref<40960x128xf32, #tpu.memory_space<hbm>> -> memref<40960x128xf32, #tpu.memory_space<hbm>>
      tpu.enqueue_indirect_dma source(%dma_start3A_447 : memref<40960x128xf32, #tpu.memory_space<hbm>>) target(%arg9 : memref<80x128xf32, #tpu.memory_space<vmem>>) offsets(%arg13 : memref<80xi32, #tpu.memory_space<vmem>>) semaphore(%arg22 : memref<!tpu.dma_semaphore, #tpu.memory_space<semaphore_mem>>)
      %add3A_448 = arith.constant 2 : i32
      %add3A_449 = arith.addi %add3A_431, %add3A_448 : i32
      %mul3A_450 = arith.constant 80 : i32
      %mul3A_451 = arith.muli %add3A_449, %mul3A_450 : i32
      %add3A_452 = arith.addi %mul3A_2, %mul3A_451 : i32
      %dma_start3A_453 = tpu.memref_slice %arg4[%add3A_452] : memref<327680xi32, #tpu.memory_space<hbm>> -> memref<80xi32, #tpu.memory_space<hbm>>
      %dma_start3A_454 = tpu.memref_slice %arg4[%add3A_452] : memref<327680xi32, #tpu.memory_space<hbm>> -> memref<80xi32, #tpu.memory_space<hbm>>
      tpu.enqueue_dma source(%dma_start3A_454 : memref<80xi32, #tpu.memory_space<hbm>>) target(%arg17 : memref<80xi32, #tpu.memory_space<vmem>>) target_semaphore(%arg30 : memref<!tpu.dma_semaphore, #tpu.memory_space<semaphore_mem>>)
      %dma_wait3A_455 = arith.constant 0 : i32
      %dma_wait3A_456 = tpu.memref_slice %arg4[%dma_wait3A_455] : memref<327680xi32, #tpu.memory_space<hbm>> -> memref<80xi32, #tpu.memory_space<hbm>>
      %dma_wait3A_457 = arith.constant 0 : i32
      %dma_wait3A_458 = tpu.memref_slice %arg4[%dma_wait3A_457] : memref<327680xi32, #tpu.memory_space<hbm>> -> memref<80xi32, #tpu.memory_space<hbm>>
      tpu.wait_dma2 semaphore(%arg28 : memref<!tpu.dma_semaphore, #tpu.memory_space<semaphore_mem>>) src(%dma_wait3A_458 : memref<80xi32, #tpu.memory_space<hbm>>) dst(%arg15 : memref<80xi32, #tpu.memory_space<vmem>>)
      %dma_start3A_459 = arith.constant 0 : i32
      %dma_start3A_460 = arith.constant 0 : i32
      %dma_start3A_461 = tpu.memref_slice %arg19[%dma_start3A_459, %dma_start3A_460] : memref<10240x128xf32, #tpu.memory_space<vmem_shared>> -> memref<10240x128xf32, #tpu.memory_space<vmem_shared>>
      tpu.enqueue_indirect_dma source(%arg7 : memref<80x128xf32, #tpu.memory_space<vmem>>) target(%dma_start3A_461 : memref<10240x128xf32, #tpu.memory_space<vmem_shared>>) offsets(%arg15 : memref<80xi32, #tpu.memory_space<vmem>>) semaphore(%arg32 : memref<!tpu.dma_semaphore, #tpu.memory_space<semaphore_mem>>) {add = true}
      %mul3A_462 = arith.constant 4 : i32
      %mul3A_463 = arith.muli %mul3A_462, %scan3A_427 : i32
      %add3A_464 = arith.constant 1 : i32
      %add3A_465 = arith.addi %mul3A_463, %add3A_464 : i32
      %dma_wait3A_466 = arith.constant 0 : i32
      %dma_wait3A_467 = arith.constant 0 : i32
      %dma_wait3A_468 = tpu.memref_slice %arg2[%dma_wait3A_466, %dma_wait3A_467] : memref<40960x128xf32, #tpu.memory_space<hbm>> -> memref<40960x128xf32, #tpu.memory_space<hbm>>
      tpu.wait_indirect_dma semaphore(%arg21 : memref<!tpu.dma_semaphore, #tpu.memory_space<semaphore_mem>>) src(%dma_wait3A_468 : memref<40960x128xf32, #tpu.memory_space<hbm>>) dst(%arg8 : memref<80x128xf32, #tpu.memory_space<vmem>>)
      %lt3A_469 = arith.constant 31 : i32
      %lt3A_470 = arith.cmpi slt, %scan3A_427, %lt3A_469 : i32
      %convert_element_type3A_471 = arith.extui %lt3A_470 : i1 to i32
      %cond3A_472 = arith.constant 0 : i32
      %cond3A_473 = arith.cmpi ne, %convert_element_type3A_471, %cond3A_472 : i32
      scf.if %cond3A_473 {
        %add3A_554 = arith.constant 4 : i32
        %add3A_555 = arith.addi %add3A_465, %add3A_554 : i32
        %mul3A_556 = arith.constant 80 : i32
        %mul3A_557 = arith.muli %add3A_555, %mul3A_556 : i32
        %add3A_558 = arith.addi %mul3A_2, %mul3A_557 : i32
        %dma_start3A_559 = tpu.memref_slice %arg3[%add3A_558] : memref<327680xi32, #tpu.memory_space<hbm>> -> memref<80xi32, #tpu.memory_space<hbm>>
        %dma_start3A_560 = tpu.memref_slice %arg3[%add3A_558] : memref<327680xi32, #tpu.memory_space<hbm>> -> memref<80xi32, #tpu.memory_space<hbm>>
        tpu.enqueue_dma source(%dma_start3A_560 : memref<80xi32, #tpu.memory_space<hbm>>) target(%arg12 : memref<80xi32, #tpu.memory_space<vmem>>) target_semaphore(%arg25 : memref<!tpu.dma_semaphore, #tpu.memory_space<semaphore_mem>>)
      } else {
      }
      %gt3A_474 = arith.constant 0 : i32
      %gt3A_475 = arith.cmpi sgt, %scan3A_427, %gt3A_474 : i32
      %convert_element_type3A_476 = arith.extui %gt3A_475 : i1 to i32
      %cond3A_477 = arith.constant 0 : i32
      %cond3A_478 = arith.cmpi ne, %convert_element_type3A_476, %cond3A_477 : i32
      scf.if %cond3A_478 {
        %dma_wait3A_554 = arith.constant 0 : i32
        %dma_wait3A_555 = arith.constant 0 : i32
        %dma_wait3A_556 = tpu.memref_slice %arg19[%dma_wait3A_554, %dma_wait3A_555] : memref<10240x128xf32, #tpu.memory_space<vmem_shared>> -> memref<10240x128xf32, #tpu.memory_space<vmem_shared>>
        tpu.wait_indirect_dma semaphore(%arg35 : memref<!tpu.dma_semaphore, #tpu.memory_space<semaphore_mem>>) src(%arg10 : memref<80x128xf32, #tpu.memory_space<vmem>>) dst(%dma_wait3A_556 : memref<10240x128xf32, #tpu.memory_space<vmem_shared>>)
      } else {
      }
      %dma_wait3A_479 = arith.constant 0 : i32
      %dma_wait3A_480 = tpu.memref_slice %arg3[%dma_wait3A_479] : memref<327680xi32, #tpu.memory_space<hbm>> -> memref<80xi32, #tpu.memory_space<hbm>>
      %dma_wait3A_481 = arith.constant 0 : i32
      %dma_wait3A_482 = tpu.memref_slice %arg3[%dma_wait3A_481] : memref<327680xi32, #tpu.memory_space<hbm>> -> memref<80xi32, #tpu.memory_space<hbm>>
      tpu.wait_dma2 semaphore(%arg27 : memref<!tpu.dma_semaphore, #tpu.memory_space<semaphore_mem>>) src(%dma_wait3A_482 : memref<80xi32, #tpu.memory_space<hbm>>) dst(%arg14 : memref<80xi32, #tpu.memory_space<vmem>>)
      %dma_start3A_483 = arith.constant 0 : i32
      %dma_start3A_484 = arith.constant 0 : i32
      %dma_start3A_485 = tpu.memref_slice %arg2[%dma_start3A_483, %dma_start3A_484] : memref<40960x128xf32, #tpu.memory_space<hbm>> -> memref<40960x128xf32, #tpu.memory_space<hbm>>
      tpu.enqueue_indirect_dma source(%dma_start3A_485 : memref<40960x128xf32, #tpu.memory_space<hbm>>) target(%arg10 : memref<80x128xf32, #tpu.memory_space<vmem>>) offsets(%arg14 : memref<80xi32, #tpu.memory_space<vmem>>) semaphore(%arg23 : memref<!tpu.dma_semaphore, #tpu.memory_space<semaphore_mem>>)
      %add3A_486 = arith.constant 2 : i32
      %add3A_487 = arith.addi %add3A_465, %add3A_486 : i32
      %mul3A_488 = arith.constant 80 : i32
      %mul3A_489 = arith.muli %add3A_487, %mul3A_488 : i32
      %add3A_490 = arith.addi %mul3A_2, %mul3A_489 : i32
      %dma_start3A_491 = tpu.memref_slice %arg4[%add3A_490] : memref<327680xi32, #tpu.memory_space<hbm>> -> memref<80xi32, #tpu.memory_space<hbm>>
      %dma_start3A_492 = tpu.memref_slice %arg4[%add3A_490] : memref<327680xi32, #tpu.memory_space<hbm>> -> memref<80xi32, #tpu.memory_space<hbm>>
      tpu.enqueue_dma source(%dma_start3A_492 : memref<80xi32, #tpu.memory_space<hbm>>) target(%arg18 : memref<80xi32, #tpu.memory_space<vmem>>) target_semaphore(%arg31 : memref<!tpu.dma_semaphore, #tpu.memory_space<semaphore_mem>>)
      %dma_wait3A_493 = arith.constant 0 : i32
      %dma_wait3A_494 = tpu.memref_slice %arg4[%dma_wait3A_493] : memref<327680xi32, #tpu.memory_space<hbm>> -> memref<80xi32, #tpu.memory_space<hbm>>
      %dma_wait3A_495 = arith.constant 0 : i32
      %dma_wait3A_496 = tpu.memref_slice %arg4[%dma_wait3A_495] : memref<327680xi32, #tpu.memory_space<hbm>> -> memref<80xi32, #tpu.memory_space<hbm>>
      tpu.wait_dma2 semaphore(%arg29 : memref<!tpu.dma_semaphore, #tpu.memory_space<semaphore_mem>>) src(%dma_wait3A_496 : memref<80xi32, #tpu.memory_space<hbm>>) dst(%arg16 : memref<80xi32, #tpu.memory_space<vmem>>)
      %dma_start3A_497 = arith.constant 0 : i32
      %dma_start3A_498 = arith.constant 0 : i32
      %dma_start3A_499 = tpu.memref_slice %arg19[%dma_start3A_497, %dma_start3A_498] : memref<10240x128xf32, #tpu.memory_space<vmem_shared>> -> memref<10240x128xf32, #tpu.memory_space<vmem_shared>>
      tpu.enqueue_indirect_dma source(%arg8 : memref<80x128xf32, #tpu.memory_space<vmem>>) target(%dma_start3A_499 : memref<10240x128xf32, #tpu.memory_space<vmem_shared>>) offsets(%arg16 : memref<80xi32, #tpu.memory_space<vmem>>) semaphore(%arg33 : memref<!tpu.dma_semaphore, #tpu.memory_space<semaphore_mem>>) {add = true}
      %mul3A_500 = arith.constant 4 : i32
      %mul3A_501 = arith.muli %mul3A_500, %scan3A_427 : i32
      %add3A_502 = arith.constant 2 : i32
      %add3A_503 = arith.addi %mul3A_501, %add3A_502 : i32
      %dma_wait3A_504 = arith.constant 0 : i32
      %dma_wait3A_505 = arith.constant 0 : i32
      %dma_wait3A_506 = tpu.memref_slice %arg2[%dma_wait3A_504, %dma_wait3A_505] : memref<40960x128xf32, #tpu.memory_space<hbm>> -> memref<40960x128xf32, #tpu.memory_space<hbm>>
      tpu.wait_indirect_dma semaphore(%arg22 : memref<!tpu.dma_semaphore, #tpu.memory_space<semaphore_mem>>) src(%dma_wait3A_506 : memref<40960x128xf32, #tpu.memory_space<hbm>>) dst(%arg9 : memref<80x128xf32, #tpu.memory_space<vmem>>)
      %lt3A_507 = arith.constant 31 : i32
      %lt3A_508 = arith.cmpi slt, %scan3A_427, %lt3A_507 : i32
      %convert_element_type3A_509 = arith.extui %lt3A_508 : i1 to i32
      %cond3A_510 = arith.constant 0 : i32
      %cond3A_511 = arith.cmpi ne, %convert_element_type3A_509, %cond3A_510 : i32
      scf.if %cond3A_511 {
        %add3A_554 = arith.constant 4 : i32
        %add3A_555 = arith.addi %add3A_503, %add3A_554 : i32
        %mul3A_556 = arith.constant 80 : i32
        %mul3A_557 = arith.muli %add3A_555, %mul3A_556 : i32
        %add3A_558 = arith.addi %mul3A_2, %mul3A_557 : i32
        %dma_start3A_559 = tpu.memref_slice %arg3[%add3A_558] : memref<327680xi32, #tpu.memory_space<hbm>> -> memref<80xi32, #tpu.memory_space<hbm>>
        %dma_start3A_560 = tpu.memref_slice %arg3[%add3A_558] : memref<327680xi32, #tpu.memory_space<hbm>> -> memref<80xi32, #tpu.memory_space<hbm>>
        tpu.enqueue_dma source(%dma_start3A_560 : memref<80xi32, #tpu.memory_space<hbm>>) target(%arg13 : memref<80xi32, #tpu.memory_space<vmem>>) target_semaphore(%arg26 : memref<!tpu.dma_semaphore, #tpu.memory_space<semaphore_mem>>)
      } else {
      }
      %dma_wait3A_512 = arith.constant 0 : i32
      %dma_wait3A_513 = arith.constant 0 : i32
      %dma_wait3A_514 = tpu.memref_slice %arg19[%dma_wait3A_512, %dma_wait3A_513] : memref<10240x128xf32, #tpu.memory_space<vmem_shared>> -> memref<10240x128xf32, #tpu.memory_space<vmem_shared>>
      tpu.wait_indirect_dma semaphore(%arg32 : memref<!tpu.dma_semaphore, #tpu.memory_space<semaphore_mem>>) src(%arg7 : memref<80x128xf32, #tpu.memory_space<vmem>>) dst(%dma_wait3A_514 : memref<10240x128xf32, #tpu.memory_space<vmem_shared>>)
      %lt3A_515 = arith.constant 31 : i32
      %lt3A_516 = arith.cmpi slt, %scan3A_427, %lt3A_515 : i32
      %convert_element_type3A_517 = arith.extui %lt3A_516 : i1 to i32
      %cond3A_518 = arith.constant 0 : i32
      %cond3A_519 = arith.cmpi ne, %convert_element_type3A_517, %cond3A_518 : i32
      scf.if %cond3A_519 {
        %dma_wait3A_554 = arith.constant 0 : i32
        %dma_wait3A_555 = tpu.memref_slice %arg3[%dma_wait3A_554] : memref<327680xi32, #tpu.memory_space<hbm>> -> memref<80xi32, #tpu.memory_space<hbm>>
        %dma_wait3A_556 = arith.constant 0 : i32
        %dma_wait3A_557 = tpu.memref_slice %arg3[%dma_wait3A_556] : memref<327680xi32, #tpu.memory_space<hbm>> -> memref<80xi32, #tpu.memory_space<hbm>>
        tpu.wait_dma2 semaphore(%arg24 : memref<!tpu.dma_semaphore, #tpu.memory_space<semaphore_mem>>) src(%dma_wait3A_557 : memref<80xi32, #tpu.memory_space<hbm>>) dst(%arg11 : memref<80xi32, #tpu.memory_space<vmem>>)
        %dma_start3A_558 = arith.constant 0 : i32
        %dma_start3A_559 = arith.constant 0 : i32
        %dma_start3A_560 = tpu.memref_slice %arg2[%dma_start3A_558, %dma_start3A_559] : memref<40960x128xf32, #tpu.memory_space<hbm>> -> memref<40960x128xf32, #tpu.memory_space<hbm>>
        tpu.enqueue_indirect_dma source(%dma_start3A_560 : memref<40960x128xf32, #tpu.memory_space<hbm>>) target(%arg7 : memref<80x128xf32, #tpu.memory_space<vmem>>) offsets(%arg11 : memref<80xi32, #tpu.memory_space<vmem>>) semaphore(%arg20 : memref<!tpu.dma_semaphore, #tpu.memory_space<semaphore_mem>>)
        %add3A_561 = arith.constant 2 : i32
        %add3A_562 = arith.addi %add3A_503, %add3A_561 : i32
        %mul3A_563 = arith.constant 80 : i32
        %mul3A_564 = arith.muli %add3A_562, %mul3A_563 : i32
        %add3A_565 = arith.addi %mul3A_2, %mul3A_564 : i32
        %dma_start3A_566 = tpu.memref_slice %arg4[%add3A_565] : memref<327680xi32, #tpu.memory_space<hbm>> -> memref<80xi32, #tpu.memory_space<hbm>>
        %dma_start3A_567 = tpu.memref_slice %arg4[%add3A_565] : memref<327680xi32, #tpu.memory_space<hbm>> -> memref<80xi32, #tpu.memory_space<hbm>>
        tpu.enqueue_dma source(%dma_start3A_567 : memref<80xi32, #tpu.memory_space<hbm>>) target(%arg15 : memref<80xi32, #tpu.memory_space<vmem>>) target_semaphore(%arg28 : memref<!tpu.dma_semaphore, #tpu.memory_space<semaphore_mem>>)
      } else {
      }
      %dma_wait3A_520 = arith.constant 0 : i32
      %dma_wait3A_521 = tpu.memref_slice %arg4[%dma_wait3A_520] : memref<327680xi32, #tpu.memory_space<hbm>> -> memref<80xi32, #tpu.memory_space<hbm>>
      %dma_wait3A_522 = arith.constant 0 : i32
      %dma_wait3A_523 = tpu.memref_slice %arg4[%dma_wait3A_522] : memref<327680xi32, #tpu.memory_space<hbm>> -> memref<80xi32, #tpu.memory_space<hbm>>
      tpu.wait_dma2 semaphore(%arg30 : memref<!tpu.dma_semaphore, #tpu.memory_space<semaphore_mem>>) src(%dma_wait3A_523 : memref<80xi32, #tpu.memory_space<hbm>>) dst(%arg17 : memref<80xi32, #tpu.memory_space<vmem>>)
      %dma_start3A_524 = arith.constant 0 : i32
      %dma_start3A_525 = arith.constant 0 : i32
      %dma_start3A_526 = tpu.memref_slice %arg19[%dma_start3A_524, %dma_start3A_525] : memref<10240x128xf32, #tpu.memory_space<vmem_shared>> -> memref<10240x128xf32, #tpu.memory_space<vmem_shared>>
      tpu.enqueue_indirect_dma source(%arg9 : memref<80x128xf32, #tpu.memory_space<vmem>>) target(%dma_start3A_526 : memref<10240x128xf32, #tpu.memory_space<vmem_shared>>) offsets(%arg17 : memref<80xi32, #tpu.memory_space<vmem>>) semaphore(%arg34 : memref<!tpu.dma_semaphore, #tpu.memory_space<semaphore_mem>>) {add = true}
      %mul3A_527 = arith.constant 4 : i32
      %mul3A_528 = arith.muli %mul3A_527, %scan3A_427 : i32
      %add3A_529 = arith.constant 3 : i32
      %add3A_530 = arith.addi %mul3A_528, %add3A_529 : i32
      %dma_wait3A_531 = arith.constant 0 : i32
      %dma_wait3A_532 = arith.constant 0 : i32
      %dma_wait3A_533 = tpu.memref_slice %arg2[%dma_wait3A_531, %dma_wait3A_532] : memref<40960x128xf32, #tpu.memory_space<hbm>> -> memref<40960x128xf32, #tpu.memory_space<hbm>>
      tpu.wait_indirect_dma semaphore(%arg23 : memref<!tpu.dma_semaphore, #tpu.memory_space<semaphore_mem>>) src(%dma_wait3A_533 : memref<40960x128xf32, #tpu.memory_space<hbm>>) dst(%arg10 : memref<80x128xf32, #tpu.memory_space<vmem>>)
      %lt3A_534 = arith.constant 31 : i32
      %lt3A_535 = arith.cmpi slt, %scan3A_427, %lt3A_534 : i32
      %convert_element_type3A_536 = arith.extui %lt3A_535 : i1 to i32
      %cond3A_537 = arith.constant 0 : i32
      %cond3A_538 = arith.cmpi ne, %convert_element_type3A_536, %cond3A_537 : i32
      scf.if %cond3A_538 {
        %add3A_554 = arith.constant 4 : i32
        %add3A_555 = arith.addi %add3A_530, %add3A_554 : i32
        %mul3A_556 = arith.constant 80 : i32
        %mul3A_557 = arith.muli %add3A_555, %mul3A_556 : i32
        %add3A_558 = arith.addi %mul3A_2, %mul3A_557 : i32
        %dma_start3A_559 = tpu.memref_slice %arg3[%add3A_558] : memref<327680xi32, #tpu.memory_space<hbm>> -> memref<80xi32, #tpu.memory_space<hbm>>
        %dma_start3A_560 = tpu.memref_slice %arg3[%add3A_558] : memref<327680xi32, #tpu.memory_space<hbm>> -> memref<80xi32, #tpu.memory_space<hbm>>
        tpu.enqueue_dma source(%dma_start3A_560 : memref<80xi32, #tpu.memory_space<hbm>>) target(%arg14 : memref<80xi32, #tpu.memory_space<vmem>>) target_semaphore(%arg27 : memref<!tpu.dma_semaphore, #tpu.memory_space<semaphore_mem>>)
      } else {
      }
      %dma_wait3A_539 = arith.constant 0 : i32
      %dma_wait3A_540 = arith.constant 0 : i32
      %dma_wait3A_541 = tpu.memref_slice %arg19[%dma_wait3A_539, %dma_wait3A_540] : memref<10240x128xf32, #tpu.memory_space<vmem_shared>> -> memref<10240x128xf32, #tpu.memory_space<vmem_shared>>
      tpu.wait_indirect_dma semaphore(%arg33 : memref<!tpu.dma_semaphore, #tpu.memory_space<semaphore_mem>>) src(%arg8 : memref<80x128xf32, #tpu.memory_space<vmem>>) dst(%dma_wait3A_541 : memref<10240x128xf32, #tpu.memory_space<vmem_shared>>)
      %lt3A_542 = arith.constant 31 : i32
      %lt3A_543 = arith.cmpi slt, %scan3A_427, %lt3A_542 : i32
      %convert_element_type3A_544 = arith.extui %lt3A_543 : i1 to i32
      %cond3A_545 = arith.constant 0 : i32
      %cond3A_546 = arith.cmpi ne, %convert_element_type3A_544, %cond3A_545 : i32
      scf.if %cond3A_546 {
        %dma_wait3A_554 = arith.constant 0 : i32
        %dma_wait3A_555 = tpu.memref_slice %arg3[%dma_wait3A_554] : memref<327680xi32, #tpu.memory_space<hbm>> -> memref<80xi32, #tpu.memory_space<hbm>>
        %dma_wait3A_556 = arith.constant 0 : i32
        %dma_wait3A_557 = tpu.memref_slice %arg3[%dma_wait3A_556] : memref<327680xi32, #tpu.memory_space<hbm>> -> memref<80xi32, #tpu.memory_space<hbm>>
        tpu.wait_dma2 semaphore(%arg25 : memref<!tpu.dma_semaphore, #tpu.memory_space<semaphore_mem>>) src(%dma_wait3A_557 : memref<80xi32, #tpu.memory_space<hbm>>) dst(%arg12 : memref<80xi32, #tpu.memory_space<vmem>>)
        %dma_start3A_558 = arith.constant 0 : i32
        %dma_start3A_559 = arith.constant 0 : i32
        %dma_start3A_560 = tpu.memref_slice %arg2[%dma_start3A_558, %dma_start3A_559] : memref<40960x128xf32, #tpu.memory_space<hbm>> -> memref<40960x128xf32, #tpu.memory_space<hbm>>
        tpu.enqueue_indirect_dma source(%dma_start3A_560 : memref<40960x128xf32, #tpu.memory_space<hbm>>) target(%arg8 : memref<80x128xf32, #tpu.memory_space<vmem>>) offsets(%arg12 : memref<80xi32, #tpu.memory_space<vmem>>) semaphore(%arg21 : memref<!tpu.dma_semaphore, #tpu.memory_space<semaphore_mem>>)
        %add3A_561 = arith.constant 2 : i32
        %add3A_562 = arith.addi %add3A_530, %add3A_561 : i32
        %mul3A_563 = arith.constant 80 : i32
        %mul3A_564 = arith.muli %add3A_562, %mul3A_563 : i32
        %add3A_565 = arith.addi %mul3A_2, %mul3A_564 : i32
        %dma_start3A_566 = tpu.memref_slice %arg4[%add3A_565] : memref<327680xi32, #tpu.memory_space<hbm>> -> memref<80xi32, #tpu.memory_space<hbm>>
        %dma_start3A_567 = tpu.memref_slice %arg4[%add3A_565] : memref<327680xi32, #tpu.memory_space<hbm>> -> memref<80xi32, #tpu.memory_space<hbm>>
        tpu.enqueue_dma source(%dma_start3A_567 : memref<80xi32, #tpu.memory_space<hbm>>) target(%arg16 : memref<80xi32, #tpu.memory_space<vmem>>) target_semaphore(%arg29 : memref<!tpu.dma_semaphore, #tpu.memory_space<semaphore_mem>>)
      } else {
      }
      %dma_wait3A_547 = arith.constant 0 : i32
      %dma_wait3A_548 = tpu.memref_slice %arg4[%dma_wait3A_547] : memref<327680xi32, #tpu.memory_space<hbm>> -> memref<80xi32, #tpu.memory_space<hbm>>
      %dma_wait3A_549 = arith.constant 0 : i32
      %dma_wait3A_550 = tpu.memref_slice %arg4[%dma_wait3A_549] : memref<327680xi32, #tpu.memory_space<hbm>> -> memref<80xi32, #tpu.memory_space<hbm>>
      tpu.wait_dma2 semaphore(%arg31 : memref<!tpu.dma_semaphore, #tpu.memory_space<semaphore_mem>>) src(%dma_wait3A_550 : memref<80xi32, #tpu.memory_space<hbm>>) dst(%arg18 : memref<80xi32, #tpu.memory_space<vmem>>)
      %dma_start3A_551 = arith.constant 0 : i32
      %dma_start3A_552 = arith.constant 0 : i32
      %dma_start3A_553 = tpu.memref_slice %arg19[%dma_start3A_551, %dma_start3A_552] : memref<10240x128xf32, #tpu.memory_space<vmem_shared>> -> memref<10240x128xf32, #tpu.memory_space<vmem_shared>>
      tpu.enqueue_indirect_dma source(%arg10 : memref<80x128xf32, #tpu.memory_space<vmem>>) target(%dma_start3A_553 : memref<10240x128xf32, #tpu.memory_space<vmem_shared>>) offsets(%arg18 : memref<80xi32, #tpu.memory_space<vmem>>) semaphore(%arg35 : memref<!tpu.dma_semaphore, #tpu.memory_space<semaphore_mem>>) {add = true}
    }
    %scan3A_171 = arith.constant 32 : i32
    %dma_wait3A_172 = arith.constant 0 : i32
    %dma_wait3A_173 = arith.constant 0 : i32
    %dma_wait3A_174 = tpu.memref_slice %arg19[%dma_wait3A_172, %dma_wait3A_173] : memref<10240x128xf32, #tpu.memory_space<vmem_shared>> -> memref<10240x128xf32, #tpu.memory_space<vmem_shared>>
    tpu.wait_indirect_dma semaphore(%arg34 : memref<!tpu.dma_semaphore, #tpu.memory_space<semaphore_mem>>) src(%arg9 : memref<80x128xf32, #tpu.memory_space<vmem>>) dst(%dma_wait3A_174 : memref<10240x128xf32, #tpu.memory_space<vmem_shared>>)
    %dma_wait3A_175 = arith.constant 0 : i32
    %dma_wait3A_176 = arith.constant 0 : i32
    %dma_wait3A_177 = tpu.memref_slice %arg19[%dma_wait3A_175, %dma_wait3A_176] : memref<10240x128xf32, #tpu.memory_space<vmem_shared>> -> memref<10240x128xf32, #tpu.memory_space<vmem_shared>>
    tpu.wait_indirect_dma semaphore(%arg35 : memref<!tpu.dma_semaphore, #tpu.memory_space<semaphore_mem>>) src(%arg10 : memref<80x128xf32, #tpu.memory_space<vmem>>) dst(%dma_wait3A_177 : memref<10240x128xf32, #tpu.memory_space<vmem_shared>>)
    %barrier3A_178 = arith.constant 0 : index
    tpu.barrier barrier_id(%barrier3A_178)
    %mul3A_179 = arith.constant 640 : i32
    %mul3A_180 = arith.muli %arg1, %mul3A_179 : i32
    %add3A_181 = arith.constant 0 : i32
    %add3A_182 = arith.addi %mul3A_180, %add3A_181 : i32
    %dma_start3A_183 = arith.constant 0 : i32
    %dma_start3A_184 = tpu.memref_slice %arg19[%add3A_182, %dma_start3A_183] : memref<10240x128xf32, #tpu.memory_space<vmem_shared>> -> memref<80x128xf32, #tpu.memory_space<vmem_shared>>
    %dma_start3A_185 = arith.constant 0 : i32
    %dma_start3A_186 = tpu.memref_slice %arg19[%add3A_182, %dma_start3A_185] : memref<10240x128xf32, #tpu.memory_space<vmem_shared>> -> memref<80x128xf32, #tpu.memory_space<vmem_shared>>
    tpu.enqueue_dma source(%dma_start3A_186 : memref<80x128xf32, #tpu.memory_space<vmem_shared>>) target(%arg7 : memref<80x128xf32, #tpu.memory_space<vmem>>) target_semaphore(%arg20 : memref<!tpu.dma_semaphore, #tpu.memory_space<semaphore_mem>>)
    %mul3A_187 = arith.constant 640 : i32
    %mul3A_188 = arith.muli %arg1, %mul3A_187 : i32
    %add3A_189 = arith.constant 80 : i32
    %add3A_190 = arith.addi %mul3A_188, %add3A_189 : i32
    %dma_start3A_191 = arith.constant 0 : i32
    %dma_start3A_192 = tpu.memref_slice %arg19[%add3A_190, %dma_start3A_191] : memref<10240x128xf32, #tpu.memory_space<vmem_shared>> -> memref<80x128xf32, #tpu.memory_space<vmem_shared>>
    %dma_start3A_193 = arith.constant 0 : i32
    %dma_start3A_194 = tpu.memref_slice %arg19[%add3A_190, %dma_start3A_193] : memref<10240x128xf32, #tpu.memory_space<vmem_shared>> -> memref<80x128xf32, #tpu.memory_space<vmem_shared>>
    tpu.enqueue_dma source(%dma_start3A_194 : memref<80x128xf32, #tpu.memory_space<vmem_shared>>) target(%arg8 : memref<80x128xf32, #tpu.memory_space<vmem>>) target_semaphore(%arg21 : memref<!tpu.dma_semaphore, #tpu.memory_space<semaphore_mem>>)
    %mul3A_195 = arith.constant 640 : i32
    %mul3A_196 = arith.muli %arg1, %mul3A_195 : i32
    %add3A_197 = arith.constant 160 : i32
    %add3A_198 = arith.addi %mul3A_196, %add3A_197 : i32
    %dma_start3A_199 = arith.constant 0 : i32
    %dma_start3A_200 = tpu.memref_slice %arg19[%add3A_198, %dma_start3A_199] : memref<10240x128xf32, #tpu.memory_space<vmem_shared>> -> memref<80x128xf32, #tpu.memory_space<vmem_shared>>
    %dma_start3A_201 = arith.constant 0 : i32
    %dma_start3A_202 = tpu.memref_slice %arg19[%add3A_198, %dma_start3A_201] : memref<10240x128xf32, #tpu.memory_space<vmem_shared>> -> memref<80x128xf32, #tpu.memory_space<vmem_shared>>
    tpu.enqueue_dma source(%dma_start3A_202 : memref<80x128xf32, #tpu.memory_space<vmem_shared>>) target(%arg9 : memref<80x128xf32, #tpu.memory_space<vmem>>) target_semaphore(%arg22 : memref<!tpu.dma_semaphore, #tpu.memory_space<semaphore_mem>>)
    %mul3A_203 = arith.constant 640 : i32
    %mul3A_204 = arith.muli %arg1, %mul3A_203 : i32
    %add3A_205 = arith.constant 240 : i32
    %add3A_206 = arith.addi %mul3A_204, %add3A_205 : i32
    %dma_start3A_207 = arith.constant 0 : i32
    %dma_start3A_208 = tpu.memref_slice %arg19[%add3A_206, %dma_start3A_207] : memref<10240x128xf32, #tpu.memory_space<vmem_shared>> -> memref<80x128xf32, #tpu.memory_space<vmem_shared>>
    %dma_start3A_209 = arith.constant 0 : i32
    %dma_start3A_210 = tpu.memref_slice %arg19[%add3A_206, %dma_start3A_209] : memref<10240x128xf32, #tpu.memory_space<vmem_shared>> -> memref<80x128xf32, #tpu.memory_space<vmem_shared>>
    tpu.enqueue_dma source(%dma_start3A_210 : memref<80x128xf32, #tpu.memory_space<vmem_shared>>) target(%arg10 : memref<80x128xf32, #tpu.memory_space<vmem>>) target_semaphore(%arg23 : memref<!tpu.dma_semaphore, #tpu.memory_space<semaphore_mem>>)
    %dma_wait3A_211 = arith.constant 0 : i32
    %dma_wait3A_212 = arith.constant 0 : i32
    %dma_wait3A_213 = tpu.memref_slice %arg19[%dma_wait3A_211, %dma_wait3A_212] : memref<10240x128xf32, #tpu.memory_space<vmem_shared>> -> memref<80x128xf32, #tpu.memory_space<vmem_shared>>
    %dma_wait3A_214 = arith.constant 0 : i32
    %dma_wait3A_215 = arith.constant 0 : i32
    %dma_wait3A_216 = tpu.memref_slice %arg19[%dma_wait3A_214, %dma_wait3A_215] : memref<10240x128xf32, #tpu.memory_space<vmem_shared>> -> memref<80x128xf32, #tpu.memory_space<vmem_shared>>
    tpu.wait_dma2 semaphore(%arg20 : memref<!tpu.dma_semaphore, #tpu.memory_space<semaphore_mem>>) src(%dma_wait3A_216 : memref<80x128xf32, #tpu.memory_space<vmem_shared>>) dst(%arg7 : memref<80x128xf32, #tpu.memory_space<vmem>>)
    %mul3A_217 = arith.constant 10240 : i32
    %mul3A_218 = arith.muli %arg0, %mul3A_217 : i32
    %mul3A_219 = arith.constant 640 : i32
    %mul3A_220 = arith.muli %arg1, %mul3A_219 : i32
    %add3A_221 = arith.addi %mul3A_218, %mul3A_220 : i32
    %add3A_222 = arith.constant 0 : i32
    %add3A_223 = arith.addi %add3A_221, %add3A_222 : i32
    %dma_start3A_224 = arith.constant 0 : i32
    %dma_start3A_225 = tpu.memref_slice %arg6[%add3A_223, %dma_start3A_224] : memref<20480x128xf32, #tpu.memory_space<hbm>> -> memref<80x128xf32, #tpu.memory_space<hbm>>
    %dma_start3A_226 = arith.constant 0 : i32
    %dma_start3A_227 = tpu.memref_slice %arg6[%add3A_223, %dma_start3A_226] : memref<20480x128xf32, #tpu.memory_space<hbm>> -> memref<80x128xf32, #tpu.memory_space<hbm>>
    tpu.enqueue_dma source(%arg7 : memref<80x128xf32, #tpu.memory_space<vmem>>) target(%dma_start3A_227 : memref<80x128xf32, #tpu.memory_space<hbm>>) target_semaphore(%arg32 : memref<!tpu.dma_semaphore, #tpu.memory_space<semaphore_mem>>)
    %dma_wait3A_228 = arith.constant 0 : i32
    %dma_wait3A_229 = arith.constant 0 : i32
    %dma_wait3A_230 = tpu.memref_slice %arg6[%dma_wait3A_228, %dma_wait3A_229] : memref<20480x128xf32, #tpu.memory_space<hbm>> -> memref<80x128xf32, #tpu.memory_space<hbm>>
    %dma_wait3A_231 = arith.constant 0 : i32
    %dma_wait3A_232 = arith.constant 0 : i32
    %dma_wait3A_233 = tpu.memref_slice %arg6[%dma_wait3A_231, %dma_wait3A_232] : memref<20480x128xf32, #tpu.memory_space<hbm>> -> memref<80x128xf32, #tpu.memory_space<hbm>>
    tpu.wait_dma2 semaphore(%arg32 : memref<!tpu.dma_semaphore, #tpu.memory_space<semaphore_mem>>) src(%arg7 : memref<80x128xf32, #tpu.memory_space<vmem>>) dst(%dma_wait3A_233 : memref<80x128xf32, #tpu.memory_space<hbm>>)
    %mul3A_234 = arith.constant 640 : i32
    %mul3A_235 = arith.muli %arg1, %mul3A_234 : i32
    %add3A_236 = arith.constant 320 : i32
    %add3A_237 = arith.addi %mul3A_235, %add3A_236 : i32
    %dma_start3A_238 = arith.constant 0 : i32
    %dma_start3A_239 = tpu.memref_slice %arg19[%add3A_237, %dma_start3A_238] : memref<10240x128xf32, #tpu.memory_space<vmem_shared>> -> memref<80x128xf32, #tpu.memory_space<vmem_shared>>
    %dma_start3A_240 = arith.constant 0 : i32
    %dma_start3A_241 = tpu.memref_slice %arg19[%add3A_237, %dma_start3A_240] : memref<10240x128xf32, #tpu.memory_space<vmem_shared>> -> memref<80x128xf32, #tpu.memory_space<vmem_shared>>
    tpu.enqueue_dma source(%dma_start3A_241 : memref<80x128xf32, #tpu.memory_space<vmem_shared>>) target(%arg7 : memref<80x128xf32, #tpu.memory_space<vmem>>) target_semaphore(%arg20 : memref<!tpu.dma_semaphore, #tpu.memory_space<semaphore_mem>>)
    %dma_wait3A_242 = arith.constant 0 : i32
    %dma_wait3A_243 = arith.constant 0 : i32
    %dma_wait3A_244 = tpu.memref_slice %arg19[%dma_wait3A_242, %dma_wait3A_243] : memref<10240x128xf32, #tpu.memory_space<vmem_shared>> -> memref<80x128xf32, #tpu.memory_space<vmem_shared>>
    %dma_wait3A_245 = arith.constant 0 : i32
    %dma_wait3A_246 = arith.constant 0 : i32
    %dma_wait3A_247 = tpu.memref_slice %arg19[%dma_wait3A_245, %dma_wait3A_246] : memref<10240x128xf32, #tpu.memory_space<vmem_shared>> -> memref<80x128xf32, #tpu.memory_space<vmem_shared>>
    tpu.wait_dma2 semaphore(%arg21 : memref<!tpu.dma_semaphore, #tpu.memory_space<semaphore_mem>>) src(%dma_wait3A_247 : memref<80x128xf32, #tpu.memory_space<vmem_shared>>) dst(%arg8 : memref<80x128xf32, #tpu.memory_space<vmem>>)
    %mul3A_248 = arith.constant 10240 : i32
    %mul3A_249 = arith.muli %arg0, %mul3A_248 : i32
    %mul3A_250 = arith.constant 640 : i32
    %mul3A_251 = arith.muli %arg1, %mul3A_250 : i32
    %add3A_252 = arith.addi %mul3A_249, %mul3A_251 : i32
    %add3A_253 = arith.constant 80 : i32
    %add3A_254 = arith.addi %add3A_252, %add3A_253 : i32
    %dma_start3A_255 = arith.constant 0 : i32
    %dma_start3A_256 = tpu.memref_slice %arg6[%add3A_254, %dma_start3A_255] : memref<20480x128xf32, #tpu.memory_space<hbm>> -> memref<80x128xf32, #tpu.memory_space<hbm>>
    %dma_start3A_257 = arith.constant 0 : i32
    %dma_start3A_258 = tpu.memref_slice %arg6[%add3A_254, %dma_start3A_257] : memref<20480x128xf32, #tpu.memory_space<hbm>> -> memref<80x128xf32, #tpu.memory_space<hbm>>
    tpu.enqueue_dma source(%arg8 : memref<80x128xf32, #tpu.memory_space<vmem>>) target(%dma_start3A_258 : memref<80x128xf32, #tpu.memory_space<hbm>>) target_semaphore(%arg33 : memref<!tpu.dma_semaphore, #tpu.memory_space<semaphore_mem>>)
    %dma_wait3A_259 = arith.constant 0 : i32
    %dma_wait3A_260 = arith.constant 0 : i32
    %dma_wait3A_261 = tpu.memref_slice %arg6[%dma_wait3A_259, %dma_wait3A_260] : memref<20480x128xf32, #tpu.memory_space<hbm>> -> memref<80x128xf32, #tpu.memory_space<hbm>>
    %dma_wait3A_262 = arith.constant 0 : i32
    %dma_wait3A_263 = arith.constant 0 : i32
    %dma_wait3A_264 = tpu.memref_slice %arg6[%dma_wait3A_262, %dma_wait3A_263] : memref<20480x128xf32, #tpu.memory_space<hbm>> -> memref<80x128xf32, #tpu.memory_space<hbm>>
    tpu.wait_dma2 semaphore(%arg33 : memref<!tpu.dma_semaphore, #tpu.memory_space<semaphore_mem>>) src(%arg8 : memref<80x128xf32, #tpu.memory_space<vmem>>) dst(%dma_wait3A_264 : memref<80x128xf32, #tpu.memory_space<hbm>>)
    %mul3A_265 = arith.constant 640 : i32
    %mul3A_266 = arith.muli %arg1, %mul3A_265 : i32
    %add3A_267 = arith.constant 400 : i32
    %add3A_268 = arith.addi %mul3A_266, %add3A_267 : i32
    %dma_start3A_269 = arith.constant 0 : i32
    %dma_start3A_270 = tpu.memref_slice %arg19[%add3A_268, %dma_start3A_269] : memref<10240x128xf32, #tpu.memory_space<vmem_shared>> -> memref<80x128xf32, #tpu.memory_space<vmem_shared>>
    %dma_start3A_271 = arith.constant 0 : i32
    %dma_start3A_272 = tpu.memref_slice %arg19[%add3A_268, %dma_start3A_271] : memref<10240x128xf32, #tpu.memory_space<vmem_shared>> -> memref<80x128xf32, #tpu.memory_space<vmem_shared>>
    tpu.enqueue_dma source(%dma_start3A_272 : memref<80x128xf32, #tpu.memory_space<vmem_shared>>) target(%arg8 : memref<80x128xf32, #tpu.memory_space<vmem>>) target_semaphore(%arg21 : memref<!tpu.dma_semaphore, #tpu.memory_space<semaphore_mem>>)
    %dma_wait3A_273 = arith.constant 0 : i32
    %dma_wait3A_274 = arith.constant 0 : i32
    %dma_wait3A_275 = tpu.memref_slice %arg19[%dma_wait3A_273, %dma_wait3A_274] : memref<10240x128xf32, #tpu.memory_space<vmem_shared>> -> memref<80x128xf32, #tpu.memory_space<vmem_shared>>
    %dma_wait3A_276 = arith.constant 0 : i32
    %dma_wait3A_277 = arith.constant 0 : i32
    %dma_wait3A_278 = tpu.memref_slice %arg19[%dma_wait3A_276, %dma_wait3A_277] : memref<10240x128xf32, #tpu.memory_space<vmem_shared>> -> memref<80x128xf32, #tpu.memory_space<vmem_shared>>
    tpu.wait_dma2 semaphore(%arg22 : memref<!tpu.dma_semaphore, #tpu.memory_space<semaphore_mem>>) src(%dma_wait3A_278 : memref<80x128xf32, #tpu.memory_space<vmem_shared>>) dst(%arg9 : memref<80x128xf32, #tpu.memory_space<vmem>>)
    %mul3A_279 = arith.constant 10240 : i32
    %mul3A_280 = arith.muli %arg0, %mul3A_279 : i32
    %mul3A_281 = arith.constant 640 : i32
    %mul3A_282 = arith.muli %arg1, %mul3A_281 : i32
    %add3A_283 = arith.addi %mul3A_280, %mul3A_282 : i32
    %add3A_284 = arith.constant 160 : i32
    %add3A_285 = arith.addi %add3A_283, %add3A_284 : i32
    %dma_start3A_286 = arith.constant 0 : i32
    %dma_start3A_287 = tpu.memref_slice %arg6[%add3A_285, %dma_start3A_286] : memref<20480x128xf32, #tpu.memory_space<hbm>> -> memref<80x128xf32, #tpu.memory_space<hbm>>
    %dma_start3A_288 = arith.constant 0 : i32
    %dma_start3A_289 = tpu.memref_slice %arg6[%add3A_285, %dma_start3A_288] : memref<20480x128xf32, #tpu.memory_space<hbm>> -> memref<80x128xf32, #tpu.memory_space<hbm>>
    tpu.enqueue_dma source(%arg9 : memref<80x128xf32, #tpu.memory_space<vmem>>) target(%dma_start3A_289 : memref<80x128xf32, #tpu.memory_space<hbm>>) target_semaphore(%arg34 : memref<!tpu.dma_semaphore, #tpu.memory_space<semaphore_mem>>)
    %dma_wait3A_290 = arith.constant 0 : i32
    %dma_wait3A_291 = arith.constant 0 : i32
    %dma_wait3A_292 = tpu.memref_slice %arg6[%dma_wait3A_290, %dma_wait3A_291] : memref<20480x128xf32, #tpu.memory_space<hbm>> -> memref<80x128xf32, #tpu.memory_space<hbm>>
    %dma_wait3A_293 = arith.constant 0 : i32
    %dma_wait3A_294 = arith.constant 0 : i32
    %dma_wait3A_295 = tpu.memref_slice %arg6[%dma_wait3A_293, %dma_wait3A_294] : memref<20480x128xf32, #tpu.memory_space<hbm>> -> memref<80x128xf32, #tpu.memory_space<hbm>>
    tpu.wait_dma2 semaphore(%arg34 : memref<!tpu.dma_semaphore, #tpu.memory_space<semaphore_mem>>) src(%arg9 : memref<80x128xf32, #tpu.memory_space<vmem>>) dst(%dma_wait3A_295 : memref<80x128xf32, #tpu.memory_space<hbm>>)
    %mul3A_296 = arith.constant 640 : i32
    %mul3A_297 = arith.muli %arg1, %mul3A_296 : i32
    %add3A_298 = arith.constant 480 : i32
    %add3A_299 = arith.addi %mul3A_297, %add3A_298 : i32
    %dma_start3A_300 = arith.constant 0 : i32
    %dma_start3A_301 = tpu.memref_slice %arg19[%add3A_299, %dma_start3A_300] : memref<10240x128xf32, #tpu.memory_space<vmem_shared>> -> memref<80x128xf32, #tpu.memory_space<vmem_shared>>
    %dma_start3A_302 = arith.constant 0 : i32
    %dma_start3A_303 = tpu.memref_slice %arg19[%add3A_299, %dma_start3A_302] : memref<10240x128xf32, #tpu.memory_space<vmem_shared>> -> memref<80x128xf32, #tpu.memory_space<vmem_shared>>
    tpu.enqueue_dma source(%dma_start3A_303 : memref<80x128xf32, #tpu.memory_space<vmem_shared>>) target(%arg9 : memref<80x128xf32, #tpu.memory_space<vmem>>) target_semaphore(%arg22 : memref<!tpu.dma_semaphore, #tpu.memory_space<semaphore_mem>>)
    %dma_wait3A_304 = arith.constant 0 : i32
    %dma_wait3A_305 = arith.constant 0 : i32
    %dma_wait3A_306 = tpu.memref_slice %arg19[%dma_wait3A_304, %dma_wait3A_305] : memref<10240x128xf32, #tpu.memory_space<vmem_shared>> -> memref<80x128xf32, #tpu.memory_space<vmem_shared>>
    %dma_wait3A_307 = arith.constant 0 : i32
    %dma_wait3A_308 = arith.constant 0 : i32
    %dma_wait3A_309 = tpu.memref_slice %arg19[%dma_wait3A_307, %dma_wait3A_308] : memref<10240x128xf32, #tpu.memory_space<vmem_shared>> -> memref<80x128xf32, #tpu.memory_space<vmem_shared>>
    tpu.wait_dma2 semaphore(%arg23 : memref<!tpu.dma_semaphore, #tpu.memory_space<semaphore_mem>>) src(%dma_wait3A_309 : memref<80x128xf32, #tpu.memory_space<vmem_shared>>) dst(%arg10 : memref<80x128xf32, #tpu.memory_space<vmem>>)
    %mul3A_310 = arith.constant 10240 : i32
    %mul3A_311 = arith.muli %arg0, %mul3A_310 : i32
    %mul3A_312 = arith.constant 640 : i32
    %mul3A_313 = arith.muli %arg1, %mul3A_312 : i32
    %add3A_314 = arith.addi %mul3A_311, %mul3A_313 : i32
    %add3A_315 = arith.constant 240 : i32
    %add3A_316 = arith.addi %add3A_314, %add3A_315 : i32
    %dma_start3A_317 = arith.constant 0 : i32
    %dma_start3A_318 = tpu.memref_slice %arg6[%add3A_316, %dma_start3A_317] : memref<20480x128xf32, #tpu.memory_space<hbm>> -> memref<80x128xf32, #tpu.memory_space<hbm>>
    %dma_start3A_319 = arith.constant 0 : i32
    %dma_start3A_320 = tpu.memref_slice %arg6[%add3A_316, %dma_start3A_319] : memref<20480x128xf32, #tpu.memory_space<hbm>> -> memref<80x128xf32, #tpu.memory_space<hbm>>
    tpu.enqueue_dma source(%arg10 : memref<80x128xf32, #tpu.memory_space<vmem>>) target(%dma_start3A_320 : memref<80x128xf32, #tpu.memory_space<hbm>>) target_semaphore(%arg35 : memref<!tpu.dma_semaphore, #tpu.memory_space<semaphore_mem>>)
    %dma_wait3A_321 = arith.constant 0 : i32
    %dma_wait3A_322 = arith.constant 0 : i32
    %dma_wait3A_323 = tpu.memref_slice %arg6[%dma_wait3A_321, %dma_wait3A_322] : memref<20480x128xf32, #tpu.memory_space<hbm>> -> memref<80x128xf32, #tpu.memory_space<hbm>>
    %dma_wait3A_324 = arith.constant 0 : i32
    %dma_wait3A_325 = arith.constant 0 : i32
    %dma_wait3A_326 = tpu.memref_slice %arg6[%dma_wait3A_324, %dma_wait3A_325] : memref<20480x128xf32, #tpu.memory_space<hbm>> -> memref<80x128xf32, #tpu.memory_space<hbm>>
    tpu.wait_dma2 semaphore(%arg35 : memref<!tpu.dma_semaphore, #tpu.memory_space<semaphore_mem>>) src(%arg10 : memref<80x128xf32, #tpu.memory_space<vmem>>) dst(%dma_wait3A_326 : memref<80x128xf32, #tpu.memory_space<hbm>>)
    %mul3A_327 = arith.constant 640 : i32
    %mul3A_328 = arith.muli %arg1, %mul3A_327 : i32
    %add3A_329 = arith.constant 560 : i32
    %add3A_330 = arith.addi %mul3A_328, %add3A_329 : i32
    %dma_start3A_331 = arith.constant 0 : i32
    %dma_start3A_332 = tpu.memref_slice %arg19[%add3A_330, %dma_start3A_331] : memref<10240x128xf32, #tpu.memory_space<vmem_shared>> -> memref<80x128xf32, #tpu.memory_space<vmem_shared>>
    %dma_start3A_333 = arith.constant 0 : i32
    %dma_start3A_334 = tpu.memref_slice %arg19[%add3A_330, %dma_start3A_333] : memref<10240x128xf32, #tpu.memory_space<vmem_shared>> -> memref<80x128xf32, #tpu.memory_space<vmem_shared>>
    tpu.enqueue_dma source(%dma_start3A_334 : memref<80x128xf32, #tpu.memory_space<vmem_shared>>) target(%arg10 : memref<80x128xf32, #tpu.memory_space<vmem>>) target_semaphore(%arg23 : memref<!tpu.dma_semaphore, #tpu.memory_space<semaphore_mem>>)
    %dma_wait3A_335 = arith.constant 0 : i32
    %dma_wait3A_336 = arith.constant 0 : i32
    %dma_wait3A_337 = tpu.memref_slice %arg19[%dma_wait3A_335, %dma_wait3A_336] : memref<10240x128xf32, #tpu.memory_space<vmem_shared>> -> memref<80x128xf32, #tpu.memory_space<vmem_shared>>
    %dma_wait3A_338 = arith.constant 0 : i32
    %dma_wait3A_339 = arith.constant 0 : i32
    %dma_wait3A_340 = tpu.memref_slice %arg19[%dma_wait3A_338, %dma_wait3A_339] : memref<10240x128xf32, #tpu.memory_space<vmem_shared>> -> memref<80x128xf32, #tpu.memory_space<vmem_shared>>
    tpu.wait_dma2 semaphore(%arg20 : memref<!tpu.dma_semaphore, #tpu.memory_space<semaphore_mem>>) src(%dma_wait3A_340 : memref<80x128xf32, #tpu.memory_space<vmem_shared>>) dst(%arg7 : memref<80x128xf32, #tpu.memory_space<vmem>>)
    %mul3A_341 = arith.constant 10240 : i32
    %mul3A_342 = arith.muli %arg0, %mul3A_341 : i32
    %mul3A_343 = arith.constant 640 : i32
    %mul3A_344 = arith.muli %arg1, %mul3A_343 : i32
    %add3A_345 = arith.addi %mul3A_342, %mul3A_344 : i32
    %add3A_346 = arith.constant 320 : i32
    %add3A_347 = arith.addi %add3A_345, %add3A_346 : i32
    %dma_start3A_348 = arith.constant 0 : i32
    %dma_start3A_349 = tpu.memref_slice %arg6[%add3A_347, %dma_start3A_348] : memref<20480x128xf32, #tpu.memory_space<hbm>> -> memref<80x128xf32, #tpu.memory_space<hbm>>
    %dma_start3A_350 = arith.constant 0 : i32
    %dma_start3A_351 = tpu.memref_slice %arg6[%add3A_347, %dma_start3A_350] : memref<20480x128xf32, #tpu.memory_space<hbm>> -> memref<80x128xf32, #tpu.memory_space<hbm>>
    tpu.enqueue_dma source(%arg7 : memref<80x128xf32, #tpu.memory_space<vmem>>) target(%dma_start3A_351 : memref<80x128xf32, #tpu.memory_space<hbm>>) target_semaphore(%arg32 : memref<!tpu.dma_semaphore, #tpu.memory_space<semaphore_mem>>)
    %dma_wait3A_352 = arith.constant 0 : i32
    %dma_wait3A_353 = arith.constant 0 : i32
    %dma_wait3A_354 = tpu.memref_slice %arg19[%dma_wait3A_352, %dma_wait3A_353] : memref<10240x128xf32, #tpu.memory_space<vmem_shared>> -> memref<80x128xf32, #tpu.memory_space<vmem_shared>>
    %dma_wait3A_355 = arith.constant 0 : i32
    %dma_wait3A_356 = arith.constant 0 : i32
    %dma_wait3A_357 = tpu.memref_slice %arg19[%dma_wait3A_355, %dma_wait3A_356] : memref<10240x128xf32, #tpu.memory_space<vmem_shared>> -> memref<80x128xf32, #tpu.memory_space<vmem_shared>>
    tpu.wait_dma2 semaphore(%arg21 : memref<!tpu.dma_semaphore, #tpu.memory_space<semaphore_mem>>) src(%dma_wait3A_357 : memref<80x128xf32, #tpu.memory_space<vmem_shared>>) dst(%arg8 : memref<80x128xf32, #tpu.memory_space<vmem>>)
    %mul3A_358 = arith.constant 10240 : i32
    %mul3A_359 = arith.muli %arg0, %mul3A_358 : i32
    %mul3A_360 = arith.constant 640 : i32
    %mul3A_361 = arith.muli %arg1, %mul3A_360 : i32
    %add3A_362 = arith.addi %mul3A_359, %mul3A_361 : i32
    %add3A_363 = arith.constant 400 : i32
    %add3A_364 = arith.addi %add3A_362, %add3A_363 : i32
    %dma_start3A_365 = arith.constant 0 : i32
    %dma_start3A_366 = tpu.memref_slice %arg6[%add3A_364, %dma_start3A_365] : memref<20480x128xf32, #tpu.memory_space<hbm>> -> memref<80x128xf32, #tpu.memory_space<hbm>>
    %dma_start3A_367 = arith.constant 0 : i32
    %dma_start3A_368 = tpu.memref_slice %arg6[%add3A_364, %dma_start3A_367] : memref<20480x128xf32, #tpu.memory_space<hbm>> -> memref<80x128xf32, #tpu.memory_space<hbm>>
    tpu.enqueue_dma source(%arg8 : memref<80x128xf32, #tpu.memory_space<vmem>>) target(%dma_start3A_368 : memref<80x128xf32, #tpu.memory_space<hbm>>) target_semaphore(%arg33 : memref<!tpu.dma_semaphore, #tpu.memory_space<semaphore_mem>>)
    %dma_wait3A_369 = arith.constant 0 : i32
    %dma_wait3A_370 = arith.constant 0 : i32
    %dma_wait3A_371 = tpu.memref_slice %arg19[%dma_wait3A_369, %dma_wait3A_370] : memref<10240x128xf32, #tpu.memory_space<vmem_shared>> -> memref<80x128xf32, #tpu.memory_space<vmem_shared>>
    %dma_wait3A_372 = arith.constant 0 : i32
    %dma_wait3A_373 = arith.constant 0 : i32
    %dma_wait3A_374 = tpu.memref_slice %arg19[%dma_wait3A_372, %dma_wait3A_373] : memref<10240x128xf32, #tpu.memory_space<vmem_shared>> -> memref<80x128xf32, #tpu.memory_space<vmem_shared>>
    tpu.wait_dma2 semaphore(%arg22 : memref<!tpu.dma_semaphore, #tpu.memory_space<semaphore_mem>>) src(%dma_wait3A_374 : memref<80x128xf32, #tpu.memory_space<vmem_shared>>) dst(%arg9 : memref<80x128xf32, #tpu.memory_space<vmem>>)
    %mul3A_375 = arith.constant 10240 : i32
    %mul3A_376 = arith.muli %arg0, %mul3A_375 : i32
    %mul3A_377 = arith.constant 640 : i32
    %mul3A_378 = arith.muli %arg1, %mul3A_377 : i32
    %add3A_379 = arith.addi %mul3A_376, %mul3A_378 : i32
    %add3A_380 = arith.constant 480 : i32
    %add3A_381 = arith.addi %add3A_379, %add3A_380 : i32
    %dma_start3A_382 = arith.constant 0 : i32
    %dma_start3A_383 = tpu.memref_slice %arg6[%add3A_381, %dma_start3A_382] : memref<20480x128xf32, #tpu.memory_space<hbm>> -> memref<80x128xf32, #tpu.memory_space<hbm>>
    %dma_start3A_384 = arith.constant 0 : i32
    %dma_start3A_385 = tpu.memref_slice %arg6[%add3A_381, %dma_start3A_384] : memref<20480x128xf32, #tpu.memory_space<hbm>> -> memref<80x128xf32, #tpu.memory_space<hbm>>
    tpu.enqueue_dma source(%arg9 : memref<80x128xf32, #tpu.memory_space<vmem>>) target(%dma_start3A_385 : memref<80x128xf32, #tpu.memory_space<hbm>>) target_semaphore(%arg34 : memref<!tpu.dma_semaphore, #tpu.memory_space<semaphore_mem>>)
    %dma_wait3A_386 = arith.constant 0 : i32
    %dma_wait3A_387 = arith.constant 0 : i32
    %dma_wait3A_388 = tpu.memref_slice %arg19[%dma_wait3A_386, %dma_wait3A_387] : memref<10240x128xf32, #tpu.memory_space<vmem_shared>> -> memref<80x128xf32, #tpu.memory_space<vmem_shared>>
    %dma_wait3A_389 = arith.constant 0 : i32
    %dma_wait3A_390 = arith.constant 0 : i32
    %dma_wait3A_391 = tpu.memref_slice %arg19[%dma_wait3A_389, %dma_wait3A_390] : memref<10240x128xf32, #tpu.memory_space<vmem_shared>> -> memref<80x128xf32, #tpu.memory_space<vmem_shared>>
    tpu.wait_dma2 semaphore(%arg23 : memref<!tpu.dma_semaphore, #tpu.memory_space<semaphore_mem>>) src(%dma_wait3A_391 : memref<80x128xf32, #tpu.memory_space<vmem_shared>>) dst(%arg10 : memref<80x128xf32, #tpu.memory_space<vmem>>)
    %mul3A_392 = arith.constant 10240 : i32
    %mul3A_393 = arith.muli %arg0, %mul3A_392 : i32
    %mul3A_394 = arith.constant 640 : i32
    %mul3A_395 = arith.muli %arg1, %mul3A_394 : i32
    %add3A_396 = arith.addi %mul3A_393, %mul3A_395 : i32
    %add3A_397 = arith.constant 560 : i32
    %add3A_398 = arith.addi %add3A_396, %add3A_397 : i32
    %dma_start3A_399 = arith.constant 0 : i32
    %dma_start3A_400 = tpu.memref_slice %arg6[%add3A_398, %dma_start3A_399] : memref<20480x128xf32, #tpu.memory_space<hbm>> -> memref<80x128xf32, #tpu.memory_space<hbm>>
    %dma_start3A_401 = arith.constant 0 : i32
    %dma_start3A_402 = tpu.memref_slice %arg6[%add3A_398, %dma_start3A_401] : memref<20480x128xf32, #tpu.memory_space<hbm>> -> memref<80x128xf32, #tpu.memory_space<hbm>>
    tpu.enqueue_dma source(%arg10 : memref<80x128xf32, #tpu.memory_space<vmem>>) target(%dma_start3A_402 : memref<80x128xf32, #tpu.memory_space<hbm>>) target_semaphore(%arg35 : memref<!tpu.dma_semaphore, #tpu.memory_space<semaphore_mem>>)
    %dma_wait3A_403 = arith.constant 0 : i32
    %dma_wait3A_404 = arith.constant 0 : i32
    %dma_wait3A_405 = tpu.memref_slice %arg6[%dma_wait3A_403, %dma_wait3A_404] : memref<20480x128xf32, #tpu.memory_space<hbm>> -> memref<80x128xf32, #tpu.memory_space<hbm>>
    %dma_wait3A_406 = arith.constant 0 : i32
    %dma_wait3A_407 = arith.constant 0 : i32
    %dma_wait3A_408 = tpu.memref_slice %arg6[%dma_wait3A_406, %dma_wait3A_407] : memref<20480x128xf32, #tpu.memory_space<hbm>> -> memref<80x128xf32, #tpu.memory_space<hbm>>
    tpu.wait_dma2 semaphore(%arg32 : memref<!tpu.dma_semaphore, #tpu.memory_space<semaphore_mem>>) src(%arg7 : memref<80x128xf32, #tpu.memory_space<vmem>>) dst(%dma_wait3A_408 : memref<80x128xf32, #tpu.memory_space<hbm>>)
    %dma_wait3A_409 = arith.constant 0 : i32
    %dma_wait3A_410 = arith.constant 0 : i32
    %dma_wait3A_411 = tpu.memref_slice %arg6[%dma_wait3A_409, %dma_wait3A_410] : memref<20480x128xf32, #tpu.memory_space<hbm>> -> memref<80x128xf32, #tpu.memory_space<hbm>>
    %dma_wait3A_412 = arith.constant 0 : i32
    %dma_wait3A_413 = arith.constant 0 : i32
    %dma_wait3A_414 = tpu.memref_slice %arg6[%dma_wait3A_412, %dma_wait3A_413] : memref<20480x128xf32, #tpu.memory_space<hbm>> -> memref<80x128xf32, #tpu.memory_space<hbm>>
    tpu.wait_dma2 semaphore(%arg33 : memref<!tpu.dma_semaphore, #tpu.memory_space<semaphore_mem>>) src(%arg8 : memref<80x128xf32, #tpu.memory_space<vmem>>) dst(%dma_wait3A_414 : memref<80x128xf32, #tpu.memory_space<hbm>>)
    %dma_wait3A_415 = arith.constant 0 : i32
    %dma_wait3A_416 = arith.constant 0 : i32
    %dma_wait3A_417 = tpu.memref_slice %arg6[%dma_wait3A_415, %dma_wait3A_416] : memref<20480x128xf32, #tpu.memory_space<hbm>> -> memref<80x128xf32, #tpu.memory_space<hbm>>
    %dma_wait3A_418 = arith.constant 0 : i32
    %dma_wait3A_419 = arith.constant 0 : i32
    %dma_wait3A_420 = tpu.memref_slice %arg6[%dma_wait3A_418, %dma_wait3A_419] : memref<20480x128xf32, #tpu.memory_space<hbm>> -> memref<80x128xf32, #tpu.memory_space<hbm>>
    tpu.wait_dma2 semaphore(%arg34 : memref<!tpu.dma_semaphore, #tpu.memory_space<semaphore_mem>>) src(%arg9 : memref<80x128xf32, #tpu.memory_space<vmem>>) dst(%dma_wait3A_420 : memref<80x128xf32, #tpu.memory_space<hbm>>)
    %dma_wait3A_421 = arith.constant 0 : i32
    %dma_wait3A_422 = arith.constant 0 : i32
    %dma_wait3A_423 = tpu.memref_slice %arg6[%dma_wait3A_421, %dma_wait3A_422] : memref<20480x128xf32, #tpu.memory_space<hbm>> -> memref<80x128xf32, #tpu.memory_space<hbm>>
    %dma_wait3A_424 = arith.constant 0 : i32
    %dma_wait3A_425 = arith.constant 0 : i32
    %dma_wait3A_426 = tpu.memref_slice %arg6[%dma_wait3A_424, %dma_wait3A_425] : memref<20480x128xf32, #tpu.memory_space<hbm>> -> memref<80x128xf32, #tpu.memory_space<hbm>>
    tpu.wait_dma2 semaphore(%arg35 : memref<!tpu.dma_semaphore, #tpu.memory_space<semaphore_mem>>) src(%arg10 : memref<80x128xf32, #tpu.memory_space<vmem>>) dst(%dma_wait3A_426 : memref<80x128xf32, #tpu.memory_space<hbm>>)
    return
  }
}

#map = affine_map<(d0, d1) -> (0, 0)>
#map1 = affine_map<(d0, d1) -> (0)>
module attributes {stable_mosaic.version = 14 : i64} {
  func.func @_sc_agg_body(%arg0: i32, %arg1: i32, %arg2: memref<40960x128xf32, #tpu.memory_space<hbm>>, %arg3: memref<327680xi32, #tpu.memory_space<hbm>>, %arg4: memref<327680xi32, #tpu.memory_space<hbm>>, %arg5: memref<80x128xf32, #tpu.memory_space<hbm>>, %arg6: memref<20480x128xf32, #tpu.memory_space<hbm>>, %arg7: memref<80x128xf32, #tpu.memory_space<vmem>>, %arg8: memref<80x128xf32, #tpu.memory_space<vmem>>, %arg9: memref<80x128xf32, #tpu.memory_space<vmem>>, %arg10: memref<80x128xf32, #tpu.memory_space<vmem>>, %arg11: memref<80xi32, #tpu.memory_space<vmem>>, %arg12: memref<80xi32, #tpu.memory_space<vmem>>, %arg13: memref<80xi32, #tpu.memory_space<vmem>>, %arg14: memref<80xi32, #tpu.memory_space<vmem>>, %arg15: memref<80xi32, #tpu.memory_space<vmem>>, %arg16: memref<80xi32, #tpu.memory_space<vmem>>, %arg17: memref<80xi32, #tpu.memory_space<vmem>>, %arg18: memref<80xi32, #tpu.memory_space<vmem>>, %arg19: memref<10240x128xf32, #tpu.memory_space<vmem_shared>>, %arg20: memref<!tpu.dma_semaphore, #tpu.memory_space<semaphore_mem>>, %arg21: memref<!tpu.dma_semaphore, #tpu.memory_space<semaphore_mem>>, %arg22: memref<!tpu.dma_semaphore, #tpu.memory_space<semaphore_mem>>, %arg23: memref<!tpu.dma_semaphore, #tpu.memory_space<semaphore_mem>>, %arg24: memref<!tpu.dma_semaphore, #tpu.memory_space<semaphore_mem>>, %arg25: memref<!tpu.dma_semaphore, #tpu.memory_space<semaphore_mem>>, %arg26: memref<!tpu.dma_semaphore, #tpu.memory_space<semaphore_mem>>, %arg27: memref<!tpu.dma_semaphore, #tpu.memory_space<semaphore_mem>>, %arg28: memref<!tpu.dma_semaphore, #tpu.memory_space<semaphore_mem>>, %arg29: memref<!tpu.dma_semaphore, #tpu.memory_space<semaphore_mem>>, %arg30: memref<!tpu.dma_semaphore, #tpu.memory_space<semaphore_mem>>, %arg31: memref<!tpu.dma_semaphore, #tpu.memory_space<semaphore_mem>>, %arg32: memref<!tpu.dma_semaphore, #tpu.memory_space<semaphore_mem>>, %arg33: memref<!tpu.dma_semaphore, #tpu.memory_space<semaphore_mem>>, %arg34: memref<!tpu.dma_semaphore, #tpu.memory_space<semaphore_mem>>, %arg35: memref<!tpu.dma_semaphore, #tpu.memory_space<semaphore_mem>>) attributes {dimension_semantics = [#tpu.dimension_semantics<core_parallel>, #tpu.dimension_semantics<subcore_parallel>], iteration_bounds = array<i64: 2, 16>, scalar_prefetch = 0 : i64, scratch_operands = 29 : i64, tpu.core_type = #tpu.core_type<sc_vector_subcore>, window_params = [{transform_indices = #map}, {transform_indices = #map1}, {transform_indices = #map1}, {transform_indices = #map}, {transform_indices = #map}]} {
    %mul3A = arith.constant 2 : i32
    %mul3A_0 = arith.muli %arg1, %mul3A : i32
    %add3A = arith.addi %mul3A_0, %arg0 : i32
    %mul3A_1 = arith.constant 10240 : i32
    %mul3A_2 = arith.muli %add3A, %mul3A_1 : i32
    "tpu.region"() ({
      %run_scoped3A = tpu.sem_alloc : memref<!tpu.dma_semaphore, #tpu.memory_space<semaphore_mem>>
      tpu.enqueue_dma source(%arg5 : memref<80x128xf32, #tpu.memory_space<hbm>>) target(%arg7 : memref<80x128xf32, #tpu.memory_space<vmem>>) target_semaphore(%run_scoped3A : memref<!tpu.dma_semaphore, #tpu.memory_space<semaphore_mem>>)
      tpu.wait_dma2 semaphore(%run_scoped3A : memref<!tpu.dma_semaphore, #tpu.memory_space<semaphore_mem>>) src(%arg5 : memref<80x128xf32, #tpu.memory_space<hbm>>) dst(%arg7 : memref<80x128xf32, #tpu.memory_space<vmem>>)
      tpu.yield
    }) : () -> ()
    %mul3A_3 = arith.constant 640 : i32
    %mul3A_4 = arith.muli %arg1, %mul3A_3 : i32
    %add3A_5 = arith.constant 0 : i32
    %add3A_6 = arith.addi %mul3A_4, %add3A_5 : i32
    %dma_start3A = arith.constant 0 : i32
    %dma_start3A_7 = tpu.memref_slice %arg19[%add3A_6, %dma_start3A] : memref<10240x128xf32, #tpu.memory_space<vmem_shared>> -> memref<80x128xf32, #tpu.memory_space<vmem_shared>>
    %dma_start3A_8 = arith.constant 0 : i32
    %dma_start3A_9 = tpu.memref_slice %arg19[%add3A_6, %dma_start3A_8] : memref<10240x128xf32, #tpu.memory_space<vmem_shared>> -> memref<80x128xf32, #tpu.memory_space<vmem_shared>>
    tpu.enqueue_dma source(%arg7 : memref<80x128xf32, #tpu.memory_space<vmem>>) target(%dma_start3A_9 : memref<80x128xf32, #tpu.memory_space<vmem_shared>>) target_semaphore(%arg20 : memref<!tpu.dma_semaphore, #tpu.memory_space<semaphore_mem>>)
    %mul3A_10 = arith.constant 640 : i32
    %mul3A_11 = arith.muli %arg1, %mul3A_10 : i32
    %add3A_12 = arith.constant 80 : i32
    %add3A_13 = arith.addi %mul3A_11, %add3A_12 : i32
    %dma_start3A_14 = arith.constant 0 : i32
    %dma_start3A_15 = tpu.memref_slice %arg19[%add3A_13, %dma_start3A_14] : memref<10240x128xf32, #tpu.memory_space<vmem_shared>> -> memref<80x128xf32, #tpu.memory_space<vmem_shared>>
    %dma_start3A_16 = arith.constant 0 : i32
    %dma_start3A_17 = tpu.memref_slice %arg19[%add3A_13, %dma_start3A_16] : memref<10240x128xf32, #tpu.memory_space<vmem_shared>> -> memref<80x128xf32, #tpu.memory_space<vmem_shared>>
    tpu.enqueue_dma source(%arg7 : memref<80x128xf32, #tpu.memory_space<vmem>>) target(%dma_start3A_17 : memref<80x128xf32, #tpu.memory_space<vmem_shared>>) target_semaphore(%arg21 : memref<!tpu.dma_semaphore, #tpu.memory_space<semaphore_mem>>)
    %mul3A_18 = arith.constant 640 : i32
    %mul3A_19 = arith.muli %arg1, %mul3A_18 : i32
    %add3A_20 = arith.constant 160 : i32
    %add3A_21 = arith.addi %mul3A_19, %add3A_20 : i32
    %dma_start3A_22 = arith.constant 0 : i32
    %dma_start3A_23 = tpu.memref_slice %arg19[%add3A_21, %dma_start3A_22] : memref<10240x128xf32, #tpu.memory_space<vmem_shared>> -> memref<80x128xf32, #tpu.memory_space<vmem_shared>>
    %dma_start3A_24 = arith.constant 0 : i32
    %dma_start3A_25 = tpu.memref_slice %arg19[%add3A_21, %dma_start3A_24] : memref<10240x128xf32, #tpu.memory_space<vmem_shared>> -> memref<80x128xf32, #tpu.memory_space<vmem_shared>>
    tpu.enqueue_dma source(%arg7 : memref<80x128xf32, #tpu.memory_space<vmem>>) target(%dma_start3A_25 : memref<80x128xf32, #tpu.memory_space<vmem_shared>>) target_semaphore(%arg22 : memref<!tpu.dma_semaphore, #tpu.memory_space<semaphore_mem>>)
    %mul3A_26 = arith.constant 640 : i32
    %mul3A_27 = arith.muli %arg1, %mul3A_26 : i32
    %add3A_28 = arith.constant 240 : i32
    %add3A_29 = arith.addi %mul3A_27, %add3A_28 : i32
    %dma_start3A_30 = arith.constant 0 : i32
    %dma_start3A_31 = tpu.memref_slice %arg19[%add3A_29, %dma_start3A_30] : memref<10240x128xf32, #tpu.memory_space<vmem_shared>> -> memref<80x128xf32, #tpu.memory_space<vmem_shared>>
    %dma_start3A_32 = arith.constant 0 : i32
    %dma_start3A_33 = tpu.memref_slice %arg19[%add3A_29, %dma_start3A_32] : memref<10240x128xf32, #tpu.memory_space<vmem_shared>> -> memref<80x128xf32, #tpu.memory_space<vmem_shared>>
    tpu.enqueue_dma source(%arg7 : memref<80x128xf32, #tpu.memory_space<vmem>>) target(%dma_start3A_33 : memref<80x128xf32, #tpu.memory_space<vmem_shared>>) target_semaphore(%arg23 : memref<!tpu.dma_semaphore, #tpu.memory_space<semaphore_mem>>)
    %mul3A_34 = arith.constant 640 : i32
    %mul3A_35 = arith.muli %arg1, %mul3A_34 : i32
    %add3A_36 = arith.constant 320 : i32
    %add3A_37 = arith.addi %mul3A_35, %add3A_36 : i32
    %dma_start3A_38 = arith.constant 0 : i32
    %dma_start3A_39 = tpu.memref_slice %arg19[%add3A_37, %dma_start3A_38] : memref<10240x128xf32, #tpu.memory_space<vmem_shared>> -> memref<80x128xf32, #tpu.memory_space<vmem_shared>>
    %dma_start3A_40 = arith.constant 0 : i32
    %dma_start3A_41 = tpu.memref_slice %arg19[%add3A_37, %dma_start3A_40] : memref<10240x128xf32, #tpu.memory_space<vmem_shared>> -> memref<80x128xf32, #tpu.memory_space<vmem_shared>>
    tpu.enqueue_dma source(%arg7 : memref<80x128xf32, #tpu.memory_space<vmem>>) target(%dma_start3A_41 : memref<80x128xf32, #tpu.memory_space<vmem_shared>>) target_semaphore(%arg20 : memref<!tpu.dma_semaphore, #tpu.memory_space<semaphore_mem>>)
    %mul3A_42 = arith.constant 640 : i32
    %mul3A_43 = arith.muli %arg1, %mul3A_42 : i32
    %add3A_44 = arith.constant 400 : i32
    %add3A_45 = arith.addi %mul3A_43, %add3A_44 : i32
    %dma_start3A_46 = arith.constant 0 : i32
    %dma_start3A_47 = tpu.memref_slice %arg19[%add3A_45, %dma_start3A_46] : memref<10240x128xf32, #tpu.memory_space<vmem_shared>> -> memref<80x128xf32, #tpu.memory_space<vmem_shared>>
    %dma_start3A_48 = arith.constant 0 : i32
    %dma_start3A_49 = tpu.memref_slice %arg19[%add3A_45, %dma_start3A_48] : memref<10240x128xf32, #tpu.memory_space<vmem_shared>> -> memref<80x128xf32, #tpu.memory_space<vmem_shared>>
    tpu.enqueue_dma source(%arg7 : memref<80x128xf32, #tpu.memory_space<vmem>>) target(%dma_start3A_49 : memref<80x128xf32, #tpu.memory_space<vmem_shared>>) target_semaphore(%arg21 : memref<!tpu.dma_semaphore, #tpu.memory_space<semaphore_mem>>)
    %mul3A_50 = arith.constant 640 : i32
    %mul3A_51 = arith.muli %arg1, %mul3A_50 : i32
    %add3A_52 = arith.constant 480 : i32
    %add3A_53 = arith.addi %mul3A_51, %add3A_52 : i32
    %dma_start3A_54 = arith.constant 0 : i32
    %dma_start3A_55 = tpu.memref_slice %arg19[%add3A_53, %dma_start3A_54] : memref<10240x128xf32, #tpu.memory_space<vmem_shared>> -> memref<80x128xf32, #tpu.memory_space<vmem_shared>>
    %dma_start3A_56 = arith.constant 0 : i32
    %dma_start3A_57 = tpu.memref_slice %arg19[%add3A_53, %dma_start3A_56] : memref<10240x128xf32, #tpu.memory_space<vmem_shared>> -> memref<80x128xf32, #tpu.memory_space<vmem_shared>>
    tpu.enqueue_dma source(%arg7 : memref<80x128xf32, #tpu.memory_space<vmem>>) target(%dma_start3A_57 : memref<80x128xf32, #tpu.memory_space<vmem_shared>>) target_semaphore(%arg22 : memref<!tpu.dma_semaphore, #tpu.memory_space<semaphore_mem>>)
    %mul3A_58 = arith.constant 640 : i32
    %mul3A_59 = arith.muli %arg1, %mul3A_58 : i32
    %add3A_60 = arith.constant 560 : i32
    %add3A_61 = arith.addi %mul3A_59, %add3A_60 : i32
    %dma_start3A_62 = arith.constant 0 : i32
    %dma_start3A_63 = tpu.memref_slice %arg19[%add3A_61, %dma_start3A_62] : memref<10240x128xf32, #tpu.memory_space<vmem_shared>> -> memref<80x128xf32, #tpu.memory_space<vmem_shared>>
    %dma_start3A_64 = arith.constant 0 : i32
    %dma_start3A_65 = tpu.memref_slice %arg19[%add3A_61, %dma_start3A_64] : memref<10240x128xf32, #tpu.memory_space<vmem_shared>> -> memref<80x128xf32, #tpu.memory_space<vmem_shared>>
    tpu.enqueue_dma source(%arg7 : memref<80x128xf32, #tpu.memory_space<vmem>>) target(%dma_start3A_65 : memref<80x128xf32, #tpu.memory_space<vmem_shared>>) target_semaphore(%arg23 : memref<!tpu.dma_semaphore, #tpu.memory_space<semaphore_mem>>)
    %mul3A_66 = arith.constant 640 : i32
    %mul3A_67 = arith.muli %arg1, %mul3A_66 : i32
    %add3A_68 = arith.constant 0 : i32
    %add3A_69 = arith.addi %mul3A_67, %add3A_68 : i32
    %dma_wait3A = arith.constant 0 : i32
    %dma_wait3A_70 = tpu.memref_slice %arg19[%add3A_69, %dma_wait3A] : memref<10240x128xf32, #tpu.memory_space<vmem_shared>> -> memref<80x128xf32, #tpu.memory_space<vmem_shared>>
    %dma_wait3A_71 = arith.constant 0 : i32
    %dma_wait3A_72 = tpu.memref_slice %arg19[%add3A_69, %dma_wait3A_71] : memref<10240x128xf32, #tpu.memory_space<vmem_shared>> -> memref<80x128xf32, #tpu.memory_space<vmem_shared>>
    tpu.wait_dma2 semaphore(%arg20 : memref<!tpu.dma_semaphore, #tpu.memory_space<semaphore_mem>>) src(%arg7 : memref<80x128xf32, #tpu.memory_space<vmem>>) dst(%dma_wait3A_72 : memref<80x128xf32, #tpu.memory_space<vmem_shared>>)
    %mul3A_73 = arith.constant 640 : i32
    %mul3A_74 = arith.muli %arg1, %mul3A_73 : i32
    %add3A_75 = arith.constant 80 : i32
    %add3A_76 = arith.addi %mul3A_74, %add3A_75 : i32
    %dma_wait3A_77 = arith.constant 0 : i32
    %dma_wait3A_78 = tpu.memref_slice %arg19[%add3A_76, %dma_wait3A_77] : memref<10240x128xf32, #tpu.memory_space<vmem_shared>> -> memref<80x128xf32, #tpu.memory_space<vmem_shared>>
    %dma_wait3A_79 = arith.constant 0 : i32
    %dma_wait3A_80 = tpu.memref_slice %arg19[%add3A_76, %dma_wait3A_79] : memref<10240x128xf32, #tpu.memory_space<vmem_shared>> -> memref<80x128xf32, #tpu.memory_space<vmem_shared>>
    tpu.wait_dma2 semaphore(%arg21 : memref<!tpu.dma_semaphore, #tpu.memory_space<semaphore_mem>>) src(%arg7 : memref<80x128xf32, #tpu.memory_space<vmem>>) dst(%dma_wait3A_80 : memref<80x128xf32, #tpu.memory_space<vmem_shared>>)
    %mul3A_81 = arith.constant 640 : i32
    %mul3A_82 = arith.muli %arg1, %mul3A_81 : i32
    %add3A_83 = arith.constant 160 : i32
    %add3A_84 = arith.addi %mul3A_82, %add3A_83 : i32
    %dma_wait3A_85 = arith.constant 0 : i32
    %dma_wait3A_86 = tpu.memref_slice %arg19[%add3A_84, %dma_wait3A_85] : memref<10240x128xf32, #tpu.memory_space<vmem_shared>> -> memref<80x128xf32, #tpu.memory_space<vmem_shared>>
    %dma_wait3A_87 = arith.constant 0 : i32
    %dma_wait3A_88 = tpu.memref_slice %arg19[%add3A_84, %dma_wait3A_87] : memref<10240x128xf32, #tpu.memory_space<vmem_shared>> -> memref<80x128xf32, #tpu.memory_space<vmem_shared>>
    tpu.wait_dma2 semaphore(%arg22 : memref<!tpu.dma_semaphore, #tpu.memory_space<semaphore_mem>>) src(%arg7 : memref<80x128xf32, #tpu.memory_space<vmem>>) dst(%dma_wait3A_88 : memref<80x128xf32, #tpu.memory_space<vmem_shared>>)
    %mul3A_89 = arith.constant 640 : i32
    %mul3A_90 = arith.muli %arg1, %mul3A_89 : i32
    %add3A_91 = arith.constant 240 : i32
    %add3A_92 = arith.addi %mul3A_90, %add3A_91 : i32
    %dma_wait3A_93 = arith.constant 0 : i32
    %dma_wait3A_94 = tpu.memref_slice %arg19[%add3A_92, %dma_wait3A_93] : memref<10240x128xf32, #tpu.memory_space<vmem_shared>> -> memref<80x128xf32, #tpu.memory_space<vmem_shared>>
    %dma_wait3A_95 = arith.constant 0 : i32
    %dma_wait3A_96 = tpu.memref_slice %arg19[%add3A_92, %dma_wait3A_95] : memref<10240x128xf32, #tpu.memory_space<vmem_shared>> -> memref<80x128xf32, #tpu.memory_space<vmem_shared>>
    tpu.wait_dma2 semaphore(%arg23 : memref<!tpu.dma_semaphore, #tpu.memory_space<semaphore_mem>>) src(%arg7 : memref<80x128xf32, #tpu.memory_space<vmem>>) dst(%dma_wait3A_96 : memref<80x128xf32, #tpu.memory_space<vmem_shared>>)
    %mul3A_97 = arith.constant 640 : i32
    %mul3A_98 = arith.muli %arg1, %mul3A_97 : i32
    %add3A_99 = arith.constant 0 : i32
    %add3A_100 = arith.addi %mul3A_98, %add3A_99 : i32
    %dma_wait3A_101 = arith.constant 0 : i32
    %dma_wait3A_102 = tpu.memref_slice %arg19[%add3A_100, %dma_wait3A_101] : memref<10240x128xf32, #tpu.memory_space<vmem_shared>> -> memref<80x128xf32, #tpu.memory_space<vmem_shared>>
    %dma_wait3A_103 = arith.constant 0 : i32
    %dma_wait3A_104 = tpu.memref_slice %arg19[%add3A_100, %dma_wait3A_103] : memref<10240x128xf32, #tpu.memory_space<vmem_shared>> -> memref<80x128xf32, #tpu.memory_space<vmem_shared>>
    tpu.wait_dma2 semaphore(%arg20 : memref<!tpu.dma_semaphore, #tpu.memory_space<semaphore_mem>>) src(%arg7 : memref<80x128xf32, #tpu.memory_space<vmem>>) dst(%dma_wait3A_104 : memref<80x128xf32, #tpu.memory_space<vmem_shared>>)
    %mul3A_105 = arith.constant 640 : i32
    %mul3A_106 = arith.muli %arg1, %mul3A_105 : i32
    %add3A_107 = arith.constant 80 : i32
    %add3A_108 = arith.addi %mul3A_106, %add3A_107 : i32
    %dma_wait3A_109 = arith.constant 0 : i32
    %dma_wait3A_110 = tpu.memref_slice %arg19[%add3A_108, %dma_wait3A_109] : memref<10240x128xf32, #tpu.memory_space<vmem_shared>> -> memref<80x128xf32, #tpu.memory_space<vmem_shared>>
    %dma_wait3A_111 = arith.constant 0 : i32
    %dma_wait3A_112 = tpu.memref_slice %arg19[%add3A_108, %dma_wait3A_111] : memref<10240x128xf32, #tpu.memory_space<vmem_shared>> -> memref<80x128xf32, #tpu.memory_space<vmem_shared>>
    tpu.wait_dma2 semaphore(%arg21 : memref<!tpu.dma_semaphore, #tpu.memory_space<semaphore_mem>>) src(%arg7 : memref<80x128xf32, #tpu.memory_space<vmem>>) dst(%dma_wait3A_112 : memref<80x128xf32, #tpu.memory_space<vmem_shared>>)
    %mul3A_113 = arith.constant 640 : i32
    %mul3A_114 = arith.muli %arg1, %mul3A_113 : i32
    %add3A_115 = arith.constant 160 : i32
    %add3A_116 = arith.addi %mul3A_114, %add3A_115 : i32
    %dma_wait3A_117 = arith.constant 0 : i32
    %dma_wait3A_118 = tpu.memref_slice %arg19[%add3A_116, %dma_wait3A_117] : memref<10240x128xf32, #tpu.memory_space<vmem_shared>> -> memref<80x128xf32, #tpu.memory_space<vmem_shared>>
    %dma_wait3A_119 = arith.constant 0 : i32
    %dma_wait3A_120 = tpu.memref_slice %arg19[%add3A_116, %dma_wait3A_119] : memref<10240x128xf32, #tpu.memory_space<vmem_shared>> -> memref<80x128xf32, #tpu.memory_space<vmem_shared>>
    tpu.wait_dma2 semaphore(%arg22 : memref<!tpu.dma_semaphore, #tpu.memory_space<semaphore_mem>>) src(%arg7 : memref<80x128xf32, #tpu.memory_space<vmem>>) dst(%dma_wait3A_120 : memref<80x128xf32, #tpu.memory_space<vmem_shared>>)
    %mul3A_121 = arith.constant 640 : i32
    %mul3A_122 = arith.muli %arg1, %mul3A_121 : i32
    %add3A_123 = arith.constant 240 : i32
    %add3A_124 = arith.addi %mul3A_122, %add3A_123 : i32
    %dma_wait3A_125 = arith.constant 0 : i32
    %dma_wait3A_126 = tpu.memref_slice %arg19[%add3A_124, %dma_wait3A_125] : memref<10240x128xf32, #tpu.memory_space<vmem_shared>> -> memref<80x128xf32, #tpu.memory_space<vmem_shared>>
    %dma_wait3A_127 = arith.constant 0 : i32
    %dma_wait3A_128 = tpu.memref_slice %arg19[%add3A_124, %dma_wait3A_127] : memref<10240x128xf32, #tpu.memory_space<vmem_shared>> -> memref<80x128xf32, #tpu.memory_space<vmem_shared>>
    tpu.wait_dma2 semaphore(%arg23 : memref<!tpu.dma_semaphore, #tpu.memory_space<semaphore_mem>>) src(%arg7 : memref<80x128xf32, #tpu.memory_space<vmem>>) dst(%dma_wait3A_128 : memref<80x128xf32, #tpu.memory_space<vmem_shared>>)
    %barrier3A = arith.constant 0 : index
    tpu.barrier barrier_id(%barrier3A)
    %add3A_129 = arith.constant 0 : i32
    %add3A_130 = arith.addi %mul3A_2, %add3A_129 : i32
    %dma_start3A_131 = tpu.memref_slice %arg3[%add3A_130] : memref<327680xi32, #tpu.memory_space<hbm>> -> memref<80xi32, #tpu.memory_space<hbm>>
    %dma_start3A_132 = tpu.memref_slice %arg3[%add3A_130] : memref<327680xi32, #tpu.memory_space<hbm>> -> memref<80xi32, #tpu.memory_space<hbm>>
    tpu.enqueue_dma source(%dma_start3A_132 : memref<80xi32, #tpu.memory_space<hbm>>) target(%arg11 : memref<80xi32, #tpu.memory_space<vmem>>) target_semaphore(%arg24 : memref<!tpu.dma_semaphore, #tpu.memory_space<semaphore_mem>>)
    %add3A_133 = arith.constant 80 : i32
    %add3A_134 = arith.addi %mul3A_2, %add3A_133 : i32
    %dma_start3A_135 = tpu.memref_slice %arg3[%add3A_134] : memref<327680xi32, #tpu.memory_space<hbm>> -> memref<80xi32, #tpu.memory_space<hbm>>
    %dma_start3A_136 = tpu.memref_slice %arg3[%add3A_134] : memref<327680xi32, #tpu.memory_space<hbm>> -> memref<80xi32, #tpu.memory_space<hbm>>
    tpu.enqueue_dma source(%dma_start3A_136 : memref<80xi32, #tpu.memory_space<hbm>>) target(%arg12 : memref<80xi32, #tpu.memory_space<vmem>>) target_semaphore(%arg25 : memref<!tpu.dma_semaphore, #tpu.memory_space<semaphore_mem>>)
    %add3A_137 = arith.constant 160 : i32
    %add3A_138 = arith.addi %mul3A_2, %add3A_137 : i32
    %dma_start3A_139 = tpu.memref_slice %arg3[%add3A_138] : memref<327680xi32, #tpu.memory_space<hbm>> -> memref<80xi32, #tpu.memory_space<hbm>>
    %dma_start3A_140 = tpu.memref_slice %arg3[%add3A_138] : memref<327680xi32, #tpu.memory_space<hbm>> -> memref<80xi32, #tpu.memory_space<hbm>>
    tpu.enqueue_dma source(%dma_start3A_140 : memref<80xi32, #tpu.memory_space<hbm>>) target(%arg13 : memref<80xi32, #tpu.memory_space<vmem>>) target_semaphore(%arg26 : memref<!tpu.dma_semaphore, #tpu.memory_space<semaphore_mem>>)
    %add3A_141 = arith.constant 240 : i32
    %add3A_142 = arith.addi %mul3A_2, %add3A_141 : i32
    %dma_start3A_143 = tpu.memref_slice %arg3[%add3A_142] : memref<327680xi32, #tpu.memory_space<hbm>> -> memref<80xi32, #tpu.memory_space<hbm>>
    %dma_start3A_144 = tpu.memref_slice %arg3[%add3A_142] : memref<327680xi32, #tpu.memory_space<hbm>> -> memref<80xi32, #tpu.memory_space<hbm>>
    tpu.enqueue_dma source(%dma_start3A_144 : memref<80xi32, #tpu.memory_space<hbm>>) target(%arg14 : memref<80xi32, #tpu.memory_space<vmem>>) target_semaphore(%arg27 : memref<!tpu.dma_semaphore, #tpu.memory_space<semaphore_mem>>)
    %add3A_145 = arith.constant 0 : i32
    %add3A_146 = arith.addi %mul3A_2, %add3A_145 : i32
    %dma_start3A_147 = tpu.memref_slice %arg4[%add3A_146] : memref<327680xi32, #tpu.memory_space<hbm>> -> memref<80xi32, #tpu.memory_space<hbm>>
    %dma_start3A_148 = tpu.memref_slice %arg4[%add3A_146] : memref<327680xi32, #tpu.memory_space<hbm>> -> memref<80xi32, #tpu.memory_space<hbm>>
    tpu.enqueue_dma source(%dma_start3A_148 : memref<80xi32, #tpu.memory_space<hbm>>) target(%arg15 : memref<80xi32, #tpu.memory_space<vmem>>) target_semaphore(%arg28 : memref<!tpu.dma_semaphore, #tpu.memory_space<semaphore_mem>>)
    %add3A_149 = arith.constant 80 : i32
    %add3A_150 = arith.addi %mul3A_2, %add3A_149 : i32
    %dma_start3A_151 = tpu.memref_slice %arg4[%add3A_150] : memref<327680xi32, #tpu.memory_space<hbm>> -> memref<80xi32, #tpu.memory_space<hbm>>
    %dma_start3A_152 = tpu.memref_slice %arg4[%add3A_150] : memref<327680xi32, #tpu.memory_space<hbm>> -> memref<80xi32, #tpu.memory_space<hbm>>
    tpu.enqueue_dma source(%dma_start3A_152 : memref<80xi32, #tpu.memory_space<hbm>>) target(%arg16 : memref<80xi32, #tpu.memory_space<vmem>>) target_semaphore(%arg29 : memref<!tpu.dma_semaphore, #tpu.memory_space<semaphore_mem>>)
    %dma_wait3A_153 = arith.constant 0 : i32
    %dma_wait3A_154 = tpu.memref_slice %arg3[%dma_wait3A_153] : memref<327680xi32, #tpu.memory_space<hbm>> -> memref<80xi32, #tpu.memory_space<hbm>>
    %dma_wait3A_155 = arith.constant 0 : i32
    %dma_wait3A_156 = tpu.memref_slice %arg3[%dma_wait3A_155] : memref<327680xi32, #tpu.memory_space<hbm>> -> memref<80xi32, #tpu.memory_space<hbm>>
    tpu.wait_dma2 semaphore(%arg24 : memref<!tpu.dma_semaphore, #tpu.memory_space<semaphore_mem>>) src(%dma_wait3A_156 : memref<80xi32, #tpu.memory_space<hbm>>) dst(%arg11 : memref<80xi32, #tpu.memory_space<vmem>>)
    %dma_start3A_157 = arith.constant 0 : i32
    %dma_start3A_158 = arith.constant 0 : i32
    %dma_start3A_159 = tpu.memref_slice %arg2[%dma_start3A_157, %dma_start3A_158] : memref<40960x128xf32, #tpu.memory_space<hbm>> -> memref<40960x128xf32, #tpu.memory_space<hbm>>
    tpu.enqueue_indirect_dma source(%dma_start3A_159 : memref<40960x128xf32, #tpu.memory_space<hbm>>) target(%arg7 : memref<80x128xf32, #tpu.memory_space<vmem>>) offsets(%arg11 : memref<80xi32, #tpu.memory_space<vmem>>) semaphore(%arg20 : memref<!tpu.dma_semaphore, #tpu.memory_space<semaphore_mem>>)
    %dma_wait3A_160 = arith.constant 0 : i32
    %dma_wait3A_161 = tpu.memref_slice %arg3[%dma_wait3A_160] : memref<327680xi32, #tpu.memory_space<hbm>> -> memref<80xi32, #tpu.memory_space<hbm>>
    %dma_wait3A_162 = arith.constant 0 : i32
    %dma_wait3A_163 = tpu.memref_slice %arg3[%dma_wait3A_162] : memref<327680xi32, #tpu.memory_space<hbm>> -> memref<80xi32, #tpu.memory_space<hbm>>
    tpu.wait_dma2 semaphore(%arg25 : memref<!tpu.dma_semaphore, #tpu.memory_space<semaphore_mem>>) src(%dma_wait3A_163 : memref<80xi32, #tpu.memory_space<hbm>>) dst(%arg12 : memref<80xi32, #tpu.memory_space<vmem>>)
    %dma_start3A_164 = arith.constant 0 : i32
    %dma_start3A_165 = arith.constant 0 : i32
    %dma_start3A_166 = tpu.memref_slice %arg2[%dma_start3A_164, %dma_start3A_165] : memref<40960x128xf32, #tpu.memory_space<hbm>> -> memref<40960x128xf32, #tpu.memory_space<hbm>>
    tpu.enqueue_indirect_dma source(%dma_start3A_166 : memref<40960x128xf32, #tpu.memory_space<hbm>>) target(%arg8 : memref<80x128xf32, #tpu.memory_space<vmem>>) offsets(%arg12 : memref<80xi32, #tpu.memory_space<vmem>>) semaphore(%arg21 : memref<!tpu.dma_semaphore, #tpu.memory_space<semaphore_mem>>)
    %scan3A = arith.constant 0 : i32
    %scan3A_167 = arith.constant 0 : i32
    %scan3A_168 = arith.constant 32 : i32
    %scan3A_169 = arith.addi %scan3A_167, %scan3A_168 : i32
    %scan3A_170 = arith.constant 1 : i32
    scf.for %scan3A_427 = %scan3A_167 to %scan3A_169 step %scan3A_170  : i32 {
      %mul3A_428 = arith.constant 4 : i32
      %mul3A_429 = arith.muli %mul3A_428, %scan3A_427 : i32
      %add3A_430 = arith.constant 0 : i32
      %add3A_431 = arith.addi %mul3A_429, %add3A_430 : i32
      %dma_wait3A_432 = arith.constant 0 : i32
      %dma_wait3A_433 = arith.constant 0 : i32
      %dma_wait3A_434 = tpu.memref_slice %arg2[%dma_wait3A_432, %dma_wait3A_433] : memref<40960x128xf32, #tpu.memory_space<hbm>> -> memref<40960x128xf32, #tpu.memory_space<hbm>>
      tpu.wait_indirect_dma semaphore(%arg20 : memref<!tpu.dma_semaphore, #tpu.memory_space<semaphore_mem>>) src(%dma_wait3A_434 : memref<40960x128xf32, #tpu.memory_space<hbm>>) dst(%arg7 : memref<80x128xf32, #tpu.memory_space<vmem>>)
      %lt3A = arith.constant 31 : i32
      %lt3A_435 = arith.cmpi slt, %scan3A_427, %lt3A : i32
      %convert_element_type3A = arith.extui %lt3A_435 : i1 to i32
      %cond3A = arith.constant 0 : i32
      %cond3A_436 = arith.cmpi ne, %convert_element_type3A, %cond3A : i32
      scf.if %cond3A_436 {
        %add3A_554 = arith.constant 4 : i32
        %add3A_555 = arith.addi %add3A_431, %add3A_554 : i32
        %mul3A_556 = arith.constant 80 : i32
        %mul3A_557 = arith.muli %add3A_555, %mul3A_556 : i32
        %add3A_558 = arith.addi %mul3A_2, %mul3A_557 : i32
        %dma_start3A_559 = tpu.memref_slice %arg3[%add3A_558] : memref<327680xi32, #tpu.memory_space<hbm>> -> memref<80xi32, #tpu.memory_space<hbm>>
        %dma_start3A_560 = tpu.memref_slice %arg3[%add3A_558] : memref<327680xi32, #tpu.memory_space<hbm>> -> memref<80xi32, #tpu.memory_space<hbm>>
        tpu.enqueue_dma source(%dma_start3A_560 : memref<80xi32, #tpu.memory_space<hbm>>) target(%arg11 : memref<80xi32, #tpu.memory_space<vmem>>) target_semaphore(%arg24 : memref<!tpu.dma_semaphore, #tpu.memory_space<semaphore_mem>>)
      } else {
      }
      %gt3A = arith.constant 0 : i32
      %gt3A_437 = arith.cmpi sgt, %scan3A_427, %gt3A : i32
      %convert_element_type3A_438 = arith.extui %gt3A_437 : i1 to i32
      %cond3A_439 = arith.constant 0 : i32
      %cond3A_440 = arith.cmpi ne, %convert_element_type3A_438, %cond3A_439 : i32
      scf.if %cond3A_440 {
        %dma_wait3A_554 = arith.constant 0 : i32
        %dma_wait3A_555 = arith.constant 0 : i32
        %dma_wait3A_556 = tpu.memref_slice %arg19[%dma_wait3A_554, %dma_wait3A_555] : memref<10240x128xf32, #tpu.memory_space<vmem_shared>> -> memref<10240x128xf32, #tpu.memory_space<vmem_shared>>
        tpu.wait_indirect_dma semaphore(%arg34 : memref<!tpu.dma_semaphore, #tpu.memory_space<semaphore_mem>>) src(%arg9 : memref<80x128xf32, #tpu.memory_space<vmem>>) dst(%dma_wait3A_556 : memref<10240x128xf32, #tpu.memory_space<vmem_shared>>)
      } else {
      }
      %dma_wait3A_441 = arith.constant 0 : i32
      %dma_wait3A_442 = tpu.memref_slice %arg3[%dma_wait3A_441] : memref<327680xi32, #tpu.memory_space<hbm>> -> memref<80xi32, #tpu.memory_space<hbm>>
      %dma_wait3A_443 = arith.constant 0 : i32
      %dma_wait3A_444 = tpu.memref_slice %arg3[%dma_wait3A_443] : memref<327680xi32, #tpu.memory_space<hbm>> -> memref<80xi32, #tpu.memory_space<hbm>>
      tpu.wait_dma2 semaphore(%arg26 : memref<!tpu.dma_semaphore, #tpu.memory_space<semaphore_mem>>) src(%dma_wait3A_444 : memref<80xi32, #tpu.memory_space<hbm>>) dst(%arg13 : memref<80xi32, #tpu.memory_space<vmem>>)
      %dma_start3A_445 = arith.constant 0 : i32
      %dma_start3A_446 = arith.constant 0 : i32
      %dma_start3A_447 = tpu.memref_slice %arg2[%dma_start3A_445, %dma_start3A_446] : memref<40960x128xf32, #tpu.memory_space<hbm>> -> memref<40960x128xf32, #tpu.memory_space<hbm>>
      tpu.enqueue_indirect_dma source(%dma_start3A_447 : memref<40960x128xf32, #tpu.memory_space<hbm>>) target(%arg9 : memref<80x128xf32, #tpu.memory_space<vmem>>) offsets(%arg13 : memref<80xi32, #tpu.memory_space<vmem>>) semaphore(%arg22 : memref<!tpu.dma_semaphore, #tpu.memory_space<semaphore_mem>>)
      %add3A_448 = arith.constant 2 : i32
      %add3A_449 = arith.addi %add3A_431, %add3A_448 : i32
      %mul3A_450 = arith.constant 80 : i32
      %mul3A_451 = arith.muli %add3A_449, %mul3A_450 : i32
      %add3A_452 = arith.addi %mul3A_2, %mul3A_451 : i32
      %dma_start3A_453 = tpu.memref_slice %arg4[%add3A_452] : memref<327680xi32, #tpu.memory_space<hbm>> -> memref<80xi32, #tpu.memory_space<hbm>>
      %dma_start3A_454 = tpu.memref_slice %arg4[%add3A_452] : memref<327680xi32, #tpu.memory_space<hbm>> -> memref<80xi32, #tpu.memory_space<hbm>>
      tpu.enqueue_dma source(%dma_start3A_454 : memref<80xi32, #tpu.memory_space<hbm>>) target(%arg17 : memref<80xi32, #tpu.memory_space<vmem>>) target_semaphore(%arg30 : memref<!tpu.dma_semaphore, #tpu.memory_space<semaphore_mem>>)
      %dma_wait3A_455 = arith.constant 0 : i32
      %dma_wait3A_456 = tpu.memref_slice %arg4[%dma_wait3A_455] : memref<327680xi32, #tpu.memory_space<hbm>> -> memref<80xi32, #tpu.memory_space<hbm>>
      %dma_wait3A_457 = arith.constant 0 : i32
      %dma_wait3A_458 = tpu.memref_slice %arg4[%dma_wait3A_457] : memref<327680xi32, #tpu.memory_space<hbm>> -> memref<80xi32, #tpu.memory_space<hbm>>
      tpu.wait_dma2 semaphore(%arg28 : memref<!tpu.dma_semaphore, #tpu.memory_space<semaphore_mem>>) src(%dma_wait3A_458 : memref<80xi32, #tpu.memory_space<hbm>>) dst(%arg15 : memref<80xi32, #tpu.memory_space<vmem>>)
      %dma_start3A_459 = arith.constant 0 : i32
      %dma_start3A_460 = arith.constant 0 : i32
      %dma_start3A_461 = tpu.memref_slice %arg19[%dma_start3A_459, %dma_start3A_460] : memref<10240x128xf32, #tpu.memory_space<vmem_shared>> -> memref<10240x128xf32, #tpu.memory_space<vmem_shared>>
      tpu.enqueue_indirect_dma source(%arg7 : memref<80x128xf32, #tpu.memory_space<vmem>>) target(%dma_start3A_461 : memref<10240x128xf32, #tpu.memory_space<vmem_shared>>) offsets(%arg15 : memref<80xi32, #tpu.memory_space<vmem>>) semaphore(%arg32 : memref<!tpu.dma_semaphore, #tpu.memory_space<semaphore_mem>>) {add = true}
      %mul3A_462 = arith.constant 4 : i32
      %mul3A_463 = arith.muli %mul3A_462, %scan3A_427 : i32
      %add3A_464 = arith.constant 1 : i32
      %add3A_465 = arith.addi %mul3A_463, %add3A_464 : i32
      %dma_wait3A_466 = arith.constant 0 : i32
      %dma_wait3A_467 = arith.constant 0 : i32
      %dma_wait3A_468 = tpu.memref_slice %arg2[%dma_wait3A_466, %dma_wait3A_467] : memref<40960x128xf32, #tpu.memory_space<hbm>> -> memref<40960x128xf32, #tpu.memory_space<hbm>>
      tpu.wait_indirect_dma semaphore(%arg21 : memref<!tpu.dma_semaphore, #tpu.memory_space<semaphore_mem>>) src(%dma_wait3A_468 : memref<40960x128xf32, #tpu.memory_space<hbm>>) dst(%arg8 : memref<80x128xf32, #tpu.memory_space<vmem>>)
      %lt3A_469 = arith.constant 31 : i32
      %lt3A_470 = arith.cmpi slt, %scan3A_427, %lt3A_469 : i32
      %convert_element_type3A_471 = arith.extui %lt3A_470 : i1 to i32
      %cond3A_472 = arith.constant 0 : i32
      %cond3A_473 = arith.cmpi ne, %convert_element_type3A_471, %cond3A_472 : i32
      scf.if %cond3A_473 {
        %add3A_554 = arith.constant 4 : i32
        %add3A_555 = arith.addi %add3A_465, %add3A_554 : i32
        %mul3A_556 = arith.constant 80 : i32
        %mul3A_557 = arith.muli %add3A_555, %mul3A_556 : i32
        %add3A_558 = arith.addi %mul3A_2, %mul3A_557 : i32
        %dma_start3A_559 = tpu.memref_slice %arg3[%add3A_558] : memref<327680xi32, #tpu.memory_space<hbm>> -> memref<80xi32, #tpu.memory_space<hbm>>
        %dma_start3A_560 = tpu.memref_slice %arg3[%add3A_558] : memref<327680xi32, #tpu.memory_space<hbm>> -> memref<80xi32, #tpu.memory_space<hbm>>
        tpu.enqueue_dma source(%dma_start3A_560 : memref<80xi32, #tpu.memory_space<hbm>>) target(%arg12 : memref<80xi32, #tpu.memory_space<vmem>>) target_semaphore(%arg25 : memref<!tpu.dma_semaphore, #tpu.memory_space<semaphore_mem>>)
      } else {
      }
      %gt3A_474 = arith.constant 0 : i32
      %gt3A_475 = arith.cmpi sgt, %scan3A_427, %gt3A_474 : i32
      %convert_element_type3A_476 = arith.extui %gt3A_475 : i1 to i32
      %cond3A_477 = arith.constant 0 : i32
      %cond3A_478 = arith.cmpi ne, %convert_element_type3A_476, %cond3A_477 : i32
      scf.if %cond3A_478 {
        %dma_wait3A_554 = arith.constant 0 : i32
        %dma_wait3A_555 = arith.constant 0 : i32
        %dma_wait3A_556 = tpu.memref_slice %arg19[%dma_wait3A_554, %dma_wait3A_555] : memref<10240x128xf32, #tpu.memory_space<vmem_shared>> -> memref<10240x128xf32, #tpu.memory_space<vmem_shared>>
        tpu.wait_indirect_dma semaphore(%arg35 : memref<!tpu.dma_semaphore, #tpu.memory_space<semaphore_mem>>) src(%arg10 : memref<80x128xf32, #tpu.memory_space<vmem>>) dst(%dma_wait3A_556 : memref<10240x128xf32, #tpu.memory_space<vmem_shared>>)
      } else {
      }
      %dma_wait3A_479 = arith.constant 0 : i32
      %dma_wait3A_480 = tpu.memref_slice %arg3[%dma_wait3A_479] : memref<327680xi32, #tpu.memory_space<hbm>> -> memref<80xi32, #tpu.memory_space<hbm>>
      %dma_wait3A_481 = arith.constant 0 : i32
      %dma_wait3A_482 = tpu.memref_slice %arg3[%dma_wait3A_481] : memref<327680xi32, #tpu.memory_space<hbm>> -> memref<80xi32, #tpu.memory_space<hbm>>
      tpu.wait_dma2 semaphore(%arg27 : memref<!tpu.dma_semaphore, #tpu.memory_space<semaphore_mem>>) src(%dma_wait3A_482 : memref<80xi32, #tpu.memory_space<hbm>>) dst(%arg14 : memref<80xi32, #tpu.memory_space<vmem>>)
      %dma_start3A_483 = arith.constant 0 : i32
      %dma_start3A_484 = arith.constant 0 : i32
      %dma_start3A_485 = tpu.memref_slice %arg2[%dma_start3A_483, %dma_start3A_484] : memref<40960x128xf32, #tpu.memory_space<hbm>> -> memref<40960x128xf32, #tpu.memory_space<hbm>>
      tpu.enqueue_indirect_dma source(%dma_start3A_485 : memref<40960x128xf32, #tpu.memory_space<hbm>>) target(%arg10 : memref<80x128xf32, #tpu.memory_space<vmem>>) offsets(%arg14 : memref<80xi32, #tpu.memory_space<vmem>>) semaphore(%arg23 : memref<!tpu.dma_semaphore, #tpu.memory_space<semaphore_mem>>)
      %add3A_486 = arith.constant 2 : i32
      %add3A_487 = arith.addi %add3A_465, %add3A_486 : i32
      %mul3A_488 = arith.constant 80 : i32
      %mul3A_489 = arith.muli %add3A_487, %mul3A_488 : i32
      %add3A_490 = arith.addi %mul3A_2, %mul3A_489 : i32
      %dma_start3A_491 = tpu.memref_slice %arg4[%add3A_490] : memref<327680xi32, #tpu.memory_space<hbm>> -> memref<80xi32, #tpu.memory_space<hbm>>
      %dma_start3A_492 = tpu.memref_slice %arg4[%add3A_490] : memref<327680xi32, #tpu.memory_space<hbm>> -> memref<80xi32, #tpu.memory_space<hbm>>
      tpu.enqueue_dma source(%dma_start3A_492 : memref<80xi32, #tpu.memory_space<hbm>>) target(%arg18 : memref<80xi32, #tpu.memory_space<vmem>>) target_semaphore(%arg31 : memref<!tpu.dma_semaphore, #tpu.memory_space<semaphore_mem>>)
      %dma_wait3A_493 = arith.constant 0 : i32
      %dma_wait3A_494 = tpu.memref_slice %arg4[%dma_wait3A_493] : memref<327680xi32, #tpu.memory_space<hbm>> -> memref<80xi32, #tpu.memory_space<hbm>>
      %dma_wait3A_495 = arith.constant 0 : i32
      %dma_wait3A_496 = tpu.memref_slice %arg4[%dma_wait3A_495] : memref<327680xi32, #tpu.memory_space<hbm>> -> memref<80xi32, #tpu.memory_space<hbm>>
      tpu.wait_dma2 semaphore(%arg29 : memref<!tpu.dma_semaphore, #tpu.memory_space<semaphore_mem>>) src(%dma_wait3A_496 : memref<80xi32, #tpu.memory_space<hbm>>) dst(%arg16 : memref<80xi32, #tpu.memory_space<vmem>>)
      %dma_start3A_497 = arith.constant 0 : i32
      %dma_start3A_498 = arith.constant 0 : i32
      %dma_start3A_499 = tpu.memref_slice %arg19[%dma_start3A_497, %dma_start3A_498] : memref<10240x128xf32, #tpu.memory_space<vmem_shared>> -> memref<10240x128xf32, #tpu.memory_space<vmem_shared>>
      tpu.enqueue_indirect_dma source(%arg8 : memref<80x128xf32, #tpu.memory_space<vmem>>) target(%dma_start3A_499 : memref<10240x128xf32, #tpu.memory_space<vmem_shared>>) offsets(%arg16 : memref<80xi32, #tpu.memory_space<vmem>>) semaphore(%arg33 : memref<!tpu.dma_semaphore, #tpu.memory_space<semaphore_mem>>) {add = true}
      %mul3A_500 = arith.constant 4 : i32
      %mul3A_501 = arith.muli %mul3A_500, %scan3A_427 : i32
      %add3A_502 = arith.constant 2 : i32
      %add3A_503 = arith.addi %mul3A_501, %add3A_502 : i32
      %dma_wait3A_504 = arith.constant 0 : i32
      %dma_wait3A_505 = arith.constant 0 : i32
      %dma_wait3A_506 = tpu.memref_slice %arg2[%dma_wait3A_504, %dma_wait3A_505] : memref<40960x128xf32, #tpu.memory_space<hbm>> -> memref<40960x128xf32, #tpu.memory_space<hbm>>
      tpu.wait_indirect_dma semaphore(%arg22 : memref<!tpu.dma_semaphore, #tpu.memory_space<semaphore_mem>>) src(%dma_wait3A_506 : memref<40960x128xf32, #tpu.memory_space<hbm>>) dst(%arg9 : memref<80x128xf32, #tpu.memory_space<vmem>>)
      %lt3A_507 = arith.constant 31 : i32
      %lt3A_508 = arith.cmpi slt, %scan3A_427, %lt3A_507 : i32
      %convert_element_type3A_509 = arith.extui %lt3A_508 : i1 to i32
      %cond3A_510 = arith.constant 0 : i32
      %cond3A_511 = arith.cmpi ne, %convert_element_type3A_509, %cond3A_510 : i32
      scf.if %cond3A_511 {
        %add3A_554 = arith.constant 4 : i32
        %add3A_555 = arith.addi %add3A_503, %add3A_554 : i32
        %mul3A_556 = arith.constant 80 : i32
        %mul3A_557 = arith.muli %add3A_555, %mul3A_556 : i32
        %add3A_558 = arith.addi %mul3A_2, %mul3A_557 : i32
        %dma_start3A_559 = tpu.memref_slice %arg3[%add3A_558] : memref<327680xi32, #tpu.memory_space<hbm>> -> memref<80xi32, #tpu.memory_space<hbm>>
        %dma_start3A_560 = tpu.memref_slice %arg3[%add3A_558] : memref<327680xi32, #tpu.memory_space<hbm>> -> memref<80xi32, #tpu.memory_space<hbm>>
        tpu.enqueue_dma source(%dma_start3A_560 : memref<80xi32, #tpu.memory_space<hbm>>) target(%arg13 : memref<80xi32, #tpu.memory_space<vmem>>) target_semaphore(%arg26 : memref<!tpu.dma_semaphore, #tpu.memory_space<semaphore_mem>>)
      } else {
      }
      %dma_wait3A_512 = arith.constant 0 : i32
      %dma_wait3A_513 = arith.constant 0 : i32
      %dma_wait3A_514 = tpu.memref_slice %arg19[%dma_wait3A_512, %dma_wait3A_513] : memref<10240x128xf32, #tpu.memory_space<vmem_shared>> -> memref<10240x128xf32, #tpu.memory_space<vmem_shared>>
      tpu.wait_indirect_dma semaphore(%arg32 : memref<!tpu.dma_semaphore, #tpu.memory_space<semaphore_mem>>) src(%arg7 : memref<80x128xf32, #tpu.memory_space<vmem>>) dst(%dma_wait3A_514 : memref<10240x128xf32, #tpu.memory_space<vmem_shared>>)
      %lt3A_515 = arith.constant 31 : i32
      %lt3A_516 = arith.cmpi slt, %scan3A_427, %lt3A_515 : i32
      %convert_element_type3A_517 = arith.extui %lt3A_516 : i1 to i32
      %cond3A_518 = arith.constant 0 : i32
      %cond3A_519 = arith.cmpi ne, %convert_element_type3A_517, %cond3A_518 : i32
      scf.if %cond3A_519 {
        %dma_wait3A_554 = arith.constant 0 : i32
        %dma_wait3A_555 = tpu.memref_slice %arg3[%dma_wait3A_554] : memref<327680xi32, #tpu.memory_space<hbm>> -> memref<80xi32, #tpu.memory_space<hbm>>
        %dma_wait3A_556 = arith.constant 0 : i32
        %dma_wait3A_557 = tpu.memref_slice %arg3[%dma_wait3A_556] : memref<327680xi32, #tpu.memory_space<hbm>> -> memref<80xi32, #tpu.memory_space<hbm>>
        tpu.wait_dma2 semaphore(%arg24 : memref<!tpu.dma_semaphore, #tpu.memory_space<semaphore_mem>>) src(%dma_wait3A_557 : memref<80xi32, #tpu.memory_space<hbm>>) dst(%arg11 : memref<80xi32, #tpu.memory_space<vmem>>)
        %dma_start3A_558 = arith.constant 0 : i32
        %dma_start3A_559 = arith.constant 0 : i32
        %dma_start3A_560 = tpu.memref_slice %arg2[%dma_start3A_558, %dma_start3A_559] : memref<40960x128xf32, #tpu.memory_space<hbm>> -> memref<40960x128xf32, #tpu.memory_space<hbm>>
        tpu.enqueue_indirect_dma source(%dma_start3A_560 : memref<40960x128xf32, #tpu.memory_space<hbm>>) target(%arg7 : memref<80x128xf32, #tpu.memory_space<vmem>>) offsets(%arg11 : memref<80xi32, #tpu.memory_space<vmem>>) semaphore(%arg20 : memref<!tpu.dma_semaphore, #tpu.memory_space<semaphore_mem>>)
        %add3A_561 = arith.constant 2 : i32
        %add3A_562 = arith.addi %add3A_503, %add3A_561 : i32
        %mul3A_563 = arith.constant 80 : i32
        %mul3A_564 = arith.muli %add3A_562, %mul3A_563 : i32
        %add3A_565 = arith.addi %mul3A_2, %mul3A_564 : i32
        %dma_start3A_566 = tpu.memref_slice %arg4[%add3A_565] : memref<327680xi32, #tpu.memory_space<hbm>> -> memref<80xi32, #tpu.memory_space<hbm>>
        %dma_start3A_567 = tpu.memref_slice %arg4[%add3A_565] : memref<327680xi32, #tpu.memory_space<hbm>> -> memref<80xi32, #tpu.memory_space<hbm>>
        tpu.enqueue_dma source(%dma_start3A_567 : memref<80xi32, #tpu.memory_space<hbm>>) target(%arg15 : memref<80xi32, #tpu.memory_space<vmem>>) target_semaphore(%arg28 : memref<!tpu.dma_semaphore, #tpu.memory_space<semaphore_mem>>)
      } else {
      }
      %dma_wait3A_520 = arith.constant 0 : i32
      %dma_wait3A_521 = tpu.memref_slice %arg4[%dma_wait3A_520] : memref<327680xi32, #tpu.memory_space<hbm>> -> memref<80xi32, #tpu.memory_space<hbm>>
      %dma_wait3A_522 = arith.constant 0 : i32
      %dma_wait3A_523 = tpu.memref_slice %arg4[%dma_wait3A_522] : memref<327680xi32, #tpu.memory_space<hbm>> -> memref<80xi32, #tpu.memory_space<hbm>>
      tpu.wait_dma2 semaphore(%arg30 : memref<!tpu.dma_semaphore, #tpu.memory_space<semaphore_mem>>) src(%dma_wait3A_523 : memref<80xi32, #tpu.memory_space<hbm>>) dst(%arg17 : memref<80xi32, #tpu.memory_space<vmem>>)
      %dma_start3A_524 = arith.constant 0 : i32
      %dma_start3A_525 = arith.constant 0 : i32
      %dma_start3A_526 = tpu.memref_slice %arg19[%dma_start3A_524, %dma_start3A_525] : memref<10240x128xf32, #tpu.memory_space<vmem_shared>> -> memref<10240x128xf32, #tpu.memory_space<vmem_shared>>
      tpu.enqueue_indirect_dma source(%arg9 : memref<80x128xf32, #tpu.memory_space<vmem>>) target(%dma_start3A_526 : memref<10240x128xf32, #tpu.memory_space<vmem_shared>>) offsets(%arg17 : memref<80xi32, #tpu.memory_space<vmem>>) semaphore(%arg34 : memref<!tpu.dma_semaphore, #tpu.memory_space<semaphore_mem>>) {add = true}
      %mul3A_527 = arith.constant 4 : i32
      %mul3A_528 = arith.muli %mul3A_527, %scan3A_427 : i32
      %add3A_529 = arith.constant 3 : i32
      %add3A_530 = arith.addi %mul3A_528, %add3A_529 : i32
      %dma_wait3A_531 = arith.constant 0 : i32
      %dma_wait3A_532 = arith.constant 0 : i32
      %dma_wait3A_533 = tpu.memref_slice %arg2[%dma_wait3A_531, %dma_wait3A_532] : memref<40960x128xf32, #tpu.memory_space<hbm>> -> memref<40960x128xf32, #tpu.memory_space<hbm>>
      tpu.wait_indirect_dma semaphore(%arg23 : memref<!tpu.dma_semaphore, #tpu.memory_space<semaphore_mem>>) src(%dma_wait3A_533 : memref<40960x128xf32, #tpu.memory_space<hbm>>) dst(%arg10 : memref<80x128xf32, #tpu.memory_space<vmem>>)
      %lt3A_534 = arith.constant 31 : i32
      %lt3A_535 = arith.cmpi slt, %scan3A_427, %lt3A_534 : i32
      %convert_element_type3A_536 = arith.extui %lt3A_535 : i1 to i32
      %cond3A_537 = arith.constant 0 : i32
      %cond3A_538 = arith.cmpi ne, %convert_element_type3A_536, %cond3A_537 : i32
      scf.if %cond3A_538 {
        %add3A_554 = arith.constant 4 : i32
        %add3A_555 = arith.addi %add3A_530, %add3A_554 : i32
        %mul3A_556 = arith.constant 80 : i32
        %mul3A_557 = arith.muli %add3A_555, %mul3A_556 : i32
        %add3A_558 = arith.addi %mul3A_2, %mul3A_557 : i32
        %dma_start3A_559 = tpu.memref_slice %arg3[%add3A_558] : memref<327680xi32, #tpu.memory_space<hbm>> -> memref<80xi32, #tpu.memory_space<hbm>>
        %dma_start3A_560 = tpu.memref_slice %arg3[%add3A_558] : memref<327680xi32, #tpu.memory_space<hbm>> -> memref<80xi32, #tpu.memory_space<hbm>>
        tpu.enqueue_dma source(%dma_start3A_560 : memref<80xi32, #tpu.memory_space<hbm>>) target(%arg14 : memref<80xi32, #tpu.memory_space<vmem>>) target_semaphore(%arg27 : memref<!tpu.dma_semaphore, #tpu.memory_space<semaphore_mem>>)
      } else {
      }
      %dma_wait3A_539 = arith.constant 0 : i32
      %dma_wait3A_540 = arith.constant 0 : i32
      %dma_wait3A_541 = tpu.memref_slice %arg19[%dma_wait3A_539, %dma_wait3A_540] : memref<10240x128xf32, #tpu.memory_space<vmem_shared>> -> memref<10240x128xf32, #tpu.memory_space<vmem_shared>>
      tpu.wait_indirect_dma semaphore(%arg33 : memref<!tpu.dma_semaphore, #tpu.memory_space<semaphore_mem>>) src(%arg8 : memref<80x128xf32, #tpu.memory_space<vmem>>) dst(%dma_wait3A_541 : memref<10240x128xf32, #tpu.memory_space<vmem_shared>>)
      %lt3A_542 = arith.constant 31 : i32
      %lt3A_543 = arith.cmpi slt, %scan3A_427, %lt3A_542 : i32
      %convert_element_type3A_544 = arith.extui %lt3A_543 : i1 to i32
      %cond3A_545 = arith.constant 0 : i32
      %cond3A_546 = arith.cmpi ne, %convert_element_type3A_544, %cond3A_545 : i32
      scf.if %cond3A_546 {
        %dma_wait3A_554 = arith.constant 0 : i32
        %dma_wait3A_555 = tpu.memref_slice %arg3[%dma_wait3A_554] : memref<327680xi32, #tpu.memory_space<hbm>> -> memref<80xi32, #tpu.memory_space<hbm>>
        %dma_wait3A_556 = arith.constant 0 : i32
        %dma_wait3A_557 = tpu.memref_slice %arg3[%dma_wait3A_556] : memref<327680xi32, #tpu.memory_space<hbm>> -> memref<80xi32, #tpu.memory_space<hbm>>
        tpu.wait_dma2 semaphore(%arg25 : memref<!tpu.dma_semaphore, #tpu.memory_space<semaphore_mem>>) src(%dma_wait3A_557 : memref<80xi32, #tpu.memory_space<hbm>>) dst(%arg12 : memref<80xi32, #tpu.memory_space<vmem>>)
        %dma_start3A_558 = arith.constant 0 : i32
        %dma_start3A_559 = arith.constant 0 : i32
        %dma_start3A_560 = tpu.memref_slice %arg2[%dma_start3A_558, %dma_start3A_559] : memref<40960x128xf32, #tpu.memory_space<hbm>> -> memref<40960x128xf32, #tpu.memory_space<hbm>>
        tpu.enqueue_indirect_dma source(%dma_start3A_560 : memref<40960x128xf32, #tpu.memory_space<hbm>>) target(%arg8 : memref<80x128xf32, #tpu.memory_space<vmem>>) offsets(%arg12 : memref<80xi32, #tpu.memory_space<vmem>>) semaphore(%arg21 : memref<!tpu.dma_semaphore, #tpu.memory_space<semaphore_mem>>)
        %add3A_561 = arith.constant 2 : i32
        %add3A_562 = arith.addi %add3A_530, %add3A_561 : i32
        %mul3A_563 = arith.constant 80 : i32
        %mul3A_564 = arith.muli %add3A_562, %mul3A_563 : i32
        %add3A_565 = arith.addi %mul3A_2, %mul3A_564 : i32
        %dma_start3A_566 = tpu.memref_slice %arg4[%add3A_565] : memref<327680xi32, #tpu.memory_space<hbm>> -> memref<80xi32, #tpu.memory_space<hbm>>
        %dma_start3A_567 = tpu.memref_slice %arg4[%add3A_565] : memref<327680xi32, #tpu.memory_space<hbm>> -> memref<80xi32, #tpu.memory_space<hbm>>
        tpu.enqueue_dma source(%dma_start3A_567 : memref<80xi32, #tpu.memory_space<hbm>>) target(%arg16 : memref<80xi32, #tpu.memory_space<vmem>>) target_semaphore(%arg29 : memref<!tpu.dma_semaphore, #tpu.memory_space<semaphore_mem>>)
      } else {
      }
      %dma_wait3A_547 = arith.constant 0 : i32
      %dma_wait3A_548 = tpu.memref_slice %arg4[%dma_wait3A_547] : memref<327680xi32, #tpu.memory_space<hbm>> -> memref<80xi32, #tpu.memory_space<hbm>>
      %dma_wait3A_549 = arith.constant 0 : i32
      %dma_wait3A_550 = tpu.memref_slice %arg4[%dma_wait3A_549] : memref<327680xi32, #tpu.memory_space<hbm>> -> memref<80xi32, #tpu.memory_space<hbm>>
      tpu.wait_dma2 semaphore(%arg31 : memref<!tpu.dma_semaphore, #tpu.memory_space<semaphore_mem>>) src(%dma_wait3A_550 : memref<80xi32, #tpu.memory_space<hbm>>) dst(%arg18 : memref<80xi32, #tpu.memory_space<vmem>>)
      %dma_start3A_551 = arith.constant 0 : i32
      %dma_start3A_552 = arith.constant 0 : i32
      %dma_start3A_553 = tpu.memref_slice %arg19[%dma_start3A_551, %dma_start3A_552] : memref<10240x128xf32, #tpu.memory_space<vmem_shared>> -> memref<10240x128xf32, #tpu.memory_space<vmem_shared>>
      tpu.enqueue_indirect_dma source(%arg10 : memref<80x128xf32, #tpu.memory_space<vmem>>) target(%dma_start3A_553 : memref<10240x128xf32, #tpu.memory_space<vmem_shared>>) offsets(%arg18 : memref<80xi32, #tpu.memory_space<vmem>>) semaphore(%arg35 : memref<!tpu.dma_semaphore, #tpu.memory_space<semaphore_mem>>) {add = true}
    }
    %scan3A_171 = arith.constant 32 : i32
    %dma_wait3A_172 = arith.constant 0 : i32
    %dma_wait3A_173 = arith.constant 0 : i32
    %dma_wait3A_174 = tpu.memref_slice %arg19[%dma_wait3A_172, %dma_wait3A_173] : memref<10240x128xf32, #tpu.memory_space<vmem_shared>> -> memref<10240x128xf32, #tpu.memory_space<vmem_shared>>
    tpu.wait_indirect_dma semaphore(%arg34 : memref<!tpu.dma_semaphore, #tpu.memory_space<semaphore_mem>>) src(%arg9 : memref<80x128xf32, #tpu.memory_space<vmem>>) dst(%dma_wait3A_174 : memref<10240x128xf32, #tpu.memory_space<vmem_shared>>)
    %dma_wait3A_175 = arith.constant 0 : i32
    %dma_wait3A_176 = arith.constant 0 : i32
    %dma_wait3A_177 = tpu.memref_slice %arg19[%dma_wait3A_175, %dma_wait3A_176] : memref<10240x128xf32, #tpu.memory_space<vmem_shared>> -> memref<10240x128xf32, #tpu.memory_space<vmem_shared>>
    tpu.wait_indirect_dma semaphore(%arg35 : memref<!tpu.dma_semaphore, #tpu.memory_space<semaphore_mem>>) src(%arg10 : memref<80x128xf32, #tpu.memory_space<vmem>>) dst(%dma_wait3A_177 : memref<10240x128xf32, #tpu.memory_space<vmem_shared>>)
    %barrier3A_178 = arith.constant 0 : index
    tpu.barrier barrier_id(%barrier3A_178)
    %mul3A_179 = arith.constant 640 : i32
    %mul3A_180 = arith.muli %arg1, %mul3A_179 : i32
    %add3A_181 = arith.constant 0 : i32
    %add3A_182 = arith.addi %mul3A_180, %add3A_181 : i32
    %dma_start3A_183 = arith.constant 0 : i32
    %dma_start3A_184 = tpu.memref_slice %arg19[%add3A_182, %dma_start3A_183] : memref<10240x128xf32, #tpu.memory_space<vmem_shared>> -> memref<80x128xf32, #tpu.memory_space<vmem_shared>>
    %dma_start3A_185 = arith.constant 0 : i32
    %dma_start3A_186 = tpu.memref_slice %arg19[%add3A_182, %dma_start3A_185] : memref<10240x128xf32, #tpu.memory_space<vmem_shared>> -> memref<80x128xf32, #tpu.memory_space<vmem_shared>>
    tpu.enqueue_dma source(%dma_start3A_186 : memref<80x128xf32, #tpu.memory_space<vmem_shared>>) target(%arg7 : memref<80x128xf32, #tpu.memory_space<vmem>>) target_semaphore(%arg20 : memref<!tpu.dma_semaphore, #tpu.memory_space<semaphore_mem>>)
    %mul3A_187 = arith.constant 640 : i32
    %mul3A_188 = arith.muli %arg1, %mul3A_187 : i32
    %add3A_189 = arith.constant 80 : i32
    %add3A_190 = arith.addi %mul3A_188, %add3A_189 : i32
    %dma_start3A_191 = arith.constant 0 : i32
    %dma_start3A_192 = tpu.memref_slice %arg19[%add3A_190, %dma_start3A_191] : memref<10240x128xf32, #tpu.memory_space<vmem_shared>> -> memref<80x128xf32, #tpu.memory_space<vmem_shared>>
    %dma_start3A_193 = arith.constant 0 : i32
    %dma_start3A_194 = tpu.memref_slice %arg19[%add3A_190, %dma_start3A_193] : memref<10240x128xf32, #tpu.memory_space<vmem_shared>> -> memref<80x128xf32, #tpu.memory_space<vmem_shared>>
    tpu.enqueue_dma source(%dma_start3A_194 : memref<80x128xf32, #tpu.memory_space<vmem_shared>>) target(%arg8 : memref<80x128xf32, #tpu.memory_space<vmem>>) target_semaphore(%arg21 : memref<!tpu.dma_semaphore, #tpu.memory_space<semaphore_mem>>)
    %mul3A_195 = arith.constant 640 : i32
    %mul3A_196 = arith.muli %arg1, %mul3A_195 : i32
    %add3A_197 = arith.constant 160 : i32
    %add3A_198 = arith.addi %mul3A_196, %add3A_197 : i32
    %dma_start3A_199 = arith.constant 0 : i32
    %dma_start3A_200 = tpu.memref_slice %arg19[%add3A_198, %dma_start3A_199] : memref<10240x128xf32, #tpu.memory_space<vmem_shared>> -> memref<80x128xf32, #tpu.memory_space<vmem_shared>>
    %dma_start3A_201 = arith.constant 0 : i32
    %dma_start3A_202 = tpu.memref_slice %arg19[%add3A_198, %dma_start3A_201] : memref<10240x128xf32, #tpu.memory_space<vmem_shared>> -> memref<80x128xf32, #tpu.memory_space<vmem_shared>>
    tpu.enqueue_dma source(%dma_start3A_202 : memref<80x128xf32, #tpu.memory_space<vmem_shared>>) target(%arg9 : memref<80x128xf32, #tpu.memory_space<vmem>>) target_semaphore(%arg22 : memref<!tpu.dma_semaphore, #tpu.memory_space<semaphore_mem>>)
    %mul3A_203 = arith.constant 640 : i32
    %mul3A_204 = arith.muli %arg1, %mul3A_203 : i32
    %add3A_205 = arith.constant 240 : i32
    %add3A_206 = arith.addi %mul3A_204, %add3A_205 : i32
    %dma_start3A_207 = arith.constant 0 : i32
    %dma_start3A_208 = tpu.memref_slice %arg19[%add3A_206, %dma_start3A_207] : memref<10240x128xf32, #tpu.memory_space<vmem_shared>> -> memref<80x128xf32, #tpu.memory_space<vmem_shared>>
    %dma_start3A_209 = arith.constant 0 : i32
    %dma_start3A_210 = tpu.memref_slice %arg19[%add3A_206, %dma_start3A_209] : memref<10240x128xf32, #tpu.memory_space<vmem_shared>> -> memref<80x128xf32, #tpu.memory_space<vmem_shared>>
    tpu.enqueue_dma source(%dma_start3A_210 : memref<80x128xf32, #tpu.memory_space<vmem_shared>>) target(%arg10 : memref<80x128xf32, #tpu.memory_space<vmem>>) target_semaphore(%arg23 : memref<!tpu.dma_semaphore, #tpu.memory_space<semaphore_mem>>)
    %dma_wait3A_211 = arith.constant 0 : i32
    %dma_wait3A_212 = arith.constant 0 : i32
    %dma_wait3A_213 = tpu.memref_slice %arg19[%dma_wait3A_211, %dma_wait3A_212] : memref<10240x128xf32, #tpu.memory_space<vmem_shared>> -> memref<80x128xf32, #tpu.memory_space<vmem_shared>>
    %dma_wait3A_214 = arith.constant 0 : i32
    %dma_wait3A_215 = arith.constant 0 : i32
    %dma_wait3A_216 = tpu.memref_slice %arg19[%dma_wait3A_214, %dma_wait3A_215] : memref<10240x128xf32, #tpu.memory_space<vmem_shared>> -> memref<80x128xf32, #tpu.memory_space<vmem_shared>>
    tpu.wait_dma2 semaphore(%arg20 : memref<!tpu.dma_semaphore, #tpu.memory_space<semaphore_mem>>) src(%dma_wait3A_216 : memref<80x128xf32, #tpu.memory_space<vmem_shared>>) dst(%arg7 : memref<80x128xf32, #tpu.memory_space<vmem>>)
    %mul3A_217 = arith.constant 10240 : i32
    %mul3A_218 = arith.muli %arg0, %mul3A_217 : i32
    %mul3A_219 = arith.constant 640 : i32
    %mul3A_220 = arith.muli %arg1, %mul3A_219 : i32
    %add3A_221 = arith.addi %mul3A_218, %mul3A_220 : i32
    %add3A_222 = arith.constant 0 : i32
    %add3A_223 = arith.addi %add3A_221, %add3A_222 : i32
    %dma_start3A_224 = arith.constant 0 : i32
    %dma_start3A_225 = tpu.memref_slice %arg6[%add3A_223, %dma_start3A_224] : memref<20480x128xf32, #tpu.memory_space<hbm>> -> memref<80x128xf32, #tpu.memory_space<hbm>>
    %dma_start3A_226 = arith.constant 0 : i32
    %dma_start3A_227 = tpu.memref_slice %arg6[%add3A_223, %dma_start3A_226] : memref<20480x128xf32, #tpu.memory_space<hbm>> -> memref<80x128xf32, #tpu.memory_space<hbm>>
    tpu.enqueue_dma source(%arg7 : memref<80x128xf32, #tpu.memory_space<vmem>>) target(%dma_start3A_227 : memref<80x128xf32, #tpu.memory_space<hbm>>) target_semaphore(%arg32 : memref<!tpu.dma_semaphore, #tpu.memory_space<semaphore_mem>>)
    %dma_wait3A_228 = arith.constant 0 : i32
    %dma_wait3A_229 = arith.constant 0 : i32
    %dma_wait3A_230 = tpu.memref_slice %arg6[%dma_wait3A_228, %dma_wait3A_229] : memref<20480x128xf32, #tpu.memory_space<hbm>> -> memref<80x128xf32, #tpu.memory_space<hbm>>
    %dma_wait3A_231 = arith.constant 0 : i32
    %dma_wait3A_232 = arith.constant 0 : i32
    %dma_wait3A_233 = tpu.memref_slice %arg6[%dma_wait3A_231, %dma_wait3A_232] : memref<20480x128xf32, #tpu.memory_space<hbm>> -> memref<80x128xf32, #tpu.memory_space<hbm>>
    tpu.wait_dma2 semaphore(%arg32 : memref<!tpu.dma_semaphore, #tpu.memory_space<semaphore_mem>>) src(%arg7 : memref<80x128xf32, #tpu.memory_space<vmem>>) dst(%dma_wait3A_233 : memref<80x128xf32, #tpu.memory_space<hbm>>)
    %mul3A_234 = arith.constant 640 : i32
    %mul3A_235 = arith.muli %arg1, %mul3A_234 : i32
    %add3A_236 = arith.constant 320 : i32
    %add3A_237 = arith.addi %mul3A_235, %add3A_236 : i32
    %dma_start3A_238 = arith.constant 0 : i32
    %dma_start3A_239 = tpu.memref_slice %arg19[%add3A_237, %dma_start3A_238] : memref<10240x128xf32, #tpu.memory_space<vmem_shared>> -> memref<80x128xf32, #tpu.memory_space<vmem_shared>>
    %dma_start3A_240 = arith.constant 0 : i32
    %dma_start3A_241 = tpu.memref_slice %arg19[%add3A_237, %dma_start3A_240] : memref<10240x128xf32, #tpu.memory_space<vmem_shared>> -> memref<80x128xf32, #tpu.memory_space<vmem_shared>>
    tpu.enqueue_dma source(%dma_start3A_241 : memref<80x128xf32, #tpu.memory_space<vmem_shared>>) target(%arg7 : memref<80x128xf32, #tpu.memory_space<vmem>>) target_semaphore(%arg20 : memref<!tpu.dma_semaphore, #tpu.memory_space<semaphore_mem>>)
    %dma_wait3A_242 = arith.constant 0 : i32
    %dma_wait3A_243 = arith.constant 0 : i32
    %dma_wait3A_244 = tpu.memref_slice %arg19[%dma_wait3A_242, %dma_wait3A_243] : memref<10240x128xf32, #tpu.memory_space<vmem_shared>> -> memref<80x128xf32, #tpu.memory_space<vmem_shared>>
    %dma_wait3A_245 = arith.constant 0 : i32
    %dma_wait3A_246 = arith.constant 0 : i32
    %dma_wait3A_247 = tpu.memref_slice %arg19[%dma_wait3A_245, %dma_wait3A_246] : memref<10240x128xf32, #tpu.memory_space<vmem_shared>> -> memref<80x128xf32, #tpu.memory_space<vmem_shared>>
    tpu.wait_dma2 semaphore(%arg21 : memref<!tpu.dma_semaphore, #tpu.memory_space<semaphore_mem>>) src(%dma_wait3A_247 : memref<80x128xf32, #tpu.memory_space<vmem_shared>>) dst(%arg8 : memref<80x128xf32, #tpu.memory_space<vmem>>)
    %mul3A_248 = arith.constant 10240 : i32
    %mul3A_249 = arith.muli %arg0, %mul3A_248 : i32
    %mul3A_250 = arith.constant 640 : i32
    %mul3A_251 = arith.muli %arg1, %mul3A_250 : i32
    %add3A_252 = arith.addi %mul3A_249, %mul3A_251 : i32
    %add3A_253 = arith.constant 80 : i32
    %add3A_254 = arith.addi %add3A_252, %add3A_253 : i32
    %dma_start3A_255 = arith.constant 0 : i32
    %dma_start3A_256 = tpu.memref_slice %arg6[%add3A_254, %dma_start3A_255] : memref<20480x128xf32, #tpu.memory_space<hbm>> -> memref<80x128xf32, #tpu.memory_space<hbm>>
    %dma_start3A_257 = arith.constant 0 : i32
    %dma_start3A_258 = tpu.memref_slice %arg6[%add3A_254, %dma_start3A_257] : memref<20480x128xf32, #tpu.memory_space<hbm>> -> memref<80x128xf32, #tpu.memory_space<hbm>>
    tpu.enqueue_dma source(%arg8 : memref<80x128xf32, #tpu.memory_space<vmem>>) target(%dma_start3A_258 : memref<80x128xf32, #tpu.memory_space<hbm>>) target_semaphore(%arg33 : memref<!tpu.dma_semaphore, #tpu.memory_space<semaphore_mem>>)
    %dma_wait3A_259 = arith.constant 0 : i32
    %dma_wait3A_260 = arith.constant 0 : i32
    %dma_wait3A_261 = tpu.memref_slice %arg6[%dma_wait3A_259, %dma_wait3A_260] : memref<20480x128xf32, #tpu.memory_space<hbm>> -> memref<80x128xf32, #tpu.memory_space<hbm>>
    %dma_wait3A_262 = arith.constant 0 : i32
    %dma_wait3A_263 = arith.constant 0 : i32
    %dma_wait3A_264 = tpu.memref_slice %arg6[%dma_wait3A_262, %dma_wait3A_263] : memref<20480x128xf32, #tpu.memory_space<hbm>> -> memref<80x128xf32, #tpu.memory_space<hbm>>
    tpu.wait_dma2 semaphore(%arg33 : memref<!tpu.dma_semaphore, #tpu.memory_space<semaphore_mem>>) src(%arg8 : memref<80x128xf32, #tpu.memory_space<vmem>>) dst(%dma_wait3A_264 : memref<80x128xf32, #tpu.memory_space<hbm>>)
    %mul3A_265 = arith.constant 640 : i32
    %mul3A_266 = arith.muli %arg1, %mul3A_265 : i32
    %add3A_267 = arith.constant 400 : i32
    %add3A_268 = arith.addi %mul3A_266, %add3A_267 : i32
    %dma_start3A_269 = arith.constant 0 : i32
    %dma_start3A_270 = tpu.memref_slice %arg19[%add3A_268, %dma_start3A_269] : memref<10240x128xf32, #tpu.memory_space<vmem_shared>> -> memref<80x128xf32, #tpu.memory_space<vmem_shared>>
    %dma_start3A_271 = arith.constant 0 : i32
    %dma_start3A_272 = tpu.memref_slice %arg19[%add3A_268, %dma_start3A_271] : memref<10240x128xf32, #tpu.memory_space<vmem_shared>> -> memref<80x128xf32, #tpu.memory_space<vmem_shared>>
    tpu.enqueue_dma source(%dma_start3A_272 : memref<80x128xf32, #tpu.memory_space<vmem_shared>>) target(%arg8 : memref<80x128xf32, #tpu.memory_space<vmem>>) target_semaphore(%arg21 : memref<!tpu.dma_semaphore, #tpu.memory_space<semaphore_mem>>)
    %dma_wait3A_273 = arith.constant 0 : i32
    %dma_wait3A_274 = arith.constant 0 : i32
    %dma_wait3A_275 = tpu.memref_slice %arg19[%dma_wait3A_273, %dma_wait3A_274] : memref<10240x128xf32, #tpu.memory_space<vmem_shared>> -> memref<80x128xf32, #tpu.memory_space<vmem_shared>>
    %dma_wait3A_276 = arith.constant 0 : i32
    %dma_wait3A_277 = arith.constant 0 : i32
    %dma_wait3A_278 = tpu.memref_slice %arg19[%dma_wait3A_276, %dma_wait3A_277] : memref<10240x128xf32, #tpu.memory_space<vmem_shared>> -> memref<80x128xf32, #tpu.memory_space<vmem_shared>>
    tpu.wait_dma2 semaphore(%arg22 : memref<!tpu.dma_semaphore, #tpu.memory_space<semaphore_mem>>) src(%dma_wait3A_278 : memref<80x128xf32, #tpu.memory_space<vmem_shared>>) dst(%arg9 : memref<80x128xf32, #tpu.memory_space<vmem>>)
    %mul3A_279 = arith.constant 10240 : i32
    %mul3A_280 = arith.muli %arg0, %mul3A_279 : i32
    %mul3A_281 = arith.constant 640 : i32
    %mul3A_282 = arith.muli %arg1, %mul3A_281 : i32
    %add3A_283 = arith.addi %mul3A_280, %mul3A_282 : i32
    %add3A_284 = arith.constant 160 : i32
    %add3A_285 = arith.addi %add3A_283, %add3A_284 : i32
    %dma_start3A_286 = arith.constant 0 : i32
    %dma_start3A_287 = tpu.memref_slice %arg6[%add3A_285, %dma_start3A_286] : memref<20480x128xf32, #tpu.memory_space<hbm>> -> memref<80x128xf32, #tpu.memory_space<hbm>>
    %dma_start3A_288 = arith.constant 0 : i32
    %dma_start3A_289 = tpu.memref_slice %arg6[%add3A_285, %dma_start3A_288] : memref<20480x128xf32, #tpu.memory_space<hbm>> -> memref<80x128xf32, #tpu.memory_space<hbm>>
    tpu.enqueue_dma source(%arg9 : memref<80x128xf32, #tpu.memory_space<vmem>>) target(%dma_start3A_289 : memref<80x128xf32, #tpu.memory_space<hbm>>) target_semaphore(%arg34 : memref<!tpu.dma_semaphore, #tpu.memory_space<semaphore_mem>>)
    %dma_wait3A_290 = arith.constant 0 : i32
    %dma_wait3A_291 = arith.constant 0 : i32
    %dma_wait3A_292 = tpu.memref_slice %arg6[%dma_wait3A_290, %dma_wait3A_291] : memref<20480x128xf32, #tpu.memory_space<hbm>> -> memref<80x128xf32, #tpu.memory_space<hbm>>
    %dma_wait3A_293 = arith.constant 0 : i32
    %dma_wait3A_294 = arith.constant 0 : i32
    %dma_wait3A_295 = tpu.memref_slice %arg6[%dma_wait3A_293, %dma_wait3A_294] : memref<20480x128xf32, #tpu.memory_space<hbm>> -> memref<80x128xf32, #tpu.memory_space<hbm>>
    tpu.wait_dma2 semaphore(%arg34 : memref<!tpu.dma_semaphore, #tpu.memory_space<semaphore_mem>>) src(%arg9 : memref<80x128xf32, #tpu.memory_space<vmem>>) dst(%dma_wait3A_295 : memref<80x128xf32, #tpu.memory_space<hbm>>)
    %mul3A_296 = arith.constant 640 : i32
    %mul3A_297 = arith.muli %arg1, %mul3A_296 : i32
    %add3A_298 = arith.constant 480 : i32
    %add3A_299 = arith.addi %mul3A_297, %add3A_298 : i32
    %dma_start3A_300 = arith.constant 0 : i32
    %dma_start3A_301 = tpu.memref_slice %arg19[%add3A_299, %dma_start3A_300] : memref<10240x128xf32, #tpu.memory_space<vmem_shared>> -> memref<80x128xf32, #tpu.memory_space<vmem_shared>>
    %dma_start3A_302 = arith.constant 0 : i32
    %dma_start3A_303 = tpu.memref_slice %arg19[%add3A_299, %dma_start3A_302] : memref<10240x128xf32, #tpu.memory_space<vmem_shared>> -> memref<80x128xf32, #tpu.memory_space<vmem_shared>>
    tpu.enqueue_dma source(%dma_start3A_303 : memref<80x128xf32, #tpu.memory_space<vmem_shared>>) target(%arg9 : memref<80x128xf32, #tpu.memory_space<vmem>>) target_semaphore(%arg22 : memref<!tpu.dma_semaphore, #tpu.memory_space<semaphore_mem>>)
    %dma_wait3A_304 = arith.constant 0 : i32
    %dma_wait3A_305 = arith.constant 0 : i32
    %dma_wait3A_306 = tpu.memref_slice %arg19[%dma_wait3A_304, %dma_wait3A_305] : memref<10240x128xf32, #tpu.memory_space<vmem_shared>> -> memref<80x128xf32, #tpu.memory_space<vmem_shared>>
    %dma_wait3A_307 = arith.constant 0 : i32
    %dma_wait3A_308 = arith.constant 0 : i32
    %dma_wait3A_309 = tpu.memref_slice %arg19[%dma_wait3A_307, %dma_wait3A_308] : memref<10240x128xf32, #tpu.memory_space<vmem_shared>> -> memref<80x128xf32, #tpu.memory_space<vmem_shared>>
    tpu.wait_dma2 semaphore(%arg23 : memref<!tpu.dma_semaphore, #tpu.memory_space<semaphore_mem>>) src(%dma_wait3A_309 : memref<80x128xf32, #tpu.memory_space<vmem_shared>>) dst(%arg10 : memref<80x128xf32, #tpu.memory_space<vmem>>)
    %mul3A_310 = arith.constant 10240 : i32
    %mul3A_311 = arith.muli %arg0, %mul3A_310 : i32
    %mul3A_312 = arith.constant 640 : i32
    %mul3A_313 = arith.muli %arg1, %mul3A_312 : i32
    %add3A_314 = arith.addi %mul3A_311, %mul3A_313 : i32
    %add3A_315 = arith.constant 240 : i32
    %add3A_316 = arith.addi %add3A_314, %add3A_315 : i32
    %dma_start3A_317 = arith.constant 0 : i32
    %dma_start3A_318 = tpu.memref_slice %arg6[%add3A_316, %dma_start3A_317] : memref<20480x128xf32, #tpu.memory_space<hbm>> -> memref<80x128xf32, #tpu.memory_space<hbm>>
    %dma_start3A_319 = arith.constant 0 : i32
    %dma_start3A_320 = tpu.memref_slice %arg6[%add3A_316, %dma_start3A_319] : memref<20480x128xf32, #tpu.memory_space<hbm>> -> memref<80x128xf32, #tpu.memory_space<hbm>>
    tpu.enqueue_dma source(%arg10 : memref<80x128xf32, #tpu.memory_space<vmem>>) target(%dma_start3A_320 : memref<80x128xf32, #tpu.memory_space<hbm>>) target_semaphore(%arg35 : memref<!tpu.dma_semaphore, #tpu.memory_space<semaphore_mem>>)
    %dma_wait3A_321 = arith.constant 0 : i32
    %dma_wait3A_322 = arith.constant 0 : i32
    %dma_wait3A_323 = tpu.memref_slice %arg6[%dma_wait3A_321, %dma_wait3A_322] : memref<20480x128xf32, #tpu.memory_space<hbm>> -> memref<80x128xf32, #tpu.memory_space<hbm>>
    %dma_wait3A_324 = arith.constant 0 : i32
    %dma_wait3A_325 = arith.constant 0 : i32
    %dma_wait3A_326 = tpu.memref_slice %arg6[%dma_wait3A_324, %dma_wait3A_325] : memref<20480x128xf32, #tpu.memory_space<hbm>> -> memref<80x128xf32, #tpu.memory_space<hbm>>
    tpu.wait_dma2 semaphore(%arg35 : memref<!tpu.dma_semaphore, #tpu.memory_space<semaphore_mem>>) src(%arg10 : memref<80x128xf32, #tpu.memory_space<vmem>>) dst(%dma_wait3A_326 : memref<80x128xf32, #tpu.memory_space<hbm>>)
    %mul3A_327 = arith.constant 640 : i32
    %mul3A_328 = arith.muli %arg1, %mul3A_327 : i32
    %add3A_329 = arith.constant 560 : i32
    %add3A_330 = arith.addi %mul3A_328, %add3A_329 : i32
    %dma_start3A_331 = arith.constant 0 : i32
    %dma_start3A_332 = tpu.memref_slice %arg19[%add3A_330, %dma_start3A_331] : memref<10240x128xf32, #tpu.memory_space<vmem_shared>> -> memref<80x128xf32, #tpu.memory_space<vmem_shared>>
    %dma_start3A_333 = arith.constant 0 : i32
    %dma_start3A_334 = tpu.memref_slice %arg19[%add3A_330, %dma_start3A_333] : memref<10240x128xf32, #tpu.memory_space<vmem_shared>> -> memref<80x128xf32, #tpu.memory_space<vmem_shared>>
    tpu.enqueue_dma source(%dma_start3A_334 : memref<80x128xf32, #tpu.memory_space<vmem_shared>>) target(%arg10 : memref<80x128xf32, #tpu.memory_space<vmem>>) target_semaphore(%arg23 : memref<!tpu.dma_semaphore, #tpu.memory_space<semaphore_mem>>)
    %dma_wait3A_335 = arith.constant 0 : i32
    %dma_wait3A_336 = arith.constant 0 : i32
    %dma_wait3A_337 = tpu.memref_slice %arg19[%dma_wait3A_335, %dma_wait3A_336] : memref<10240x128xf32, #tpu.memory_space<vmem_shared>> -> memref<80x128xf32, #tpu.memory_space<vmem_shared>>
    %dma_wait3A_338 = arith.constant 0 : i32
    %dma_wait3A_339 = arith.constant 0 : i32
    %dma_wait3A_340 = tpu.memref_slice %arg19[%dma_wait3A_338, %dma_wait3A_339] : memref<10240x128xf32, #tpu.memory_space<vmem_shared>> -> memref<80x128xf32, #tpu.memory_space<vmem_shared>>
    tpu.wait_dma2 semaphore(%arg20 : memref<!tpu.dma_semaphore, #tpu.memory_space<semaphore_mem>>) src(%dma_wait3A_340 : memref<80x128xf32, #tpu.memory_space<vmem_shared>>) dst(%arg7 : memref<80x128xf32, #tpu.memory_space<vmem>>)
    %mul3A_341 = arith.constant 10240 : i32
    %mul3A_342 = arith.muli %arg0, %mul3A_341 : i32
    %mul3A_343 = arith.constant 640 : i32
    %mul3A_344 = arith.muli %arg1, %mul3A_343 : i32
    %add3A_345 = arith.addi %mul3A_342, %mul3A_344 : i32
    %add3A_346 = arith.constant 320 : i32
    %add3A_347 = arith.addi %add3A_345, %add3A_346 : i32
    %dma_start3A_348 = arith.constant 0 : i32
    %dma_start3A_349 = tpu.memref_slice %arg6[%add3A_347, %dma_start3A_348] : memref<20480x128xf32, #tpu.memory_space<hbm>> -> memref<80x128xf32, #tpu.memory_space<hbm>>
    %dma_start3A_350 = arith.constant 0 : i32
    %dma_start3A_351 = tpu.memref_slice %arg6[%add3A_347, %dma_start3A_350] : memref<20480x128xf32, #tpu.memory_space<hbm>> -> memref<80x128xf32, #tpu.memory_space<hbm>>
    tpu.enqueue_dma source(%arg7 : memref<80x128xf32, #tpu.memory_space<vmem>>) target(%dma_start3A_351 : memref<80x128xf32, #tpu.memory_space<hbm>>) target_semaphore(%arg32 : memref<!tpu.dma_semaphore, #tpu.memory_space<semaphore_mem>>)
    %dma_wait3A_352 = arith.constant 0 : i32
    %dma_wait3A_353 = arith.constant 0 : i32
    %dma_wait3A_354 = tpu.memref_slice %arg19[%dma_wait3A_352, %dma_wait3A_353] : memref<10240x128xf32, #tpu.memory_space<vmem_shared>> -> memref<80x128xf32, #tpu.memory_space<vmem_shared>>
    %dma_wait3A_355 = arith.constant 0 : i32
    %dma_wait3A_356 = arith.constant 0 : i32
    %dma_wait3A_357 = tpu.memref_slice %arg19[%dma_wait3A_355, %dma_wait3A_356] : memref<10240x128xf32, #tpu.memory_space<vmem_shared>> -> memref<80x128xf32, #tpu.memory_space<vmem_shared>>
    tpu.wait_dma2 semaphore(%arg21 : memref<!tpu.dma_semaphore, #tpu.memory_space<semaphore_mem>>) src(%dma_wait3A_357 : memref<80x128xf32, #tpu.memory_space<vmem_shared>>) dst(%arg8 : memref<80x128xf32, #tpu.memory_space<vmem>>)
    %mul3A_358 = arith.constant 10240 : i32
    %mul3A_359 = arith.muli %arg0, %mul3A_358 : i32
    %mul3A_360 = arith.constant 640 : i32
    %mul3A_361 = arith.muli %arg1, %mul3A_360 : i32
    %add3A_362 = arith.addi %mul3A_359, %mul3A_361 : i32
    %add3A_363 = arith.constant 400 : i32
    %add3A_364 = arith.addi %add3A_362, %add3A_363 : i32
    %dma_start3A_365 = arith.constant 0 : i32
    %dma_start3A_366 = tpu.memref_slice %arg6[%add3A_364, %dma_start3A_365] : memref<20480x128xf32, #tpu.memory_space<hbm>> -> memref<80x128xf32, #tpu.memory_space<hbm>>
    %dma_start3A_367 = arith.constant 0 : i32
    %dma_start3A_368 = tpu.memref_slice %arg6[%add3A_364, %dma_start3A_367] : memref<20480x128xf32, #tpu.memory_space<hbm>> -> memref<80x128xf32, #tpu.memory_space<hbm>>
    tpu.enqueue_dma source(%arg8 : memref<80x128xf32, #tpu.memory_space<vmem>>) target(%dma_start3A_368 : memref<80x128xf32, #tpu.memory_space<hbm>>) target_semaphore(%arg33 : memref<!tpu.dma_semaphore, #tpu.memory_space<semaphore_mem>>)
    %dma_wait3A_369 = arith.constant 0 : i32
    %dma_wait3A_370 = arith.constant 0 : i32
    %dma_wait3A_371 = tpu.memref_slice %arg19[%dma_wait3A_369, %dma_wait3A_370] : memref<10240x128xf32, #tpu.memory_space<vmem_shared>> -> memref<80x128xf32, #tpu.memory_space<vmem_shared>>
    %dma_wait3A_372 = arith.constant 0 : i32
    %dma_wait3A_373 = arith.constant 0 : i32
    %dma_wait3A_374 = tpu.memref_slice %arg19[%dma_wait3A_372, %dma_wait3A_373] : memref<10240x128xf32, #tpu.memory_space<vmem_shared>> -> memref<80x128xf32, #tpu.memory_space<vmem_shared>>
    tpu.wait_dma2 semaphore(%arg22 : memref<!tpu.dma_semaphore, #tpu.memory_space<semaphore_mem>>) src(%dma_wait3A_374 : memref<80x128xf32, #tpu.memory_space<vmem_shared>>) dst(%arg9 : memref<80x128xf32, #tpu.memory_space<vmem>>)
    %mul3A_375 = arith.constant 10240 : i32
    %mul3A_376 = arith.muli %arg0, %mul3A_375 : i32
    %mul3A_377 = arith.constant 640 : i32
    %mul3A_378 = arith.muli %arg1, %mul3A_377 : i32
    %add3A_379 = arith.addi %mul3A_376, %mul3A_378 : i32
    %add3A_380 = arith.constant 480 : i32
    %add3A_381 = arith.addi %add3A_379, %add3A_380 : i32
    %dma_start3A_382 = arith.constant 0 : i32
    %dma_start3A_383 = tpu.memref_slice %arg6[%add3A_381, %dma_start3A_382] : memref<20480x128xf32, #tpu.memory_space<hbm>> -> memref<80x128xf32, #tpu.memory_space<hbm>>
    %dma_start3A_384 = arith.constant 0 : i32
    %dma_start3A_385 = tpu.memref_slice %arg6[%add3A_381, %dma_start3A_384] : memref<20480x128xf32, #tpu.memory_space<hbm>> -> memref<80x128xf32, #tpu.memory_space<hbm>>
    tpu.enqueue_dma source(%arg9 : memref<80x128xf32, #tpu.memory_space<vmem>>) target(%dma_start3A_385 : memref<80x128xf32, #tpu.memory_space<hbm>>) target_semaphore(%arg34 : memref<!tpu.dma_semaphore, #tpu.memory_space<semaphore_mem>>)
    %dma_wait3A_386 = arith.constant 0 : i32
    %dma_wait3A_387 = arith.constant 0 : i32
    %dma_wait3A_388 = tpu.memref_slice %arg19[%dma_wait3A_386, %dma_wait3A_387] : memref<10240x128xf32, #tpu.memory_space<vmem_shared>> -> memref<80x128xf32, #tpu.memory_space<vmem_shared>>
    %dma_wait3A_389 = arith.constant 0 : i32
    %dma_wait3A_390 = arith.constant 0 : i32
    %dma_wait3A_391 = tpu.memref_slice %arg19[%dma_wait3A_389, %dma_wait3A_390] : memref<10240x128xf32, #tpu.memory_space<vmem_shared>> -> memref<80x128xf32, #tpu.memory_space<vmem_shared>>
    tpu.wait_dma2 semaphore(%arg23 : memref<!tpu.dma_semaphore, #tpu.memory_space<semaphore_mem>>) src(%dma_wait3A_391 : memref<80x128xf32, #tpu.memory_space<vmem_shared>>) dst(%arg10 : memref<80x128xf32, #tpu.memory_space<vmem>>)
    %mul3A_392 = arith.constant 10240 : i32
    %mul3A_393 = arith.muli %arg0, %mul3A_392 : i32
    %mul3A_394 = arith.constant 640 : i32
    %mul3A_395 = arith.muli %arg1, %mul3A_394 : i32
    %add3A_396 = arith.addi %mul3A_393, %mul3A_395 : i32
    %add3A_397 = arith.constant 560 : i32
    %add3A_398 = arith.addi %add3A_396, %add3A_397 : i32
    %dma_start3A_399 = arith.constant 0 : i32
    %dma_start3A_400 = tpu.memref_slice %arg6[%add3A_398, %dma_start3A_399] : memref<20480x128xf32, #tpu.memory_space<hbm>> -> memref<80x128xf32, #tpu.memory_space<hbm>>
    %dma_start3A_401 = arith.constant 0 : i32
    %dma_start3A_402 = tpu.memref_slice %arg6[%add3A_398, %dma_start3A_401] : memref<20480x128xf32, #tpu.memory_space<hbm>> -> memref<80x128xf32, #tpu.memory_space<hbm>>
    tpu.enqueue_dma source(%arg10 : memref<80x128xf32, #tpu.memory_space<vmem>>) target(%dma_start3A_402 : memref<80x128xf32, #tpu.memory_space<hbm>>) target_semaphore(%arg35 : memref<!tpu.dma_semaphore, #tpu.memory_space<semaphore_mem>>)
    %dma_wait3A_403 = arith.constant 0 : i32
    %dma_wait3A_404 = arith.constant 0 : i32
    %dma_wait3A_405 = tpu.memref_slice %arg6[%dma_wait3A_403, %dma_wait3A_404] : memref<20480x128xf32, #tpu.memory_space<hbm>> -> memref<80x128xf32, #tpu.memory_space<hbm>>
    %dma_wait3A_406 = arith.constant 0 : i32
    %dma_wait3A_407 = arith.constant 0 : i32
    %dma_wait3A_408 = tpu.memref_slice %arg6[%dma_wait3A_406, %dma_wait3A_407] : memref<20480x128xf32, #tpu.memory_space<hbm>> -> memref<80x128xf32, #tpu.memory_space<hbm>>
    tpu.wait_dma2 semaphore(%arg32 : memref<!tpu.dma_semaphore, #tpu.memory_space<semaphore_mem>>) src(%arg7 : memref<80x128xf32, #tpu.memory_space<vmem>>) dst(%dma_wait3A_408 : memref<80x128xf32, #tpu.memory_space<hbm>>)
    %dma_wait3A_409 = arith.constant 0 : i32
    %dma_wait3A_410 = arith.constant 0 : i32
    %dma_wait3A_411 = tpu.memref_slice %arg6[%dma_wait3A_409, %dma_wait3A_410] : memref<20480x128xf32, #tpu.memory_space<hbm>> -> memref<80x128xf32, #tpu.memory_space<hbm>>
    %dma_wait3A_412 = arith.constant 0 : i32
    %dma_wait3A_413 = arith.constant 0 : i32
    %dma_wait3A_414 = tpu.memref_slice %arg6[%dma_wait3A_412, %dma_wait3A_413] : memref<20480x128xf32, #tpu.memory_space<hbm>> -> memref<80x128xf32, #tpu.memory_space<hbm>>
    tpu.wait_dma2 semaphore(%arg33 : memref<!tpu.dma_semaphore, #tpu.memory_space<semaphore_mem>>) src(%arg8 : memref<80x128xf32, #tpu.memory_space<vmem>>) dst(%dma_wait3A_414 : memref<80x128xf32, #tpu.memory_space<hbm>>)
    %dma_wait3A_415 = arith.constant 0 : i32
    %dma_wait3A_416 = arith.constant 0 : i32
    %dma_wait3A_417 = tpu.memref_slice %arg6[%dma_wait3A_415, %dma_wait3A_416] : memref<20480x128xf32, #tpu.memory_space<hbm>> -> memref<80x128xf32, #tpu.memory_space<hbm>>
    %dma_wait3A_418 = arith.constant 0 : i32
    %dma_wait3A_419 = arith.constant 0 : i32
    %dma_wait3A_420 = tpu.memref_slice %arg6[%dma_wait3A_418, %dma_wait3A_419] : memref<20480x128xf32, #tpu.memory_space<hbm>> -> memref<80x128xf32, #tpu.memory_space<hbm>>
    tpu.wait_dma2 semaphore(%arg34 : memref<!tpu.dma_semaphore, #tpu.memory_space<semaphore_mem>>) src(%arg9 : memref<80x128xf32, #tpu.memory_space<vmem>>) dst(%dma_wait3A_420 : memref<80x128xf32, #tpu.memory_space<hbm>>)
    %dma_wait3A_421 = arith.constant 0 : i32
    %dma_wait3A_422 = arith.constant 0 : i32
    %dma_wait3A_423 = tpu.memref_slice %arg6[%dma_wait3A_421, %dma_wait3A_422] : memref<20480x128xf32, #tpu.memory_space<hbm>> -> memref<80x128xf32, #tpu.memory_space<hbm>>
    %dma_wait3A_424 = arith.constant 0 : i32
    %dma_wait3A_425 = arith.constant 0 : i32
    %dma_wait3A_426 = tpu.memref_slice %arg6[%dma_wait3A_424, %dma_wait3A_425] : memref<20480x128xf32, #tpu.memory_space<hbm>> -> memref<80x128xf32, #tpu.memory_space<hbm>>
    tpu.wait_dma2 semaphore(%arg35 : memref<!tpu.dma_semaphore, #tpu.memory_space<semaphore_mem>>) src(%arg10 : memref<80x128xf32, #tpu.memory_space<vmem>>) dst(%dma_wait3A_426 : memref<80x128xf32, #tpu.memory_space<hbm>>)
    return
  }
}

module attributes {stable_mosaic.version = 14 : i64} {
  func.func @_encode_body(%arg0: i32, %arg1: memref<1024x1xf32, #tpu.memory_space<vmem>>, %arg2: memref<32x128xf32, #tpu.memory_space<vmem>>, %arg3: memref<8x128xf32, #tpu.memory_space<vmem>>, %arg4: memref<1024x128xf32, #tpu.memory_space<vmem>>, %arg5: memref<4x1024x128xf32, #tpu.memory_space<vmem>>) attributes {dimension_semantics = [#tpu.dimension_semantics<arbitrary>], iteration_bounds = array<i64: 10>, scalar_prefetch = 0 : i64, scratch_operands = 0 : i64, tpu.core_type = #tpu.core_type<tc>, window_params = [{transform_indices = @transform_0, window_bounds = array<i64: 1024, 1>}, {pipeline_mode = #tpu.pipeline_mode<synchronous>, transform_indices = @transform_1, window_bounds = array<i64: 32, 128>}, {pipeline_mode = #tpu.pipeline_mode<synchronous>, transform_indices = @transform_2, window_bounds = array<i64: 8, 128>}, {transform_indices = @transform_3, window_bounds = array<i64: 1024, 128>}, {transform_indices = @transform_4, window_bounds = array<i64: 4, 1024, 128>}]} {
    %get3A = arith.constant 0 : index
    %get3A_0 = arith.constant 0 : index
    %get3A_1 = vector.load %arg1[%get3A, %get3A_0] : memref<1024x1xf32, #tpu.memory_space<vmem>>, vector<1024x1xf32>
    %iota3A = tpu.iota {dimensions = array<i32: 1>} : vector<1024x32xi32>
    %convert_element_type3A = arith.sitofp %iota3A : vector<1024x32xi32> to vector<1024x32xf32>
    %eq3A = vector.broadcast %get3A_1 : vector<1024x1xf32> to vector<1024x32xf32>
    %eq3A_2 = arith.cmpf oeq, %eq3A, %convert_element_type3A : vector<1024x32xf32>
    %convert_element_type3A_3 = arith.extui %eq3A_2 : vector<1024x32xi1> to vector<1024x32xi32>
    %convert_element_type3A_4 = arith.sitofp %convert_element_type3A_3 : vector<1024x32xi32> to vector<1024x32xf32>
    %get3A_5 = arith.constant 0 : index
    %get3A_6 = arith.constant 0 : index
    %get3A_7 = vector.load %arg2[%get3A_5, %get3A_6] : memref<32x128xf32, #tpu.memory_space<vmem>>, vector<32x128xf32>
    %dot_general3A = arith.constant dense<0.000000e+00> : vector<1024x128xf32>
    %dot_general3A_8 = tpu.matmul %convert_element_type3A_4, %get3A_7, %dot_general3A {dimension_numbers = #tpu.dot_dimension_numbers<[1], [0], [0], [1], [0, 0, 1, 1], [], []>, transpose_lhs_hint = false} : vector<1024x32xf32>, vector<32x128xf32>, vector<1024x128xf32> -> vector<1024x128xf32>
    %swap3A = arith.constant 0 : index
    %swap3A_9 = arith.constant 0 : index
    %swap3A_10 = vector.load %arg4[%swap3A, %swap3A_9] : memref<1024x128xf32, #tpu.memory_space<vmem>>, vector<1024x128xf32>
    tpu.vector_store %arg4[%swap3A, %swap3A_9], %dot_general3A_8 {strides = array<i32>} : memref<1024x128xf32, #tpu.memory_space<vmem>>, vector<1024x128xf32>,
    %get3A_11 = arith.constant 0 : index
    %get3A_12 = arith.constant 0 : index
    %get3A_13 = vector.load %arg3[%get3A_11, %get3A_12] : memref<8x128xf32, #tpu.memory_space<vmem>>, vector<1x128xf32>
    %get3A_14 = vector.shape_cast %get3A_13 : vector<1x128xf32> to vector<128xf32>
    %broadcast_in_dim3A = vector.shape_cast %get3A_14 : vector<128xf32> to vector<1x128xf32>
    %add3A = vector.broadcast %broadcast_in_dim3A : vector<1x128xf32> to vector<1024x128xf32>
    %add3A_15 = arith.addf %dot_general3A_8, %add3A : vector<1024x128xf32>
    %max3A = arith.constant 0.000000e+00 : f32
    %max3A_16 = vector.broadcast %max3A : f32 to vector<1024x128xf32>
    %max3A_17 = arith.maximumf %add3A_15, %max3A_16 : vector<1024x128xf32>
    %swap3A_18 = arith.constant 0 : index
    %swap3A_19 = arith.constant 0 : index
    %swap3A_20 = arith.constant 0 : index
    %swap3A_21 = vector.load %arg5[%swap3A_18, %swap3A_19, %swap3A_20] : memref<4x1024x128xf32, #tpu.memory_space<vmem>>, vector<1x1024x128xf32>
    %swap3A_22 = vector.shape_cast %swap3A_21 : vector<1x1024x128xf32> to vector<1024x128xf32>
    %swap3A_23 = vector.shape_cast %max3A_17 : vector<1024x128xf32> to vector<1x1024x128xf32>
    tpu.vector_store %arg5[%swap3A_18, %swap3A_19, %swap3A_20], %swap3A_23 {strides = array<i32>} : memref<4x1024x128xf32, #tpu.memory_space<vmem>>, vector<1x1024x128xf32>,
    %get3A_24 = arith.constant 1 : index
    %get3A_25 = arith.constant 0 : index
    %get3A_26 = vector.load %arg3[%get3A_24, %get3A_25] : memref<8x128xf32, #tpu.memory_space<vmem>>, vector<1x128xf32>
    %get3A_27 = vector.shape_cast %get3A_26 : vector<1x128xf32> to vector<128xf32>
    %broadcast_in_dim3A_28 = vector.shape_cast %get3A_27 : vector<128xf32> to vector<1x128xf32>
    %add3A_29 = vector.broadcast %broadcast_in_dim3A_28 : vector<1x128xf32> to vector<1024x128xf32>
    %add3A_30 = arith.addf %dot_general3A_8, %add3A_29 : vector<1024x128xf32>
    %max3A_31 = arith.constant 0.000000e+00 : f32
    %max3A_32 = vector.broadcast %max3A_31 : f32 to vector<1024x128xf32>
    %max3A_33 = arith.maximumf %add3A_30, %max3A_32 : vector<1024x128xf32>
    %swap3A_34 = arith.constant 1 : index
    %swap3A_35 = arith.constant 0 : index
    %swap3A_36 = arith.constant 0 : index
    %swap3A_37 = vector.load %arg5[%swap3A_34, %swap3A_35, %swap3A_36] : memref<4x1024x128xf32, #tpu.memory_space<vmem>>, vector<1x1024x128xf32>
    %swap3A_38 = vector.shape_cast %swap3A_37 : vector<1x1024x128xf32> to vector<1024x128xf32>
    %swap3A_39 = vector.shape_cast %max3A_33 : vector<1024x128xf32> to vector<1x1024x128xf32>
    tpu.vector_store %arg5[%swap3A_34, %swap3A_35, %swap3A_36], %swap3A_39 {strides = array<i32>} : memref<4x1024x128xf32, #tpu.memory_space<vmem>>, vector<1x1024x128xf32>,
    %get3A_40 = arith.constant 2 : index
    %get3A_41 = arith.constant 0 : index
    %get3A_42 = vector.load %arg3[%get3A_40, %get3A_41] : memref<8x128xf32, #tpu.memory_space<vmem>>, vector<1x128xf32>
    %get3A_43 = vector.shape_cast %get3A_42 : vector<1x128xf32> to vector<128xf32>
    %broadcast_in_dim3A_44 = vector.shape_cast %get3A_43 : vector<128xf32> to vector<1x128xf32>
    %add3A_45 = vector.broadcast %broadcast_in_dim3A_44 : vector<1x128xf32> to vector<1024x128xf32>
    %add3A_46 = arith.addf %dot_general3A_8, %add3A_45 : vector<1024x128xf32>
    %max3A_47 = arith.constant 0.000000e+00 : f32
    %max3A_48 = vector.broadcast %max3A_47 : f32 to vector<1024x128xf32>
    %max3A_49 = arith.maximumf %add3A_46, %max3A_48 : vector<1024x128xf32>
    %swap3A_50 = arith.constant 2 : index
    %swap3A_51 = arith.constant 0 : index
    %swap3A_52 = arith.constant 0 : index
    %swap3A_53 = vector.load %arg5[%swap3A_50, %swap3A_51, %swap3A_52] : memref<4x1024x128xf32, #tpu.memory_space<vmem>>, vector<1x1024x128xf32>
    %swap3A_54 = vector.shape_cast %swap3A_53 : vector<1x1024x128xf32> to vector<1024x128xf32>
    %swap3A_55 = vector.shape_cast %max3A_49 : vector<1024x128xf32> to vector<1x1024x128xf32>
    tpu.vector_store %arg5[%swap3A_50, %swap3A_51, %swap3A_52], %swap3A_55 {strides = array<i32>} : memref<4x1024x128xf32, #tpu.memory_space<vmem>>, vector<1x1024x128xf32>,
    %get3A_56 = arith.constant 3 : index
    %get3A_57 = arith.constant 0 : index
    %get3A_58 = vector.load %arg3[%get3A_56, %get3A_57] : memref<8x128xf32, #tpu.memory_space<vmem>>, vector<1x128xf32>
    %get3A_59 = vector.shape_cast %get3A_58 : vector<1x128xf32> to vector<128xf32>
    %broadcast_in_dim3A_60 = vector.shape_cast %get3A_59 : vector<128xf32> to vector<1x128xf32>
    %add3A_61 = vector.broadcast %broadcast_in_dim3A_60 : vector<1x128xf32> to vector<1024x128xf32>
    %add3A_62 = arith.addf %dot_general3A_8, %add3A_61 : vector<1024x128xf32>
    %max3A_63 = arith.constant 0.000000e+00 : f32
    %max3A_64 = vector.broadcast %max3A_63 : f32 to vector<1024x128xf32>
    %max3A_65 = arith.maximumf %add3A_62, %max3A_64 : vector<1024x128xf32>
    %swap3A_66 = arith.constant 3 : index
    %swap3A_67 = arith.constant 0 : index
    %swap3A_68 = arith.constant 0 : index
    %swap3A_69 = vector.load %arg5[%swap3A_66, %swap3A_67, %swap3A_68] : memref<4x1024x128xf32, #tpu.memory_space<vmem>>, vector<1x1024x128xf32>
    %swap3A_70 = vector.shape_cast %swap3A_69 : vector<1x1024x128xf32> to vector<1024x128xf32>
    %swap3A_71 = vector.shape_cast %max3A_65 : vector<1024x128xf32> to vector<1x1024x128xf32>
    tpu.vector_store %arg5[%swap3A_66, %swap3A_67, %swap3A_68], %swap3A_71 {strides = array<i32>} : memref<4x1024x128xf32, #tpu.memory_space<vmem>>, vector<1x1024x128xf32>,
    return
  }
  func.func @transform_0(%arg0: i32) -> (i32, i32) {
    %c0_i32 = arith.constant 0 : i32
    %c0_i32_0 = arith.constant 0 : i32
    return %arg0, %c0_i32 : i32, i32
  }
  func.func @transform_1(%arg0: i32) -> (i32, i32) {
    %c0_i32 = arith.constant 0 : i32
    %c0_i32_0 = arith.constant 0 : i32
    %c0_i32_1 = arith.constant 0 : i32
    return %c0_i32, %c0_i32_0 : i32, i32
  }
  func.func @transform_2(%arg0: i32) -> (i32, i32) {
    %c0_i32 = arith.constant 0 : i32
    %c0_i32_0 = arith.constant 0 : i32
    %c0_i32_1 = arith.constant 0 : i32
    return %c0_i32, %c0_i32_0 : i32, i32
  }
  func.func @transform_3(%arg0: i32) -> (i32, i32) {
    %c0_i32 = arith.constant 0 : i32
    %c0_i32_0 = arith.constant 0 : i32
    return %arg0, %c0_i32 : i32, i32
  }
  func.func @transform_4(%arg0: i32) -> (i32, i32, i32) {
    %c0_i32 = arith.constant 0 : i32
    %c0_i32_0 = arith.constant 0 : i32
    %c0_i32_1 = arith.constant 0 : i32
    return %c0_i32, %arg0, %c0_i32_0 : i32, i32, i32
  }
}

module attributes {stable_mosaic.version = 14 : i64} {
  func.func @_layer_body(%arg0: i32, %arg1: memref<1024x128xf32, #tpu.memory_space<vmem>>, %arg2: memref<2x1024x128xf32, #tpu.memory_space<vmem>>, %arg3: memref<128x128xf32, #tpu.memory_space<vmem>>, %arg4: memref<1x128xf32, #tpu.memory_space<vmem>>, %arg5: memref<128x128xf32, #tpu.memory_space<vmem>>, %arg6: memref<1x128xf32, #tpu.memory_space<vmem>>, %arg7: memref<1x128xf32, #tpu.memory_space<vmem>>, %arg8: memref<8x128xf32, #tpu.memory_space<vmem>>, %arg9: memref<1024x128xf32, #tpu.memory_space<vmem>>, %arg10: memref<4x1024x128xf32, #tpu.memory_space<vmem>>) attributes {dimension_semantics = [#tpu.dimension_semantics<arbitrary>], iteration_bounds = array<i64: 10>, scalar_prefetch = 0 : i64, scratch_operands = 0 : i64, tpu.core_type = #tpu.core_type<tc>, window_params = [{transform_indices = @transform_0, window_bounds = array<i64: 1024, 128>}, {transform_indices = @transform_1, window_bounds = array<i64: 2, 1024, 128>}, {pipeline_mode = #tpu.pipeline_mode<synchronous>, transform_indices = @transform_2, window_bounds = array<i64: 128, 128>}, {pipeline_mode = #tpu.pipeline_mode<synchronous>, transform_indices = @transform_3, window_bounds = array<i64: 1, 128>}, {pipeline_mode = #tpu.pipeline_mode<synchronous>, transform_indices = @transform_4, window_bounds = array<i64: 128, 128>}, {pipeline_mode = #tpu.pipeline_mode<synchronous>, transform_indices = @transform_5, window_bounds = array<i64: 1, 128>}, {pipeline_mode = #tpu.pipeline_mode<synchronous>, transform_indices = @transform_6, window_bounds = array<i64: 1, 128>}, {pipeline_mode = #tpu.pipeline_mode<synchronous>, transform_indices = @transform_7, window_bounds = array<i64: 8, 128>}, {transform_indices = @transform_8, window_bounds = array<i64: 1024, 128>}, {transform_indices = @transform_9, window_bounds = array<i64: 4, 1024, 128>}]} {
    %get3A = arith.constant 0 : index
    %get3A_0 = arith.constant 0 : index
    %get3A_1 = vector.load %arg1[%get3A, %get3A_0] : memref<1024x128xf32, #tpu.memory_space<vmem>>, vector<1024x128xf32>
    %get3A_2 = arith.constant 0 : index
    %get3A_3 = arith.constant 0 : index
    %get3A_4 = vector.load %arg7[%get3A_2, %get3A_3] : memref<1x128xf32, #tpu.memory_space<vmem>>, vector<1x128xf32>
    %mul3A = vector.broadcast %get3A_4 : vector<1x128xf32> to vector<1024x128xf32>
    %mul3A_5 = arith.mulf %get3A_1, %mul3A : vector<1024x128xf32>
    %get3A_6 = arith.constant 0 : index
    %get3A_7 = arith.constant 0 : index
    %get3A_8 = arith.constant 0 : index
    %get3A_9 = vector.load %arg2[%get3A_6, %get3A_7, %get3A_8] : memref<2x1024x128xf32, #tpu.memory_space<vmem>>, vector<1x1024x128xf32>
    %get3A_10 = vector.shape_cast %get3A_9 : vector<1x1024x128xf32> to vector<1024x128xf32>
    %add3A = arith.addf %mul3A_5, %get3A_10 : vector<1024x128xf32>
    %get3A_11 = arith.constant 1 : index
    %get3A_12 = arith.constant 0 : index
    %get3A_13 = arith.constant 0 : index
    %get3A_14 = vector.load %arg2[%get3A_11, %get3A_12, %get3A_13] : memref<2x1024x128xf32, #tpu.memory_space<vmem>>, vector<1x1024x128xf32>
    %get3A_15 = vector.shape_cast %get3A_14 : vector<1x1024x128xf32> to vector<1024x128xf32>
    %add3A_16 = arith.addf %add3A, %get3A_15 : vector<1024x128xf32>
    %get3A_17 = arith.constant 0 : index
    %get3A_18 = arith.constant 0 : index
    %get3A_19 = vector.load %arg3[%get3A_17, %get3A_18] : memref<128x128xf32, #tpu.memory_space<vmem>>, vector<128x128xf32>
    %dot_general3A = arith.constant dense<0.000000e+00> : vector<1024x128xf32>
    %dot_general3A_20 = tpu.matmul %add3A_16, %get3A_19, %dot_general3A {dimension_numbers = #tpu.dot_dimension_numbers<[1], [0], [0], [1], [0, 0, 1, 1], [], []>, transpose_lhs_hint = false} : vector<1024x128xf32>, vector<128x128xf32>, vector<1024x128xf32> -> vector<1024x128xf32>
    %get3A_21 = arith.constant 0 : index
    %get3A_22 = arith.constant 0 : index
    %get3A_23 = vector.load %arg4[%get3A_21, %get3A_22] : memref<1x128xf32, #tpu.memory_space<vmem>>, vector<1x128xf32>
    %add3A_24 = vector.broadcast %get3A_23 : vector<1x128xf32> to vector<1024x128xf32>
    %add3A_25 = arith.addf %dot_general3A_20, %add3A_24 : vector<1024x128xf32>
    %max3A = arith.constant 0.000000e+00 : f32
    %max3A_26 = vector.broadcast %max3A : f32 to vector<1024x128xf32>
    %max3A_27 = arith.maximumf %add3A_25, %max3A_26 : vector<1024x128xf32>
    %get3A_28 = arith.constant 0 : index
    %get3A_29 = arith.constant 0 : index
    %get3A_30 = vector.load %arg5[%get3A_28, %get3A_29] : memref<128x128xf32, #tpu.memory_space<vmem>>, vector<128x128xf32>
    %dot_general3A_31 = arith.constant dense<0.000000e+00> : vector<1024x128xf32>
    %dot_general3A_32 = tpu.matmul %max3A_27, %get3A_30, %dot_general3A_31 {dimension_numbers = #tpu.dot_dimension_numbers<[1], [0], [0], [1], [0, 0, 1, 1], [], []>, transpose_lhs_hint = false} : vector<1024x128xf32>, vector<128x128xf32>, vector<1024x128xf32> -> vector<1024x128xf32>
    %get3A_33 = arith.constant 0 : index
    %get3A_34 = arith.constant 0 : index
    %get3A_35 = vector.load %arg6[%get3A_33, %get3A_34] : memref<1x128xf32, #tpu.memory_space<vmem>>, vector<1x128xf32>
    %add3A_36 = vector.broadcast %get3A_35 : vector<1x128xf32> to vector<1024x128xf32>
    %add3A_37 = arith.addf %dot_general3A_32, %add3A_36 : vector<1024x128xf32>
    %swap3A = arith.constant 0 : index
    %swap3A_38 = arith.constant 0 : index
    %swap3A_39 = vector.load %arg9[%swap3A, %swap3A_38] : memref<1024x128xf32, #tpu.memory_space<vmem>>, vector<1024x128xf32>
    tpu.vector_store %arg9[%swap3A, %swap3A_38], %add3A_37 {strides = array<i32>} : memref<1024x128xf32, #tpu.memory_space<vmem>>, vector<1024x128xf32>,
    %get3A_40 = arith.constant 0 : index
    %get3A_41 = arith.constant 0 : index
    %get3A_42 = vector.load %arg8[%get3A_40, %get3A_41] : memref<8x128xf32, #tpu.memory_space<vmem>>, vector<1x128xf32>
    %get3A_43 = vector.shape_cast %get3A_42 : vector<1x128xf32> to vector<128xf32>
    %broadcast_in_dim3A = vector.shape_cast %get3A_43 : vector<128xf32> to vector<1x128xf32>
    %add3A_44 = vector.broadcast %broadcast_in_dim3A : vector<1x128xf32> to vector<1024x128xf32>
    %add3A_45 = arith.addf %add3A_37, %add3A_44 : vector<1024x128xf32>
    %max3A_46 = arith.constant 0.000000e+00 : f32
    %max3A_47 = vector.broadcast %max3A_46 : f32 to vector<1024x128xf32>
    %max3A_48 = arith.maximumf %add3A_45, %max3A_47 : vector<1024x128xf32>
    %swap3A_49 = arith.constant 0 : index
    %swap3A_50 = arith.constant 0 : index
    %swap3A_51 = arith.constant 0 : index
    %swap3A_52 = vector.load %arg10[%swap3A_49, %swap3A_50, %swap3A_51] : memref<4x1024x128xf32, #tpu.memory_space<vmem>>, vector<1x1024x128xf32>
    %swap3A_53 = vector.shape_cast %swap3A_52 : vector<1x1024x128xf32> to vector<1024x128xf32>
    %swap3A_54 = vector.shape_cast %max3A_48 : vector<1024x128xf32> to vector<1x1024x128xf32>
    tpu.vector_store %arg10[%swap3A_49, %swap3A_50, %swap3A_51], %swap3A_54 {strides = array<i32>} : memref<4x1024x128xf32, #tpu.memory_space<vmem>>, vector<1x1024x128xf32>,
    %get3A_55 = arith.constant 1 : index
    %get3A_56 = arith.constant 0 : index
    %get3A_57 = vector.load %arg8[%get3A_55, %get3A_56] : memref<8x128xf32, #tpu.memory_space<vmem>>, vector<1x128xf32>
    %get3A_58 = vector.shape_cast %get3A_57 : vector<1x128xf32> to vector<128xf32>
    %broadcast_in_dim3A_59 = vector.shape_cast %get3A_58 : vector<128xf32> to vector<1x128xf32>
    %add3A_60 = vector.broadcast %broadcast_in_dim3A_59 : vector<1x128xf32> to vector<1024x128xf32>
    %add3A_61 = arith.addf %add3A_37, %add3A_60 : vector<1024x128xf32>
    %max3A_62 = arith.constant 0.000000e+00 : f32
    %max3A_63 = vector.broadcast %max3A_62 : f32 to vector<1024x128xf32>
    %max3A_64 = arith.maximumf %add3A_61, %max3A_63 : vector<1024x128xf32>
    %swap3A_65 = arith.constant 1 : index
    %swap3A_66 = arith.constant 0 : index
    %swap3A_67 = arith.constant 0 : index
    %swap3A_68 = vector.load %arg10[%swap3A_65, %swap3A_66, %swap3A_67] : memref<4x1024x128xf32, #tpu.memory_space<vmem>>, vector<1x1024x128xf32>
    %swap3A_69 = vector.shape_cast %swap3A_68 : vector<1x1024x128xf32> to vector<1024x128xf32>
    %swap3A_70 = vector.shape_cast %max3A_64 : vector<1024x128xf32> to vector<1x1024x128xf32>
    tpu.vector_store %arg10[%swap3A_65, %swap3A_66, %swap3A_67], %swap3A_70 {strides = array<i32>} : memref<4x1024x128xf32, #tpu.memory_space<vmem>>, vector<1x1024x128xf32>,
    %get3A_71 = arith.constant 2 : index
    %get3A_72 = arith.constant 0 : index
    %get3A_73 = vector.load %arg8[%get3A_71, %get3A_72] : memref<8x128xf32, #tpu.memory_space<vmem>>, vector<1x128xf32>
    %get3A_74 = vector.shape_cast %get3A_73 : vector<1x128xf32> to vector<128xf32>
    %broadcast_in_dim3A_75 = vector.shape_cast %get3A_74 : vector<128xf32> to vector<1x128xf32>
    %add3A_76 = vector.broadcast %broadcast_in_dim3A_75 : vector<1x128xf32> to vector<1024x128xf32>
    %add3A_77 = arith.addf %add3A_37, %add3A_76 : vector<1024x128xf32>
    %max3A_78 = arith.constant 0.000000e+00 : f32
    %max3A_79 = vector.broadcast %max3A_78 : f32 to vector<1024x128xf32>
    %max3A_80 = arith.maximumf %add3A_77, %max3A_79 : vector<1024x128xf32>
    %swap3A_81 = arith.constant 2 : index
    %swap3A_82 = arith.constant 0 : index
    %swap3A_83 = arith.constant 0 : index
    %swap3A_84 = vector.load %arg10[%swap3A_81, %swap3A_82, %swap3A_83] : memref<4x1024x128xf32, #tpu.memory_space<vmem>>, vector<1x1024x128xf32>
    %swap3A_85 = vector.shape_cast %swap3A_84 : vector<1x1024x128xf32> to vector<1024x128xf32>
    %swap3A_86 = vector.shape_cast %max3A_80 : vector<1024x128xf32> to vector<1x1024x128xf32>
    tpu.vector_store %arg10[%swap3A_81, %swap3A_82, %swap3A_83], %swap3A_86 {strides = array<i32>} : memref<4x1024x128xf32, #tpu.memory_space<vmem>>, vector<1x1024x128xf32>,
    %get3A_87 = arith.constant 3 : index
    %get3A_88 = arith.constant 0 : index
    %get3A_89 = vector.load %arg8[%get3A_87, %get3A_88] : memref<8x128xf32, #tpu.memory_space<vmem>>, vector<1x128xf32>
    %get3A_90 = vector.shape_cast %get3A_89 : vector<1x128xf32> to vector<128xf32>
    %broadcast_in_dim3A_91 = vector.shape_cast %get3A_90 : vector<128xf32> to vector<1x128xf32>
    %add3A_92 = vector.broadcast %broadcast_in_dim3A_91 : vector<1x128xf32> to vector<1024x128xf32>
    %add3A_93 = arith.addf %add3A_37, %add3A_92 : vector<1024x128xf32>
    %max3A_94 = arith.constant 0.000000e+00 : f32
    %max3A_95 = vector.broadcast %max3A_94 : f32 to vector<1024x128xf32>
    %max3A_96 = arith.maximumf %add3A_93, %max3A_95 : vector<1024x128xf32>
    %swap3A_97 = arith.constant 3 : index
    %swap3A_98 = arith.constant 0 : index
    %swap3A_99 = arith.constant 0 : index
    %swap3A_100 = vector.load %arg10[%swap3A_97, %swap3A_98, %swap3A_99] : memref<4x1024x128xf32, #tpu.memory_space<vmem>>, vector<1x1024x128xf32>
    %swap3A_101 = vector.shape_cast %swap3A_100 : vector<1x1024x128xf32> to vector<1024x128xf32>
    %swap3A_102 = vector.shape_cast %max3A_96 : vector<1024x128xf32> to vector<1x1024x128xf32>
    tpu.vector_store %arg10[%swap3A_97, %swap3A_98, %swap3A_99], %swap3A_102 {strides = array<i32>} : memref<4x1024x128xf32, #tpu.memory_space<vmem>>, vector<1x1024x128xf32>,
    return
  }
  func.func @transform_0(%arg0: i32) -> (i32, i32) {
    %c0_i32 = arith.constant 0 : i32
    %c0_i32_0 = arith.constant 0 : i32
    return %arg0, %c0_i32 : i32, i32
  }
  func.func @transform_1(%arg0: i32) -> (i32, i32, i32) {
    %c0_i32 = arith.constant 0 : i32
    %c0_i32_0 = arith.constant 0 : i32
    %c0_i32_1 = arith.constant 0 : i32
    return %c0_i32, %arg0, %c0_i32_0 : i32, i32, i32
  }
  func.func @transform_2(%arg0: i32) -> (i32, i32) {
    %c0_i32 = arith.constant 0 : i32
    %c0_i32_0 = arith.constant 0 : i32
    %c0_i32_1 = arith.constant 0 : i32
    return %c0_i32, %c0_i32_0 : i32, i32
  }
  func.func @transform_3(%arg0: i32) -> (i32, i32) {
    %c0_i32 = arith.constant 0 : i32
    %c0_i32_0 = arith.constant 0 : i32
    %c0_i32_1 = arith.constant 0 : i32
    return %c0_i32, %c0_i32_0 : i32, i32
  }
  func.func @transform_4(%arg0: i32) -> (i32, i32) {
    %c0_i32 = arith.constant 0 : i32
    %c0_i32_0 = arith.constant 0 : i32
    %c0_i32_1 = arith.constant 0 : i32
    return %c0_i32, %c0_i32_0 : i32, i32
  }
  func.func @transform_5(%arg0: i32) -> (i32, i32) {
    %c0_i32 = arith.constant 0 : i32
    %c0_i32_0 = arith.constant 0 : i32
    %c0_i32_1 = arith.constant 0 : i32
    return %c0_i32, %c0_i32_0 : i32, i32
  }
  func.func @transform_6(%arg0: i32) -> (i32, i32) {
    %c0_i32 = arith.constant 0 : i32
    %c0_i32_0 = arith.constant 0 : i32
    %c0_i32_1 = arith.constant 0 : i32
    return %c0_i32, %c0_i32_0 : i32, i32
  }
  func.func @transform_7(%arg0: i32) -> (i32, i32) {
    %c0_i32 = arith.constant 0 : i32
    %c0_i32_0 = arith.constant 0 : i32
    %c0_i32_1 = arith.constant 0 : i32
    return %c0_i32, %c0_i32_0 : i32, i32
  }
  func.func @transform_8(%arg0: i32) -> (i32, i32) {
    %c0_i32 = arith.constant 0 : i32
    %c0_i32_0 = arith.constant 0 : i32
    return %arg0, %c0_i32 : i32, i32
  }
  func.func @transform_9(%arg0: i32) -> (i32, i32, i32) {
    %c0_i32 = arith.constant 0 : i32
    %c0_i32_0 = arith.constant 0 : i32
    %c0_i32_1 = arith.constant 0 : i32
    return %c0_i32, %arg0, %c0_i32_0 : i32, i32, i32
  }
}

module attributes {stable_mosaic.version = 14 : i64} {
  func.func @_final_body(%arg0: i32, %arg1: memref<1024x128xf32, #tpu.memory_space<vmem>>, %arg2: memref<2x1024x128xf32, #tpu.memory_space<vmem>>, %arg3: memref<128x128xf32, #tpu.memory_space<vmem>>, %arg4: memref<1x128xf32, #tpu.memory_space<vmem>>, %arg5: memref<128x128xf32, #tpu.memory_space<vmem>>, %arg6: memref<1x128xf32, #tpu.memory_space<vmem>>, %arg7: memref<1x128xf32, #tpu.memory_space<vmem>>, %arg8: memref<1024x1xf32, #tpu.memory_space<vmem>>, %arg9: memref<128x128xf32, #tpu.memory_space<vmem>>, %arg10: memref<1x128xf32, #tpu.memory_space<vmem>>, %arg11: memref<128x128xf32, #tpu.memory_space<vmem>>, %arg12: memref<128x128xf32, #tpu.memory_space<vmem>>, %arg13: memref<128x128xf32, #tpu.memory_space<vmem>>) attributes {dimension_semantics = [#tpu.dimension_semantics<arbitrary>], iteration_bounds = array<i64: 10>, scalar_prefetch = 0 : i64, scratch_operands = 2 : i64, tpu.core_type = #tpu.core_type<tc>, window_params = [{transform_indices = @transform_0, window_bounds = array<i64: 1024, 128>}, {transform_indices = @transform_1, window_bounds = array<i64: 2, 1024, 128>}, {pipeline_mode = #tpu.pipeline_mode<synchronous>, transform_indices = @transform_2, window_bounds = array<i64: 128, 128>}, {pipeline_mode = #tpu.pipeline_mode<synchronous>, transform_indices = @transform_3, window_bounds = array<i64: 1, 128>}, {pipeline_mode = #tpu.pipeline_mode<synchronous>, transform_indices = @transform_4, window_bounds = array<i64: 128, 128>}, {pipeline_mode = #tpu.pipeline_mode<synchronous>, transform_indices = @transform_5, window_bounds = array<i64: 1, 128>}, {pipeline_mode = #tpu.pipeline_mode<synchronous>, transform_indices = @transform_6, window_bounds = array<i64: 1, 128>}, {transform_indices = @transform_7, window_bounds = array<i64: 1024, 1>}, {pipeline_mode = #tpu.pipeline_mode<synchronous>, transform_indices = @transform_8, window_bounds = array<i64: 128, 128>}, {pipeline_mode = #tpu.pipeline_mode<synchronous>, transform_indices = @transform_9, window_bounds = array<i64: 1, 128>}, {pipeline_mode = #tpu.pipeline_mode<synchronous>, transform_indices = @transform_10, window_bounds = array<i64: 128, 128>}]} {
    %get3A = arith.constant 0 : index
    %get3A_0 = arith.constant 0 : index
    %get3A_1 = vector.load %arg1[%get3A, %get3A_0] : memref<1024x128xf32, #tpu.memory_space<vmem>>, vector<1024x128xf32>
    %get3A_2 = arith.constant 0 : index
    %get3A_3 = arith.constant 0 : index
    %get3A_4 = vector.load %arg7[%get3A_2, %get3A_3] : memref<1x128xf32, #tpu.memory_space<vmem>>, vector<1x128xf32>
    %mul3A = vector.broadcast %get3A_4 : vector<1x128xf32> to vector<1024x128xf32>
    %mul3A_5 = arith.mulf %get3A_1, %mul3A : vector<1024x128xf32>
    %get3A_6 = arith.constant 0 : index
    %get3A_7 = arith.constant 0 : index
    %get3A_8 = arith.constant 0 : index
    %get3A_9 = vector.load %arg2[%get3A_6, %get3A_7, %get3A_8] : memref<2x1024x128xf32, #tpu.memory_space<vmem>>, vector<1x1024x128xf32>
    %get3A_10 = vector.shape_cast %get3A_9 : vector<1x1024x128xf32> to vector<1024x128xf32>
    %add3A = arith.addf %mul3A_5, %get3A_10 : vector<1024x128xf32>
    %get3A_11 = arith.constant 1 : index
    %get3A_12 = arith.constant 0 : index
    %get3A_13 = arith.constant 0 : index
    %get3A_14 = vector.load %arg2[%get3A_11, %get3A_12, %get3A_13] : memref<2x1024x128xf32, #tpu.memory_space<vmem>>, vector<1x1024x128xf32>
    %get3A_15 = vector.shape_cast %get3A_14 : vector<1x1024x128xf32> to vector<1024x128xf32>
    %add3A_16 = arith.addf %add3A, %get3A_15 : vector<1024x128xf32>
    %get3A_17 = arith.constant 0 : index
    %get3A_18 = arith.constant 0 : index
    %get3A_19 = vector.load %arg3[%get3A_17, %get3A_18] : memref<128x128xf32, #tpu.memory_space<vmem>>, vector<128x128xf32>
    %dot_general3A = arith.constant dense<0.000000e+00> : vector<1024x128xf32>
    %dot_general3A_20 = tpu.matmul %add3A_16, %get3A_19, %dot_general3A {dimension_numbers = #tpu.dot_dimension_numbers<[1], [0], [0], [1], [0, 0, 1, 1], [], []>, transpose_lhs_hint = false} : vector<1024x128xf32>, vector<128x128xf32>, vector<1024x128xf32> -> vector<1024x128xf32>
    %get3A_21 = arith.constant 0 : index
    %get3A_22 = arith.constant 0 : index
    %get3A_23 = vector.load %arg4[%get3A_21, %get3A_22] : memref<1x128xf32, #tpu.memory_space<vmem>>, vector<1x128xf32>
    %add3A_24 = vector.broadcast %get3A_23 : vector<1x128xf32> to vector<1024x128xf32>
    %add3A_25 = arith.addf %dot_general3A_20, %add3A_24 : vector<1024x128xf32>
    %max3A = arith.constant 0.000000e+00 : f32
    %max3A_26 = vector.broadcast %max3A : f32 to vector<1024x128xf32>
    %max3A_27 = arith.maximumf %add3A_25, %max3A_26 : vector<1024x128xf32>
    %get3A_28 = arith.constant 0 : index
    %get3A_29 = arith.constant 0 : index
    %get3A_30 = vector.load %arg5[%get3A_28, %get3A_29] : memref<128x128xf32, #tpu.memory_space<vmem>>, vector<128x128xf32>
    %dot_general3A_31 = arith.constant dense<0.000000e+00> : vector<1024x128xf32>
    %dot_general3A_32 = tpu.matmul %max3A_27, %get3A_30, %dot_general3A_31 {dimension_numbers = #tpu.dot_dimension_numbers<[1], [0], [0], [1], [0, 0, 1, 1], [], []>, transpose_lhs_hint = false} : vector<1024x128xf32>, vector<128x128xf32>, vector<1024x128xf32> -> vector<1024x128xf32>
    %get3A_33 = arith.constant 0 : index
    %get3A_34 = arith.constant 0 : index
    %get3A_35 = vector.load %arg6[%get3A_33, %get3A_34] : memref<1x128xf32, #tpu.memory_space<vmem>>, vector<1x128xf32>
    %add3A_36 = vector.broadcast %get3A_35 : vector<1x128xf32> to vector<1024x128xf32>
    %add3A_37 = arith.addf %dot_general3A_32, %add3A_36 : vector<1024x128xf32>
    %get3A_38 = arith.constant 0 : index
    %get3A_39 = arith.constant 0 : index
    %get3A_40 = vector.load %arg8[%get3A_38, %get3A_39] : memref<1024x1xf32, #tpu.memory_space<vmem>>, vector<1024x1xf32>
    %iota3A = tpu.iota {dimensions = array<i32: 1>} : vector<1024x128xi32>
    %convert_element_type3A = arith.sitofp %iota3A : vector<1024x128xi32> to vector<1024x128xf32>
    %eq3A = vector.broadcast %get3A_40 : vector<1024x1xf32> to vector<1024x128xf32>
    %eq3A_41 = arith.cmpf oeq, %eq3A, %convert_element_type3A : vector<1024x128xf32>
    %convert_element_type3A_42 = arith.extui %eq3A_41 : vector<1024x128xi1> to vector<1024x128xi32>
    %convert_element_type3A_43 = arith.sitofp %convert_element_type3A_42 : vector<1024x128xi32> to vector<1024x128xf32>
    %dot_general3A_44 = arith.constant dense<0.000000e+00> : vector<128x128xf32>
    %dot_general3A_45 = tpu.matmul %convert_element_type3A_43, %add3A_37, %dot_general3A_44 {dimension_numbers = #tpu.dot_dimension_numbers<[0], [0], [1], [1], [0, 1, 1, 1], [], []>, transpose_lhs_hint = false} : vector<1024x128xf32>, vector<1024x128xf32>, vector<128x128xf32> -> vector<128x128xf32>
    %broadcast_in_dim3A = arith.constant 1.000000e+00 : f32
    %broadcast_in_dim3A_46 = vector.broadcast %broadcast_in_dim3A : f32 to vector<1024x128xf32>
    %dot_general3A_47 = arith.constant dense<0.000000e+00> : vector<128x128xf32>
    %dot_general3A_48 = tpu.matmul %convert_element_type3A_43, %broadcast_in_dim3A_46, %dot_general3A_47 {dimension_numbers = #tpu.dot_dimension_numbers<[0], [0], [1], [1], [0, 1, 1, 1], [], []>, transpose_lhs_hint = false} : vector<1024x128xf32>, vector<1024x128xf32>, vector<128x128xf32> -> vector<128x128xf32>
    %eq3A_49 = arith.constant 0 : i32
    %eq3A_50 = arith.cmpi eq, %arg0, %eq3A_49 : i32
    %convert_element_type3A_51 = arith.extui %eq3A_50 : i1 to i32
    %cond3A = arith.constant 0 : i32
    %cond3A_52 = arith.cmpi ne, %convert_element_type3A_51, %cond3A : i32
    scf.if %cond3A_52 {
      %broadcast_in_dim3A_71 = arith.constant 0.000000e+00 : f32
      %broadcast_in_dim3A_72 = vector.broadcast %broadcast_in_dim3A_71 : f32 to vector<128x128xf32>
      %swap3A_73 = arith.constant 0 : index
      %swap3A_74 = arith.constant 0 : index
      %swap3A_75 = vector.load %arg12[%swap3A_73, %swap3A_74] : memref<128x128xf32, #tpu.memory_space<vmem>>, vector<128x128xf32>
      tpu.vector_store %arg12[%swap3A_73, %swap3A_74], %broadcast_in_dim3A_72 {strides = array<i32>} : memref<128x128xf32, #tpu.memory_space<vmem>>, vector<128x128xf32>,
      %broadcast_in_dim3A_76 = arith.constant 0.000000e+00 : f32
      %broadcast_in_dim3A_77 = vector.broadcast %broadcast_in_dim3A_76 : f32 to vector<128x128xf32>
      %swap3A_78 = arith.constant 0 : index
      %swap3A_79 = arith.constant 0 : index
      %swap3A_80 = vector.load %arg13[%swap3A_78, %swap3A_79] : memref<128x128xf32, #tpu.memory_space<vmem>>, vector<128x128xf32>
      tpu.vector_store %arg13[%swap3A_78, %swap3A_79], %broadcast_in_dim3A_77 {strides = array<i32>} : memref<128x128xf32, #tpu.memory_space<vmem>>, vector<128x128xf32>,
    } else {
    }
    %get3A_53 = arith.constant 0 : index
    %get3A_54 = arith.constant 0 : index
    %get3A_55 = vector.load %arg12[%get3A_53, %get3A_54] : memref<128x128xf32, #tpu.memory_space<vmem>>, vector<128x128xf32>
    %add3A_56 = arith.addf %get3A_55, %dot_general3A_45 : vector<128x128xf32>
    %swap3A = arith.constant 0 : index
    %swap3A_57 = arith.constant 0 : index
    %swap3A_58 = vector.load %arg12[%swap3A, %swap3A_57] : memref<128x128xf32, #tpu.memory_space<vmem>>, vector<128x128xf32>
    tpu.vector_store %arg12[%swap3A, %swap3A_57], %add3A_56 {strides = array<i32>} : memref<128x128xf32, #tpu.memory_space<vmem>>, vector<128x128xf32>,
    %get3A_59 = arith.constant 0 : index
    %get3A_60 = arith.constant 0 : index
    %get3A_61 = vector.load %arg13[%get3A_59, %get3A_60] : memref<128x128xf32, #tpu.memory_space<vmem>>, vector<128x128xf32>
    %add3A_62 = arith.addf %get3A_61, %dot_general3A_48 : vector<128x128xf32>
    %swap3A_63 = arith.constant 0 : index
    %swap3A_64 = arith.constant 0 : index
    %swap3A_65 = vector.load %arg13[%swap3A_63, %swap3A_64] : memref<128x128xf32, #tpu.memory_space<vmem>>, vector<128x128xf32>
    tpu.vector_store %arg13[%swap3A_63, %swap3A_64], %add3A_62 {strides = array<i32>} : memref<128x128xf32, #tpu.memory_space<vmem>>, vector<128x128xf32>,
    %eq3A_66 = arith.constant 9 : i32
    %eq3A_67 = arith.cmpi eq, %arg0, %eq3A_66 : i32
    %convert_element_type3A_68 = arith.extui %eq3A_67 : i1 to i32
    %cond3A_69 = arith.constant 0 : i32
    %cond3A_70 = arith.cmpi ne, %convert_element_type3A_68, %cond3A_69 : i32
    scf.if %cond3A_70 {
      %get3A_71 = arith.constant 0 : index
      %get3A_72 = arith.constant 0 : index
      %get3A_73 = vector.load %arg12[%get3A_71, %get3A_72] : memref<128x128xf32, #tpu.memory_space<vmem>>, vector<128x128xf32>
      %get3A_74 = arith.constant 0 : index
      %get3A_75 = arith.constant 0 : index
      %get3A_76 = vector.load %arg13[%get3A_74, %get3A_75] : memref<128x128xf32, #tpu.memory_space<vmem>>, vector<128x128xf32>
      %max3A_77 = arith.constant 1.000000e+00 : f32
      %max3A_78 = vector.broadcast %max3A_77 : f32 to vector<128x128xf32>
      %max3A_79 = arith.maximumf %get3A_76, %max3A_78 : vector<128x128xf32>
      %div3A = arith.divf %get3A_73, %max3A_79 : vector<128x128xf32>
      %get3A_80 = arith.constant 0 : index
      %get3A_81 = arith.constant 0 : index
      %get3A_82 = vector.load %arg9[%get3A_80, %get3A_81] : memref<128x128xf32, #tpu.memory_space<vmem>>, vector<128x128xf32>
      %dot_general3A_83 = arith.constant dense<0.000000e+00> : vector<128x128xf32>
      %dot_general3A_84 = tpu.matmul %div3A, %get3A_82, %dot_general3A_83 {dimension_numbers = #tpu.dot_dimension_numbers<[1], [0], [0], [1], [0, 0, 1, 1], [], []>, transpose_lhs_hint = false} : vector<128x128xf32>, vector<128x128xf32>, vector<128x128xf32> -> vector<128x128xf32>
      %get3A_85 = arith.constant 0 : index
      %get3A_86 = arith.constant 0 : index
      %get3A_87 = vector.load %arg10[%get3A_85, %get3A_86] : memref<1x128xf32, #tpu.memory_space<vmem>>, vector<1x128xf32>
      %add3A_88 = vector.broadcast %get3A_87 : vector<1x128xf32> to vector<128x128xf32>
      %add3A_89 = arith.addf %dot_general3A_84, %add3A_88 : vector<128x128xf32>
      %swap3A_90 = arith.constant 0 : index
      %swap3A_91 = arith.constant 0 : index
      %swap3A_92 = vector.load %arg11[%swap3A_90, %swap3A_91] : memref<128x128xf32, #tpu.memory_space<vmem>>, vector<128x128xf32>
      tpu.vector_store %arg11[%swap3A_90, %swap3A_91], %add3A_89 {strides = array<i32>} : memref<128x128xf32, #tpu.memory_space<vmem>>, vector<128x128xf32>,
    } else {
    }
    return
  }
  func.func @transform_0(%arg0: i32) -> (i32, i32) {
    %c0_i32 = arith.constant 0 : i32
    %c0_i32_0 = arith.constant 0 : i32
    return %arg0, %c0_i32 : i32, i32
  }
  func.func @transform_1(%arg0: i32) -> (i32, i32, i32) {
    %c0_i32 = arith.constant 0 : i32
    %c0_i32_0 = arith.constant 0 : i32
    %c0_i32_1 = arith.constant 0 : i32
    return %c0_i32, %arg0, %c0_i32_0 : i32, i32, i32
  }
  func.func @transform_2(%arg0: i32) -> (i32, i32) {
    %c0_i32 = arith.constant 0 : i32
    %c0_i32_0 = arith.constant 0 : i32
    %c0_i32_1 = arith.constant 0 : i32
    return %c0_i32, %c0_i32_0 : i32, i32
  }
  func.func @transform_3(%arg0: i32) -> (i32, i32) {
    %c0_i32 = arith.constant 0 : i32
    %c0_i32_0 = arith.constant 0 : i32
    %c0_i32_1 = arith.constant 0 : i32
    return %c0_i32, %c0_i32_0 : i32, i32
  }
  func.func @transform_4(%arg0: i32) -> (i32, i32) {
    %c0_i32 = arith.constant 0 : i32
    %c0_i32_0 = arith.constant 0 : i32
    %c0_i32_1 = arith.constant 0 : i32
    return %c0_i32, %c0_i32_0 : i32, i32
  }
  func.func @transform_5(%arg0: i32) -> (i32, i32) {
    %c0_i32 = arith.constant 0 : i32
    %c0_i32_0 = arith.constant 0 : i32
    %c0_i32_1 = arith.constant 0 : i32
    return %c0_i32, %c0_i32_0 : i32, i32
  }
  func.func @transform_6(%arg0: i32) -> (i32, i32) {
    %c0_i32 = arith.constant 0 : i32
    %c0_i32_0 = arith.constant 0 : i32
    %c0_i32_1 = arith.constant 0 : i32
    return %c0_i32, %c0_i32_0 : i32, i32
  }
  func.func @transform_7(%arg0: i32) -> (i32, i32) {
    %c0_i32 = arith.constant 0 : i32
    %c0_i32_0 = arith.constant 0 : i32
    return %arg0, %c0_i32 : i32, i32
  }
  func.func @transform_8(%arg0: i32) -> (i32, i32) {
    %c0_i32 = arith.constant 0 : i32
    %c0_i32_0 = arith.constant 0 : i32
    %c0_i32_1 = arith.constant 0 : i32
    return %c0_i32, %c0_i32_0 : i32, i32
  }
  func.func @transform_9(%arg0: i32) -> (i32, i32) {
    %c0_i32 = arith.constant 0 : i32
    %c0_i32_0 = arith.constant 0 : i32
    %c0_i32_1 = arith.constant 0 : i32
    return %c0_i32, %c0_i32_0 : i32, i32
  }
  func.func @transform_10(%arg0: i32) -> (i32, i32) {
    %c0_i32 = arith.constant 0 : i32
    %c0_i32_0 = arith.constant 0 : i32
    %c0_i32_1 = arith.constant 0 : i32
    return %c0_i32, %c0_i32_0 : i32, i32
  }
}

</mosaic_0001>

<sc_bundles>
// kernel: kernel.11.cloned.1.call-start
scs
__scs_entry_jumppad:
0x0: {  	(pc) =	sbr.rel $0x88, $3  }
0x1: {  	(tag) =	ssettag $0x0;
	lr =	simm.s32 $0x1  }
0x2: {  	[smem:$0x3F94] =	sst lr;
	_ =	strace $0xD0000000  }
0x3: {  	_ = 	snop  }
0x4: {  	_ = 	snop  }
0x5: {  	_ = 	snop  }
0x6: {  	_ = 	snop  }
0x7: {  	_ = 	snop  }
__scs_overlays_trampoline_lowered:
0x8: {  	[smem:$0x3FA3] =	sst s0  }
0x9: {  	[smem:$0x3FA4] =	sst s1  }
0xa: {  	[smem:$0x3FA5] =	sst s2  }
0xb: {  	[smem:$0x3FA6] =	sst s3  }
0xc: {  	[smem:$0x3FA7] =	sst s4  }
0xd: {  	[smem:$0x3FA8] =	sst s5  }
0xe: {  	[smem:$0x3FA9] =	sst s6  }
0xf: {  	[smem:$0x3FAA] =	sst s7  }
0x10: {  	[smem:$0x3FAB] =	sst s8  }
0x11: {  	[smem:$0x3FAC] =	sst s9;
	s0 =	simm.s32 @!p0 $0x0  }
0x12: {  	s1 =	sld [smem:$0x3F92];
	s0 =	simm.s32 @p0 $0x1  }
0x13: {  	[smem:$0x3FAD] =	sst s0;
	s0 =	simm.s32 @!p1 $0x0  }
0x14: {  	s2 =	sld [smem:$0x3F91];
	s0 =	simm.s32 @p1 $0x1  }
0x15: {  	[smem:$0x3FAE] =	sst s0;
	s0 =	simm.s32 @!p2 $0x0  }
0x16: {  	s3 =	sld [smem:$0x3FDB];
	s0 =	simm.s32 @p2 $0x1  }
0x17: {  	s4 =	simm.s32 $0x1BF5;
	[smem:$0x3FB0] =	sst s0  }
0x18: {  	s0 =	sld [smem:$0x3F93];
	_ =	swait.ge [sflag:s4], $0x0  }
0x19: {  	s7 =	sld [smem:$0x3F94]  }
0x1a: {  	s8 =	sadd.s32 $0xFFFFE003, lr  }
0x1b: {  	s9 =	sadd.s32 $0xFFFFFEF7, lr;
	s5 =	simm.s32 $0xFFFFFFFF;
	p2 =	slt.u32 s8, $0xFFFFF086  }
0x1c: {  	p1 =	slt.u32 s9, $0xF7A;
	s5 =	simm.s32 @!p2 $0x0  }
0x1d: {  	s5 =	simm.s32 @p1 $0x1;
	p0 =	seq.s32 s7, s2  }
0x1e: {  	s7 =	smul.u32 @!p0 $0xF7A, s2;
	p2 =	seq.s32 @!p0 s5, $0x0  }
0x1f: {  	s9 =	smul.u32 $0xF7A, s1;
	s8 =	simm.s32 @!p0 $0x1BF5;
	p2 =	por !p2, p0  }
0x20: {  	[sflag:s8] =	ssyncset.s32 @!p0 $0xFFFFF086;
	s6 =	sadd.s32 @!p0 s3, s7;
	s7 =	simm.s32 @!p0 $0x108  }
0x21: {  	s3 =	sadd.s32 s3, s9;
	s6 =	sadd.s32 @!p0 $0x88, s6;
	s7 =	simm.s32 @p2 $0x1082  }
0x22: {  	[simem:s7], [sflag:s8] =	dma.local @!p0 [hbm:s6], $0xF7A  }
0x23: {  	s9 =	sor.u32 $0xD0000000, s2;
	s6 =	simm.s32 $0x108;
	_ =	swait.ge @!p0 [sflag:s8], $0x0  }
0x24: {  	s3 =	sadd.s32 $0x88, s3;
	s6 =	simm.s32 @!p1 $0x1082;
	[sflag:s4] =	ssyncset.s32 $0xFFFFF086  }
0x25: {  	[simem:s6], [sflag:s4] =	dma.local [hbm:s3], $0xF7A  }
0x26: {  	[smem:$0x3F94] =	sst s1;
	(tag) =	ssettag s2;
	_ =	strace s9  }
0x27: {  	s1 =	sld [smem:$0x3FA4]  }
0x28: {  	s2 =	sld [smem:$0x3FA5]  }
0x29: {  	s4 =	sld [smem:$0x3FA7]  }
0x2a: {  	p0 =	seq.s32 s5, $0x0;
	s5 =	sld [smem:$0x3FA8]  }
0x2b: {  	s6 =	sld [smem:$0x3FA9]  }
0x2c: {  	s7 =	sld [smem:$0x3FAA]  }
0x2d: {  	s3 =	simm.s32 $0x108;
	s8 =	sld [smem:$0x3FAB]  }
0x2e: {  	s3 =	simm.s32 @!p0 $0x1082;
	s9 =	sld [smem:$0x3FAC]  }
0x2f: {  	lr =	sadd.s32 s0, s3;
	s0 =	sld [smem:$0x3FA3]  }
0x30: {  	s3 =	sld [smem:$0x3FA6]  }
0x31: {  	[smem:$0x3FAF] =	sst s10  }
0x32: {  	s10 =	sld [smem:$0x3FAD];
	_ =	sdelay $0x3  }
0x33: {  	p0 =	seq.s32 s10, $0x1;
	s10 =	sld [smem:$0x3FAF];
	_ =	sdelay $0x3  }
0x34: {  	[smem:$0x3FAF] =	sst s10  }
0x35: {  	s10 =	sld [smem:$0x3FAE];
	_ =	sdelay $0x3  }
0x36: {  	p1 =	seq.s32 s10, $0x1;
	s10 =	sld [smem:$0x3FAF];
	_ =	sdelay $0x3  }
0x37: {  	[smem:$0x3FAF] =	sst s10  }
0x38: {  	s10 =	sld [smem:$0x3FB0]  }
0x39: {  	_ = 	snop;
	(pc) =	sbr.ind lr, $3  }
0x3a: {  	_ = 	snop  }
0x3b: {  	_ = 	snop  }
0x3c: {  	p2 =	seq.s32 s10, $0x1;
	s10 =	sld [smem:$0x3FAF]  }
0x3d: {  	_ =	shalt  }
0x3e: {  	_ =	shalt  }
0x3f: {  	_ =	shalt  }
0x40: {  	_ =	shalt  }
0x41: {  	_ =	shalt  }
0x42: {  	_ =	shalt  }
0x43: {  	_ =	shalt  }
0x44: {  	_ =	shalt  }
0x45: {  	_ =	shalt  }
0x46: {  	_ =	shalt  }
0x47: {  	_ =	shalt  }
0x48: {  	_ =	shalt  }
0x49: {  	_ =	shalt  }
0x4a: {  	_ =	shalt  }
0x4b: {  	_ =	shalt  }
0x4c: {  	_ =	shalt  }
0x4d: {  	_ =	shalt  }
0x4e: {  	_ =	shalt  }
0x4f: {  	_ =	shalt  }
0x50: {  	_ =	shalt  }
0x51: {  	_ =	shalt  }
0x52: {  	_ =	shalt  }
0x53: {  	_ =	shalt  }
0x54: {  	_ =	shalt  }
0x55: {  	_ =	shalt  }
0x56: {  	_ =	shalt  }
0x57: {  	_ =	shalt  }
0x58: {  	_ =	shalt  }
0x59: {  	_ =	shalt  }
0x5a: {  	_ =	shalt  }
0x5b: {  	_ =	shalt  }
0x5c: {  	_ =	shalt  }
0x5d: {  	_ =	shalt  }
0x5e: {  	_ =	shalt  }
0x5f: {  	_ =	shalt  }
0x60: {  	_ =	shalt  }
0x61: {  	_ =	shalt  }
0x62: {  	_ =	shalt  }
0x63: {  	_ =	shalt  }
0x64: {  	_ =	shalt  }
0x65: {  	_ =	shalt  }
0x66: {  	_ =	shalt  }
0x67: {  	_ =	shalt  }
0x68: {  	_ =	shalt  }
0x69: {  	_ =	shalt  }
0x6a: {  	_ =	shalt  }
0x6b: {  	_ =	shalt  }
0x6c: {  	_ =	shalt  }
0x6d: {  	_ =	shalt  }
0x6e: {  	_ =	shalt  }
0x6f: {  	_ =	shalt  }
0x70: {  	_ =	shalt  }
0x71: {  	_ =	shalt  }
0x72: {  	_ =	shalt  }
0x73: {  	_ =	shalt  }
0x74: {  	_ =	shalt  }
0x75: {  	_ =	shalt  }
0x76: {  	_ =	shalt  }
0x77: {  	_ =	shalt  }
0x78: {  	_ =	shalt  }
0x79: {  	_ =	shalt  }
0x7a: {  	_ =	shalt  }
0x7b: {  	_ =	shalt  }
0x7c: {  	_ =	shalt  }
0x7d: {  	_ =	shalt  }
0x7e: {  	_ =	shalt  }
0x7f: {  	_ =	shalt  }
0x80: {  	_ =	shalt  }
0x81: {  	_ =	shalt  }
0x82: {  	_ =	shalt  }
0x83: {  	_ =	shalt  }
0x84: {  	_ =	shalt  }
0x85: {  	_ =	shalt  }
0x86: {  	_ =	shalt  }
0x87: {  	_ =	shalt  }
.Lfunc_end0:
.L_simem_size_0:
called_computation_lowered:
.L_overlay_start_0:
0x88: {  	s2 =	sld [smem:$0x3FD9]  }
0x89: {  	s3 =	sld [smem:$0x3FFE];
	_ =	sdelay $0x1  }
0x8a: {  	s1 =	srdreg.scid  }
0x8b: {  	s0 =	sand.u32 $0x1, s1  }
0x8c: {  	s17 =	sshll.u32 s0, $0xA;
	s2 =	sadd.s32 s3, s2  }
0x8d: {  	s2 =	sadd.s32 s2, s17  }
0x8e: {  	[smem:$0x3FBB] =	sst s2  }
0x8f: {  	_ = 	snop  }
0x90: {  	s2 =	sld [smem:$0x3FD0];
	(tm) =	ssettm $0x1  }
0x91: {  	s18 =	sld [smem:$0x3FFB];
	_ =	sdelay $0x3  }
0x92: {  	_ =	strace s18  }
0x93: {  	s3 =	sld [smem:$0x3FFC];
	_ =	sdelay $0x3  }
0x94: {  	_ =	strace s3  }
0x95: {  	s3 =	sld [smem:$0x3FFD];
	_ =	sdelay $0x3  }
0x96: {  	_ =	strace s3  }
0x97: {  	_ =	strace $0x8FFFFFFF  }
0x98: {  	s19 =	sld [smem:$0x3FDB];
	_ =	sdelay $0x1  }
0x99: {  	s4 =	simm.s32 $_scs_section_size  }
0x9a: {  	s5 =	simm.s32 $_size__tile_overlayer_lowered;
	s6 =	simm.s32 $_tile_overlayer_lowered  }
0x9b: {  	s22 =	simm.s32 $0x1BFF;
	s21 =	sshll.u32 s6, $0x1;
	s3 =	sadd.s32 s4, s19  }
0x9c: {  	s7 =	simm.s32 $0x0;
	s20 =	sshll.u32 s5, $0x1;
	s5 =	sadd.s32 s21, s3  }
0x9d: {  	[timem:s7], [sflag:s22] =	dma.local [hbm:s5], s20  }
0x9e: {  	_ =	swait.ge [sflag:s22], s20  }
0x9f: {  	s4 =	ssub.s32 $0x0, s20;
	[sflag:s22] =	ssyncset.done $0x0  }
0xa0: {  	[sflag:s22] =	ssyncadd.s32 s4;
	_ =	sdelay $0x1  }
0xa1: {  	s23 =	simm.s32 $0x1B8B  }
0xa2: {  	_ =	swait.ge [sflag:s23], $0x1  }
0xa3: {  	[sflag:s23] =	ssyncset.done $0x0  }
0xa4: {  	s25 =	simm.s32 $0x1B8E;
	s24 =	sld [smem:$0x3FFE];
	[sflag:s23] =	ssyncadd.s32 $0xFFFFFFFF  }
0xa5: {  	s26 =	simm.s32 $execute0_lowered;
	[smem:$0x3FD2] =	sst s25  }
0xa6: {  	s5 =	sshll.u32 s26, $0x1;
	_ =	strace $0x80000046;
	[dreg:$0x1] =	wrdreg $0xFFFFFFFF  }
0xa7: {  	s28 =	simm.s32 $_size_execute0_lowered;
	s3 =	sadd.s32 s3, s5;
	[dreg:$0x0] =	wrdreg $0x0  }
0xa8: {  	s5 =	sshll.u32 s28, $0x1;
	[dreg:$0x2] =	wrdreg s3  }
0xa9: {  	[dreg:$0x3] =	wrdreg s5  }
0xaa: {  	[dreg:$0x4] =	wrdreg $0xC0  }
0xab: {  	_ =	task [dreg:s7], $0x5FFFF  }
0xac: {  	[dreg:$0x1] =	wrdreg $0xFFFFFFFF  }
0xad: {  	[dreg:$0x0] =	wrdreg $0x60  }
0xae: {  	[dreg:$0x2] =	wrdreg s24  }
0xaf: {  	[dreg:$0x3] =	wrdreg s2  }
0xb0: {  	[dreg:$0x4] =	wrdreg $0xA4000  }
0xb1: {  	[dreg:$0x5] =	wrdreg $0x9  }
0xb2: {  	_ =	task.clear_ibuf [dreg:s7], $0x6FFFF;
	_ =	strace $0x90000046  }
0xb3: {  	s29 =	simm.s32 $0x9;
	_ =	strace $0x80000048  }
0xb4: {  	_ =	swait.ge [sflag:s29], $0x1  }
0xb5: {  	[sflag:s29] =	ssyncadd.s32 $0xFFFFFFFF  }
0xb6: {  	_ =	strace $0x90000048  }
0xb7: {  	_ =	sfence  }
0xb8: {  	s30 =	sld [smem:$0x0];
	_ =	sdelay $0x2  }
0xb9: {  	s31 =	sshll.u32 s1, $0xD;
	s1 =	sshrl.u32 s1, $0x2  }
0xba: {  	s3 =	sand.u32 $0x4000, s31;
	s1 =	sadd.s32 s1, s30  }
0xbb: {  	s0 =	sor.u32 s3, s0;
	s1 =	sshll.u32 s1, $0x11  }
0xbc: {  	s0 =	sor.u32 s1, s0  }
0xbd: {  	s0 =	sadd.s32 $0x8F2B, s0  }
0xbe: {  	[sflag:s0] =	ssyncadd.remote.s32 $0x1  }
0xbf: {  	_ =	sfence.sel $0xFFFF  }
0xc0: {  	[dreg:$0x0] =	wrdreg $0xFFFFFFFF;
	(pc) =	sbr.abs _section_cstart, $3  }
0xc1: {  	[dreg:$0x1] =	wrdreg $0xFFFFFFFF  }
0xc2: {  	_ =	task.clear_ibuf [dreg:s7], $0x2FFFF;
	_ =	strace $0x9FFFFFFF  }
0xc3: {  	(tm) =	ssettm $0x7FFFFFFF  }
tec
execute0_lowered:
.L_overlay_start_1:
0x0: {  	(tag) =	ssettag $0x1  }
0x1: {  	s0 =	rddreg [dreg:$0x0]  }
0x2: {  	s3 =	rddreg [dreg:$0x2];
	s12 =	stileid.u32  }
0x3: {  	s1 =	srdreg.scid;
	s4 =	simm.s32 $0x0;
	s2 =	smul.u32 $0x280, s12  }
0x4: {  	s30 =	simm.s32 $0xA300;
	s31 =	simm.s32 $0x9;
	s10 =	smul.u32 $0x50000, s12  }
0x5: {  	s1 =	sand.u32 $0x1, s1;
	s5 =	sshll.u32 s12, $0x1;
	s22 =	smul.u32 $0x5000, s12  }
0x6: {  	[smem:$0x7FF] =	sst s4;
	s8 =	smul.u32 $0x2800, s1;
	s6 =	sor.u32 s1, s5  }
0x7: {  	s7 =	sadd.s32 $0xAD200, s0;
	s9 =	smul.u32 $0x2800, s6;
	s10 =	sshrl.u32 s10, $0x2  }
0x8: {  	_ =	strace $0x80000047;
	s5 =	sadd.s32 $0x3200, s0;
	s16 =	sadd.s32 s10, s3  }
0x9: {  	s1 =	ssub.s32 $0x2, s1;
	s21 =	sor.u32 $0x140, s9;
	[dreg:$0x4] =	wrdreg s16  }
0xa: {  	s6 =	sadd.s32 $0xA3200, s0;
	s23 =	sor.u32 $0xA0, s9;
	[dreg:$0x9] =	wrdreg s21  }
0xb: {  	s19 =	sshrl.u32 s1, $0x1;
	s24 =	sor.u32 $0x190, s9;
	[dreg:$0xa] =	wrdreg s23  }
0xc: {  	s2 =	sadd.s32 s2, s8;
	s25 =	sor.u32 $0xF0, s9;
	[dreg:$0xb] =	wrdreg s24  }
0xd: {  	s1 =	ssub.s32 s1, s19;
	s26 =	sor.u32 $0x1E0, s9;
	[dreg:$0xc] =	wrdreg s25  }
0xe: {  	s11 =	sshrl.u32 s9, $0x3;
	s28 =	sadd.s32 $0xF000, s16;
	[dreg:$0xd] =	wrdreg s26  }
0xf: {  	s29 =	sadd.s32 $0x11800, s16;
	s20 =	sor.u32 $0xA, s11;
	[dreg:$0x1d] =	wrdreg s28  }
0x10: {  	s10 =	sadd.s32 s6, s11;
	s11 =	sadd.s32 s7, s11;
	[dreg:$0x1e] =	wrdreg s29  }
0x11: {  	s2 =	sshll.u32 s2, $0x4;
	s21 =	smax.u32 s1, $0x1;
	[dreg:$0x7] =	wrdreg s11  }
0x12: {  	s18 =	sor.u32 $0x230, s9;
	s23 =	sadd.s32 $0x5000, s16;
	[dreg:$0x16] =	wrdreg s21  }
0x13: {  	s9 =	simm.s32 $0x50;
	s24 =	sadd.s32 $0x7800, s16;
	[dreg:$0x19] =	wrdreg s23  }
0x14: {  	s0 =	sadd.s32 s2, s0;
	s1 =	simm.s32 $0x7800;
	[dreg:$0x1a] =	wrdreg s24  }
0x15: {  	s14 =	sadd.s32 s6, s20;
	s2 =	sadd.s32 s7, s20;
	[dreg:$0x5] =	wrdreg s10  }
0x16: {  	s12 =	sadd.s32 $0xB7200, s0;
	s13 =	sadd.s32 $0xB7700, s0;
	[dreg:$0x6] =	wrdreg s14  }
0x17: {  	s15 =	sadd.s32 $0xB8100, s0;
	s17 =	sadd.s32 $0xB8600, s0;
	[dreg:$0x8] =	wrdreg s2  }
0x18: {  	s19 =	sadd.s32 $0xB8B00, s0;
	s20 =	sadd.s32 $0xB9000, s0;
	[dreg:$0xe] =	wrdreg s12  }
0x19: {  	s25 =	sadd.s32 $0x14, s10;
	s26 =	sadd.s32 $0x1E, s10;
	[dreg:$0xf] =	wrdreg s13  }
0x1a: {  	s21 =	simm.s32 $0x1;
	s23 =	simm.s32 $0x3;
	[dreg:$0x11] =	wrdreg s15  }
0x1b: {  	s24 =	simm.s32 $0x4;
	s10 =	simm.s32 $0xA;
	[dreg:$0x12] =	wrdreg s17  }
0x1c: {  	s11 =	simm.s32 $0xB;
	s2 =	sadd.s32 s8, s22;
	[dreg:$0x13] =	wrdreg s19  }
0x1d: {  	s14 =	sadd.s32 $0xB7C00, s0;
	[dreg:$0x14] =	wrdreg s20;
	s0 =	sadd.s32 $0xB9500, s0  }
0x1e: {  	s17 =	sadd.s32 $0xA000, s16;
	s20 =	sadd.s32 $0xC800, s16;
	[dreg:$0x1f] =	wrdreg s25  }
0x1f: {  	[smem:$0x7FD] =	sst s26;
	s13 =	simm.s32 $0x2800;
	s19 =	simm.s32 $0x7  }
0x20: {  	s25 =	simm.s32 $0x5000;
	s8 =	simm.s32 $0xC;
	[dreg:$0x10] =	wrdreg s14  }
.Ltmp0:
0x21: {  	s26 =	simm.s32 $0xF;
	[dreg:$0x15] =	wrdreg s0;
	(pc) =	sbr.rel .LBB2_1-.Ltmp0, $4  }
0x22: {  	s15 =	simm.s32 $0x0;
	s2 =	sor.u32 $0x140, s2;
	[dreg:$0x1b] =	wrdreg s17  }
0x23: {  	s14 =	sadd.s32 $0x2800, s16;
	[dreg:$0x1c] =	wrdreg s20;
	s2 =	sshrl.u32 s2, $0x3  }
0x24: {  	s0 =	simm.s32 $0x8;
	[dreg:$0x18] =	wrdreg s14;
	s22 =	sadd.s32 s2, s6  }
0x25: {  	s2 =	simm.s32 $0xA380;
	[dreg:$0x17] =	wrdreg s22;
	s22 =	simm.s32 $0x2  }
.LBB2_6:
0x26: {  	_ =	swait.ge [sflag:s26], $0x2800  }
0x27: {  	[sflag:s26] =	ssyncset.done $0x0  }
0x28: {  	s14 =	simm.s32 $0x10;
	[sflag:s26] =	ssyncadd.s32 $0xFFFFD800  }
0x29: {  	_ =	swait.ge [sflag:s14], $0x2800  }
0x2a: {  	[sflag:s14] =	ssyncset.done $0x0  }
0x2b: {  	[sflag:s14] =	ssyncadd.s32 $0xFFFFD800  }
0x2c: {  	[bflag:$0x0] =	sbarrier.arrive $0xFFFF  }
0x2d: {  	s12 =	rddreg [dreg:$0x4]  }
0x2e: {  	[tilespmem:s4], [sflag:$0x1] =	stream.linear.gather [spmem:s12], $0x2800, $0x38;
	[tilespmem:$0x1E400] =	vst v63  }
0x2f: {  	s13 =	simm.s32 $0x2800;
	s20 =	rddreg [dreg:$0x18]  }
0x30: {  	[tilespmem:s13], [sflag:$0x2] =	stream.linear.gather [spmem:s20], $0x2800, $0x38;
	[tilespmem:$0x1E400] =	vst v63  }
0x31: {  	s15 =	rddreg [dreg:$0x19]  }
0x32: {  	[tilespmem:s25], [sflag:$0x3] =	stream.linear.gather [spmem:s15], $0x2800, $0x38;
	[tilespmem:$0x1E400] =	vst v63  }
0x33: {  	s16 =	rddreg [dreg:$0x1a]  }
0x34: {  	[tilespmem:s1], [sflag:$0x4] =	stream.linear.gather [spmem:s16], $0x2800, $0x38;
	[tilespmem:$0x1E400] =	vst v63  }
0x35: {  	_ =	swait.ge [sflag:s21], $0x2800  }
0x36: {  	[sflag:s21] =	ssyncset.done $0x0  }
0x37: {  	s15 =	simm.s32 $0xD;
	s17 =	rddreg [dreg:$0xe];
	[sflag:s21] =	ssyncadd.s32 $0xFFFFD800  }
0x38: {  	[hbm4b:s17+s4] =	stream.linear.scatter [tilespmem:s4], [sflag:$0xD], $0x2800, $0x38;
	[tilespmem:$0x1E400] =	vst v63  }
0x39: {  	_ =	swait.ge [sflag:s15], $0x2800  }
0x3a: {  	[sflag:s15] =	ssyncset.done $0x0  }
0x3b: {  	s17 =	rddreg [dreg:$0x1b];
	[sflag:s15] =	ssyncadd.s32 $0xFFFFD800  }
0x3c: {  	[tilespmem:s4], [sflag:$0x1] =	stream.linear.gather [spmem:s17], $0x2800, $0x38;
	[tilespmem:$0x1E400] =	vst v63  }
0x3d: {  	_ =	swait.ge [sflag:s22], $0x2800  }
0x3e: {  	[sflag:s22] =	ssyncset.done $0x0  }
0x3f: {  	s16 =	simm.s32 $0xE;
	s20 =	rddreg [dreg:$0xf];
	[sflag:s22] =	ssyncadd.s32 $0xFFFFD800  }
0x40: {  	[hbm4b:s20+s4] =	stream.linear.scatter [tilespmem:s13], [sflag:$0xE], $0x2800, $0x38;
	[tilespmem:$0x1E400] =	vst v63  }
0x41: {  	_ =	swait.ge [sflag:s16], $0x2800  }
0x42: {  	[sflag:s16] =	ssyncset.done $0x0  }
0x43: {  	s20 =	rddreg [dreg:$0x1c];
	[sflag:s16] =	ssyncadd.s32 $0xFFFFD800  }
0x44: {  	[tilespmem:s13], [sflag:$0x2] =	stream.linear.gather [spmem:s20], $0x2800, $0x38;
	[tilespmem:$0x1E400] =	vst v63  }
0x45: {  	_ =	swait.ge [sflag:s23], $0x2800  }
0x46: {  	[sflag:s23] =	ssyncset.done $0x0  }
0x47: {  	s12 =	rddreg [dreg:$0x10];
	[sflag:s23] =	ssyncadd.s32 $0xFFFFD800  }
0x48: {  	[hbm4b:s12+s4] =	stream.linear.scatter [tilespmem:s25], [sflag:$0xF], $0x2800, $0x38;
	[tilespmem:$0x1E400] =	vst v63  }
0x49: {  	_ =	swait.ge [sflag:s26], $0x2800  }
0x4a: {  	[sflag:s26] =	ssyncset.done $0x0  }
0x4b: {  	s28 =	rddreg [dreg:$0x1d];
	[sflag:s26] =	ssyncadd.s32 $0xFFFFD800  }
0x4c: {  	[tilespmem:s25], [sflag:$0x3] =	stream.linear.gather [spmem:s28], $0x2800, $0x38;
	[tilespmem:$0x1E400] =	vst v63  }
0x4d: {  	_ =	swait.ge [sflag:s24], $0x2800  }
0x4e: {  	[sflag:s24] =	ssyncset.done $0x0  }
0x4f: {  	s12 =	rddreg [dreg:$0x11];
	[sflag:s24] =	ssyncadd.s32 $0xFFFFD800  }
0x50: {  	[hbm4b:s12+s4] =	stream.linear.scatter [tilespmem:s1], [sflag:$0x10], $0x2800, $0x38;
	[tilespmem:$0x1E400] =	vst v63  }
0x51: {  	_ =	swait.ge [sflag:s14], $0x2800  }
0x52: {  	[sflag:s14] =	ssyncset.done $0x0  }
0x53: {  	s29 =	rddreg [dreg:$0x1e];
	[sflag:s14] =	ssyncadd.s32 $0xFFFFD800  }
0x54: {  	[tilespmem:s1], [sflag:$0x4] =	stream.linear.gather [spmem:s29], $0x2800, $0x38;
	[tilespmem:$0x1E400] =	vst v63  }
0x55: {  	_ =	swait.ge [sflag:s21], $0x2800  }
0x56: {  	[sflag:s21] =	ssyncset.done $0x0  }
0x57: {  	s12 =	rddreg [dreg:$0x12];
	[sflag:s21] =	ssyncadd.s32 $0xFFFFD800  }
0x58: {  	[hbm4b:s12+s4] =	stream.linear.scatter [tilespmem:s4], [sflag:$0xD], $0x2800, $0x38;
	[tilespmem:$0x1E400] =	vst v63  }
0x59: {  	_ =	swait.ge [sflag:s22], $0x2800  }
0x5a: {  	[sflag:s22] =	ssyncset.done $0x0  }
0x5b: {  	s12 =	rddreg [dreg:$0x13];
	[sflag:s22] =	ssyncadd.s32 $0xFFFFD800  }
0x5c: {  	[hbm4b:s12+s4] =	stream.linear.scatter [tilespmem:s13], [sflag:$0xE], $0x2800, $0x38;
	[tilespmem:$0x1E400] =	vst v63  }
0x5d: {  	_ =	swait.ge [sflag:s23], $0x2800  }
0x5e: {  	[sflag:s23] =	ssyncset.done $0x0  }
0x5f: {  	s12 =	rddreg [dreg:$0x14];
	[sflag:s23] =	ssyncadd.s32 $0xFFFFD800  }
0x60: {  	[hbm4b:s12+s4] =	stream.linear.scatter [tilespmem:s25], [sflag:$0xF], $0x2800, $0x38;
	[tilespmem:$0x1E400] =	vst v63  }
0x61: {  	_ =	swait.ge [sflag:s24], $0x2800  }
0x62: {  	[sflag:s24] =	ssyncset.done $0x0  }
0x63: {  	s12 =	rddreg [dreg:$0x15];
	[sflag:s24] =	ssyncadd.s32 $0xFFFFD800  }
0x64: {  	[hbm4b:s12+s4] =	stream.linear.scatter [tilespmem:s1], [sflag:$0x10], $0x2800, $0x38;
	[tilespmem:$0x1E400] =	vst v63  }
0x65: {  	_ =	swait.ge [sflag:s15], $0x2800  }
0x66: {  	[sflag:s15] =	ssyncset.done $0x0  }
0x67: {  	[sflag:s15] =	ssyncadd.s32 $0xFFFFD800  }
0x68: {  	_ =	swait.ge [sflag:s16], $0x2800  }
0x69: {  	[sflag:s16] =	ssyncset.done $0x0  }
0x6a: {  	[sflag:s16] =	ssyncadd.s32 $0xFFFFD800  }
0x6b: {  	s16 =	rddreg [dreg:$0x4];
	_ =	swait.ge [sflag:s26], $0x2800  }
0x6c: {  	[sflag:s26] =	ssyncset.done $0x0  }
0x6d: {  	[sflag:s26] =	ssyncadd.s32 $0xFFFFD800  }
0x6e: {  	_ =	swait.ge [sflag:s14], $0x2800  }
0x6f: {  	s12 =	sld [smem:$0x7FC];
	_ =	sdelay $0x2  }
0x70: {  	s15 =	sadd.s32 $0x1, s12;
	s12 =	rddreg [dreg:$0x16]  }
0x71: {  	p0 =	sne.s32 s15, s12  }
.Ltmp1:
0x72: {  	_ = 	snop;
	(pc) =	sbr.rel @!p0 .LBB2_7-.Ltmp1, $3  }
0x73: {  	_ =	sdelay $0x1  }
0x74: {  	[sflag:s14] =	ssyncset.done $0x0  }
0x75: {  	[sflag:s14] =	ssyncadd.s32 $0xFFFFD800;
	s14 =	rddreg [dreg:$0x18]  }
.LBB2_1:
0x76: {  	[smem:$0x7FC] =	sst s15  }
0x77: {  	s12 =	rddreg [dreg:$0x1];
	s15 =	simm.s32 $0x11  }
0x78: {  	[tilespmem:s4], [sflag:$0x11] =	stream.linear.gather [hbm4b:s12+s4], $0x2800, $0x38;
	[tilespmem:$0x1E400] =	vst v63  }
0x79: {  	_ =	swait.ge [sflag:s15], $0x2800  }
0x7a: {  	[sflag:s15] =	ssyncset.done $0x0  }
0x7b: {  	[sflag:s15] =	ssyncadd.s32 $0xFFFFD800  }
0x7c: {  	[spmem:s16] =	stream.linear.scatter [tilespmem:s4], [sflag:$0x1], $0x2800, $0x38;
	[tilespmem:$0x1E400] =	vst v63  }
0x7d: {  	_ = 	snop  }
0x7e: {  	[spmem:s14] =	stream.linear.scatter [tilespmem:s4], [sflag:$0x2], $0x2800, $0x38;
	[tilespmem:$0x1E400] =	vst v63  }
0x7f: {  	s16 =	rddreg [dreg:$0x19]  }
0x80: {  	[spmem:s16] =	stream.linear.scatter [tilespmem:s4], [sflag:$0x3], $0x2800, $0x38;
	[tilespmem:$0x1E400] =	vst v63  }
0x81: {  	s14 =	rddreg [dreg:$0x1a]  }
0x82: {  	[spmem:s14] =	stream.linear.scatter [tilespmem:s4], [sflag:$0x4], $0x2800, $0x38;
	[tilespmem:$0x1E400] =	vst v63  }
0x83: {  	_ = 	snop  }
0x84: {  	[spmem:s17] =	stream.linear.scatter [tilespmem:s4], [sflag:$0x1], $0x2800, $0x38;
	[tilespmem:$0x1E400] =	vst v63  }
0x85: {  	_ = 	snop  }
0x86: {  	[spmem:s20] =	stream.linear.scatter [tilespmem:s4], [sflag:$0x2], $0x2800, $0x38;
	[tilespmem:$0x1E400] =	vst v63  }
0x87: {  	_ = 	snop  }
0x88: {  	[spmem:s28] =	stream.linear.scatter [tilespmem:s4], [sflag:$0x3], $0x2800, $0x38;
	[tilespmem:$0x1E400] =	vst v63  }
0x89: {  	_ = 	snop  }
0x8a: {  	[spmem:s29] =	stream.linear.scatter [tilespmem:s4], [sflag:$0x4], $0x2800, $0x38;
	[tilespmem:$0x1E400] =	vst v63  }
0x8b: {  	_ =	swait.ge [sflag:s21], $0x2800  }
0x8c: {  	[sflag:s21] =	ssyncset.done $0x0  }
0x8d: {  	[sflag:s21] =	ssyncadd.s32 $0xFFFFD800  }
0x8e: {  	_ =	swait.ge [sflag:s22], $0x2800  }
0x8f: {  	[sflag:s22] =	ssyncset.done $0x0  }
0x90: {  	[sflag:s22] =	ssyncadd.s32 $0xFFFFD800  }
0x91: {  	_ =	swait.ge [sflag:s23], $0x2800  }
0x92: {  	[sflag:s23] =	ssyncset.done $0x0  }
0x93: {  	[sflag:s23] =	ssyncadd.s32 $0xFFFFD800  }
0x94: {  	_ =	swait.ge [sflag:s24], $0x2800  }
0x95: {  	[sflag:s24] =	ssyncset.done $0x0  }
0x96: {  	[sflag:s24] =	ssyncadd.s32 $0xFFFFD800  }
0x97: {  	_ =	swait.ge [sflag:s21], $0x2800  }
0x98: {  	[sflag:s21] =	ssyncset.done $0x0  }
0x99: {  	[sflag:s21] =	ssyncadd.s32 $0xFFFFD800  }
0x9a: {  	_ =	swait.ge [sflag:s22], $0x2800  }
0x9b: {  	[sflag:s22] =	ssyncset.done $0x0  }
0x9c: {  	[sflag:s22] =	ssyncadd.s32 $0xFFFFD800  }
0x9d: {  	_ =	swait.ge [sflag:s23], $0x2800  }
0x9e: {  	[sflag:s23] =	ssyncset.done $0x0  }
0x9f: {  	[sflag:s23] =	ssyncadd.s32 $0xFFFFD800  }
0xa0: {  	_ =	swait.ge [sflag:s24], $0x2800  }
0xa1: {  	[sflag:s24] =	ssyncset.done $0x0  }
0xa2: {  	[sflag:s24] =	ssyncadd.s32 $0xFFFFD800  }
0xa3: {  	[bflag:$0x0] =	sbarrier.arrive $0xFFFF  }
0xa4: {  	s15 =	rddreg [dreg:$0x5]  }
0xa5: {  	s16 =	simm.s32 $0xA000;
	s17 =	rddreg [dreg:$0x6]  }
0xa6: {  	[tilespmem:s16], [sflag:$0x5] =	stream.linear.gather [hbm4b:s15+s4], $0x50, $0x38;
	[tilespmem:$0x1E400] =	vst v63  }
0xa7: {  	s14 =	simm.s32 $0xA080;
	s20 =	rddreg [dreg:$0x1f]  }
0xa8: {  	[tilespmem:s14], [sflag:$0x6] =	stream.linear.gather [hbm4b:s17+s4], $0x50, $0x38;
	[tilespmem:$0x1E400] =	vst v63  }
0xa9: {  	s29 =	simm.s32 $0xA100;
	s15 =	sld [smem:$0x7FD]  }
0xaa: {  	[tilespmem:s29], [sflag:$0x7] =	stream.linear.gather [hbm4b:s20+s4], $0x50, $0x38;
	[tilespmem:$0x1E400] =	vst v63  }
0xab: {  	s17 =	simm.s32 $0xA180  }
0xac: {  	[tilespmem:s17], [sflag:$0x8] =	stream.linear.gather [hbm4b:s15+s4], $0x50, $0x38;
	[tilespmem:$0x1E400] =	vst v63  }
0xad: {  	s20 =	rddreg [dreg:$0x7];
	s29 =	simm.s32 $0xA200  }
0xae: {  	[tilespmem:s29], [sflag:$0x9] =	stream.linear.gather [hbm4b:s20+s4], $0x50, $0x38;
	[tilespmem:$0x1E400] =	vst v63  }
0xaf: {  	s15 =	rddreg [dreg:$0x8];
	s17 =	simm.s32 $0xA280;
	s20 =	simm.s32 $0x5  }
0xb0: {  	[tilespmem:s17], [sflag:$0xA] =	stream.linear.gather [hbm4b:s15+s4], $0x50, $0x38;
	[tilespmem:$0x1E400] =	vst v63  }
0xb1: {  	_ =	swait.ge [sflag:s20], $0x50  }
0xb2: {  	[sflag:s20] =	ssyncset.done $0x0  }
0xb3: {  	[sflag:s20] =	ssyncadd.s32 $0xFFFFFFB0  }
0xb4: {  	[tilespmem:s4], [sflag:$0x1] =	stream.indirect.gather [hbm4b:s5+s9], $0x80, s16, s9, $0xb8;
	[tilespmem:$0x1E400] =	vst v63  }
.Ltmp2:
0xb5: {  	s29 =	simm.s32 $0x6;
	(pc) =	sbr.rel .LBB2_2-.Ltmp2, $4  }
0xb6: {  	_ =	swait.ge [sflag:s29], $0x50  }
0xb7: {  	[sflag:s29] =	ssyncset.done $0x0  }
0xb8: {  	s20 =	simm.s32 $0x0;
	s28 =	rddreg [dreg:$0x17];
	[sflag:s29] =	ssyncadd.s32 $0xFFFFFFB0  }
0xb9: {  	[tilespmem:s13], [sflag:$0x2] =	stream.indirect.gather [hbm4b:s5+s9], $0x80, s14, s9, $0xb8;
	[tilespmem:$0x1E400] =	vst v63  }
.LBB2_4:
0xba: {  	_ =	swait.ge [sflag:s26], $0x2800  }
0xbb: {  	s29 =	smov.u32 s20;
	p1 =	por $0x0, $0x0;
	[sflag:s26] =	ssyncset.done $0x0  }
0xbc: {  	s17 =	simm.s32 $0x2800;
	s29 =	simm.s32 @p0 $0x26C0;
	[sflag:s26] =	ssyncadd.s32 $0xFFFFD800  }
.LBB2_5:
0xbd: {  	_ =	swait.ge [sflag:s19], $0x50  }
0xbe: {  	[sflag:s19] =	ssyncset.done $0x0  }
0xbf: {  	s14 =	simm.s32 $0xA100;
	s15 =	rddreg [dreg:$0xa];
	[sflag:s19] =	ssyncadd.s32 $0xFFFFFFB0  }
0xc0: {  	[tilespmem:s25], [sflag:$0x3] =	stream.indirect.gather [hbm4b:s5+s9], $0x80, s14, s9, $0xb8;
	[tilespmem:$0x1E400] =	vst v63  }
0xc1: {  	s14 =	sadd.s32 s29, s15  }
0xc2: {  	s14 =	sshrl.u32 s14, $0x3  }
0xc3: {  	s14 =	sadd.s32 s7, s14  }
0xc4: {  	[tilespmem:s30], [sflag:$0xB] =	stream.linear.gather [hbm4b:s14+s4], $0x50, $0x38;
	[tilespmem:$0x1E400] =	vst v63  }
0xc5: {  	_ =	swait.ge [sflag:s31], $0x50  }
0xc6: {  	[sflag:s31] =	ssyncset.done $0x0  }
0xc7: {  	s16 =	simm.s32 $0xA200;
	[sflag:s31] =	ssyncadd.s32 $0xFFFFFFB0  }
0xc8: {  	[spmem:s3] =	stream.indirect.scatter.add.f32 [tilespmem:s4], [sflag:$0xD], $0x80, s16, s9, $0xb8;
	[tilespmem:$0x1E400] =	vst v63  }
0xc9: {  	_ =	swait.ge [sflag:s22], $0x2800  }
0xca: {  	s14 =	rddreg [dreg:$0xb]  }
0xcb: {  	s14 =	sadd.s32 @!p0 s29, s14  }
0xcc: {  	[sflag:s22] =	ssyncset.done $0x0;
	s14 =	sshrl.u32 @!p0 s14, $0x3  }
0xcd: {  	s15 =	simm.s32 @!p0 $0xA080;
	[sflag:s22] =	ssyncadd.s32 $0xFFFFD800;
	s16 =	sadd.s32 @!p0 s6, s14  }
0xce: {  	[tilespmem:s15], [sflag:$0x6] =	stream.linear.gather @!p0 [hbm4b:s16+s12], $0x50, $0x38;
	[tilespmem:$0x1E400] =	vst v63  }
0xcf: {  	s16 =	simm.s32 @!p1 $0x10  }
0xd0: {  	_ =	swait.ge @!p1 [sflag:s16], $0x2800  }
0xd1: {  	[sflag:s16] =	ssyncset.done @!p1 $0x0  }
0xd2: {  	[sflag:s16] =	ssyncadd.s32 @!p1 $0xFFFFD800  }
0xd3: {  	_ =	swait.ge [sflag:s0], $0x50  }
0xd4: {  	[sflag:s0] =	ssyncset.done $0x0  }
0xd5: {  	s16 =	simm.s32 $0xA180;
	[sflag:s0] =	ssyncadd.s32 $0xFFFFFFB0  }
0xd6: {  	[tilespmem:s1], [sflag:$0x4] =	stream.indirect.gather [hbm4b:s5+s9], $0x80, s16, s9, $0xb8;
	[tilespmem:$0x1E400] =	vst v63  }
0xd7: {  	s16 =	rddreg [dreg:$0xc]  }
0xd8: {  	s16 =	sadd.s32 s29, s16  }
0xd9: {  	s16 =	sshrl.u32 s16, $0x3  }
0xda: {  	s16 =	sadd.s32 s7, s16  }
0xdb: {  	[tilespmem:s2], [sflag:$0xC] =	stream.linear.gather [hbm4b:s16+s4], $0x50, $0x38;
	[tilespmem:$0x1E400] =	vst v63  }
0xdc: {  	_ =	swait.ge [sflag:s10], $0x50  }
0xdd: {  	[sflag:s10] =	ssyncset.done $0x0  }
0xde: {  	s16 =	simm.s32 $0xA280;
	[sflag:s10] =	ssyncadd.s32 $0xFFFFFFB0  }
0xdf: {  	[spmem:s3] =	stream.indirect.scatter.add.f32 [tilespmem:s17], [sflag:$0xE], $0x80, s16, s9, $0xb8;
	[tilespmem:$0x1E400] =	vst v63  }
0xe0: {  	_ =	swait.ge [sflag:s23], $0x2800  }
0xe1: {  	[sflag:s23] =	ssyncset.done $0x0  }
0xe2: {  	s16 =	simm.s32 @p0 $0xD;
	[sflag:s23] =	ssyncadd.s32 $0xFFFFD800  }
0xe3: {  	_ =	swait.ge @p0 [sflag:s16], $0x2800  }
0xe4: {  	s17 =	rddreg [dreg:$0xd]  }
0xe5: {  	s17 =	sadd.s32 @!p0 s29, s17  }
0xe6: {  	[sflag:s16] =	ssyncset.done @p0 $0x0;
	s17 =	sshrl.u32 @!p0 s17, $0x3  }
0xe7: {  	[sflag:s16] =	ssyncadd.s32 @p0 $0xFFFFD800;
	s16 =	sadd.s32 @!p0 s6, s17;
	s17 =	simm.s32 @!p0 $0xA100  }
0xe8: {  	[tilespmem:s17], [sflag:$0x7] =	stream.linear.gather @!p0 [hbm4b:s16+s12], $0x50, $0x38;
	[tilespmem:$0x1E400] =	vst v63  }
0xe9: {  	s16 =	simm.s32 @!p0 $0xD  }
0xea: {  	_ =	swait.ge @!p0 [sflag:s16], $0x2800  }
0xeb: {  	[sflag:s16] =	ssyncset.done @!p0 $0x0  }
0xec: {  	[sflag:s16] =	ssyncadd.s32 @!p0 $0xFFFFD800;
	s16 =	simm.s32 @!p0 $0x5  }
0xed: {  	_ =	swait.ge @!p0 [sflag:s16], $0x50  }
0xee: {  	[sflag:s16] =	ssyncset.done @!p0 $0x0  }
0xef: {  	[sflag:s16] =	ssyncadd.s32 @!p0 $0xFFFFFFB0;
	s16 =	simm.s32 @!p0 $0x50  }
0xf0: {  	[tilespmem:s12], [sflag:$0x1] =	stream.indirect.gather @!p0 [hbm4b:s5+s16], $0x80, s13, s16, $0xb8;
	[tilespmem:$0x1E400] =	vst v63  }
0xf1: {  	s13 =	rddreg [dreg:$0x9]  }
0xf2: {  	s13 =	sadd.s32 @!p0 s29, s13  }
0xf3: {  	s13 =	sshrl.u32 @!p0 s13, $0x3  }
0xf4: {  	s17 =	simm.s32 @!p0 $0xA200;
	s13 =	sadd.s32 @!p0 s7, s13  }
0xf5: {  	[tilespmem:s17], [sflag:$0x9] =	stream.linear.gather @!p0 [hbm4b:s13+s12], $0x50, $0x38;
	[tilespmem:$0x1E400] =	vst v63  }
0xf6: {  	_ =	swait.ge [sflag:s11], $0x50  }
0xf7: {  	[sflag:s11] =	ssyncset.done $0x0  }
0xf8: {  	[sflag:s11] =	ssyncadd.s32 $0xFFFFFFB0  }
0xf9: {  	[spmem:s3] =	stream.indirect.scatter.add.f32 [tilespmem:s25], [sflag:$0xF], $0x80, s30, s9, $0xb8;
	[tilespmem:$0x1E400] =	vst v63  }
0xfa: {  	_ =	swait.ge [sflag:s24], $0x2800  }
0xfb: {  	[sflag:s24] =	ssyncset.done $0x0  }
0xfc: {  	s13 =	simm.s32 @p0 $0xE;
	[sflag:s24] =	ssyncadd.s32 $0xFFFFD800  }
0xfd: {  	s17 =	sadd.s32 @!p0 s29, s18;
	_ =	swait.ge @p0 [sflag:s13], $0x2800  }
0xfe: {  	s17 =	sshrl.u32 @!p0 s17, $0x3;
	[sflag:s13] =	ssyncset.done @p0 $0x0  }
0xff: {  	[sflag:s13] =	ssyncadd.s32 @p0 $0xFFFFD800;
	s13 =	sadd.s32 @!p0 s6, s17;
	s17 =	simm.s32 @!p0 $0xA180  }
0x100: {  	[tilespmem:s17], [sflag:$0x8] =	stream.linear.gather @!p0 [hbm4b:s13+s12], $0x50, $0x38;
	[tilespmem:$0x1E400] =	vst v63  }
0x101: {  	s13 =	simm.s32 @!p0 $0xE  }
0x102: {  	_ =	swait.ge @!p0 [sflag:s13], $0x2800  }
0x103: {  	[sflag:s13] =	ssyncset.done @!p0 $0x0  }
0x104: {  	[sflag:s13] =	ssyncadd.s32 @!p0 $0xFFFFD800;
	s13 =	simm.s32 @!p0 $0x6  }
0x105: {  	_ =	swait.ge @!p0 [sflag:s13], $0x50  }
0x106: {  	[sflag:s13] =	ssyncset.done @!p0 $0x0  }
0x107: {  	[sflag:s13] =	ssyncadd.s32 @!p0 $0xFFFFFFB0;
	s13 =	simm.s32 @!p0 $0x2800  }
0x108: {  	[tilespmem:s13], [sflag:$0x2] =	stream.indirect.gather @!p0 [hbm4b:s5+s16], $0x80, s15, s16, $0xb8;
	[tilespmem:$0x1E400] =	vst v63  }
0x109: {  	s20 =	sadd.s32 $0x140, s20;
	s13 =	sadd.s32 @!p0 s7, s14;
	s14 =	simm.s32 @!p0 $0xA280  }
0x10a: {  	[tilespmem:s14], [sflag:$0xA] =	stream.linear.gather @!p0 [hbm4b:s13+s12], $0x50, $0x38;
	[tilespmem:$0x1E400] =	vst v63  }
0x10b: {  	p0 =	sne.s32 s20, $0x2800  }
.Ltmp3:
0x10c: {  	_ = 	snop;
	(pc) =	sbr.rel @!p0 .LBB2_6-.Ltmp3, $4  }
0x10d: {  	_ =	swait.ge [sflag:s8], $0x50  }
0x10e: {  	[sflag:s8] =	ssyncset.done $0x0  }
0x10f: {  	s28 =	sadd.s32 $0x28, s28;
	[sflag:s8] =	ssyncadd.s32 $0xFFFFFFB0  }
0x110: {  	[spmem:s3] =	stream.indirect.scatter.add.f32 [tilespmem:s1], [sflag:$0x10], $0x80, s2, s9, $0xb8;
	[tilespmem:$0x1E400] =	vst v63  }
.LBB2_2:
0x111: {  	p0 =	seq.s32 s20, $0x26C0  }
0x112: {  	p1 =	seq.s32 @!p0 s20, $0x0  }
0x113: {  	p1 =	por p0, !p1  }
.Ltmp4:
0x114: {  	_ = 	snop;
	(pc) =	sbr.rel @p1 .LBB2_4-.Ltmp4, $4  }
0x115: {  	_ =	swait.ge [sflag:s21], $0x2800  }
0x116: {  	[sflag:s21] =	ssyncset.done $0x0  }
0x117: {  	s12 =	simm.s32 @!p0 $0x0;
	s13 =	simm.s32 @!p0 $0xA000;
	[sflag:s21] =	ssyncadd.s32 $0xFFFFD800  }
0x118: {  	[tilespmem:s13], [sflag:$0x5] =	stream.linear.gather @!p0 [hbm4b:s28+s12], $0x50, $0x38;
	[tilespmem:$0x1E400] =	vst v63  }
.Ltmp5:
0x119: {  	(pc) =	sbr.rel .LBB2_5-.Ltmp5, $2  }
0x11a: {  	_ =	sdelay $0x2  }
0x11b: {  	p1 =	por @!p0 $0x1, $0x1;
	s29 =	simm.s32 @!p0 $0x0;
	s17 =	simm.s32 $0x2800  }
.LBB2_7:
0x11c: {  	_ =	sfence.sel $0x180000  }
0x11d: {  	[bflag:$0x0] =	sbarrier.arrive $0xFFFF  }
0x11e: {  	_ =	strace $0x90000047  }
0x11f: {  	s0 =	stileid.u32;
	[bflag:$0x2] =	sbarrier.arrive $0xFFFF  }
0x120: {  	p0 =	sne.s32 s0, $0x0;
	s0 =	rddreg [dreg:$0x3]  }
0x121: {  	s0 =	sadd.s32 @!p0 $0x100000, s0  }
0x122: {  	[sflag:s0] =	ssyncadd.tile.s32 @!p0 $0x1;
	_ =	shalt  }
.Lfunc_end2:
_tile_overlayer_lowered:
.L_overlay_start_2:
0x123: {  	(tag) =	ssettag $0x2  }
0x124: {  	s0 =	rddreg [dreg:$0x0];
	s2 =	stileid.u32  }
0x125: {  	s1 =	rddreg [dreg:$0x1];
	p0 =	sne.s32 s2, $0x0  }
0x126: {  	s3 =	rddreg [dreg:$0x2];
	[bflag:$0x3] =	sbarrier.arrive $0xFFFF;
	s2 =	simm.s32 @!p0 $0x1C11  }
0x127: {  	[timem:s3], [sflag:s2] =	dma.local @!p0 [hbm:s0], s1  }
0x128: {  	s0 =	simm.s32 @!p0 $0x11  }
0x129: {  	_ =	swait.ge @!p0 [sflag:s0], s1  }
0x12a: {  	s1 =	ssub.s32 @!p0 $0x0, s1;
	[sflag:s0] =	ssyncset.done @!p0 $0x0  }
0x12b: {  	[sflag:s0] =	ssyncadd.s32 @!p0 s1  }
0x12c: {  	[bflag:$0x3] =	sbarrier.arrive $0xFFFF  }
0x12d: {  	_ =	shalt  }

// kernel: kernel.14.cloned.1.call-start
scs
__scs_entry_jumppad:
0x0: {  	(pc) =	sbr.rel $0x88, $3  }
0x1: {  	(tag) =	ssettag $0x0;
	lr =	simm.s32 $0x1  }
0x2: {  	[smem:$0x3F94] =	sst lr;
	_ =	strace $0xD0000000  }
0x3: {  	_ = 	snop  }
0x4: {  	_ = 	snop  }
0x5: {  	_ = 	snop  }
0x6: {  	_ = 	snop  }
0x7: {  	_ = 	snop  }
__scs_overlays_trampoline_lowered:
0x8: {  	[smem:$0x3FA3] =	sst s0  }
0x9: {  	[smem:$0x3FA4] =	sst s1  }
0xa: {  	[smem:$0x3FA5] =	sst s2  }
0xb: {  	[smem:$0x3FA6] =	sst s3  }
0xc: {  	[smem:$0x3FA7] =	sst s4  }
0xd: {  	[smem:$0x3FA8] =	sst s5  }
0xe: {  	[smem:$0x3FA9] =	sst s6  }
0xf: {  	[smem:$0x3FAA] =	sst s7  }
0x10: {  	[smem:$0x3FAB] =	sst s8  }
0x11: {  	[smem:$0x3FAC] =	sst s9;
	s0 =	simm.s32 @!p0 $0x0  }
0x12: {  	s1 =	sld [smem:$0x3F92];
	s0 =	simm.s32 @p0 $0x1  }
0x13: {  	[smem:$0x3FAD] =	sst s0;
	s0 =	simm.s32 @!p1 $0x0  }
0x14: {  	s2 =	sld [smem:$0x3F91];
	s0 =	simm.s32 @p1 $0x1  }
0x15: {  	[smem:$0x3FAE] =	sst s0;
	s0 =	simm.s32 @!p2 $0x0  }
0x16: {  	s3 =	sld [smem:$0x3FDB];
	s0 =	simm.s32 @p2 $0x1  }
0x17: {  	s4 =	simm.s32 $0x1BF5;
	[smem:$0x3FB0] =	sst s0  }
0x18: {  	s0 =	sld [smem:$0x3F93];
	_ =	swait.ge [sflag:s4], $0x0  }
0x19: {  	s7 =	sld [smem:$0x3F94]  }
0x1a: {  	s8 =	sadd.s32 $0xFFFFE003, lr  }
0x1b: {  	s9 =	sadd.s32 $0xFFFFFEF7, lr;
	s5 =	simm.s32 $0xFFFFFFFF;
	p2 =	slt.u32 s8, $0xFFFFF086  }
0x1c: {  	p1 =	slt.u32 s9, $0xF7A;
	s5 =	simm.s32 @!p2 $0x0  }
0x1d: {  	s5 =	simm.s32 @p1 $0x1;
	p0 =	seq.s32 s7, s2  }
0x1e: {  	s7 =	smul.u32 @!p0 $0xF7A, s2;
	p2 =	seq.s32 @!p0 s5, $0x0  }
0x1f: {  	s9 =	smul.u32 $0xF7A, s1;
	s8 =	simm.s32 @!p0 $0x1BF5;
	p2 =	por !p2, p0  }
0x20: {  	[sflag:s8] =	ssyncset.s32 @!p0 $0xFFFFF086;
	s6 =	sadd.s32 @!p0 s3, s7;
	s7 =	simm.s32 @!p0 $0x108  }
0x21: {  	s3 =	sadd.s32 s3, s9;
	s6 =	sadd.s32 @!p0 $0x88, s6;
	s7 =	simm.s32 @p2 $0x1082  }
0x22: {  	[simem:s7], [sflag:s8] =	dma.local @!p0 [hbm:s6], $0xF7A  }
0x23: {  	s9 =	sor.u32 $0xD0000000, s2;
	s6 =	simm.s32 $0x108;
	_ =	swait.ge @!p0 [sflag:s8], $0x0  }
0x24: {  	s3 =	sadd.s32 $0x88, s3;
	s6 =	simm.s32 @!p1 $0x1082;
	[sflag:s4] =	ssyncset.s32 $0xFFFFF086  }
0x25: {  	[simem:s6], [sflag:s4] =	dma.local [hbm:s3], $0xF7A  }
0x26: {  	[smem:$0x3F94] =	sst s1;
	(tag) =	ssettag s2;
	_ =	strace s9  }
0x27: {  	s1 =	sld [smem:$0x3FA4]  }
0x28: {  	s2 =	sld [smem:$0x3FA5]  }
0x29: {  	s4 =	sld [smem:$0x3FA7]  }
0x2a: {  	p0 =	seq.s32 s5, $0x0;
	s5 =	sld [smem:$0x3FA8]  }
0x2b: {  	s6 =	sld [smem:$0x3FA9]  }
0x2c: {  	s7 =	sld [smem:$0x3FAA]  }
0x2d: {  	s3 =	simm.s32 $0x108;
	s8 =	sld [smem:$0x3FAB]  }
0x2e: {  	s3 =	simm.s32 @!p0 $0x1082;
	s9 =	sld [smem:$0x3FAC]  }
0x2f: {  	lr =	sadd.s32 s0, s3;
	s0 =	sld [smem:$0x3FA3]  }
0x30: {  	s3 =	sld [smem:$0x3FA6]  }
0x31: {  	[smem:$0x3FAF] =	sst s10  }
0x32: {  	s10 =	sld [smem:$0x3FAD];
	_ =	sdelay $0x3  }
0x33: {  	p0 =	seq.s32 s10, $0x1;
	s10 =	sld [smem:$0x3FAF];
	_ =	sdelay $0x3  }
0x34: {  	[smem:$0x3FAF] =	sst s10  }
0x35: {  	s10 =	sld [smem:$0x3FAE];
	_ =	sdelay $0x3  }
0x36: {  	p1 =	seq.s32 s10, $0x1;
	s10 =	sld [smem:$0x3FAF];
	_ =	sdelay $0x3  }
0x37: {  	[smem:$0x3FAF] =	sst s10  }
0x38: {  	s10 =	sld [smem:$0x3FB0]  }
0x39: {  	_ = 	snop;
	(pc) =	sbr.ind lr, $3  }
0x3a: {  	_ = 	snop  }
0x3b: {  	_ = 	snop  }
0x3c: {  	p2 =	seq.s32 s10, $0x1;
	s10 =	sld [smem:$0x3FAF]  }
0x3d: {  	_ =	shalt  }
0x3e: {  	_ =	shalt  }
0x3f: {  	_ =	shalt  }
0x40: {  	_ =	shalt  }
0x41: {  	_ =	shalt  }
0x42: {  	_ =	shalt  }
0x43: {  	_ =	shalt  }
0x44: {  	_ =	shalt  }
0x45: {  	_ =	shalt  }
0x46: {  	_ =	shalt  }
0x47: {  	_ =	shalt  }
0x48: {  	_ =	shalt  }
0x49: {  	_ =	shalt  }
0x4a: {  	_ =	shalt  }
0x4b: {  	_ =	shalt  }
0x4c: {  	_ =	shalt  }
0x4d: {  	_ =	shalt  }
0x4e: {  	_ =	shalt  }
0x4f: {  	_ =	shalt  }
0x50: {  	_ =	shalt  }
0x51: {  	_ =	shalt  }
0x52: {  	_ =	shalt  }
0x53: {  	_ =	shalt  }
0x54: {  	_ =	shalt  }
0x55: {  	_ =	shalt  }
0x56: {  	_ =	shalt  }
0x57: {  	_ =	shalt  }
0x58: {  	_ =	shalt  }
0x59: {  	_ =	shalt  }
0x5a: {  	_ =	shalt  }
0x5b: {  	_ =	shalt  }
0x5c: {  	_ =	shalt  }
0x5d: {  	_ =	shalt  }
0x5e: {  	_ =	shalt  }
0x5f: {  	_ =	shalt  }
0x60: {  	_ =	shalt  }
0x61: {  	_ =	shalt  }
0x62: {  	_ =	shalt  }
0x63: {  	_ =	shalt  }
0x64: {  	_ =	shalt  }
0x65: {  	_ =	shalt  }
0x66: {  	_ =	shalt  }
0x67: {  	_ =	shalt  }
0x68: {  	_ =	shalt  }
0x69: {  	_ =	shalt  }
0x6a: {  	_ =	shalt  }
0x6b: {  	_ =	shalt  }
0x6c: {  	_ =	shalt  }
0x6d: {  	_ =	shalt  }
0x6e: {  	_ =	shalt  }
0x6f: {  	_ =	shalt  }
0x70: {  	_ =	shalt  }
0x71: {  	_ =	shalt  }
0x72: {  	_ =	shalt  }
0x73: {  	_ =	shalt  }
0x74: {  	_ =	shalt  }
0x75: {  	_ =	shalt  }
0x76: {  	_ =	shalt  }
0x77: {  	_ =	shalt  }
0x78: {  	_ =	shalt  }
0x79: {  	_ =	shalt  }
0x7a: {  	_ =	shalt  }
0x7b: {  	_ =	shalt  }
0x7c: {  	_ =	shalt  }
0x7d: {  	_ =	shalt  }
0x7e: {  	_ =	shalt  }
0x7f: {  	_ =	shalt  }
0x80: {  	_ =	shalt  }
0x81: {  	_ =	shalt  }
0x82: {  	_ =	shalt  }
0x83: {  	_ =	shalt  }
0x84: {  	_ =	shalt  }
0x85: {  	_ =	shalt  }
0x86: {  	_ =	shalt  }
0x87: {  	_ =	shalt  }
.Lfunc_end0:
.L_simem_size_0:
called_computation.1_lowered:
.L_overlay_start_0:
0x88: {  	s2 =	sld [smem:$0x3FD9]  }
0x89: {  	s3 =	sld [smem:$0x3FFE];
	_ =	sdelay $0x1  }
0x8a: {  	s1 =	srdreg.scid  }
0x8b: {  	s0 =	sand.u32 $0x1, s1  }
0x8c: {  	s17 =	sshll.u32 s0, $0xA;
	s2 =	sadd.s32 s3, s2  }
0x8d: {  	s2 =	sadd.s32 s2, s17  }
0x8e: {  	[smem:$0x3FBB] =	sst s2  }
0x8f: {  	_ = 	snop  }
0x90: {  	s2 =	sld [smem:$0x3FD0];
	(tm) =	ssettm $0x1  }
0x91: {  	s18 =	sld [smem:$0x3FFB];
	_ =	sdelay $0x3  }
0x92: {  	_ =	strace s18  }
0x93: {  	s3 =	sld [smem:$0x3FFC];
	_ =	sdelay $0x3  }
0x94: {  	_ =	strace s3  }
0x95: {  	s3 =	sld [smem:$0x3FFD];
	_ =	sdelay $0x3  }
0x96: {  	_ =	strace s3  }
0x97: {  	_ =	strace $0x8FFFFFFF  }
0x98: {  	s19 =	sld [smem:$0x3FDB];
	_ =	sdelay $0x1  }
0x99: {  	s4 =	simm.s32 $_scs_section_size  }
0x9a: {  	s5 =	simm.s32 $_size__tile_overlayer_lowered;
	s6 =	simm.s32 $_tile_overlayer_lowered  }
0x9b: {  	s22 =	simm.s32 $0x1BFF;
	s21 =	sshll.u32 s6, $0x1;
	s3 =	sadd.s32 s4, s19  }
0x9c: {  	s7 =	simm.s32 $0x0;
	s20 =	sshll.u32 s5, $0x1;
	s5 =	sadd.s32 s21, s3  }
0x9d: {  	[timem:s7], [sflag:s22] =	dma.local [hbm:s5], s20  }
0x9e: {  	_ =	swait.ge [sflag:s22], s20  }
0x9f: {  	s4 =	ssub.s32 $0x0, s20;
	[sflag:s22] =	ssyncset.done $0x0  }
0xa0: {  	[sflag:s22] =	ssyncadd.s32 s4;
	_ =	sdelay $0x1  }
0xa1: {  	s23 =	simm.s32 $0x1B8B  }
0xa2: {  	_ =	swait.ge [sflag:s23], $0x1  }
0xa3: {  	[sflag:s23] =	ssyncset.done $0x0  }
0xa4: {  	s25 =	simm.s32 $0x1B8E;
	s24 =	sld [smem:$0x3FFE];
	[sflag:s23] =	ssyncadd.s32 $0xFFFFFFFF  }
0xa5: {  	s26 =	simm.s32 $execute0_lowered;
	[smem:$0x3FD2] =	sst s25  }
0xa6: {  	s5 =	sshll.u32 s26, $0x1;
	_ =	strace $0x80000049;
	[dreg:$0x1] =	wrdreg $0xFFFFFFFF  }
0xa7: {  	s28 =	simm.s32 $_size_execute0_lowered;
	s3 =	sadd.s32 s3, s5;
	[dreg:$0x0] =	wrdreg $0x0  }
0xa8: {  	s5 =	sshll.u32 s28, $0x1;
	[dreg:$0x2] =	wrdreg s3  }
0xa9: {  	[dreg:$0x3] =	wrdreg s5  }
0xaa: {  	[dreg:$0x4] =	wrdreg $0xC0  }
0xab: {  	_ =	task [dreg:s7], $0x5FFFF  }
0xac: {  	[dreg:$0x1] =	wrdreg $0xFFFFFFFF  }
0xad: {  	[dreg:$0x0] =	wrdreg $0x60  }
0xae: {  	[dreg:$0x2] =	wrdreg s24  }
0xaf: {  	[dreg:$0x3] =	wrdreg s2  }
0xb0: {  	[dreg:$0x4] =	wrdreg $0xA4000  }
0xb1: {  	[dreg:$0x5] =	wrdreg $0x9  }
0xb2: {  	_ =	task.clear_ibuf [dreg:s7], $0x6FFFF;
	_ =	strace $0x90000049  }
0xb3: {  	s29 =	simm.s32 $0x9;
	_ =	strace $0x8000004B  }
0xb4: {  	_ =	swait.ge [sflag:s29], $0x1  }
0xb5: {  	[sflag:s29] =	ssyncadd.s32 $0xFFFFFFFF  }
0xb6: {  	_ =	strace $0x9000004B  }
0xb7: {  	_ =	sfence  }
0xb8: {  	s30 =	sld [smem:$0x0];
	_ =	sdelay $0x2  }
0xb9: {  	s31 =	sshll.u32 s1, $0xD;
	s1 =	sshrl.u32 s1, $0x2  }
0xba: {  	s3 =	sand.u32 $0x4000, s31;
	s1 =	sadd.s32 s1, s30  }
0xbb: {  	s0 =	sor.u32 s3, s0;
	s1 =	sshll.u32 s1, $0x11  }
0xbc: {  	s0 =	sor.u32 s1, s0  }
0xbd: {  	s0 =	sadd.s32 $0x8F2B, s0  }
0xbe: {  	[sflag:s0] =	ssyncadd.remote.s32 $0x1  }
0xbf: {  	_ =	sfence.sel $0xFFFF  }
0xc0: {  	[dreg:$0x0] =	wrdreg $0xFFFFFFFF;
	(pc) =	sbr.abs _section_cstart, $3  }
0xc1: {  	[dreg:$0x1] =	wrdreg $0xFFFFFFFF  }
0xc2: {  	_ =	task.clear_ibuf [dreg:s7], $0x2FFFF;
	_ =	strace $0x9FFFFFFF  }
0xc3: {  	(tm) =	ssettm $0x7FFFFFFF  }
tec
execute0_lowered:
.L_overlay_start_1:
0x0: {  	(tag) =	ssettag $0x1  }
0x1: {  	s0 =	rddreg [dreg:$0x0]  }
0x2: {  	s3 =	rddreg [dreg:$0x2];
	s12 =	stileid.u32  }
0x3: {  	s1 =	srdreg.scid;
	s4 =	simm.s32 $0x0;
	s2 =	smul.u32 $0x280, s12  }
0x4: {  	s30 =	simm.s32 $0xA300;
	s31 =	simm.s32 $0x9;
	s10 =	smul.u32 $0x50000, s12  }
0x5: {  	s1 =	sand.u32 $0x1, s1;
	s5 =	sshll.u32 s12, $0x1;
	s22 =	smul.u32 $0x5000, s12  }
0x6: {  	[smem:$0x7FF] =	sst s4;
	s8 =	smul.u32 $0x2800, s1;
	s6 =	sor.u32 s1, s5  }
0x7: {  	s7 =	sadd.s32 $0xAD200, s0;
	s9 =	smul.u32 $0x2800, s6;
	s10 =	sshrl.u32 s10, $0x2  }
0x8: {  	_ =	strace $0x8000004A;
	s5 =	sadd.s32 $0x3200, s0;
	s16 =	sadd.s32 s10, s3  }
0x9: {  	s1 =	ssub.s32 $0x2, s1;
	s21 =	sor.u32 $0x140, s9;
	[dreg:$0x4] =	wrdreg s16  }
0xa: {  	s6 =	sadd.s32 $0xA3200, s0;
	s23 =	sor.u32 $0xA0, s9;
	[dreg:$0x9] =	wrdreg s21  }
0xb: {  	s19 =	sshrl.u32 s1, $0x1;
	s24 =	sor.u32 $0x190, s9;
	[dreg:$0xa] =	wrdreg s23  }
0xc: {  	s2 =	sadd.s32 s2, s8;
	s25 =	sor.u32 $0xF0, s9;
	[dreg:$0xb] =	wrdreg s24  }
0xd: {  	s1 =	ssub.s32 s1, s19;
	s26 =	sor.u32 $0x1E0, s9;
	[dreg:$0xc] =	wrdreg s25  }
0xe: {  	s11 =	sshrl.u32 s9, $0x3;
	s28 =	sadd.s32 $0xF000, s16;
	[dreg:$0xd] =	wrdreg s26  }
0xf: {  	s29 =	sadd.s32 $0x11800, s16;
	s20 =	sor.u32 $0xA, s11;
	[dreg:$0x1d] =	wrdreg s28  }
0x10: {  	s10 =	sadd.s32 s6, s11;
	s11 =	sadd.s32 s7, s11;
	[dreg:$0x1e] =	wrdreg s29  }
0x11: {  	s2 =	sshll.u32 s2, $0x4;
	s21 =	smax.u32 s1, $0x1;
	[dreg:$0x7] =	wrdreg s11  }
0x12: {  	s18 =	sor.u32 $0x230, s9;
	s23 =	sadd.s32 $0x5000, s16;
	[dreg:$0x16] =	wrdreg s21  }
0x13: {  	s9 =	simm.s32 $0x50;
	s24 =	sadd.s32 $0x7800, s16;
	[dreg:$0x19] =	wrdreg s23  }
0x14: {  	s0 =	sadd.s32 s2, s0;
	s1 =	simm.s32 $0x7800;
	[dreg:$0x1a] =	wrdreg s24  }
0x15: {  	s14 =	sadd.s32 s6, s20;
	s2 =	sadd.s32 s7, s20;
	[dreg:$0x5] =	wrdreg s10  }
0x16: {  	s12 =	sadd.s32 $0xB7200, s0;
	s13 =	sadd.s32 $0xB7700, s0;
	[dreg:$0x6] =	wrdreg s14  }
0x17: {  	s15 =	sadd.s32 $0xB8100, s0;
	s17 =	sadd.s32 $0xB8600, s0;
	[dreg:$0x8] =	wrdreg s2  }
0x18: {  	s19 =	sadd.s32 $0xB8B00, s0;
	s20 =	sadd.s32 $0xB9000, s0;
	[dreg:$0xe] =	wrdreg s12  }
0x19: {  	s25 =	sadd.s32 $0x14, s10;
	s26 =	sadd.s32 $0x1E, s10;
	[dreg:$0xf] =	wrdreg s13  }
0x1a: {  	s21 =	simm.s32 $0x1;
	s23 =	simm.s32 $0x3;
	[dreg:$0x11] =	wrdreg s15  }
0x1b: {  	s24 =	simm.s32 $0x4;
	s10 =	simm.s32 $0xA;
	[dreg:$0x12] =	wrdreg s17  }
0x1c: {  	s11 =	simm.s32 $0xB;
	s2 =	sadd.s32 s8, s22;
	[dreg:$0x13] =	wrdreg s19  }
0x1d: {  	s14 =	sadd.s32 $0xB7C00, s0;
	[dreg:$0x14] =	wrdreg s20;
	s0 =	sadd.s32 $0xB9500, s0  }
0x1e: {  	s17 =	sadd.s32 $0xA000, s16;
	s20 =	sadd.s32 $0xC800, s16;
	[dreg:$0x1f] =	wrdreg s25  }
0x1f: {  	[smem:$0x7FD] =	sst s26;
	s13 =	simm.s32 $0x2800;
	s19 =	simm.s32 $0x7  }
0x20: {  	s25 =	simm.s32 $0x5000;
	s8 =	simm.s32 $0xC;
	[dreg:$0x10] =	wrdreg s14  }
.Ltmp0:
0x21: {  	s26 =	simm.s32 $0xF;
	[dreg:$0x15] =	wrdreg s0;
	(pc) =	sbr.rel .LBB2_1-.Ltmp0, $4  }
0x22: {  	s15 =	simm.s32 $0x0;
	s2 =	sor.u32 $0x140, s2;
	[dreg:$0x1b] =	wrdreg s17  }
0x23: {  	s14 =	sadd.s32 $0x2800, s16;
	[dreg:$0x1c] =	wrdreg s20;
	s2 =	sshrl.u32 s2, $0x3  }
0x24: {  	s0 =	simm.s32 $0x8;
	[dreg:$0x18] =	wrdreg s14;
	s22 =	sadd.s32 s2, s6  }
0x25: {  	s2 =	simm.s32 $0xA380;
	[dreg:$0x17] =	wrdreg s22;
	s22 =	simm.s32 $0x2  }
.LBB2_6:
0x26: {  	_ =	swait.ge [sflag:s26], $0x2800  }
0x27: {  	[sflag:s26] =	ssyncset.done $0x0  }
0x28: {  	s14 =	simm.s32 $0x10;
	[sflag:s26] =	ssyncadd.s32 $0xFFFFD800  }
0x29: {  	_ =	swait.ge [sflag:s14], $0x2800  }
0x2a: {  	[sflag:s14] =	ssyncset.done $0x0  }
0x2b: {  	[sflag:s14] =	ssyncadd.s32 $0xFFFFD800  }
0x2c: {  	[bflag:$0x0] =	sbarrier.arrive $0xFFFF  }
0x2d: {  	s12 =	rddreg [dreg:$0x4]  }
0x2e: {  	[tilespmem:s4], [sflag:$0x1] =	stream.linear.gather [spmem:s12], $0x2800, $0x38;
	[tilespmem:$0x1E400] =	vst v63  }
0x2f: {  	s13 =	simm.s32 $0x2800;
	s20 =	rddreg [dreg:$0x18]  }
0x30: {  	[tilespmem:s13], [sflag:$0x2] =	stream.linear.gather [spmem:s20], $0x2800, $0x38;
	[tilespmem:$0x1E400] =	vst v63  }
0x31: {  	s15 =	rddreg [dreg:$0x19]  }
0x32: {  	[tilespmem:s25], [sflag:$0x3] =	stream.linear.gather [spmem:s15], $0x2800, $0x38;
	[tilespmem:$0x1E400] =	vst v63  }
0x33: {  	s16 =	rddreg [dreg:$0x1a]  }
0x34: {  	[tilespmem:s1], [sflag:$0x4] =	stream.linear.gather [spmem:s16], $0x2800, $0x38;
	[tilespmem:$0x1E400] =	vst v63  }
0x35: {  	_ =	swait.ge [sflag:s21], $0x2800  }
0x36: {  	[sflag:s21] =	ssyncset.done $0x0  }
0x37: {  	s15 =	simm.s32 $0xD;
	s17 =	rddreg [dreg:$0xe];
	[sflag:s21] =	ssyncadd.s32 $0xFFFFD800  }
0x38: {  	[hbm4b:s17+s4] =	stream.linear.scatter [tilespmem:s4], [sflag:$0xD], $0x2800, $0x38;
	[tilespmem:$0x1E400] =	vst v63  }
0x39: {  	_ =	swait.ge [sflag:s15], $0x2800  }
0x3a: {  	[sflag:s15] =	ssyncset.done $0x0  }
0x3b: {  	s17 =	rddreg [dreg:$0x1b];
	[sflag:s15] =	ssyncadd.s32 $0xFFFFD800  }
0x3c: {  	[tilespmem:s4], [sflag:$0x1] =	stream.linear.gather [spmem:s17], $0x2800, $0x38;
	[tilespmem:$0x1E400] =	vst v63  }
0x3d: {  	_ =	swait.ge [sflag:s22], $0x2800  }
0x3e: {  	[sflag:s22] =	ssyncset.done $0x0  }
0x3f: {  	s16 =	simm.s32 $0xE;
	s20 =	rddreg [dreg:$0xf];
	[sflag:s22] =	ssyncadd.s32 $0xFFFFD800  }
0x40: {  	[hbm4b:s20+s4] =	stream.linear.scatter [tilespmem:s13], [sflag:$0xE], $0x2800, $0x38;
	[tilespmem:$0x1E400] =	vst v63  }
0x41: {  	_ =	swait.ge [sflag:s16], $0x2800  }
0x42: {  	[sflag:s16] =	ssyncset.done $0x0  }
0x43: {  	s20 =	rddreg [dreg:$0x1c];
	[sflag:s16] =	ssyncadd.s32 $0xFFFFD800  }
0x44: {  	[tilespmem:s13], [sflag:$0x2] =	stream.linear.gather [spmem:s20], $0x2800, $0x38;
	[tilespmem:$0x1E400] =	vst v63  }
0x45: {  	_ =	swait.ge [sflag:s23], $0x2800  }
0x46: {  	[sflag:s23] =	ssyncset.done $0x0  }
0x47: {  	s12 =	rddreg [dreg:$0x10];
	[sflag:s23] =	ssyncadd.s32 $0xFFFFD800  }
0x48: {  	[hbm4b:s12+s4] =	stream.linear.scatter [tilespmem:s25], [sflag:$0xF], $0x2800, $0x38;
	[tilespmem:$0x1E400] =	vst v63  }
0x49: {  	_ =	swait.ge [sflag:s26], $0x2800  }
0x4a: {  	[sflag:s26] =	ssyncset.done $0x0  }
0x4b: {  	s28 =	rddreg [dreg:$0x1d];
	[sflag:s26] =	ssyncadd.s32 $0xFFFFD800  }
0x4c: {  	[tilespmem:s25], [sflag:$0x3] =	stream.linear.gather [spmem:s28], $0x2800, $0x38;
	[tilespmem:$0x1E400] =	vst v63  }
0x4d: {  	_ =	swait.ge [sflag:s24], $0x2800  }
0x4e: {  	[sflag:s24] =	ssyncset.done $0x0  }
0x4f: {  	s12 =	rddreg [dreg:$0x11];
	[sflag:s24] =	ssyncadd.s32 $0xFFFFD800  }
0x50: {  	[hbm4b:s12+s4] =	stream.linear.scatter [tilespmem:s1], [sflag:$0x10], $0x2800, $0x38;
	[tilespmem:$0x1E400] =	vst v63  }
0x51: {  	_ =	swait.ge [sflag:s14], $0x2800  }
0x52: {  	[sflag:s14] =	ssyncset.done $0x0  }
0x53: {  	s29 =	rddreg [dreg:$0x1e];
	[sflag:s14] =	ssyncadd.s32 $0xFFFFD800  }
0x54: {  	[tilespmem:s1], [sflag:$0x4] =	stream.linear.gather [spmem:s29], $0x2800, $0x38;
	[tilespmem:$0x1E400] =	vst v63  }
0x55: {  	_ =	swait.ge [sflag:s21], $0x2800  }
0x56: {  	[sflag:s21] =	ssyncset.done $0x0  }
0x57: {  	s12 =	rddreg [dreg:$0x12];
	[sflag:s21] =	ssyncadd.s32 $0xFFFFD800  }
0x58: {  	[hbm4b:s12+s4] =	stream.linear.scatter [tilespmem:s4], [sflag:$0xD], $0x2800, $0x38;
	[tilespmem:$0x1E400] =	vst v63  }
0x59: {  	_ =	swait.ge [sflag:s22], $0x2800  }
0x5a: {  	[sflag:s22] =	ssyncset.done $0x0  }
0x5b: {  	s12 =	rddreg [dreg:$0x13];
	[sflag:s22] =	ssyncadd.s32 $0xFFFFD800  }
0x5c: {  	[hbm4b:s12+s4] =	stream.linear.scatter [tilespmem:s13], [sflag:$0xE], $0x2800, $0x38;
	[tilespmem:$0x1E400] =	vst v63  }
0x5d: {  	_ =	swait.ge [sflag:s23], $0x2800  }
0x5e: {  	[sflag:s23] =	ssyncset.done $0x0  }
0x5f: {  	s12 =	rddreg [dreg:$0x14];
	[sflag:s23] =	ssyncadd.s32 $0xFFFFD800  }
0x60: {  	[hbm4b:s12+s4] =	stream.linear.scatter [tilespmem:s25], [sflag:$0xF], $0x2800, $0x38;
	[tilespmem:$0x1E400] =	vst v63  }
0x61: {  	_ =	swait.ge [sflag:s24], $0x2800  }
0x62: {  	[sflag:s24] =	ssyncset.done $0x0  }
0x63: {  	s12 =	rddreg [dreg:$0x15];
	[sflag:s24] =	ssyncadd.s32 $0xFFFFD800  }
0x64: {  	[hbm4b:s12+s4] =	stream.linear.scatter [tilespmem:s1], [sflag:$0x10], $0x2800, $0x38;
	[tilespmem:$0x1E400] =	vst v63  }
0x65: {  	_ =	swait.ge [sflag:s15], $0x2800  }
0x66: {  	[sflag:s15] =	ssyncset.done $0x0  }
0x67: {  	[sflag:s15] =	ssyncadd.s32 $0xFFFFD800  }
0x68: {  	_ =	swait.ge [sflag:s16], $0x2800  }
0x69: {  	[sflag:s16] =	ssyncset.done $0x0  }
0x6a: {  	[sflag:s16] =	ssyncadd.s32 $0xFFFFD800  }
0x6b: {  	s16 =	rddreg [dreg:$0x4];
	_ =	swait.ge [sflag:s26], $0x2800  }
0x6c: {  	[sflag:s26] =	ssyncset.done $0x0  }
0x6d: {  	[sflag:s26] =	ssyncadd.s32 $0xFFFFD800  }
0x6e: {  	_ =	swait.ge [sflag:s14], $0x2800  }
0x6f: {  	s12 =	sld [smem:$0x7FC];
	_ =	sdelay $0x2  }
0x70: {  	s15 =	sadd.s32 $0x1, s12;
	s12 =	rddreg [dreg:$0x16]  }
0x71: {  	p0 =	sne.s32 s15, s12  }
.Ltmp1:
0x72: {  	_ = 	snop;
	(pc) =	sbr.rel @!p0 .LBB2_7-.Ltmp1, $3  }
0x73: {  	_ =	sdelay $0x1  }
0x74: {  	[sflag:s14] =	ssyncset.done $0x0  }
0x75: {  	[sflag:s14] =	ssyncadd.s32 $0xFFFFD800;
	s14 =	rddreg [dreg:$0x18]  }
.LBB2_1:
0x76: {  	[smem:$0x7FC] =	sst s15  }
0x77: {  	s12 =	rddreg [dreg:$0x1];
	s15 =	simm.s32 $0x11  }
0x78: {  	[tilespmem:s4], [sflag:$0x11] =	stream.linear.gather [hbm4b:s12+s4], $0x2800, $0x38;
	[tilespmem:$0x1E400] =	vst v63  }
0x79: {  	_ =	swait.ge [sflag:s15], $0x2800  }
0x7a: {  	[sflag:s15] =	ssyncset.done $0x0  }
0x7b: {  	[sflag:s15] =	ssyncadd.s32 $0xFFFFD800  }
0x7c: {  	[spmem:s16] =	stream.linear.scatter [tilespmem:s4], [sflag:$0x1], $0x2800, $0x38;
	[tilespmem:$0x1E400] =	vst v63  }
0x7d: {  	_ = 	snop  }
0x7e: {  	[spmem:s14] =	stream.linear.scatter [tilespmem:s4], [sflag:$0x2], $0x2800, $0x38;
	[tilespmem:$0x1E400] =	vst v63  }
0x7f: {  	s16 =	rddreg [dreg:$0x19]  }
0x80: {  	[spmem:s16] =	stream.linear.scatter [tilespmem:s4], [sflag:$0x3], $0x2800, $0x38;
	[tilespmem:$0x1E400] =	vst v63  }
0x81: {  	s14 =	rddreg [dreg:$0x1a]  }
0x82: {  	[spmem:s14] =	stream.linear.scatter [tilespmem:s4], [sflag:$0x4], $0x2800, $0x38;
	[tilespmem:$0x1E400] =	vst v63  }
0x83: {  	_ = 	snop  }
0x84: {  	[spmem:s17] =	stream.linear.scatter [tilespmem:s4], [sflag:$0x1], $0x2800, $0x38;
	[tilespmem:$0x1E400] =	vst v63  }
0x85: {  	_ = 	snop  }
0x86: {  	[spmem:s20] =	stream.linear.scatter [tilespmem:s4], [sflag:$0x2], $0x2800, $0x38;
	[tilespmem:$0x1E400] =	vst v63  }
0x87: {  	_ = 	snop  }
0x88: {  	[spmem:s28] =	stream.linear.scatter [tilespmem:s4], [sflag:$0x3], $0x2800, $0x38;
	[tilespmem:$0x1E400] =	vst v63  }
0x89: {  	_ = 	snop  }
0x8a: {  	[spmem:s29] =	stream.linear.scatter [tilespmem:s4], [sflag:$0x4], $0x2800, $0x38;
	[tilespmem:$0x1E400] =	vst v63  }
0x8b: {  	_ =	swait.ge [sflag:s21], $0x2800  }
0x8c: {  	[sflag:s21] =	ssyncset.done $0x0  }
0x8d: {  	[sflag:s21] =	ssyncadd.s32 $0xFFFFD800  }
0x8e: {  	_ =	swait.ge [sflag:s22], $0x2800  }
0x8f: {  	[sflag:s22] =	ssyncset.done $0x0  }
0x90: {  	[sflag:s22] =	ssyncadd.s32 $0xFFFFD800  }
0x91: {  	_ =	swait.ge [sflag:s23], $0x2800  }
0x92: {  	[sflag:s23] =	ssyncset.done $0x0  }
0x93: {  	[sflag:s23] =	ssyncadd.s32 $0xFFFFD800  }
0x94: {  	_ =	swait.ge [sflag:s24], $0x2800  }
0x95: {  	[sflag:s24] =	ssyncset.done $0x0  }
0x96: {  	[sflag:s24] =	ssyncadd.s32 $0xFFFFD800  }
0x97: {  	_ =	swait.ge [sflag:s21], $0x2800  }
0x98: {  	[sflag:s21] =	ssyncset.done $0x0  }
0x99: {  	[sflag:s21] =	ssyncadd.s32 $0xFFFFD800  }
0x9a: {  	_ =	swait.ge [sflag:s22], $0x2800  }
0x9b: {  	[sflag:s22] =	ssyncset.done $0x0  }
0x9c: {  	[sflag:s22] =	ssyncadd.s32 $0xFFFFD800  }
0x9d: {  	_ =	swait.ge [sflag:s23], $0x2800  }
0x9e: {  	[sflag:s23] =	ssyncset.done $0x0  }
0x9f: {  	[sflag:s23] =	ssyncadd.s32 $0xFFFFD800  }
0xa0: {  	_ =	swait.ge [sflag:s24], $0x2800  }
0xa1: {  	[sflag:s24] =	ssyncset.done $0x0  }
0xa2: {  	[sflag:s24] =	ssyncadd.s32 $0xFFFFD800  }
0xa3: {  	[bflag:$0x0] =	sbarrier.arrive $0xFFFF  }
0xa4: {  	s15 =	rddreg [dreg:$0x5]  }
0xa5: {  	s16 =	simm.s32 $0xA000;
	s17 =	rddreg [dreg:$0x6]  }
0xa6: {  	[tilespmem:s16], [sflag:$0x5] =	stream.linear.gather [hbm4b:s15+s4], $0x50, $0x38;
	[tilespmem:$0x1E400] =	vst v63  }
0xa7: {  	s14 =	simm.s32 $0xA080;
	s20 =	rddreg [dreg:$0x1f]  }
0xa8: {  	[tilespmem:s14], [sflag:$0x6] =	stream.linear.gather [hbm4b:s17+s4], $0x50, $0x38;
	[tilespmem:$0x1E400] =	vst v63  }
0xa9: {  	s29 =	simm.s32 $0xA100;
	s15 =	sld [smem:$0x7FD]  }
0xaa: {  	[tilespmem:s29], [sflag:$0x7] =	stream.linear.gather [hbm4b:s20+s4], $0x50, $0x38;
	[tilespmem:$0x1E400] =	vst v63  }
0xab: {  	s17 =	simm.s32 $0xA180  }
0xac: {  	[tilespmem:s17], [sflag:$0x8] =	stream.linear.gather [hbm4b:s15+s4], $0x50, $0x38;
	[tilespmem:$0x1E400] =	vst v63  }
0xad: {  	s20 =	rddreg [dreg:$0x7];
	s29 =	simm.s32 $0xA200  }
0xae: {  	[tilespmem:s29], [sflag:$0x9] =	stream.linear.gather [hbm4b:s20+s4], $0x50, $0x38;
	[tilespmem:$0x1E400] =	vst v63  }
0xaf: {  	s15 =	rddreg [dreg:$0x8];
	s17 =	simm.s32 $0xA280;
	s20 =	simm.s32 $0x5  }
0xb0: {  	[tilespmem:s17], [sflag:$0xA] =	stream.linear.gather [hbm4b:s15+s4], $0x50, $0x38;
	[tilespmem:$0x1E400] =	vst v63  }
0xb1: {  	_ =	swait.ge [sflag:s20], $0x50  }
0xb2: {  	[sflag:s20] =	ssyncset.done $0x0  }
0xb3: {  	[sflag:s20] =	ssyncadd.s32 $0xFFFFFFB0  }
0xb4: {  	[tilespmem:s4], [sflag:$0x1] =	stream.indirect.gather [hbm4b:s5+s9], $0x80, s16, s9, $0xb8;
	[tilespmem:$0x1E400] =	vst v63  }
.Ltmp2:
0xb5: {  	s29 =	simm.s32 $0x6;
	(pc) =	sbr.rel .LBB2_2-.Ltmp2, $4  }
0xb6: {  	_ =	swait.ge [sflag:s29], $0x50  }
0xb7: {  	[sflag:s29] =	ssyncset.done $0x0  }
0xb8: {  	s20 =	simm.s32 $0x0;
	s28 =	rddreg [dreg:$0x17];
	[sflag:s29] =	ssyncadd.s32 $0xFFFFFFB0  }
0xb9: {  	[tilespmem:s13], [sflag:$0x2] =	stream.indirect.gather [hbm4b:s5+s9], $0x80, s14, s9, $0xb8;
	[tilespmem:$0x1E400] =	vst v63  }
.LBB2_4:
0xba: {  	_ =	swait.ge [sflag:s26], $0x2800  }
0xbb: {  	s29 =	smov.u32 s20;
	p1 =	por $0x0, $0x0;
	[sflag:s26] =	ssyncset.done $0x0  }
0xbc: {  	s17 =	simm.s32 $0x2800;
	s29 =	simm.s32 @p0 $0x26C0;
	[sflag:s26] =	ssyncadd.s32 $0xFFFFD800  }
.LBB2_5:
0xbd: {  	_ =	swait.ge [sflag:s19], $0x50  }
0xbe: {  	[sflag:s19] =	ssyncset.done $0x0  }
0xbf: {  	s14 =	simm.s32 $0xA100;
	s15 =	rddreg [dreg:$0xa];
	[sflag:s19] =	ssyncadd.s32 $0xFFFFFFB0  }
0xc0: {  	[tilespmem:s25], [sflag:$0x3] =	stream.indirect.gather [hbm4b:s5+s9], $0x80, s14, s9, $0xb8;
	[tilespmem:$0x1E400] =	vst v63  }
0xc1: {  	s14 =	sadd.s32 s29, s15  }
0xc2: {  	s14 =	sshrl.u32 s14, $0x3  }
0xc3: {  	s14 =	sadd.s32 s7, s14  }
0xc4: {  	[tilespmem:s30], [sflag:$0xB] =	stream.linear.gather [hbm4b:s14+s4], $0x50, $0x38;
	[tilespmem:$0x1E400] =	vst v63  }
0xc5: {  	_ =	swait.ge [sflag:s31], $0x50  }
0xc6: {  	[sflag:s31] =	ssyncset.done $0x0  }
0xc7: {  	s16 =	simm.s32 $0xA200;
	[sflag:s31] =	ssyncadd.s32 $0xFFFFFFB0  }
0xc8: {  	[spmem:s3] =	stream.indirect.scatter.add.f32 [tilespmem:s4], [sflag:$0xD], $0x80, s16, s9, $0xb8;
	[tilespmem:$0x1E400] =	vst v63  }
0xc9: {  	_ =	swait.ge [sflag:s22], $0x2800  }
0xca: {  	s14 =	rddreg [dreg:$0xb]  }
0xcb: {  	s14 =	sadd.s32 @!p0 s29, s14  }
0xcc: {  	[sflag:s22] =	ssyncset.done $0x0;
	s14 =	sshrl.u32 @!p0 s14, $0x3  }
0xcd: {  	s15 =	simm.s32 @!p0 $0xA080;
	[sflag:s22] =	ssyncadd.s32 $0xFFFFD800;
	s16 =	sadd.s32 @!p0 s6, s14  }
0xce: {  	[tilespmem:s15], [sflag:$0x6] =	stream.linear.gather @!p0 [hbm4b:s16+s12], $0x50, $0x38;
	[tilespmem:$0x1E400] =	vst v63  }
0xcf: {  	s16 =	simm.s32 @!p1 $0x10  }
0xd0: {  	_ =	swait.ge @!p1 [sflag:s16], $0x2800  }
0xd1: {  	[sflag:s16] =	ssyncset.done @!p1 $0x0  }
0xd2: {  	[sflag:s16] =	ssyncadd.s32 @!p1 $0xFFFFD800  }
0xd3: {  	_ =	swait.ge [sflag:s0], $0x50  }
0xd4: {  	[sflag:s0] =	ssyncset.done $0x0  }
0xd5: {  	s16 =	simm.s32 $0xA180;
	[sflag:s0] =	ssyncadd.s32 $0xFFFFFFB0  }
0xd6: {  	[tilespmem:s1], [sflag:$0x4] =	stream.indirect.gather [hbm4b:s5+s9], $0x80, s16, s9, $0xb8;
	[tilespmem:$0x1E400] =	vst v63  }
0xd7: {  	s16 =	rddreg [dreg:$0xc]  }
0xd8: {  	s16 =	sadd.s32 s29, s16  }
0xd9: {  	s16 =	sshrl.u32 s16, $0x3  }
0xda: {  	s16 =	sadd.s32 s7, s16  }
0xdb: {  	[tilespmem:s2], [sflag:$0xC] =	stream.linear.gather [hbm4b:s16+s4], $0x50, $0x38;
	[tilespmem:$0x1E400] =	vst v63  }
0xdc: {  	_ =	swait.ge [sflag:s10], $0x50  }
0xdd: {  	[sflag:s10] =	ssyncset.done $0x0  }
0xde: {  	s16 =	simm.s32 $0xA280;
	[sflag:s10] =	ssyncadd.s32 $0xFFFFFFB0  }
0xdf: {  	[spmem:s3] =	stream.indirect.scatter.add.f32 [tilespmem:s17], [sflag:$0xE], $0x80, s16, s9, $0xb8;
	[tilespmem:$0x1E400] =	vst v63  }
0xe0: {  	_ =	swait.ge [sflag:s23], $0x2800  }
0xe1: {  	[sflag:s23] =	ssyncset.done $0x0  }
0xe2: {  	s16 =	simm.s32 @p0 $0xD;
	[sflag:s23] =	ssyncadd.s32 $0xFFFFD800  }
0xe3: {  	_ =	swait.ge @p0 [sflag:s16], $0x2800  }
0xe4: {  	s17 =	rddreg [dreg:$0xd]  }
0xe5: {  	s17 =	sadd.s32 @!p0 s29, s17  }
0xe6: {  	[sflag:s16] =	ssyncset.done @p0 $0x0;
	s17 =	sshrl.u32 @!p0 s17, $0x3  }
0xe7: {  	[sflag:s16] =	ssyncadd.s32 @p0 $0xFFFFD800;
	s16 =	sadd.s32 @!p0 s6, s17;
	s17 =	simm.s32 @!p0 $0xA100  }
0xe8: {  	[tilespmem:s17], [sflag:$0x7] =	stream.linear.gather @!p0 [hbm4b:s16+s12], $0x50, $0x38;
	[tilespmem:$0x1E400] =	vst v63  }
0xe9: {  	s16 =	simm.s32 @!p0 $0xD  }
0xea: {  	_ =	swait.ge @!p0 [sflag:s16], $0x2800  }
0xeb: {  	[sflag:s16] =	ssyncset.done @!p0 $0x0  }
0xec: {  	[sflag:s16] =	ssyncadd.s32 @!p0 $0xFFFFD800;
	s16 =	simm.s32 @!p0 $0x5  }
0xed: {  	_ =	swait.ge @!p0 [sflag:s16], $0x50  }
0xee: {  	[sflag:s16] =	ssyncset.done @!p0 $0x0  }
0xef: {  	[sflag:s16] =	ssyncadd.s32 @!p0 $0xFFFFFFB0;
	s16 =	simm.s32 @!p0 $0x50  }
0xf0: {  	[tilespmem:s12], [sflag:$0x1] =	stream.indirect.gather @!p0 [hbm4b:s5+s16], $0x80, s13, s16, $0xb8;
	[tilespmem:$0x1E400] =	vst v63  }
0xf1: {  	s13 =	rddreg [dreg:$0x9]  }
0xf2: {  	s13 =	sadd.s32 @!p0 s29, s13  }
0xf3: {  	s13 =	sshrl.u32 @!p0 s13, $0x3  }
0xf4: {  	s17 =	simm.s32 @!p0 $0xA200;
	s13 =	sadd.s32 @!p0 s7, s13  }
0xf5: {  	[tilespmem:s17], [sflag:$0x9] =	stream.linear.gather @!p0 [hbm4b:s13+s12], $0x50, $0x38;
	[tilespmem:$0x1E400] =	vst v63  }
0xf6: {  	_ =	swait.ge [sflag:s11], $0x50  }
0xf7: {  	[sflag:s11] =	ssyncset.done $0x0  }
0xf8: {  	[sflag:s11] =	ssyncadd.s32 $0xFFFFFFB0  }
0xf9: {  	[spmem:s3] =	stream.indirect.scatter.add.f32 [tilespmem:s25], [sflag:$0xF], $0x80, s30, s9, $0xb8;
	[tilespmem:$0x1E400] =	vst v63  }
0xfa: {  	_ =	swait.ge [sflag:s24], $0x2800  }
0xfb: {  	[sflag:s24] =	ssyncset.done $0x0  }
0xfc: {  	s13 =	simm.s32 @p0 $0xE;
	[sflag:s24] =	ssyncadd.s32 $0xFFFFD800  }
0xfd: {  	s17 =	sadd.s32 @!p0 s29, s18;
	_ =	swait.ge @p0 [sflag:s13], $0x2800  }
0xfe: {  	s17 =	sshrl.u32 @!p0 s17, $0x3;
	[sflag:s13] =	ssyncset.done @p0 $0x0  }
0xff: {  	[sflag:s13] =	ssyncadd.s32 @p0 $0xFFFFD800;
	s13 =	sadd.s32 @!p0 s6, s17;
	s17 =	simm.s32 @!p0 $0xA180  }
0x100: {  	[tilespmem:s17], [sflag:$0x8] =	stream.linear.gather @!p0 [hbm4b:s13+s12], $0x50, $0x38;
	[tilespmem:$0x1E400] =	vst v63  }
0x101: {  	s13 =	simm.s32 @!p0 $0xE  }
0x102: {  	_ =	swait.ge @!p0 [sflag:s13], $0x2800  }
0x103: {  	[sflag:s13] =	ssyncset.done @!p0 $0x0  }
0x104: {  	[sflag:s13] =	ssyncadd.s32 @!p0 $0xFFFFD800;
	s13 =	simm.s32 @!p0 $0x6  }
0x105: {  	_ =	swait.ge @!p0 [sflag:s13], $0x50  }
0x106: {  	[sflag:s13] =	ssyncset.done @!p0 $0x0  }
0x107: {  	[sflag:s13] =	ssyncadd.s32 @!p0 $0xFFFFFFB0;
	s13 =	simm.s32 @!p0 $0x2800  }
0x108: {  	[tilespmem:s13], [sflag:$0x2] =	stream.indirect.gather @!p0 [hbm4b:s5+s16], $0x80, s15, s16, $0xb8;
	[tilespmem:$0x1E400] =	vst v63  }
0x109: {  	s20 =	sadd.s32 $0x140, s20;
	s13 =	sadd.s32 @!p0 s7, s14;
	s14 =	simm.s32 @!p0 $0xA280  }
0x10a: {  	[tilespmem:s14], [sflag:$0xA] =	stream.linear.gather @!p0 [hbm4b:s13+s12], $0x50, $0x38;
	[tilespmem:$0x1E400] =	vst v63  }
0x10b: {  	p0 =	sne.s32 s20, $0x2800  }
.Ltmp3:
0x10c: {  	_ = 	snop;
	(pc) =	sbr.rel @!p0 .LBB2_6-.Ltmp3, $4  }
0x10d: {  	_ =	swait.ge [sflag:s8], $0x50  }
0x10e: {  	[sflag:s8] =	ssyncset.done $0x0  }
0x10f: {  	s28 =	sadd.s32 $0x28, s28;
	[sflag:s8] =	ssyncadd.s32 $0xFFFFFFB0  }
0x110: {  	[spmem:s3] =	stream.indirect.scatter.add.f32 [tilespmem:s1], [sflag:$0x10], $0x80, s2, s9, $0xb8;
	[tilespmem:$0x1E400] =	vst v63  }
.LBB2_2:
0x111: {  	p0 =	seq.s32 s20, $0x26C0  }
0x112: {  	p1 =	seq.s32 @!p0 s20, $0x0  }
0x113: {  	p1 =	por p0, !p1  }
.Ltmp4:
0x114: {  	_ = 	snop;
	(pc) =	sbr.rel @p1 .LBB2_4-.Ltmp4, $4  }
0x115: {  	_ =	swait.ge [sflag:s21], $0x2800  }
0x116: {  	[sflag:s21] =	ssyncset.done $0x0  }
0x117: {  	s12 =	simm.s32 @!p0 $0x0;
	s13 =	simm.s32 @!p0 $0xA000;
	[sflag:s21] =	ssyncadd.s32 $0xFFFFD800  }
0x118: {  	[tilespmem:s13], [sflag:$0x5] =	stream.linear.gather @!p0 [hbm4b:s28+s12], $0x50, $0x38;
	[tilespmem:$0x1E400] =	vst v63  }
.Ltmp5:
0x119: {  	(pc) =	sbr.rel .LBB2_5-.Ltmp5, $2  }
0x11a: {  	_ =	sdelay $0x2  }
0x11b: {  	p1 =	por @!p0 $0x1, $0x1;
	s29 =	simm.s32 @!p0 $0x0;
	s17 =	simm.s32 $0x2800  }
.LBB2_7:
0x11c: {  	_ =	sfence.sel $0x180000  }
0x11d: {  	[bflag:$0x0] =	sbarrier.arrive $0xFFFF  }
0x11e: {  	_ =	strace $0x9000004A  }
0x11f: {  	s0 =	stileid.u32;
	[bflag:$0x2] =	sbarrier.arrive $0xFFFF  }
0x120: {  	p0 =	sne.s32 s0, $0x0;
	s0 =	rddreg [dreg:$0x3]  }
0x121: {  	s0 =	sadd.s32 @!p0 $0x100000, s0  }
0x122: {  	[sflag:s0] =	ssyncadd.tile.s32 @!p0 $0x1;
	_ =	shalt  }
.Lfunc_end2:
_tile_overlayer_lowered:
.L_overlay_start_2:
0x123: {  	(tag) =	ssettag $0x2  }
0x124: {  	s0 =	rddreg [dreg:$0x0];
	s2 =	stileid.u32  }
0x125: {  	s1 =	rddreg [dreg:$0x1];
	p0 =	sne.s32 s2, $0x0  }
0x126: {  	s3 =	rddreg [dreg:$0x2];
	[bflag:$0x3] =	sbarrier.arrive $0xFFFF;
	s2 =	simm.s32 @!p0 $0x1C11  }
0x127: {  	[timem:s3], [sflag:s2] =	dma.local @!p0 [hbm:s0], s1  }
0x128: {  	s0 =	simm.s32 @!p0 $0x11  }
0x129: {  	_ =	swait.ge @!p0 [sflag:s0], s1  }
0x12a: {  	s1 =	ssub.s32 @!p0 $0x0, s1;
	[sflag:s0] =	ssyncset.done @!p0 $0x0  }
0x12b: {  	[sflag:s0] =	ssyncadd.s32 @!p0 s1  }
0x12c: {  	[bflag:$0x3] =	sbarrier.arrive $0xFFFF  }
0x12d: {  	_ =	shalt  }

// kernel: kernel.17.cloned.1.call-start
scs
__scs_entry_jumppad:
0x0: {  	(pc) =	sbr.rel $0x88, $3  }
0x1: {  	(tag) =	ssettag $0x0;
	lr =	simm.s32 $0x1  }
0x2: {  	[smem:$0x3F94] =	sst lr;
	_ =	strace $0xD0000000  }
0x3: {  	_ = 	snop  }
0x4: {  	_ = 	snop  }
0x5: {  	_ = 	snop  }
0x6: {  	_ = 	snop  }
0x7: {  	_ = 	snop  }
__scs_overlays_trampoline_lowered:
0x8: {  	[smem:$0x3FA3] =	sst s0  }
0x9: {  	[smem:$0x3FA4] =	sst s1  }
0xa: {  	[smem:$0x3FA5] =	sst s2  }
0xb: {  	[smem:$0x3FA6] =	sst s3  }
0xc: {  	[smem:$0x3FA7] =	sst s4  }
0xd: {  	[smem:$0x3FA8] =	sst s5  }
0xe: {  	[smem:$0x3FA9] =	sst s6  }
0xf: {  	[smem:$0x3FAA] =	sst s7  }
0x10: {  	[smem:$0x3FAB] =	sst s8  }
0x11: {  	[smem:$0x3FAC] =	sst s9;
	s0 =	simm.s32 @!p0 $0x0  }
0x12: {  	s1 =	sld [smem:$0x3F92];
	s0 =	simm.s32 @p0 $0x1  }
0x13: {  	[smem:$0x3FAD] =	sst s0;
	s0 =	simm.s32 @!p1 $0x0  }
0x14: {  	s2 =	sld [smem:$0x3F91];
	s0 =	simm.s32 @p1 $0x1  }
0x15: {  	[smem:$0x3FAE] =	sst s0;
	s0 =	simm.s32 @!p2 $0x0  }
0x16: {  	s3 =	sld [smem:$0x3FDB];
	s0 =	simm.s32 @p2 $0x1  }
0x17: {  	s4 =	simm.s32 $0x1BF5;
	[smem:$0x3FB0] =	sst s0  }
0x18: {  	s0 =	sld [smem:$0x3F93];
	_ =	swait.ge [sflag:s4], $0x0  }
0x19: {  	s7 =	sld [smem:$0x3F94]  }
0x1a: {  	s8 =	sadd.s32 $0xFFFFE003, lr  }
0x1b: {  	s9 =	sadd.s32 $0xFFFFFEF7, lr;
	s5 =	simm.s32 $0xFFFFFFFF;
	p2 =	slt.u32 s8, $0xFFFFF086  }
0x1c: {  	p1 =	slt.u32 s9, $0xF7A;
	s5 =	simm.s32 @!p2 $0x0  }
0x1d: {  	s5 =	simm.s32 @p1 $0x1;
	p0 =	seq.s32 s7, s2  }
0x1e: {  	s7 =	smul.u32 @!p0 $0xF7A, s2;
	p2 =	seq.s32 @!p0 s5, $0x0  }
0x1f: {  	s9 =	smul.u32 $0xF7A, s1;
	s8 =	simm.s32 @!p0 $0x1BF5;
	p2 =	por !p2, p0  }
0x20: {  	[sflag:s8] =	ssyncset.s32 @!p0 $0xFFFFF086;
	s6 =	sadd.s32 @!p0 s3, s7;
	s7 =	simm.s32 @!p0 $0x108  }
0x21: {  	s3 =	sadd.s32 s3, s9;
	s6 =	sadd.s32 @!p0 $0x88, s6;
	s7 =	simm.s32 @p2 $0x1082  }
0x22: {  	[simem:s7], [sflag:s8] =	dma.local @!p0 [hbm:s6], $0xF7A  }
0x23: {  	s9 =	sor.u32 $0xD0000000, s2;
	s6 =	simm.s32 $0x108;
	_ =	swait.ge @!p0 [sflag:s8], $0x0  }
0x24: {  	s3 =	sadd.s32 $0x88, s3;
	s6 =	simm.s32 @!p1 $0x1082;
	[sflag:s4] =	ssyncset.s32 $0xFFFFF086  }
0x25: {  	[simem:s6], [sflag:s4] =	dma.local [hbm:s3], $0xF7A  }
0x26: {  	[smem:$0x3F94] =	sst s1;
	(tag) =	ssettag s2;
	_ =	strace s9  }
0x27: {  	s1 =	sld [smem:$0x3FA4]  }
0x28: {  	s2 =	sld [smem:$0x3FA5]  }
0x29: {  	s4 =	sld [smem:$0x3FA7]  }
0x2a: {  	p0 =	seq.s32 s5, $0x0;
	s5 =	sld [smem:$0x3FA8]  }
0x2b: {  	s6 =	sld [smem:$0x3FA9]  }
0x2c: {  	s7 =	sld [smem:$0x3FAA]  }
0x2d: {  	s3 =	simm.s32 $0x108;
	s8 =	sld [smem:$0x3FAB]  }
0x2e: {  	s3 =	simm.s32 @!p0 $0x1082;
	s9 =	sld [smem:$0x3FAC]  }
0x2f: {  	lr =	sadd.s32 s0, s3;
	s0 =	sld [smem:$0x3FA3]  }
0x30: {  	s3 =	sld [smem:$0x3FA6]  }
0x31: {  	[smem:$0x3FAF] =	sst s10  }
0x32: {  	s10 =	sld [smem:$0x3FAD];
	_ =	sdelay $0x3  }
0x33: {  	p0 =	seq.s32 s10, $0x1;
	s10 =	sld [smem:$0x3FAF];
	_ =	sdelay $0x3  }
0x34: {  	[smem:$0x3FAF] =	sst s10  }
0x35: {  	s10 =	sld [smem:$0x3FAE];
	_ =	sdelay $0x3  }
0x36: {  	p1 =	seq.s32 s10, $0x1;
	s10 =	sld [smem:$0x3FAF];
	_ =	sdelay $0x3  }
0x37: {  	[smem:$0x3FAF] =	sst s10  }
0x38: {  	s10 =	sld [smem:$0x3FB0]  }
0x39: {  	_ = 	snop;
	(pc) =	sbr.ind lr, $3  }
0x3a: {  	_ = 	snop  }
0x3b: {  	_ = 	snop  }
0x3c: {  	p2 =	seq.s32 s10, $0x1;
	s10 =	sld [smem:$0x3FAF]  }
0x3d: {  	_ =	shalt  }
0x3e: {  	_ =	shalt  }
0x3f: {  	_ =	shalt  }
0x40: {  	_ =	shalt  }
0x41: {  	_ =	shalt  }
0x42: {  	_ =	shalt  }
0x43: {  	_ =	shalt  }
0x44: {  	_ =	shalt  }
0x45: {  	_ =	shalt  }
0x46: {  	_ =	shalt  }
0x47: {  	_ =	shalt  }
0x48: {  	_ =	shalt  }
0x49: {  	_ =	shalt  }
0x4a: {  	_ =	shalt  }
0x4b: {  	_ =	shalt  }
0x4c: {  	_ =	shalt  }
0x4d: {  	_ =	shalt  }
0x4e: {  	_ =	shalt  }
0x4f: {  	_ =	shalt  }
0x50: {  	_ =	shalt  }
0x51: {  	_ =	shalt  }
0x52: {  	_ =	shalt  }
0x53: {  	_ =	shalt  }
0x54: {  	_ =	shalt  }
0x55: {  	_ =	shalt  }
0x56: {  	_ =	shalt  }
0x57: {  	_ =	shalt  }
0x58: {  	_ =	shalt  }
0x59: {  	_ =	shalt  }
0x5a: {  	_ =	shalt  }
0x5b: {  	_ =	shalt  }
0x5c: {  	_ =	shalt  }
0x5d: {  	_ =	shalt  }
0x5e: {  	_ =	shalt  }
0x5f: {  	_ =	shalt  }
0x60: {  	_ =	shalt  }
0x61: {  	_ =	shalt  }
0x62: {  	_ =	shalt  }
0x63: {  	_ =	shalt  }
0x64: {  	_ =	shalt  }
0x65: {  	_ =	shalt  }
0x66: {  	_ =	shalt  }
0x67: {  	_ =	shalt  }
0x68: {  	_ =	shalt  }
0x69: {  	_ =	shalt  }
0x6a: {  	_ =	shalt  }
0x6b: {  	_ =	shalt  }
0x6c: {  	_ =	shalt  }
0x6d: {  	_ =	shalt  }
0x6e: {  	_ =	shalt  }
0x6f: {  	_ =	shalt  }
0x70: {  	_ =	shalt  }
0x71: {  	_ =	shalt  }
0x72: {  	_ =	shalt  }
0x73: {  	_ =	shalt  }
0x74: {  	_ =	shalt  }
0x75: {  	_ =	shalt  }
0x76: {  	_ =	shalt  }
0x77: {  	_ =	shalt  }
0x78: {  	_ =	shalt  }
0x79: {  	_ =	shalt  }
0x7a: {  	_ =	shalt  }
0x7b: {  	_ =	shalt  }
0x7c: {  	_ =	shalt  }
0x7d: {  	_ =	shalt  }
0x7e: {  	_ =	shalt  }
0x7f: {  	_ =	shalt  }
0x80: {  	_ =	shalt  }
0x81: {  	_ =	shalt  }
0x82: {  	_ =	shalt  }
0x83: {  	_ =	shalt  }
0x84: {  	_ =	shalt  }
0x85: {  	_ =	shalt  }
0x86: {  	_ =	shalt  }
0x87: {  	_ =	shalt  }
.Lfunc_end0:
.L_simem_size_0:
called_computation.2_lowered:
.L_overlay_start_0:
0x88: {  	s2 =	sld [smem:$0x3FD9]  }
0x89: {  	s3 =	sld [smem:$0x3FFE];
	_ =	sdelay $0x1  }
0x8a: {  	s1 =	srdreg.scid  }
0x8b: {  	s0 =	sand.u32 $0x1, s1  }
0x8c: {  	s17 =	sshll.u32 s0, $0xA;
	s2 =	sadd.s32 s3, s2  }
0x8d: {  	s2 =	sadd.s32 s2, s17  }
0x8e: {  	[smem:$0x3FBB] =	sst s2  }
0x8f: {  	_ = 	snop  }
0x90: {  	s2 =	sld [smem:$0x3FD0];
	(tm) =	ssettm $0x1  }
0x91: {  	s18 =	sld [smem:$0x3FFB];
	_ =	sdelay $0x3  }
0x92: {  	_ =	strace s18  }
0x93: {  	s3 =	sld [smem:$0x3FFC];
	_ =	sdelay $0x3  }
0x94: {  	_ =	strace s3  }
0x95: {  	s3 =	sld [smem:$0x3FFD];
	_ =	sdelay $0x3  }
0x96: {  	_ =	strace s3  }
0x97: {  	_ =	strace $0x8FFFFFFF  }
0x98: {  	s19 =	sld [smem:$0x3FDB];
	_ =	sdelay $0x1  }
0x99: {  	s4 =	simm.s32 $_scs_section_size  }
0x9a: {  	s5 =	simm.s32 $_size__tile_overlayer_lowered;
	s6 =	simm.s32 $_tile_overlayer_lowered  }
0x9b: {  	s22 =	simm.s32 $0x1BFF;
	s21 =	sshll.u32 s6, $0x1;
	s3 =	sadd.s32 s4, s19  }
0x9c: {  	s7 =	simm.s32 $0x0;
	s20 =	sshll.u32 s5, $0x1;
	s5 =	sadd.s32 s21, s3  }
0x9d: {  	[timem:s7], [sflag:s22] =	dma.local [hbm:s5], s20  }
0x9e: {  	_ =	swait.ge [sflag:s22], s20  }
0x9f: {  	s4 =	ssub.s32 $0x0, s20;
	[sflag:s22] =	ssyncset.done $0x0  }
0xa0: {  	[sflag:s22] =	ssyncadd.s32 s4;
	_ =	sdelay $0x1  }
0xa1: {  	s23 =	simm.s32 $0x1B8B  }
0xa2: {  	_ =	swait.ge [sflag:s23], $0x1  }
0xa3: {  	[sflag:s23] =	ssyncset.done $0x0  }
0xa4: {  	s25 =	simm.s32 $0x1B8E;
	s24 =	sld [smem:$0x3FFE];
	[sflag:s23] =	ssyncadd.s32 $0xFFFFFFFF  }
0xa5: {  	s26 =	simm.s32 $execute0_lowered;
	[smem:$0x3FD2] =	sst s25  }
0xa6: {  	s5 =	sshll.u32 s26, $0x1;
	_ =	strace $0x8000004C;
	[dreg:$0x1] =	wrdreg $0xFFFFFFFF  }
0xa7: {  	s28 =	simm.s32 $_size_execute0_lowered;
	s3 =	sadd.s32 s3, s5;
	[dreg:$0x0] =	wrdreg $0x0  }
0xa8: {  	s5 =	sshll.u32 s28, $0x1;
	[dreg:$0x2] =	wrdreg s3  }
0xa9: {  	[dreg:$0x3] =	wrdreg s5  }
0xaa: {  	[dreg:$0x4] =	wrdreg $0xC0  }
0xab: {  	_ =	task [dreg:s7], $0x5FFFF  }
0xac: {  	[dreg:$0x1] =	wrdreg $0xFFFFFFFF  }
0xad: {  	[dreg:$0x0] =	wrdreg $0x60  }
0xae: {  	[dreg:$0x2] =	wrdreg s24  }
0xaf: {  	[dreg:$0x3] =	wrdreg s2  }
0xb0: {  	[dreg:$0x4] =	wrdreg $0xA4000  }
0xb1: {  	[dreg:$0x5] =	wrdreg $0x9  }
0xb2: {  	_ =	task.clear_ibuf [dreg:s7], $0x6FFFF;
	_ =	strace $0x9000004C  }
0xb3: {  	s29 =	simm.s32 $0x9;
	_ =	strace $0x8000004E  }
0xb4: {  	_ =	swait.ge [sflag:s29], $0x1  }
0xb5: {  	[sflag:s29] =	ssyncadd.s32 $0xFFFFFFFF  }
0xb6: {  	_ =	strace $0x9000004E  }
0xb7: {  	_ =	sfence  }
0xb8: {  	s30 =	sld [smem:$0x0];
	_ =	sdelay $0x2  }
0xb9: {  	s31 =	sshll.u32 s1, $0xD;
	s1 =	sshrl.u32 s1, $0x2  }
0xba: {  	s3 =	sand.u32 $0x4000, s31;
	s1 =	sadd.s32 s1, s30  }
0xbb: {  	s0 =	sor.u32 s3, s0;
	s1 =	sshll.u32 s1, $0x11  }
0xbc: {  	s0 =	sor.u32 s1, s0  }
0xbd: {  	s0 =	sadd.s32 $0x8F2B, s0  }
0xbe: {  	[sflag:s0] =	ssyncadd.remote.s32 $0x1  }
0xbf: {  	_ =	sfence.sel $0xFFFF  }
0xc0: {  	[dreg:$0x0] =	wrdreg $0xFFFFFFFF;
	(pc) =	sbr.abs _section_cstart, $3  }
0xc1: {  	[dreg:$0x1] =	wrdreg $0xFFFFFFFF  }
0xc2: {  	_ =	task.clear_ibuf [dreg:s7], $0x2FFFF;
	_ =	strace $0x9FFFFFFF  }
0xc3: {  	(tm) =	ssettm $0x7FFFFFFF  }
tec
execute0_lowered:
.L_overlay_start_1:
0x0: {  	(tag) =	ssettag $0x1  }
0x1: {  	s0 =	rddreg [dreg:$0x0]  }
0x2: {  	s3 =	rddreg [dreg:$0x2];
	s12 =	stileid.u32  }
0x3: {  	s1 =	srdreg.scid;
	s4 =	simm.s32 $0x0;
	s2 =	smul.u32 $0x280, s12  }
0x4: {  	s30 =	simm.s32 $0xA300;
	s31 =	simm.s32 $0x9;
	s10 =	smul.u32 $0x50000, s12  }
0x5: {  	s1 =	sand.u32 $0x1, s1;
	s5 =	sshll.u32 s12, $0x1;
	s22 =	smul.u32 $0x5000, s12  }
0x6: {  	[smem:$0x7FF] =	sst s4;
	s8 =	smul.u32 $0x2800, s1;
	s6 =	sor.u32 s1, s5  }
0x7: {  	s7 =	sadd.s32 $0xAD200, s0;
	s9 =	smul.u32 $0x2800, s6;
	s10 =	sshrl.u32 s10, $0x2  }
0x8: {  	_ =	strace $0x8000004D;
	s5 =	sadd.s32 $0x3200, s0;
	s16 =	sadd.s32 s10, s3  }
0x9: {  	s1 =	ssub.s32 $0x2, s1;
	s21 =	sor.u32 $0x140, s9;
	[dreg:$0x4] =	wrdreg s16  }
0xa: {  	s6 =	sadd.s32 $0xA3200, s0;
	s23 =	sor.u32 $0xA0, s9;
	[dreg:$0x9] =	wrdreg s21  }
0xb: {  	s19 =	sshrl.u32 s1, $0x1;
	s24 =	sor.u32 $0x190, s9;
	[dreg:$0xa] =	wrdreg s23  }
0xc: {  	s2 =	sadd.s32 s2, s8;
	s25 =	sor.u32 $0xF0, s9;
	[dreg:$0xb] =	wrdreg s24  }
0xd: {  	s1 =	ssub.s32 s1, s19;
	s26 =	sor.u32 $0x1E0, s9;
	[dreg:$0xc] =	wrdreg s25  }
0xe: {  	s11 =	sshrl.u32 s9, $0x3;
	s28 =	sadd.s32 $0xF000, s16;
	[dreg:$0xd] =	wrdreg s26  }
0xf: {  	s29 =	sadd.s32 $0x11800, s16;
	s20 =	sor.u32 $0xA, s11;
	[dreg:$0x1d] =	wrdreg s28  }
0x10: {  	s10 =	sadd.s32 s6, s11;
	s11 =	sadd.s32 s7, s11;
	[dreg:$0x1e] =	wrdreg s29  }
0x11: {  	s2 =	sshll.u32 s2, $0x4;
	s21 =	smax.u32 s1, $0x1;
	[dreg:$0x7] =	wrdreg s11  }
0x12: {  	s18 =	sor.u32 $0x230, s9;
	s23 =	sadd.s32 $0x5000, s16;
	[dreg:$0x16] =	wrdreg s21  }
0x13: {  	s9 =	simm.s32 $0x50;
	s24 =	sadd.s32 $0x7800, s16;
	[dreg:$0x19] =	wrdreg s23  }
0x14: {  	s0 =	sadd.s32 s2, s0;
	s1 =	simm.s32 $0x7800;
	[dreg:$0x1a] =	wrdreg s24  }
0x15: {  	s14 =	sadd.s32 s6, s20;
	s2 =	sadd.s32 s7, s20;
	[dreg:$0x5] =	wrdreg s10  }
0x16: {  	s12 =	sadd.s32 $0xB7200, s0;
	s13 =	sadd.s32 $0xB7700, s0;
	[dreg:$0x6] =	wrdreg s14  }
0x17: {  	s15 =	sadd.s32 $0xB8100, s0;
	s17 =	sadd.s32 $0xB8600, s0;
	[dreg:$0x8] =	wrdreg s2  }
0x18: {  	s19 =	sadd.s32 $0xB8B00, s0;
	s20 =	sadd.s32 $0xB9000, s0;
	[dreg:$0xe] =	wrdreg s12  }
0x19: {  	s25 =	sadd.s32 $0x14, s10;
	s26 =	sadd.s32 $0x1E, s10;
	[dreg:$0xf] =	wrdreg s13  }
0x1a: {  	s21 =	simm.s32 $0x1;
	s23 =	simm.s32 $0x3;
	[dreg:$0x11] =	wrdreg s15  }
0x1b: {  	s24 =	simm.s32 $0x4;
	s10 =	simm.s32 $0xA;
	[dreg:$0x12] =	wrdreg s17  }
0x1c: {  	s11 =	simm.s32 $0xB;
	s2 =	sadd.s32 s8, s22;
	[dreg:$0x13] =	wrdreg s19  }
0x1d: {  	s14 =	sadd.s32 $0xB7C00, s0;
	[dreg:$0x14] =	wrdreg s20;
	s0 =	sadd.s32 $0xB9500, s0  }
0x1e: {  	s17 =	sadd.s32 $0xA000, s16;
	s20 =	sadd.s32 $0xC800, s16;
	[dreg:$0x1f] =	wrdreg s25  }
0x1f: {  	[smem:$0x7FD] =	sst s26;
	s13 =	simm.s32 $0x2800;
	s19 =	simm.s32 $0x7  }
0x20: {  	s25 =	simm.s32 $0x5000;
	s8 =	simm.s32 $0xC;
	[dreg:$0x10] =	wrdreg s14  }
.Ltmp0:
0x21: {  	s26 =	simm.s32 $0xF;
	[dreg:$0x15] =	wrdreg s0;
	(pc) =	sbr.rel .LBB2_1-.Ltmp0, $4  }
0x22: {  	s15 =	simm.s32 $0x0;
	s2 =	sor.u32 $0x140, s2;
	[dreg:$0x1b] =	wrdreg s17  }
0x23: {  	s14 =	sadd.s32 $0x2800, s16;
	[dreg:$0x1c] =	wrdreg s20;
	s2 =	sshrl.u32 s2, $0x3  }
0x24: {  	s0 =	simm.s32 $0x8;
	[dreg:$0x18] =	wrdreg s14;
	s22 =	sadd.s32 s2, s6  }
0x25: {  	s2 =	simm.s32 $0xA380;
	[dreg:$0x17] =	wrdreg s22;
	s22 =	simm.s32 $0x2  }
.LBB2_6:
0x26: {  	_ =	swait.ge [sflag:s26], $0x2800  }
0x27: {  	[sflag:s26] =	ssyncset.done $0x0  }
0x28: {  	s14 =	simm.s32 $0x10;
	[sflag:s26] =	ssyncadd.s32 $0xFFFFD800  }
0x29: {  	_ =	swait.ge [sflag:s14], $0x2800  }
0x2a: {  	[sflag:s14] =	ssyncset.done $0x0  }
0x2b: {  	[sflag:s14] =	ssyncadd.s32 $0xFFFFD800  }
0x2c: {  	[bflag:$0x0] =	sbarrier.arrive $0xFFFF  }
0x2d: {  	s12 =	rddreg [dreg:$0x4]  }
0x2e: {  	[tilespmem:s4], [sflag:$0x1] =	stream.linear.gather [spmem:s12], $0x2800, $0x38;
	[tilespmem:$0x1E400] =	vst v63  }
0x2f: {  	s13 =	simm.s32 $0x2800;
	s20 =	rddreg [dreg:$0x18]  }
0x30: {  	[tilespmem:s13], [sflag:$0x2] =	stream.linear.gather [spmem:s20], $0x2800, $0x38;
	[tilespmem:$0x1E400] =	vst v63  }
0x31: {  	s15 =	rddreg [dreg:$0x19]  }
0x32: {  	[tilespmem:s25], [sflag:$0x3] =	stream.linear.gather [spmem:s15], $0x2800, $0x38;
	[tilespmem:$0x1E400] =	vst v63  }
0x33: {  	s16 =	rddreg [dreg:$0x1a]  }
0x34: {  	[tilespmem:s1], [sflag:$0x4] =	stream.linear.gather [spmem:s16], $0x2800, $0x38;
	[tilespmem:$0x1E400] =	vst v63  }
0x35: {  	_ =	swait.ge [sflag:s21], $0x2800  }
0x36: {  	[sflag:s21] =	ssyncset.done $0x0  }
0x37: {  	s15 =	simm.s32 $0xD;
	s17 =	rddreg [dreg:$0xe];
	[sflag:s21] =	ssyncadd.s32 $0xFFFFD800  }
0x38: {  	[hbm4b:s17+s4] =	stream.linear.scatter [tilespmem:s4], [sflag:$0xD], $0x2800, $0x38;
	[tilespmem:$0x1E400] =	vst v63  }
0x39: {  	_ =	swait.ge [sflag:s15], $0x2800  }
0x3a: {  	[sflag:s15] =	ssyncset.done $0x0  }
0x3b: {  	s17 =	rddreg [dreg:$0x1b];
	[sflag:s15] =	ssyncadd.s32 $0xFFFFD800  }
0x3c: {  	[tilespmem:s4], [sflag:$0x1] =	stream.linear.gather [spmem:s17], $0x2800, $0x38;
	[tilespmem:$0x1E400] =	vst v63  }
0x3d: {  	_ =	swait.ge [sflag:s22], $0x2800  }
0x3e: {  	[sflag:s22] =	ssyncset.done $0x0  }
0x3f: {  	s16 =	simm.s32 $0xE;
	s20 =	rddreg [dreg:$0xf];
	[sflag:s22] =	ssyncadd.s32 $0xFFFFD800  }
0x40: {  	[hbm4b:s20+s4] =	stream.linear.scatter [tilespmem:s13], [sflag:$0xE], $0x2800, $0x38;
	[tilespmem:$0x1E400] =	vst v63  }
0x41: {  	_ =	swait.ge [sflag:s16], $0x2800  }
0x42: {  	[sflag:s16] =	ssyncset.done $0x0  }
0x43: {  	s20 =	rddreg [dreg:$0x1c];
	[sflag:s16] =	ssyncadd.s32 $0xFFFFD800  }
0x44: {  	[tilespmem:s13], [sflag:$0x2] =	stream.linear.gather [spmem:s20], $0x2800, $0x38;
	[tilespmem:$0x1E400] =	vst v63  }
0x45: {  	_ =	swait.ge [sflag:s23], $0x2800  }
0x46: {  	[sflag:s23] =	ssyncset.done $0x0  }
0x47: {  	s12 =	rddreg [dreg:$0x10];
	[sflag:s23] =	ssyncadd.s32 $0xFFFFD800  }
0x48: {  	[hbm4b:s12+s4] =	stream.linear.scatter [tilespmem:s25], [sflag:$0xF], $0x2800, $0x38;
	[tilespmem:$0x1E400] =	vst v63  }
0x49: {  	_ =	swait.ge [sflag:s26], $0x2800  }
0x4a: {  	[sflag:s26] =	ssyncset.done $0x0  }
0x4b: {  	s28 =	rddreg [dreg:$0x1d];
	[sflag:s26] =	ssyncadd.s32 $0xFFFFD800  }
0x4c: {  	[tilespmem:s25], [sflag:$0x3] =	stream.linear.gather [spmem:s28], $0x2800, $0x38;
	[tilespmem:$0x1E400] =	vst v63  }
0x4d: {  	_ =	swait.ge [sflag:s24], $0x2800  }
0x4e: {  	[sflag:s24] =	ssyncset.done $0x0  }
0x4f: {  	s12 =	rddreg [dreg:$0x11];
	[sflag:s24] =	ssyncadd.s32 $0xFFFFD800  }
0x50: {  	[hbm4b:s12+s4] =	stream.linear.scatter [tilespmem:s1], [sflag:$0x10], $0x2800, $0x38;
	[tilespmem:$0x1E400] =	vst v63  }
0x51: {  	_ =	swait.ge [sflag:s14], $0x2800  }
0x52: {  	[sflag:s14] =	ssyncset.done $0x0  }
0x53: {  	s29 =	rddreg [dreg:$0x1e];
	[sflag:s14] =	ssyncadd.s32 $0xFFFFD800  }
0x54: {  	[tilespmem:s1], [sflag:$0x4] =	stream.linear.gather [spmem:s29], $0x2800, $0x38;
	[tilespmem:$0x1E400] =	vst v63  }
0x55: {  	_ =	swait.ge [sflag:s21], $0x2800  }
0x56: {  	[sflag:s21] =	ssyncset.done $0x0  }
0x57: {  	s12 =	rddreg [dreg:$0x12];
	[sflag:s21] =	ssyncadd.s32 $0xFFFFD800  }
0x58: {  	[hbm4b:s12+s4] =	stream.linear.scatter [tilespmem:s4], [sflag:$0xD], $0x2800, $0x38;
	[tilespmem:$0x1E400] =	vst v63  }
0x59: {  	_ =	swait.ge [sflag:s22], $0x2800  }
0x5a: {  	[sflag:s22] =	ssyncset.done $0x0  }
0x5b: {  	s12 =	rddreg [dreg:$0x13];
	[sflag:s22] =	ssyncadd.s32 $0xFFFFD800  }
0x5c: {  	[hbm4b:s12+s4] =	stream.linear.scatter [tilespmem:s13], [sflag:$0xE], $0x2800, $0x38;
	[tilespmem:$0x1E400] =	vst v63  }
0x5d: {  	_ =	swait.ge [sflag:s23], $0x2800  }
0x5e: {  	[sflag:s23] =	ssyncset.done $0x0  }
0x5f: {  	s12 =	rddreg [dreg:$0x14];
	[sflag:s23] =	ssyncadd.s32 $0xFFFFD800  }
0x60: {  	[hbm4b:s12+s4] =	stream.linear.scatter [tilespmem:s25], [sflag:$0xF], $0x2800, $0x38;
	[tilespmem:$0x1E400] =	vst v63  }
0x61: {  	_ =	swait.ge [sflag:s24], $0x2800  }
0x62: {  	[sflag:s24] =	ssyncset.done $0x0  }
0x63: {  	s12 =	rddreg [dreg:$0x15];
	[sflag:s24] =	ssyncadd.s32 $0xFFFFD800  }
0x64: {  	[hbm4b:s12+s4] =	stream.linear.scatter [tilespmem:s1], [sflag:$0x10], $0x2800, $0x38;
	[tilespmem:$0x1E400] =	vst v63  }
0x65: {  	_ =	swait.ge [sflag:s15], $0x2800  }
0x66: {  	[sflag:s15] =	ssyncset.done $0x0  }
0x67: {  	[sflag:s15] =	ssyncadd.s32 $0xFFFFD800  }
0x68: {  	_ =	swait.ge [sflag:s16], $0x2800  }
0x69: {  	[sflag:s16] =	ssyncset.done $0x0  }
0x6a: {  	[sflag:s16] =	ssyncadd.s32 $0xFFFFD800  }
0x6b: {  	s16 =	rddreg [dreg:$0x4];
	_ =	swait.ge [sflag:s26], $0x2800  }
0x6c: {  	[sflag:s26] =	ssyncset.done $0x0  }
0x6d: {  	[sflag:s26] =	ssyncadd.s32 $0xFFFFD800  }
0x6e: {  	_ =	swait.ge [sflag:s14], $0x2800  }
0x6f: {  	s12 =	sld [smem:$0x7FC];
	_ =	sdelay $0x2  }
0x70: {  	s15 =	sadd.s32 $0x1, s12;
	s12 =	rddreg [dreg:$0x16]  }
0x71: {  	p0 =	sne.s32 s15, s12  }
.Ltmp1:
0x72: {  	_ = 	snop;
	(pc) =	sbr.rel @!p0 .LBB2_7-.Ltmp1, $3  }
0x73: {  	_ =	sdelay $0x1  }
0x74: {  	[sflag:s14] =	ssyncset.done $0x0  }
0x75: {  	[sflag:s14] =	ssyncadd.s32 $0xFFFFD800;
	s14 =	rddreg [dreg:$0x18]  }
.LBB2_1:
0x76: {  	[smem:$0x7FC] =	sst s15  }
0x77: {  	s12 =	rddreg [dreg:$0x1];
	s15 =	simm.s32 $0x11  }
0x78: {  	[tilespmem:s4], [sflag:$0x11] =	stream.linear.gather [hbm4b:s12+s4], $0x2800, $0x38;
	[tilespmem:$0x1E400] =	vst v63  }
0x79: {  	_ =	swait.ge [sflag:s15], $0x2800  }
0x7a: {  	[sflag:s15] =	ssyncset.done $0x0  }
0x7b: {  	[sflag:s15] =	ssyncadd.s32 $0xFFFFD800  }
0x7c: {  	[spmem:s16] =	stream.linear.scatter [tilespmem:s4], [sflag:$0x1], $0x2800, $0x38;
	[tilespmem:$0x1E400] =	vst v63  }
0x7d: {  	_ = 	snop  }
0x7e: {  	[spmem:s14] =	stream.linear.scatter [tilespmem:s4], [sflag:$0x2], $0x2800, $0x38;
	[tilespmem:$0x1E400] =	vst v63  }
0x7f: {  	s16 =	rddreg [dreg:$0x19]  }
0x80: {  	[spmem:s16] =	stream.linear.scatter [tilespmem:s4], [sflag:$0x3], $0x2800, $0x38;
	[tilespmem:$0x1E400] =	vst v63  }
0x81: {  	s14 =	rddreg [dreg:$0x1a]  }
0x82: {  	[spmem:s14] =	stream.linear.scatter [tilespmem:s4], [sflag:$0x4], $0x2800, $0x38;
	[tilespmem:$0x1E400] =	vst v63  }
0x83: {  	_ = 	snop  }
0x84: {  	[spmem:s17] =	stream.linear.scatter [tilespmem:s4], [sflag:$0x1], $0x2800, $0x38;
	[tilespmem:$0x1E400] =	vst v63  }
0x85: {  	_ = 	snop  }
0x86: {  	[spmem:s20] =	stream.linear.scatter [tilespmem:s4], [sflag:$0x2], $0x2800, $0x38;
	[tilespmem:$0x1E400] =	vst v63  }
0x87: {  	_ = 	snop  }
0x88: {  	[spmem:s28] =	stream.linear.scatter [tilespmem:s4], [sflag:$0x3], $0x2800, $0x38;
	[tilespmem:$0x1E400] =	vst v63  }
0x89: {  	_ = 	snop  }
0x8a: {  	[spmem:s29] =	stream.linear.scatter [tilespmem:s4], [sflag:$0x4], $0x2800, $0x38;
	[tilespmem:$0x1E400] =	vst v63  }
0x8b: {  	_ =	swait.ge [sflag:s21], $0x2800  }
0x8c: {  	[sflag:s21] =	ssyncset.done $0x0  }
0x8d: {  	[sflag:s21] =	ssyncadd.s32 $0xFFFFD800  }
0x8e: {  	_ =	swait.ge [sflag:s22], $0x2800  }
0x8f: {  	[sflag:s22] =	ssyncset.done $0x0  }
0x90: {  	[sflag:s22] =	ssyncadd.s32 $0xFFFFD800  }
0x91: {  	_ =	swait.ge [sflag:s23], $0x2800  }
0x92: {  	[sflag:s23] =	ssyncset.done $0x0  }
0x93: {  	[sflag:s23] =	ssyncadd.s32 $0xFFFFD800  }
0x94: {  	_ =	swait.ge [sflag:s24], $0x2800  }
0x95: {  	[sflag:s24] =	ssyncset.done $0x0  }
0x96: {  	[sflag:s24] =	ssyncadd.s32 $0xFFFFD800  }
0x97: {  	_ =	swait.ge [sflag:s21], $0x2800  }
0x98: {  	[sflag:s21] =	ssyncset.done $0x0  }
0x99: {  	[sflag:s21] =	ssyncadd.s32 $0xFFFFD800  }
0x9a: {  	_ =	swait.ge [sflag:s22], $0x2800  }
0x9b: {  	[sflag:s22] =	ssyncset.done $0x0  }
0x9c: {  	[sflag:s22] =	ssyncadd.s32 $0xFFFFD800  }
0x9d: {  	_ =	swait.ge [sflag:s23], $0x2800  }
0x9e: {  	[sflag:s23] =	ssyncset.done $0x0  }
0x9f: {  	[sflag:s23] =	ssyncadd.s32 $0xFFFFD800  }
0xa0: {  	_ =	swait.ge [sflag:s24], $0x2800  }
0xa1: {  	[sflag:s24] =	ssyncset.done $0x0  }
0xa2: {  	[sflag:s24] =	ssyncadd.s32 $0xFFFFD800  }
0xa3: {  	[bflag:$0x0] =	sbarrier.arrive $0xFFFF  }
0xa4: {  	s15 =	rddreg [dreg:$0x5]  }
0xa5: {  	s16 =	simm.s32 $0xA000;
	s17 =	rddreg [dreg:$0x6]  }
0xa6: {  	[tilespmem:s16], [sflag:$0x5] =	stream.linear.gather [hbm4b:s15+s4], $0x50, $0x38;
	[tilespmem:$0x1E400] =	vst v63  }
0xa7: {  	s14 =	simm.s32 $0xA080;
	s20 =	rddreg [dreg:$0x1f]  }
0xa8: {  	[tilespmem:s14], [sflag:$0x6] =	stream.linear.gather [hbm4b:s17+s4], $0x50, $0x38;
	[tilespmem:$0x1E400] =	vst v63  }
0xa9: {  	s29 =	simm.s32 $0xA100;
	s15 =	sld [smem:$0x7FD]  }
0xaa: {  	[tilespmem:s29], [sflag:$0x7] =	stream.linear.gather [hbm4b:s20+s4], $0x50, $0x38;
	[tilespmem:$0x1E400] =	vst v63  }
0xab: {  	s17 =	simm.s32 $0xA180  }
0xac: {  	[tilespmem:s17], [sflag:$0x8] =	stream.linear.gather [hbm4b:s15+s4], $0x50, $0x38;
	[tilespmem:$0x1E400] =	vst v63  }
0xad: {  	s20 =	rddreg [dreg:$0x7];
	s29 =	simm.s32 $0xA200  }
0xae: {  	[tilespmem:s29], [sflag:$0x9] =	stream.linear.gather [hbm4b:s20+s4], $0x50, $0x38;
	[tilespmem:$0x1E400] =	vst v63  }
0xaf: {  	s15 =	rddreg [dreg:$0x8];
	s17 =	simm.s32 $0xA280;
	s20 =	simm.s32 $0x5  }
0xb0: {  	[tilespmem:s17], [sflag:$0xA] =	stream.linear.gather [hbm4b:s15+s4], $0x50, $0x38;
	[tilespmem:$0x1E400] =	vst v63  }
0xb1: {  	_ =	swait.ge [sflag:s20], $0x50  }
0xb2: {  	[sflag:s20] =	ssyncset.done $0x0  }
0xb3: {  	[sflag:s20] =	ssyncadd.s32 $0xFFFFFFB0  }
0xb4: {  	[tilespmem:s4], [sflag:$0x1] =	stream.indirect.gather [hbm4b:s5+s9], $0x80, s16, s9, $0xb8;
	[tilespmem:$0x1E400] =	vst v63  }
.Ltmp2:
0xb5: {  	s29 =	simm.s32 $0x6;
	(pc) =	sbr.rel .LBB2_2-.Ltmp2, $4  }
0xb6: {  	_ =	swait.ge [sflag:s29], $0x50  }
0xb7: {  	[sflag:s29] =	ssyncset.done $0x0  }
0xb8: {  	s20 =	simm.s32 $0x0;
	s28 =	rddreg [dreg:$0x17];
	[sflag:s29] =	ssyncadd.s32 $0xFFFFFFB0  }
0xb9: {  	[tilespmem:s13], [sflag:$0x2] =	stream.indirect.gather [hbm4b:s5+s9], $0x80, s14, s9, $0xb8;
	[tilespmem:$0x1E400] =	vst v63  }
.LBB2_4:
0xba: {  	_ =	swait.ge [sflag:s26], $0x2800  }
0xbb: {  	s29 =	smov.u32 s20;
	p1 =	por $0x0, $0x0;
	[sflag:s26] =	ssyncset.done $0x0  }
0xbc: {  	s17 =	simm.s32 $0x2800;
	s29 =	simm.s32 @p0 $0x26C0;
	[sflag:s26] =	ssyncadd.s32 $0xFFFFD800  }
.LBB2_5:
0xbd: {  	_ =	swait.ge [sflag:s19], $0x50  }
0xbe: {  	[sflag:s19] =	ssyncset.done $0x0  }
0xbf: {  	s14 =	simm.s32 $0xA100;
	s15 =	rddreg [dreg:$0xa];
	[sflag:s19] =	ssyncadd.s32 $0xFFFFFFB0  }
0xc0: {  	[tilespmem:s25], [sflag:$0x3] =	stream.indirect.gather [hbm4b:s5+s9], $0x80, s14, s9, $0xb8;
	[tilespmem:$0x1E400] =	vst v63  }
0xc1: {  	s14 =	sadd.s32 s29, s15  }
0xc2: {  	s14 =	sshrl.u32 s14, $0x3  }
0xc3: {  	s14 =	sadd.s32 s7, s14  }
0xc4: {  	[tilespmem:s30], [sflag:$0xB] =	stream.linear.gather [hbm4b:s14+s4], $0x50, $0x38;
	[tilespmem:$0x1E400] =	vst v63  }
0xc5: {  	_ =	swait.ge [sflag:s31], $0x50  }
0xc6: {  	[sflag:s31] =	ssyncset.done $0x0  }
0xc7: {  	s16 =	simm.s32 $0xA200;
	[sflag:s31] =	ssyncadd.s32 $0xFFFFFFB0  }
0xc8: {  	[spmem:s3] =	stream.indirect.scatter.add.f32 [tilespmem:s4], [sflag:$0xD], $0x80, s16, s9, $0xb8;
	[tilespmem:$0x1E400] =	vst v63  }
0xc9: {  	_ =	swait.ge [sflag:s22], $0x2800  }
0xca: {  	s14 =	rddreg [dreg:$0xb]  }
0xcb: {  	s14 =	sadd.s32 @!p0 s29, s14  }
0xcc: {  	[sflag:s22] =	ssyncset.done $0x0;
	s14 =	sshrl.u32 @!p0 s14, $0x3  }
0xcd: {  	s15 =	simm.s32 @!p0 $0xA080;
	[sflag:s22] =	ssyncadd.s32 $0xFFFFD800;
	s16 =	sadd.s32 @!p0 s6, s14  }
0xce: {  	[tilespmem:s15], [sflag:$0x6] =	stream.linear.gather @!p0 [hbm4b:s16+s12], $0x50, $0x38;
	[tilespmem:$0x1E400] =	vst v63  }
0xcf: {  	s16 =	simm.s32 @!p1 $0x10  }
0xd0: {  	_ =	swait.ge @!p1 [sflag:s16], $0x2800  }
0xd1: {  	[sflag:s16] =	ssyncset.done @!p1 $0x0  }
0xd2: {  	[sflag:s16] =	ssyncadd.s32 @!p1 $0xFFFFD800  }
0xd3: {  	_ =	swait.ge [sflag:s0], $0x50  }
0xd4: {  	[sflag:s0] =	ssyncset.done $0x0  }
0xd5: {  	s16 =	simm.s32 $0xA180;
	[sflag:s0] =	ssyncadd.s32 $0xFFFFFFB0  }
0xd6: {  	[tilespmem:s1], [sflag:$0x4] =	stream.indirect.gather [hbm4b:s5+s9], $0x80, s16, s9, $0xb8;
	[tilespmem:$0x1E400] =	vst v63  }
0xd7: {  	s16 =	rddreg [dreg:$0xc]  }
0xd8: {  	s16 =	sadd.s32 s29, s16  }
0xd9: {  	s16 =	sshrl.u32 s16, $0x3  }
0xda: {  	s16 =	sadd.s32 s7, s16  }
0xdb: {  	[tilespmem:s2], [sflag:$0xC] =	stream.linear.gather [hbm4b:s16+s4], $0x50, $0x38;
	[tilespmem:$0x1E400] =	vst v63  }
0xdc: {  	_ =	swait.ge [sflag:s10], $0x50  }
0xdd: {  	[sflag:s10] =	ssyncset.done $0x0  }
0xde: {  	s16 =	simm.s32 $0xA280;
	[sflag:s10] =	ssyncadd.s32 $0xFFFFFFB0  }
0xdf: {  	[spmem:s3] =	stream.indirect.scatter.add.f32 [tilespmem:s17], [sflag:$0xE], $0x80, s16, s9, $0xb8;
	[tilespmem:$0x1E400] =	vst v63  }
0xe0: {  	_ =	swait.ge [sflag:s23], $0x2800  }
0xe1: {  	[sflag:s23] =	ssyncset.done $0x0  }
0xe2: {  	s16 =	simm.s32 @p0 $0xD;
	[sflag:s23] =	ssyncadd.s32 $0xFFFFD800  }
0xe3: {  	_ =	swait.ge @p0 [sflag:s16], $0x2800  }
0xe4: {  	s17 =	rddreg [dreg:$0xd]  }
0xe5: {  	s17 =	sadd.s32 @!p0 s29, s17  }
0xe6: {  	[sflag:s16] =	ssyncset.done @p0 $0x0;
	s17 =	sshrl.u32 @!p0 s17, $0x3  }
0xe7: {  	[sflag:s16] =	ssyncadd.s32 @p0 $0xFFFFD800;
	s16 =	sadd.s32 @!p0 s6, s17;
	s17 =	simm.s32 @!p0 $0xA100  }
0xe8: {  	[tilespmem:s17], [sflag:$0x7] =	stream.linear.gather @!p0 [hbm4b:s16+s12], $0x50, $0x38;
	[tilespmem:$0x1E400] =	vst v63  }
0xe9: {  	s16 =	simm.s32 @!p0 $0xD  }
0xea: {  	_ =	swait.ge @!p0 [sflag:s16], $0x2800  }
0xeb: {  	[sflag:s16] =	ssyncset.done @!p0 $0x0  }
0xec: {  	[sflag:s16] =	ssyncadd.s32 @!p0 $0xFFFFD800;
	s16 =	simm.s32 @!p0 $0x5  }
0xed: {  	_ =	swait.ge @!p0 [sflag:s16], $0x50  }
0xee: {  	[sflag:s16] =	ssyncset.done @!p0 $0x0  }
0xef: {  	[sflag:s16] =	ssyncadd.s32 @!p0 $0xFFFFFFB0;
	s16 =	simm.s32 @!p0 $0x50  }
0xf0: {  	[tilespmem:s12], [sflag:$0x1] =	stream.indirect.gather @!p0 [hbm4b:s5+s16], $0x80, s13, s16, $0xb8;
	[tilespmem:$0x1E400] =	vst v63  }
0xf1: {  	s13 =	rddreg [dreg:$0x9]  }
0xf2: {  	s13 =	sadd.s32 @!p0 s29, s13  }
0xf3: {  	s13 =	sshrl.u32 @!p0 s13, $0x3  }
0xf4: {  	s17 =	simm.s32 @!p0 $0xA200;
	s13 =	sadd.s32 @!p0 s7, s13  }
0xf5: {  	[tilespmem:s17], [sflag:$0x9] =	stream.linear.gather @!p0 [hbm4b:s13+s12], $0x50, $0x38;
	[tilespmem:$0x1E400] =	vst v63  }
0xf6: {  	_ =	swait.ge [sflag:s11], $0x50  }
0xf7: {  	[sflag:s11] =	ssyncset.done $0x0  }
0xf8: {  	[sflag:s11] =	ssyncadd.s32 $0xFFFFFFB0  }
0xf9: {  	[spmem:s3] =	stream.indirect.scatter.add.f32 [tilespmem:s25], [sflag:$0xF], $0x80, s30, s9, $0xb8;
	[tilespmem:$0x1E400] =	vst v63  }
0xfa: {  	_ =	swait.ge [sflag:s24], $0x2800  }
0xfb: {  	[sflag:s24] =	ssyncset.done $0x0  }
0xfc: {  	s13 =	simm.s32 @p0 $0xE;
	[sflag:s24] =	ssyncadd.s32 $0xFFFFD800  }
0xfd: {  	s17 =	sadd.s32 @!p0 s29, s18;
	_ =	swait.ge @p0 [sflag:s13], $0x2800  }
0xfe: {  	s17 =	sshrl.u32 @!p0 s17, $0x3;
	[sflag:s13] =	ssyncset.done @p0 $0x0  }
0xff: {  	[sflag:s13] =	ssyncadd.s32 @p0 $0xFFFFD800;
	s13 =	sadd.s32 @!p0 s6, s17;
	s17 =	simm.s32 @!p0 $0xA180  }
0x100: {  	[tilespmem:s17], [sflag:$0x8] =	stream.linear.gather @!p0 [hbm4b:s13+s12], $0x50, $0x38;
	[tilespmem:$0x1E400] =	vst v63  }
0x101: {  	s13 =	simm.s32 @!p0 $0xE  }
0x102: {  	_ =	swait.ge @!p0 [sflag:s13], $0x2800  }
0x103: {  	[sflag:s13] =	ssyncset.done @!p0 $0x0  }
0x104: {  	[sflag:s13] =	ssyncadd.s32 @!p0 $0xFFFFD800;
	s13 =	simm.s32 @!p0 $0x6  }
0x105: {  	_ =	swait.ge @!p0 [sflag:s13], $0x50  }
0x106: {  	[sflag:s13] =	ssyncset.done @!p0 $0x0  }
0x107: {  	[sflag:s13] =	ssyncadd.s32 @!p0 $0xFFFFFFB0;
	s13 =	simm.s32 @!p0 $0x2800  }
0x108: {  	[tilespmem:s13], [sflag:$0x2] =	stream.indirect.gather @!p0 [hbm4b:s5+s16], $0x80, s15, s16, $0xb8;
	[tilespmem:$0x1E400] =	vst v63  }
0x109: {  	s20 =	sadd.s32 $0x140, s20;
	s13 =	sadd.s32 @!p0 s7, s14;
	s14 =	simm.s32 @!p0 $0xA280  }
0x10a: {  	[tilespmem:s14], [sflag:$0xA] =	stream.linear.gather @!p0 [hbm4b:s13+s12], $0x50, $0x38;
	[tilespmem:$0x1E400] =	vst v63  }
0x10b: {  	p0 =	sne.s32 s20, $0x2800  }
.Ltmp3:
0x10c: {  	_ = 	snop;
	(pc) =	sbr.rel @!p0 .LBB2_6-.Ltmp3, $4  }
0x10d: {  	_ =	swait.ge [sflag:s8], $0x50  }
0x10e: {  	[sflag:s8] =	ssyncset.done $0x0  }
0x10f: {  	s28 =	sadd.s32 $0x28, s28;
	[sflag:s8] =	ssyncadd.s32 $0xFFFFFFB0  }
0x110: {  	[spmem:s3] =	stream.indirect.scatter.add.f32 [tilespmem:s1], [sflag:$0x10], $0x80, s2, s9, $0xb8;
	[tilespmem:$0x1E400] =	vst v63  }
.LBB2_2:
0x111: {  	p0 =	seq.s32 s20, $0x26C0  }
0x112: {  	p1 =	seq.s32 @!p0 s20, $0x0  }
0x113: {  	p1 =	por p0, !p1  }
.Ltmp4:
0x114: {  	_ = 	snop;
	(pc) =	sbr.rel @p1 .LBB2_4-.Ltmp4, $4  }
0x115: {  	_ =	swait.ge [sflag:s21], $0x2800  }
0x116: {  	[sflag:s21] =	ssyncset.done $0x0  }
0x117: {  	s12 =	simm.s32 @!p0 $0x0;
	s13 =	simm.s32 @!p0 $0xA000;
	[sflag:s21] =	ssyncadd.s32 $0xFFFFD800  }
0x118: {  	[tilespmem:s13], [sflag:$0x5] =	stream.linear.gather @!p0 [hbm4b:s28+s12], $0x50, $0x38;
	[tilespmem:$0x1E400] =	vst v63  }
.Ltmp5:
0x119: {  	(pc) =	sbr.rel .LBB2_5-.Ltmp5, $2  }
0x11a: {  	_ =	sdelay $0x2  }
0x11b: {  	p1 =	por @!p0 $0x1, $0x1;
	s29 =	simm.s32 @!p0 $0x0;
	s17 =	simm.s32 $0x2800  }
.LBB2_7:
0x11c: {  	_ =	sfence.sel $0x180000  }
0x11d: {  	[bflag:$0x0] =	sbarrier.arrive $0xFFFF  }
0x11e: {  	_ =	strace $0x9000004D  }
0x11f: {  	s0 =	stileid.u32;
	[bflag:$0x2] =	sbarrier.arrive $0xFFFF  }
0x120: {  	p0 =	sne.s32 s0, $0x0;
	s0 =	rddreg [dreg:$0x3]  }
0x121: {  	s0 =	sadd.s32 @!p0 $0x100000, s0  }
0x122: {  	[sflag:s0] =	ssyncadd.tile.s32 @!p0 $0x1;
	_ =	shalt  }
.Lfunc_end2:
_tile_overlayer_lowered:
.L_overlay_start_2:
0x123: {  	(tag) =	ssettag $0x2  }
0x124: {  	s0 =	rddreg [dreg:$0x0];
	s2 =	stileid.u32  }
0x125: {  	s1 =	rddreg [dreg:$0x1];
	p0 =	sne.s32 s2, $0x0  }
0x126: {  	s3 =	rddreg [dreg:$0x2];
	[bflag:$0x3] =	sbarrier.arrive $0xFFFF;
	s2 =	simm.s32 @!p0 $0x1C11  }
0x127: {  	[timem:s3], [sflag:s2] =	dma.local @!p0 [hbm:s0], s1  }
0x128: {  	s0 =	simm.s32 @!p0 $0x11  }
0x129: {  	_ =	swait.ge @!p0 [sflag:s0], s1  }
0x12a: {  	s1 =	ssub.s32 @!p0 $0x0, s1;
	[sflag:s0] =	ssyncset.done @!p0 $0x0  }
0x12b: {  	[sflag:s0] =	ssyncadd.s32 @!p0 s1  }
0x12c: {  	[bflag:$0x3] =	sbarrier.arrive $0xFFFF  }
0x12d: {  	_ =	shalt  }

// kernel: kernel.20.cloned.1.call-start
scs
__scs_entry_jumppad:
0x0: {  	(pc) =	sbr.rel $0x88, $3  }
0x1: {  	(tag) =	ssettag $0x0;
	lr =	simm.s32 $0x1  }
0x2: {  	[smem:$0x3F94] =	sst lr;
	_ =	strace $0xD0000000  }
0x3: {  	_ = 	snop  }
0x4: {  	_ = 	snop  }
0x5: {  	_ = 	snop  }
0x6: {  	_ = 	snop  }
0x7: {  	_ = 	snop  }
__scs_overlays_trampoline_lowered:
0x8: {  	[smem:$0x3FA3] =	sst s0  }
0x9: {  	[smem:$0x3FA4] =	sst s1  }
0xa: {  	[smem:$0x3FA5] =	sst s2  }
0xb: {  	[smem:$0x3FA6] =	sst s3  }
0xc: {  	[smem:$0x3FA7] =	sst s4  }
0xd: {  	[smem:$0x3FA8] =	sst s5  }
0xe: {  	[smem:$0x3FA9] =	sst s6  }
0xf: {  	[smem:$0x3FAA] =	sst s7  }
0x10: {  	[smem:$0x3FAB] =	sst s8  }
0x11: {  	[smem:$0x3FAC] =	sst s9;
	s0 =	simm.s32 @!p0 $0x0  }
0x12: {  	s1 =	sld [smem:$0x3F92];
	s0 =	simm.s32 @p0 $0x1  }
0x13: {  	[smem:$0x3FAD] =	sst s0;
	s0 =	simm.s32 @!p1 $0x0  }
0x14: {  	s2 =	sld [smem:$0x3F91];
	s0 =	simm.s32 @p1 $0x1  }
0x15: {  	[smem:$0x3FAE] =	sst s0;
	s0 =	simm.s32 @!p2 $0x0  }
0x16: {  	s3 =	sld [smem:$0x3FDB];
	s0 =	simm.s32 @p2 $0x1  }
0x17: {  	s4 =	simm.s32 $0x1BF5;
	[smem:$0x3FB0] =	sst s0  }
0x18: {  	s0 =	sld [smem:$0x3F93];
	_ =	swait.ge [sflag:s4], $0x0  }
0x19: {  	s7 =	sld [smem:$0x3F94]  }
0x1a: {  	s8 =	sadd.s32 $0xFFFFE003, lr  }
0x1b: {  	s9 =	sadd.s32 $0xFFFFFEF7, lr;
	s5 =	simm.s32 $0xFFFFFFFF;
	p2 =	slt.u32 s8, $0xFFFFF086  }
0x1c: {  	p1 =	slt.u32 s9, $0xF7A;
	s5 =	simm.s32 @!p2 $0x0  }
0x1d: {  	s5 =	simm.s32 @p1 $0x1;
	p0 =	seq.s32 s7, s2  }
0x1e: {  	s7 =	smul.u32 @!p0 $0xF7A, s2;
	p2 =	seq.s32 @!p0 s5, $0x0  }
0x1f: {  	s9 =	smul.u32 $0xF7A, s1;
	s8 =	simm.s32 @!p0 $0x1BF5;
	p2 =	por !p2, p0  }
0x20: {  	[sflag:s8] =	ssyncset.s32 @!p0 $0xFFFFF086;
	s6 =	sadd.s32 @!p0 s3, s7;
	s7 =	simm.s32 @!p0 $0x108  }
0x21: {  	s3 =	sadd.s32 s3, s9;
	s6 =	sadd.s32 @!p0 $0x88, s6;
	s7 =	simm.s32 @p2 $0x1082  }
0x22: {  	[simem:s7], [sflag:s8] =	dma.local @!p0 [hbm:s6], $0xF7A  }
0x23: {  	s9 =	sor.u32 $0xD0000000, s2;
	s6 =	simm.s32 $0x108;
	_ =	swait.ge @!p0 [sflag:s8], $0x0  }
0x24: {  	s3 =	sadd.s32 $0x88, s3;
	s6 =	simm.s32 @!p1 $0x1082;
	[sflag:s4] =	ssyncset.s32 $0xFFFFF086  }
0x25: {  	[simem:s6], [sflag:s4] =	dma.local [hbm:s3], $0xF7A  }
0x26: {  	[smem:$0x3F94] =	sst s1;
	(tag) =	ssettag s2;
	_ =	strace s9  }
0x27: {  	s1 =	sld [smem:$0x3FA4]  }
0x28: {  	s2 =	sld [smem:$0x3FA5]  }
0x29: {  	s4 =	sld [smem:$0x3FA7]  }
0x2a: {  	p0 =	seq.s32 s5, $0x0;
	s5 =	sld [smem:$0x3FA8]  }
0x2b: {  	s6 =	sld [smem:$0x3FA9]  }
0x2c: {  	s7 =	sld [smem:$0x3FAA]  }
0x2d: {  	s3 =	simm.s32 $0x108;
	s8 =	sld [smem:$0x3FAB]  }
0x2e: {  	s3 =	simm.s32 @!p0 $0x1082;
	s9 =	sld [smem:$0x3FAC]  }
0x2f: {  	lr =	sadd.s32 s0, s3;
	s0 =	sld [smem:$0x3FA3]  }
0x30: {  	s3 =	sld [smem:$0x3FA6]  }
0x31: {  	[smem:$0x3FAF] =	sst s10  }
0x32: {  	s10 =	sld [smem:$0x3FAD];
	_ =	sdelay $0x3  }
0x33: {  	p0 =	seq.s32 s10, $0x1;
	s10 =	sld [smem:$0x3FAF];
	_ =	sdelay $0x3  }
0x34: {  	[smem:$0x3FAF] =	sst s10  }
0x35: {  	s10 =	sld [smem:$0x3FAE];
	_ =	sdelay $0x3  }
0x36: {  	p1 =	seq.s32 s10, $0x1;
	s10 =	sld [smem:$0x3FAF];
	_ =	sdelay $0x3  }
0x37: {  	[smem:$0x3FAF] =	sst s10  }
0x38: {  	s10 =	sld [smem:$0x3FB0]  }
0x39: {  	_ = 	snop;
	(pc) =	sbr.ind lr, $3  }
0x3a: {  	_ = 	snop  }
0x3b: {  	_ = 	snop  }
0x3c: {  	p2 =	seq.s32 s10, $0x1;
	s10 =	sld [smem:$0x3FAF]  }
0x3d: {  	_ =	shalt  }
0x3e: {  	_ =	shalt  }
0x3f: {  	_ =	shalt  }
0x40: {  	_ =	shalt  }
0x41: {  	_ =	shalt  }
0x42: {  	_ =	shalt  }
0x43: {  	_ =	shalt  }
0x44: {  	_ =	shalt  }
0x45: {  	_ =	shalt  }
0x46: {  	_ =	shalt  }
0x47: {  	_ =	shalt  }
0x48: {  	_ =	shalt  }
0x49: {  	_ =	shalt  }
0x4a: {  	_ =	shalt  }
0x4b: {  	_ =	shalt  }
0x4c: {  	_ =	shalt  }
0x4d: {  	_ =	shalt  }
0x4e: {  	_ =	shalt  }
0x4f: {  	_ =	shalt  }
0x50: {  	_ =	shalt  }
0x51: {  	_ =	shalt  }
0x52: {  	_ =	shalt  }
0x53: {  	_ =	shalt  }
0x54: {  	_ =	shalt  }
0x55: {  	_ =	shalt  }
0x56: {  	_ =	shalt  }
0x57: {  	_ =	shalt  }
0x58: {  	_ =	shalt  }
0x59: {  	_ =	shalt  }
0x5a: {  	_ =	shalt  }
0x5b: {  	_ =	shalt  }
0x5c: {  	_ =	shalt  }
0x5d: {  	_ =	shalt  }
0x5e: {  	_ =	shalt  }
0x5f: {  	_ =	shalt  }
0x60: {  	_ =	shalt  }
0x61: {  	_ =	shalt  }
0x62: {  	_ =	shalt  }
0x63: {  	_ =	shalt  }
0x64: {  	_ =	shalt  }
0x65: {  	_ =	shalt  }
0x66: {  	_ =	shalt  }
0x67: {  	_ =	shalt  }
0x68: {  	_ =	shalt  }
0x69: {  	_ =	shalt  }
0x6a: {  	_ =	shalt  }
0x6b: {  	_ =	shalt  }
0x6c: {  	_ =	shalt  }
0x6d: {  	_ =	shalt  }
0x6e: {  	_ =	shalt  }
0x6f: {  	_ =	shalt  }
0x70: {  	_ =	shalt  }
0x71: {  	_ =	shalt  }
0x72: {  	_ =	shalt  }
0x73: {  	_ =	shalt  }
0x74: {  	_ =	shalt  }
0x75: {  	_ =	shalt  }
0x76: {  	_ =	shalt  }
0x77: {  	_ =	shalt  }
0x78: {  	_ =	shalt  }
0x79: {  	_ =	shalt  }
0x7a: {  	_ =	shalt  }
0x7b: {  	_ =	shalt  }
0x7c: {  	_ =	shalt  }
0x7d: {  	_ =	shalt  }
0x7e: {  	_ =	shalt  }
0x7f: {  	_ =	shalt  }
0x80: {  	_ =	shalt  }
0x81: {  	_ =	shalt  }
0x82: {  	_ =	shalt  }
0x83: {  	_ =	shalt  }
0x84: {  	_ =	shalt  }
0x85: {  	_ =	shalt  }
0x86: {  	_ =	shalt  }
0x87: {  	_ =	shalt  }
.Lfunc_end0:
.L_simem_size_0:
called_computation.3_lowered:
.L_overlay_start_0:
0x88: {  	s2 =	sld [smem:$0x3FD9]  }
0x89: {  	s3 =	sld [smem:$0x3FFE];
	_ =	sdelay $0x1  }
0x8a: {  	s1 =	srdreg.scid  }
0x8b: {  	s0 =	sand.u32 $0x1, s1  }
0x8c: {  	s17 =	sshll.u32 s0, $0xA;
	s2 =	sadd.s32 s3, s2  }
0x8d: {  	s2 =	sadd.s32 s2, s17  }
0x8e: {  	[smem:$0x3FBB] =	sst s2  }
0x8f: {  	_ = 	snop  }
0x90: {  	s2 =	sld [smem:$0x3FD0];
	(tm) =	ssettm $0x1  }
0x91: {  	s18 =	sld [smem:$0x3FFB];
	_ =	sdelay $0x3  }
0x92: {  	_ =	strace s18  }
0x93: {  	s3 =	sld [smem:$0x3FFC];
	_ =	sdelay $0x3  }
0x94: {  	_ =	strace s3  }
0x95: {  	s3 =	sld [smem:$0x3FFD];
	_ =	sdelay $0x3  }
0x96: {  	_ =	strace s3  }
0x97: {  	_ =	strace $0x8FFFFFFF  }
0x98: {  	s19 =	sld [smem:$0x3FDB];
	_ =	sdelay $0x1  }
0x99: {  	s4 =	simm.s32 $_scs_section_size  }
0x9a: {  	s5 =	simm.s32 $_size__tile_overlayer_lowered;
	s6 =	simm.s32 $_tile_overlayer_lowered  }
0x9b: {  	s22 =	simm.s32 $0x1BFF;
	s21 =	sshll.u32 s6, $0x1;
	s3 =	sadd.s32 s4, s19  }
0x9c: {  	s7 =	simm.s32 $0x0;
	s20 =	sshll.u32 s5, $0x1;
	s5 =	sadd.s32 s21, s3  }
0x9d: {  	[timem:s7], [sflag:s22] =	dma.local [hbm:s5], s20  }
0x9e: {  	_ =	swait.ge [sflag:s22], s20  }
0x9f: {  	s4 =	ssub.s32 $0x0, s20;
	[sflag:s22] =	ssyncset.done $0x0  }
0xa0: {  	[sflag:s22] =	ssyncadd.s32 s4;
	_ =	sdelay $0x1  }
0xa1: {  	s23 =	simm.s32 $0x1B8B  }
0xa2: {  	_ =	swait.ge [sflag:s23], $0x1  }
0xa3: {  	[sflag:s23] =	ssyncset.done $0x0  }
0xa4: {  	s25 =	simm.s32 $0x1B8E;
	s24 =	sld [smem:$0x3FFE];
	[sflag:s23] =	ssyncadd.s32 $0xFFFFFFFF  }
0xa5: {  	s26 =	simm.s32 $execute0_lowered;
	[smem:$0x3FD2] =	sst s25  }
0xa6: {  	s5 =	sshll.u32 s26, $0x1;
	_ =	strace $0x8000004F;
	[dreg:$0x1] =	wrdreg $0xFFFFFFFF  }
0xa7: {  	s28 =	simm.s32 $_size_execute0_lowered;
	s3 =	sadd.s32 s3, s5;
	[dreg:$0x0] =	wrdreg $0x0  }
0xa8: {  	s5 =	sshll.u32 s28, $0x1;
	[dreg:$0x2] =	wrdreg s3  }
0xa9: {  	[dreg:$0x3] =	wrdreg s5  }
0xaa: {  	[dreg:$0x4] =	wrdreg $0xC0  }
0xab: {  	_ =	task [dreg:s7], $0x5FFFF  }
0xac: {  	[dreg:$0x1] =	wrdreg $0xFFFFFFFF  }
0xad: {  	[dreg:$0x0] =	wrdreg $0x60  }
0xae: {  	[dreg:$0x2] =	wrdreg s24  }
0xaf: {  	[dreg:$0x3] =	wrdreg s2  }
0xb0: {  	[dreg:$0x4] =	wrdreg $0xA4000  }
0xb1: {  	[dreg:$0x5] =	wrdreg $0x9  }
0xb2: {  	_ =	task.clear_ibuf [dreg:s7], $0x6FFFF;
	_ =	strace $0x9000004F  }
0xb3: {  	s29 =	simm.s32 $0x9;
	_ =	strace $0x80000051  }
0xb4: {  	_ =	swait.ge [sflag:s29], $0x1  }
0xb5: {  	[sflag:s29] =	ssyncadd.s32 $0xFFFFFFFF  }
0xb6: {  	_ =	strace $0x90000051  }
0xb7: {  	_ =	sfence  }
0xb8: {  	s30 =	sld [smem:$0x0];
	_ =	sdelay $0x2  }
0xb9: {  	s31 =	sshll.u32 s1, $0xD;
	s1 =	sshrl.u32 s1, $0x2  }
0xba: {  	s3 =	sand.u32 $0x4000, s31;
	s1 =	sadd.s32 s1, s30  }
0xbb: {  	s0 =	sor.u32 s3, s0;
	s1 =	sshll.u32 s1, $0x11  }
0xbc: {  	s0 =	sor.u32 s1, s0  }
0xbd: {  	s0 =	sadd.s32 $0x8F2B, s0  }
0xbe: {  	[sflag:s0] =	ssyncadd.remote.s32 $0x1  }
0xbf: {  	_ =	sfence.sel $0xFFFF  }
0xc0: {  	[dreg:$0x0] =	wrdreg $0xFFFFFFFF;
	(pc) =	sbr.abs _section_cstart, $3  }
0xc1: {  	[dreg:$0x1] =	wrdreg $0xFFFFFFFF  }
0xc2: {  	_ =	task.clear_ibuf [dreg:s7], $0x2FFFF;
	_ =	strace $0x9FFFFFFF  }
0xc3: {  	(tm) =	ssettm $0x7FFFFFFF  }
tec
execute0_lowered:
.L_overlay_start_1:
0x0: {  	(tag) =	ssettag $0x1  }
0x1: {  	s0 =	rddreg [dreg:$0x0]  }
0x2: {  	s3 =	rddreg [dreg:$0x2];
	s12 =	stileid.u32  }
0x3: {  	s1 =	srdreg.scid;
	s4 =	simm.s32 $0x0;
	s2 =	smul.u32 $0x280, s12  }
0x4: {  	s30 =	simm.s32 $0xA300;
	s31 =	simm.s32 $0x9;
	s10 =	smul.u32 $0x50000, s12  }
0x5: {  	s1 =	sand.u32 $0x1, s1;
	s5 =	sshll.u32 s12, $0x1;
	s22 =	smul.u32 $0x5000, s12  }
0x6: {  	[smem:$0x7FF] =	sst s4;
	s8 =	smul.u32 $0x2800, s1;
	s6 =	sor.u32 s1, s5  }
0x7: {  	s7 =	sadd.s32 $0xAD200, s0;
	s9 =	smul.u32 $0x2800, s6;
	s10 =	sshrl.u32 s10, $0x2  }
0x8: {  	_ =	strace $0x80000050;
	s5 =	sadd.s32 $0x3200, s0;
	s16 =	sadd.s32 s10, s3  }
0x9: {  	s1 =	ssub.s32 $0x2, s1;
	s21 =	sor.u32 $0x140, s9;
	[dreg:$0x4] =	wrdreg s16  }
0xa: {  	s6 =	sadd.s32 $0xA3200, s0;
	s23 =	sor.u32 $0xA0, s9;
	[dreg:$0x9] =	wrdreg s21  }
0xb: {  	s19 =	sshrl.u32 s1, $0x1;
	s24 =	sor.u32 $0x190, s9;
	[dreg:$0xa] =	wrdreg s23  }
0xc: {  	s2 =	sadd.s32 s2, s8;
	s25 =	sor.u32 $0xF0, s9;
	[dreg:$0xb] =	wrdreg s24  }
0xd: {  	s1 =	ssub.s32 s1, s19;
	s26 =	sor.u32 $0x1E0, s9;
	[dreg:$0xc] =	wrdreg s25  }
0xe: {  	s11 =	sshrl.u32 s9, $0x3;
	s28 =	sadd.s32 $0xF000, s16;
	[dreg:$0xd] =	wrdreg s26  }
0xf: {  	s29 =	sadd.s32 $0x11800, s16;
	s20 =	sor.u32 $0xA, s11;
	[dreg:$0x1d] =	wrdreg s28  }
0x10: {  	s10 =	sadd.s32 s6, s11;
	s11 =	sadd.s32 s7, s11;
	[dreg:$0x1e] =	wrdreg s29  }
0x11: {  	s2 =	sshll.u32 s2, $0x4;
	s21 =	smax.u32 s1, $0x1;
	[dreg:$0x7] =	wrdreg s11  }
0x12: {  	s18 =	sor.u32 $0x230, s9;
	s23 =	sadd.s32 $0x5000, s16;
	[dreg:$0x16] =	wrdreg s21  }
0x13: {  	s9 =	simm.s32 $0x50;
	s24 =	sadd.s32 $0x7800, s16;
	[dreg:$0x19] =	wrdreg s23  }
0x14: {  	s0 =	sadd.s32 s2, s0;
	s1 =	simm.s32 $0x7800;
	[dreg:$0x1a] =	wrdreg s24  }
0x15: {  	s14 =	sadd.s32 s6, s20;
	s2 =	sadd.s32 s7, s20;
	[dreg:$0x5] =	wrdreg s10  }
0x16: {  	s12 =	sadd.s32 $0xB7200, s0;
	s13 =	sadd.s32 $0xB7700, s0;
	[dreg:$0x6] =	wrdreg s14  }
0x17: {  	s15 =	sadd.s32 $0xB8100, s0;
	s17 =	sadd.s32 $0xB8600, s0;
	[dreg:$0x8] =	wrdreg s2  }
0x18: {  	s19 =	sadd.s32 $0xB8B00, s0;
	s20 =	sadd.s32 $0xB9000, s0;
	[dreg:$0xe] =	wrdreg s12  }
0x19: {  	s25 =	sadd.s32 $0x14, s10;
	s26 =	sadd.s32 $0x1E, s10;
	[dreg:$0xf] =	wrdreg s13  }
0x1a: {  	s21 =	simm.s32 $0x1;
	s23 =	simm.s32 $0x3;
	[dreg:$0x11] =	wrdreg s15  }
0x1b: {  	s24 =	simm.s32 $0x4;
	s10 =	simm.s32 $0xA;
	[dreg:$0x12] =	wrdreg s17  }
0x1c: {  	s11 =	simm.s32 $0xB;
	s2 =	sadd.s32 s8, s22;
	[dreg:$0x13] =	wrdreg s19  }
0x1d: {  	s14 =	sadd.s32 $0xB7C00, s0;
	[dreg:$0x14] =	wrdreg s20;
	s0 =	sadd.s32 $0xB9500, s0  }
0x1e: {  	s17 =	sadd.s32 $0xA000, s16;
	s20 =	sadd.s32 $0xC800, s16;
	[dreg:$0x1f] =	wrdreg s25  }
0x1f: {  	[smem:$0x7FD] =	sst s26;
	s13 =	simm.s32 $0x2800;
	s19 =	simm.s32 $0x7  }
0x20: {  	s25 =	simm.s32 $0x5000;
	s8 =	simm.s32 $0xC;
	[dreg:$0x10] =	wrdreg s14  }
.Ltmp0:
0x21: {  	s26 =	simm.s32 $0xF;
	[dreg:$0x15] =	wrdreg s0;
	(pc) =	sbr.rel .LBB2_1-.Ltmp0, $4  }
0x22: {  	s15 =	simm.s32 $0x0;
	s2 =	sor.u32 $0x140, s2;
	[dreg:$0x1b] =	wrdreg s17  }
0x23: {  	s14 =	sadd.s32 $0x2800, s16;
	[dreg:$0x1c] =	wrdreg s20;
	s2 =	sshrl.u32 s2, $0x3  }
0x24: {  	s0 =	simm.s32 $0x8;
	[dreg:$0x18] =	wrdreg s14;
	s22 =	sadd.s32 s2, s6  }
0x25: {  	s2 =	simm.s32 $0xA380;
	[dreg:$0x17] =	wrdreg s22;
	s22 =	simm.s32 $0x2  }
.LBB2_6:
0x26: {  	_ =	swait.ge [sflag:s26], $0x2800  }
0x27: {  	[sflag:s26] =	ssyncset.done $0x0  }
0x28: {  	s14 =	simm.s32 $0x10;
	[sflag:s26] =	ssyncadd.s32 $0xFFFFD800  }
0x29: {  	_ =	swait.ge [sflag:s14], $0x2800  }
0x2a: {  	[sflag:s14] =	ssyncset.done $0x0  }
0x2b: {  	[sflag:s14] =	ssyncadd.s32 $0xFFFFD800  }
0x2c: {  	[bflag:$0x0] =	sbarrier.arrive $0xFFFF  }
0x2d: {  	s12 =	rddreg [dreg:$0x4]  }
0x2e: {  	[tilespmem:s4], [sflag:$0x1] =	stream.linear.gather [spmem:s12], $0x2800, $0x38;
	[tilespmem:$0x1E400] =	vst v63  }
0x2f: {  	s13 =	simm.s32 $0x2800;
	s20 =	rddreg [dreg:$0x18]  }
0x30: {  	[tilespmem:s13], [sflag:$0x2] =	stream.linear.gather [spmem:s20], $0x2800, $0x38;
	[tilespmem:$0x1E400] =	vst v63  }
0x31: {  	s15 =	rddreg [dreg:$0x19]  }
0x32: {  	[tilespmem:s25], [sflag:$0x3] =	stream.linear.gather [spmem:s15], $0x2800, $0x38;
	[tilespmem:$0x1E400] =	vst v63  }
0x33: {  	s16 =	rddreg [dreg:$0x1a]  }
0x34: {  	[tilespmem:s1], [sflag:$0x4] =	stream.linear.gather [spmem:s16], $0x2800, $0x38;
	[tilespmem:$0x1E400] =	vst v63  }
0x35: {  	_ =	swait.ge [sflag:s21], $0x2800  }
0x36: {  	[sflag:s21] =	ssyncset.done $0x0  }
0x37: {  	s15 =	simm.s32 $0xD;
	s17 =	rddreg [dreg:$0xe];
	[sflag:s21] =	ssyncadd.s32 $0xFFFFD800  }
0x38: {  	[hbm4b:s17+s4] =	stream.linear.scatter [tilespmem:s4], [sflag:$0xD], $0x2800, $0x38;
	[tilespmem:$0x1E400] =	vst v63  }
0x39: {  	_ =	swait.ge [sflag:s15], $0x2800  }
0x3a: {  	[sflag:s15] =	ssyncset.done $0x0  }
0x3b: {  	s17 =	rddreg [dreg:$0x1b];
	[sflag:s15] =	ssyncadd.s32 $0xFFFFD800  }
0x3c: {  	[tilespmem:s4], [sflag:$0x1] =	stream.linear.gather [spmem:s17], $0x2800, $0x38;
	[tilespmem:$0x1E400] =	vst v63  }
0x3d: {  	_ =	swait.ge [sflag:s22], $0x2800  }
0x3e: {  	[sflag:s22] =	ssyncset.done $0x0  }
0x3f: {  	s16 =	simm.s32 $0xE;
	s20 =	rddreg [dreg:$0xf];
	[sflag:s22] =	ssyncadd.s32 $0xFFFFD800  }
0x40: {  	[hbm4b:s20+s4] =	stream.linear.scatter [tilespmem:s13], [sflag:$0xE], $0x2800, $0x38;
	[tilespmem:$0x1E400] =	vst v63  }
0x41: {  	_ =	swait.ge [sflag:s16], $0x2800  }
0x42: {  	[sflag:s16] =	ssyncset.done $0x0  }
0x43: {  	s20 =	rddreg [dreg:$0x1c];
	[sflag:s16] =	ssyncadd.s32 $0xFFFFD800  }
0x44: {  	[tilespmem:s13], [sflag:$0x2] =	stream.linear.gather [spmem:s20], $0x2800, $0x38;
	[tilespmem:$0x1E400] =	vst v63  }
0x45: {  	_ =	swait.ge [sflag:s23], $0x2800  }
0x46: {  	[sflag:s23] =	ssyncset.done $0x0  }
0x47: {  	s12 =	rddreg [dreg:$0x10];
	[sflag:s23] =	ssyncadd.s32 $0xFFFFD800  }
0x48: {  	[hbm4b:s12+s4] =	stream.linear.scatter [tilespmem:s25], [sflag:$0xF], $0x2800, $0x38;
	[tilespmem:$0x1E400] =	vst v63  }
0x49: {  	_ =	swait.ge [sflag:s26], $0x2800  }
0x4a: {  	[sflag:s26] =	ssyncset.done $0x0  }
0x4b: {  	s28 =	rddreg [dreg:$0x1d];
	[sflag:s26] =	ssyncadd.s32 $0xFFFFD800  }
0x4c: {  	[tilespmem:s25], [sflag:$0x3] =	stream.linear.gather [spmem:s28], $0x2800, $0x38;
	[tilespmem:$0x1E400] =	vst v63  }
0x4d: {  	_ =	swait.ge [sflag:s24], $0x2800  }
0x4e: {  	[sflag:s24] =	ssyncset.done $0x0  }
0x4f: {  	s12 =	rddreg [dreg:$0x11];
	[sflag:s24] =	ssyncadd.s32 $0xFFFFD800  }
0x50: {  	[hbm4b:s12+s4] =	stream.linear.scatter [tilespmem:s1], [sflag:$0x10], $0x2800, $0x38;
	[tilespmem:$0x1E400] =	vst v63  }
0x51: {  	_ =	swait.ge [sflag:s14], $0x2800  }
0x52: {  	[sflag:s14] =	ssyncset.done $0x0  }
0x53: {  	s29 =	rddreg [dreg:$0x1e];
	[sflag:s14] =	ssyncadd.s32 $0xFFFFD800  }
0x54: {  	[tilespmem:s1], [sflag:$0x4] =	stream.linear.gather [spmem:s29], $0x2800, $0x38;
	[tilespmem:$0x1E400] =	vst v63  }
0x55: {  	_ =	swait.ge [sflag:s21], $0x2800  }
0x56: {  	[sflag:s21] =	ssyncset.done $0x0  }
0x57: {  	s12 =	rddreg [dreg:$0x12];
	[sflag:s21] =	ssyncadd.s32 $0xFFFFD800  }
0x58: {  	[hbm4b:s12+s4] =	stream.linear.scatter [tilespmem:s4], [sflag:$0xD], $0x2800, $0x38;
	[tilespmem:$0x1E400] =	vst v63  }
0x59: {  	_ =	swait.ge [sflag:s22], $0x2800  }
0x5a: {  	[sflag:s22] =	ssyncset.done $0x0  }
0x5b: {  	s12 =	rddreg [dreg:$0x13];
	[sflag:s22] =	ssyncadd.s32 $0xFFFFD800  }
0x5c: {  	[hbm4b:s12+s4] =	stream.linear.scatter [tilespmem:s13], [sflag:$0xE], $0x2800, $0x38;
	[tilespmem:$0x1E400] =	vst v63  }
0x5d: {  	_ =	swait.ge [sflag:s23], $0x2800  }
0x5e: {  	[sflag:s23] =	ssyncset.done $0x0  }
0x5f: {  	s12 =	rddreg [dreg:$0x14];
	[sflag:s23] =	ssyncadd.s32 $0xFFFFD800  }
0x60: {  	[hbm4b:s12+s4] =	stream.linear.scatter [tilespmem:s25], [sflag:$0xF], $0x2800, $0x38;
	[tilespmem:$0x1E400] =	vst v63  }
0x61: {  	_ =	swait.ge [sflag:s24], $0x2800  }
0x62: {  	[sflag:s24] =	ssyncset.done $0x0  }
0x63: {  	s12 =	rddreg [dreg:$0x15];
	[sflag:s24] =	ssyncadd.s32 $0xFFFFD800  }
0x64: {  	[hbm4b:s12+s4] =	stream.linear.scatter [tilespmem:s1], [sflag:$0x10], $0x2800, $0x38;
	[tilespmem:$0x1E400] =	vst v63  }
0x65: {  	_ =	swait.ge [sflag:s15], $0x2800  }
0x66: {  	[sflag:s15] =	ssyncset.done $0x0  }
0x67: {  	[sflag:s15] =	ssyncadd.s32 $0xFFFFD800  }
0x68: {  	_ =	swait.ge [sflag:s16], $0x2800  }
0x69: {  	[sflag:s16] =	ssyncset.done $0x0  }
0x6a: {  	[sflag:s16] =	ssyncadd.s32 $0xFFFFD800  }
0x6b: {  	s16 =	rddreg [dreg:$0x4];
	_ =	swait.ge [sflag:s26], $0x2800  }
0x6c: {  	[sflag:s26] =	ssyncset.done $0x0  }
0x6d: {  	[sflag:s26] =	ssyncadd.s32 $0xFFFFD800  }
0x6e: {  	_ =	swait.ge [sflag:s14], $0x2800  }
0x6f: {  	s12 =	sld [smem:$0x7FC];
	_ =	sdelay $0x2  }
0x70: {  	s15 =	sadd.s32 $0x1, s12;
	s12 =	rddreg [dreg:$0x16]  }
0x71: {  	p0 =	sne.s32 s15, s12  }
.Ltmp1:
0x72: {  	_ = 	snop;
	(pc) =	sbr.rel @!p0 .LBB2_7-.Ltmp1, $3  }
0x73: {  	_ =	sdelay $0x1  }
0x74: {  	[sflag:s14] =	ssyncset.done $0x0  }
0x75: {  	[sflag:s14] =	ssyncadd.s32 $0xFFFFD800;
	s14 =	rddreg [dreg:$0x18]  }
.LBB2_1:
0x76: {  	[smem:$0x7FC] =	sst s15  }
0x77: {  	s12 =	rddreg [dreg:$0x1];
	s15 =	simm.s32 $0x11  }
0x78: {  	[tilespmem:s4], [sflag:$0x11] =	stream.linear.gather [hbm4b:s12+s4], $0x2800, $0x38;
	[tilespmem:$0x1E400] =	vst v63  }
0x79: {  	_ =	swait.ge [sflag:s15], $0x2800  }
0x7a: {  	[sflag:s15] =	ssyncset.done $0x0  }
0x7b: {  	[sflag:s15] =	ssyncadd.s32 $0xFFFFD800  }
0x7c: {  	[spmem:s16] =	stream.linear.scatter [tilespmem:s4], [sflag:$0x1], $0x2800, $0x38;
	[tilespmem:$0x1E400] =	vst v63  }
0x7d: {  	_ = 	snop  }
0x7e: {  	[spmem:s14] =	stream.linear.scatter [tilespmem:s4], [sflag:$0x2], $0x2800, $0x38;
	[tilespmem:$0x1E400] =	vst v63  }
0x7f: {  	s16 =	rddreg [dreg:$0x19]  }
0x80: {  	[spmem:s16] =	stream.linear.scatter [tilespmem:s4], [sflag:$0x3], $0x2800, $0x38;
	[tilespmem:$0x1E400] =	vst v63  }
0x81: {  	s14 =	rddreg [dreg:$0x1a]  }
0x82: {  	[spmem:s14] =	stream.linear.scatter [tilespmem:s4], [sflag:$0x4], $0x2800, $0x38;
	[tilespmem:$0x1E400] =	vst v63  }
0x83: {  	_ = 	snop  }
0x84: {  	[spmem:s17] =	stream.linear.scatter [tilespmem:s4], [sflag:$0x1], $0x2800, $0x38;
	[tilespmem:$0x1E400] =	vst v63  }
0x85: {  	_ = 	snop  }
0x86: {  	[spmem:s20] =	stream.linear.scatter [tilespmem:s4], [sflag:$0x2], $0x2800, $0x38;
	[tilespmem:$0x1E400] =	vst v63  }
0x87: {  	_ = 	snop  }
0x88: {  	[spmem:s28] =	stream.linear.scatter [tilespmem:s4], [sflag:$0x3], $0x2800, $0x38;
	[tilespmem:$0x1E400] =	vst v63  }
0x89: {  	_ = 	snop  }
0x8a: {  	[spmem:s29] =	stream.linear.scatter [tilespmem:s4], [sflag:$0x4], $0x2800, $0x38;
	[tilespmem:$0x1E400] =	vst v63  }
0x8b: {  	_ =	swait.ge [sflag:s21], $0x2800  }
0x8c: {  	[sflag:s21] =	ssyncset.done $0x0  }
0x8d: {  	[sflag:s21] =	ssyncadd.s32 $0xFFFFD800  }
0x8e: {  	_ =	swait.ge [sflag:s22], $0x2800  }
0x8f: {  	[sflag:s22] =	ssyncset.done $0x0  }
0x90: {  	[sflag:s22] =	ssyncadd.s32 $0xFFFFD800  }
0x91: {  	_ =	swait.ge [sflag:s23], $0x2800  }
0x92: {  	[sflag:s23] =	ssyncset.done $0x0  }
0x93: {  	[sflag:s23] =	ssyncadd.s32 $0xFFFFD800  }
0x94: {  	_ =	swait.ge [sflag:s24], $0x2800  }
0x95: {  	[sflag:s24] =	ssyncset.done $0x0  }
0x96: {  	[sflag:s24] =	ssyncadd.s32 $0xFFFFD800  }
0x97: {  	_ =	swait.ge [sflag:s21], $0x2800  }
0x98: {  	[sflag:s21] =	ssyncset.done $0x0  }
0x99: {  	[sflag:s21] =	ssyncadd.s32 $0xFFFFD800  }
0x9a: {  	_ =	swait.ge [sflag:s22], $0x2800  }
0x9b: {  	[sflag:s22] =	ssyncset.done $0x0  }
0x9c: {  	[sflag:s22] =	ssyncadd.s32 $0xFFFFD800  }
0x9d: {  	_ =	swait.ge [sflag:s23], $0x2800  }
0x9e: {  	[sflag:s23] =	ssyncset.done $0x0  }
0x9f: {  	[sflag:s23] =	ssyncadd.s32 $0xFFFFD800  }
0xa0: {  	_ =	swait.ge [sflag:s24], $0x2800  }
0xa1: {  	[sflag:s24] =	ssyncset.done $0x0  }
0xa2: {  	[sflag:s24] =	ssyncadd.s32 $0xFFFFD800  }
0xa3: {  	[bflag:$0x0] =	sbarrier.arrive $0xFFFF  }
0xa4: {  	s15 =	rddreg [dreg:$0x5]  }
0xa5: {  	s16 =	simm.s32 $0xA000;
	s17 =	rddreg [dreg:$0x6]  }
0xa6: {  	[tilespmem:s16], [sflag:$0x5] =	stream.linear.gather [hbm4b:s15+s4], $0x50, $0x38;
	[tilespmem:$0x1E400] =	vst v63  }
0xa7: {  	s14 =	simm.s32 $0xA080;
	s20 =	rddreg [dreg:$0x1f]  }
0xa8: {  	[tilespmem:s14], [sflag:$0x6] =	stream.linear.gather [hbm4b:s17+s4], $0x50, $0x38;
	[tilespmem:$0x1E400] =	vst v63  }
0xa9: {  	s29 =	simm.s32 $0xA100;
	s15 =	sld [smem:$0x7FD]  }
0xaa: {  	[tilespmem:s29], [sflag:$0x7] =	stream.linear.gather [hbm4b:s20+s4], $0x50, $0x38;
	[tilespmem:$0x1E400] =	vst v63  }
0xab: {  	s17 =	simm.s32 $0xA180  }
0xac: {  	[tilespmem:s17], [sflag:$0x8] =	stream.linear.gather [hbm4b:s15+s4], $0x50, $0x38;
	[tilespmem:$0x1E400] =	vst v63  }
0xad: {  	s20 =	rddreg [dreg:$0x7];
	s29 =	simm.s32 $0xA200  }
0xae: {  	[tilespmem:s29], [sflag:$0x9] =	stream.linear.gather [hbm4b:s20+s4], $0x50, $0x38;
	[tilespmem:$0x1E400] =	vst v63  }
0xaf: {  	s15 =	rddreg [dreg:$0x8];
	s17 =	simm.s32 $0xA280;
	s20 =	simm.s32 $0x5  }
0xb0: {  	[tilespmem:s17], [sflag:$0xA] =	stream.linear.gather [hbm4b:s15+s4], $0x50, $0x38;
	[tilespmem:$0x1E400] =	vst v63  }
0xb1: {  	_ =	swait.ge [sflag:s20], $0x50  }
0xb2: {  	[sflag:s20] =	ssyncset.done $0x0  }
0xb3: {  	[sflag:s20] =	ssyncadd.s32 $0xFFFFFFB0  }
0xb4: {  	[tilespmem:s4], [sflag:$0x1] =	stream.indirect.gather [hbm4b:s5+s9], $0x80, s16, s9, $0xb8;
	[tilespmem:$0x1E400] =	vst v63  }
.Ltmp2:
0xb5: {  	s29 =	simm.s32 $0x6;
	(pc) =	sbr.rel .LBB2_2-.Ltmp2, $4  }
0xb6: {  	_ =	swait.ge [sflag:s29], $0x50  }
0xb7: {  	[sflag:s29] =	ssyncset.done $0x0  }
0xb8: {  	s20 =	simm.s32 $0x0;
	s28 =	rddreg [dreg:$0x17];
	[sflag:s29] =	ssyncadd.s32 $0xFFFFFFB0  }
0xb9: {  	[tilespmem:s13], [sflag:$0x2] =	stream.indirect.gather [hbm4b:s5+s9], $0x80, s14, s9, $0xb8;
	[tilespmem:$0x1E400] =	vst v63  }
.LBB2_4:
0xba: {  	_ =	swait.ge [sflag:s26], $0x2800  }
0xbb: {  	s29 =	smov.u32 s20;
	p1 =	por $0x0, $0x0;
	[sflag:s26] =	ssyncset.done $0x0  }
0xbc: {  	s17 =	simm.s32 $0x2800;
	s29 =	simm.s32 @p0 $0x26C0;
	[sflag:s26] =	ssyncadd.s32 $0xFFFFD800  }
.LBB2_5:
0xbd: {  	_ =	swait.ge [sflag:s19], $0x50  }
0xbe: {  	[sflag:s19] =	ssyncset.done $0x0  }
0xbf: {  	s14 =	simm.s32 $0xA100;
	s15 =	rddreg [dreg:$0xa];
	[sflag:s19] =	ssyncadd.s32 $0xFFFFFFB0  }
0xc0: {  	[tilespmem:s25], [sflag:$0x3] =	stream.indirect.gather [hbm4b:s5+s9], $0x80, s14, s9, $0xb8;
	[tilespmem:$0x1E400] =	vst v63  }
0xc1: {  	s14 =	sadd.s32 s29, s15  }
0xc2: {  	s14 =	sshrl.u32 s14, $0x3  }
0xc3: {  	s14 =	sadd.s32 s7, s14  }
0xc4: {  	[tilespmem:s30], [sflag:$0xB] =	stream.linear.gather [hbm4b:s14+s4], $0x50, $0x38;
	[tilespmem:$0x1E400] =	vst v63  }
0xc5: {  	_ =	swait.ge [sflag:s31], $0x50  }
0xc6: {  	[sflag:s31] =	ssyncset.done $0x0  }
0xc7: {  	s16 =	simm.s32 $0xA200;
	[sflag:s31] =	ssyncadd.s32 $0xFFFFFFB0  }
0xc8: {  	[spmem:s3] =	stream.indirect.scatter.add.f32 [tilespmem:s4], [sflag:$0xD], $0x80, s16, s9, $0xb8;
	[tilespmem:$0x1E400] =	vst v63  }
0xc9: {  	_ =	swait.ge [sflag:s22], $0x2800  }
0xca: {  	s14 =	rddreg [dreg:$0xb]  }
0xcb: {  	s14 =	sadd.s32 @!p0 s29, s14  }
0xcc: {  	[sflag:s22] =	ssyncset.done $0x0;
	s14 =	sshrl.u32 @!p0 s14, $0x3  }
0xcd: {  	s15 =	simm.s32 @!p0 $0xA080;
	[sflag:s22] =	ssyncadd.s32 $0xFFFFD800;
	s16 =	sadd.s32 @!p0 s6, s14  }
0xce: {  	[tilespmem:s15], [sflag:$0x6] =	stream.linear.gather @!p0 [hbm4b:s16+s12], $0x50, $0x38;
	[tilespmem:$0x1E400] =	vst v63  }
0xcf: {  	s16 =	simm.s32 @!p1 $0x10  }
0xd0: {  	_ =	swait.ge @!p1 [sflag:s16], $0x2800  }
0xd1: {  	[sflag:s16] =	ssyncset.done @!p1 $0x0  }
0xd2: {  	[sflag:s16] =	ssyncadd.s32 @!p1 $0xFFFFD800  }
0xd3: {  	_ =	swait.ge [sflag:s0], $0x50  }
0xd4: {  	[sflag:s0] =	ssyncset.done $0x0  }
0xd5: {  	s16 =	simm.s32 $0xA180;
	[sflag:s0] =	ssyncadd.s32 $0xFFFFFFB0  }
0xd6: {  	[tilespmem:s1], [sflag:$0x4] =	stream.indirect.gather [hbm4b:s5+s9], $0x80, s16, s9, $0xb8;
	[tilespmem:$0x1E400] =	vst v63  }
0xd7: {  	s16 =	rddreg [dreg:$0xc]  }
0xd8: {  	s16 =	sadd.s32 s29, s16  }
0xd9: {  	s16 =	sshrl.u32 s16, $0x3  }
0xda: {  	s16 =	sadd.s32 s7, s16  }
0xdb: {  	[tilespmem:s2], [sflag:$0xC] =	stream.linear.gather [hbm4b:s16+s4], $0x50, $0x38;
	[tilespmem:$0x1E400] =	vst v63  }
0xdc: {  	_ =	swait.ge [sflag:s10], $0x50  }
0xdd: {  	[sflag:s10] =	ssyncset.done $0x0  }
0xde: {  	s16 =	simm.s32 $0xA280;
	[sflag:s10] =	ssyncadd.s32 $0xFFFFFFB0  }
0xdf: {  	[spmem:s3] =	stream.indirect.scatter.add.f32 [tilespmem:s17], [sflag:$0xE], $0x80, s16, s9, $0xb8;
	[tilespmem:$0x1E400] =	vst v63  }
0xe0: {  	_ =	swait.ge [sflag:s23], $0x2800  }
0xe1: {  	[sflag:s23] =	ssyncset.done $0x0  }
0xe2: {  	s16 =	simm.s32 @p0 $0xD;
	[sflag:s23] =	ssyncadd.s32 $0xFFFFD800  }
0xe3: {  	_ =	swait.ge @p0 [sflag:s16], $0x2800  }
0xe4: {  	s17 =	rddreg [dreg:$0xd]  }
0xe5: {  	s17 =	sadd.s32 @!p0 s29, s17  }
0xe6: {  	[sflag:s16] =	ssyncset.done @p0 $0x0;
	s17 =	sshrl.u32 @!p0 s17, $0x3  }
0xe7: {  	[sflag:s16] =	ssyncadd.s32 @p0 $0xFFFFD800;
	s16 =	sadd.s32 @!p0 s6, s17;
	s17 =	simm.s32 @!p0 $0xA100  }
0xe8: {  	[tilespmem:s17], [sflag:$0x7] =	stream.linear.gather @!p0 [hbm4b:s16+s12], $0x50, $0x38;
	[tilespmem:$0x1E400] =	vst v63  }
0xe9: {  	s16 =	simm.s32 @!p0 $0xD  }
0xea: {  	_ =	swait.ge @!p0 [sflag:s16], $0x2800  }
0xeb: {  	[sflag:s16] =	ssyncset.done @!p0 $0x0  }
0xec: {  	[sflag:s16] =	ssyncadd.s32 @!p0 $0xFFFFD800;
	s16 =	simm.s32 @!p0 $0x5  }
0xed: {  	_ =	swait.ge @!p0 [sflag:s16], $0x50  }
0xee: {  	[sflag:s16] =	ssyncset.done @!p0 $0x0  }
0xef: {  	[sflag:s16] =	ssyncadd.s32 @!p0 $0xFFFFFFB0;
	s16 =	simm.s32 @!p0 $0x50  }
0xf0: {  	[tilespmem:s12], [sflag:$0x1] =	stream.indirect.gather @!p0 [hbm4b:s5+s16], $0x80, s13, s16, $0xb8;
	[tilespmem:$0x1E400] =	vst v63  }
0xf1: {  	s13 =	rddreg [dreg:$0x9]  }
0xf2: {  	s13 =	sadd.s32 @!p0 s29, s13  }
0xf3: {  	s13 =	sshrl.u32 @!p0 s13, $0x3  }
0xf4: {  	s17 =	simm.s32 @!p0 $0xA200;
	s13 =	sadd.s32 @!p0 s7, s13  }
0xf5: {  	[tilespmem:s17], [sflag:$0x9] =	stream.linear.gather @!p0 [hbm4b:s13+s12], $0x50, $0x38;
	[tilespmem:$0x1E400] =	vst v63  }
0xf6: {  	_ =	swait.ge [sflag:s11], $0x50  }
0xf7: {  	[sflag:s11] =	ssyncset.done $0x0  }
0xf8: {  	[sflag:s11] =	ssyncadd.s32 $0xFFFFFFB0  }
0xf9: {  	[spmem:s3] =	stream.indirect.scatter.add.f32 [tilespmem:s25], [sflag:$0xF], $0x80, s30, s9, $0xb8;
	[tilespmem:$0x1E400] =	vst v63  }
0xfa: {  	_ =	swait.ge [sflag:s24], $0x2800  }
0xfb: {  	[sflag:s24] =	ssyncset.done $0x0  }
0xfc: {  	s13 =	simm.s32 @p0 $0xE;
	[sflag:s24] =	ssyncadd.s32 $0xFFFFD800  }
0xfd: {  	s17 =	sadd.s32 @!p0 s29, s18;
	_ =	swait.ge @p0 [sflag:s13], $0x2800  }
0xfe: {  	s17 =	sshrl.u32 @!p0 s17, $0x3;
	[sflag:s13] =	ssyncset.done @p0 $0x0  }
0xff: {  	[sflag:s13] =	ssyncadd.s32 @p0 $0xFFFFD800;
	s13 =	sadd.s32 @!p0 s6, s17;
	s17 =	simm.s32 @!p0 $0xA180  }
0x100: {  	[tilespmem:s17], [sflag:$0x8] =	stream.linear.gather @!p0 [hbm4b:s13+s12], $0x50, $0x38;
	[tilespmem:$0x1E400] =	vst v63  }
0x101: {  	s13 =	simm.s32 @!p0 $0xE  }
0x102: {  	_ =	swait.ge @!p0 [sflag:s13], $0x2800  }
0x103: {  	[sflag:s13] =	ssyncset.done @!p0 $0x0  }
0x104: {  	[sflag:s13] =	ssyncadd.s32 @!p0 $0xFFFFD800;
	s13 =	simm.s32 @!p0 $0x6  }
0x105: {  	_ =	swait.ge @!p0 [sflag:s13], $0x50  }
0x106: {  	[sflag:s13] =	ssyncset.done @!p0 $0x0  }
0x107: {  	[sflag:s13] =	ssyncadd.s32 @!p0 $0xFFFFFFB0;
	s13 =	simm.s32 @!p0 $0x2800  }
0x108: {  	[tilespmem:s13], [sflag:$0x2] =	stream.indirect.gather @!p0 [hbm4b:s5+s16], $0x80, s15, s16, $0xb8;
	[tilespmem:$0x1E400] =	vst v63  }
0x109: {  	s20 =	sadd.s32 $0x140, s20;
	s13 =	sadd.s32 @!p0 s7, s14;
	s14 =	simm.s32 @!p0 $0xA280  }
0x10a: {  	[tilespmem:s14], [sflag:$0xA] =	stream.linear.gather @!p0 [hbm4b:s13+s12], $0x50, $0x38;
	[tilespmem:$0x1E400] =	vst v63  }
0x10b: {  	p0 =	sne.s32 s20, $0x2800  }
.Ltmp3:
0x10c: {  	_ = 	snop;
	(pc) =	sbr.rel @!p0 .LBB2_6-.Ltmp3, $4  }
0x10d: {  	_ =	swait.ge [sflag:s8], $0x50  }
0x10e: {  	[sflag:s8] =	ssyncset.done $0x0  }
0x10f: {  	s28 =	sadd.s32 $0x28, s28;
	[sflag:s8] =	ssyncadd.s32 $0xFFFFFFB0  }
0x110: {  	[spmem:s3] =	stream.indirect.scatter.add.f32 [tilespmem:s1], [sflag:$0x10], $0x80, s2, s9, $0xb8;
	[tilespmem:$0x1E400] =	vst v63  }
.LBB2_2:
0x111: {  	p0 =	seq.s32 s20, $0x26C0  }
0x112: {  	p1 =	seq.s32 @!p0 s20, $0x0  }
0x113: {  	p1 =	por p0, !p1  }
.Ltmp4:
0x114: {  	_ = 	snop;
	(pc) =	sbr.rel @p1 .LBB2_4-.Ltmp4, $4  }
0x115: {  	_ =	swait.ge [sflag:s21], $0x2800  }
0x116: {  	[sflag:s21] =	ssyncset.done $0x0  }
0x117: {  	s12 =	simm.s32 @!p0 $0x0;
	s13 =	simm.s32 @!p0 $0xA000;
	[sflag:s21] =	ssyncadd.s32 $0xFFFFD800  }
0x118: {  	[tilespmem:s13], [sflag:$0x5] =	stream.linear.gather @!p0 [hbm4b:s28+s12], $0x50, $0x38;
	[tilespmem:$0x1E400] =	vst v63  }
.Ltmp5:
0x119: {  	(pc) =	sbr.rel .LBB2_5-.Ltmp5, $2  }
0x11a: {  	_ =	sdelay $0x2  }
0x11b: {  	p1 =	por @!p0 $0x1, $0x1;
	s29 =	simm.s32 @!p0 $0x0;
	s17 =	simm.s32 $0x2800  }
.LBB2_7:
0x11c: {  	_ =	sfence.sel $0x180000  }
0x11d: {  	[bflag:$0x0] =	sbarrier.arrive $0xFFFF  }
0x11e: {  	_ =	strace $0x90000050  }
0x11f: {  	s0 =	stileid.u32;
	[bflag:$0x2] =	sbarrier.arrive $0xFFFF  }
0x120: {  	p0 =	sne.s32 s0, $0x0;
	s0 =	rddreg [dreg:$0x3]  }
0x121: {  	s0 =	sadd.s32 @!p0 $0x100000, s0  }
0x122: {  	[sflag:s0] =	ssyncadd.tile.s32 @!p0 $0x1;
	_ =	shalt  }
.Lfunc_end2:
_tile_overlayer_lowered:
.L_overlay_start_2:
0x123: {  	(tag) =	ssettag $0x2  }
0x124: {  	s0 =	rddreg [dreg:$0x0];
	s2 =	stileid.u32  }
0x125: {  	s1 =	rddreg [dreg:$0x1];
	p0 =	sne.s32 s2, $0x0  }
0x126: {  	s3 =	rddreg [dreg:$0x2];
	[bflag:$0x3] =	sbarrier.arrive $0xFFFF;
	s2 =	simm.s32 @!p0 $0x1C11  }
0x127: {  	[timem:s3], [sflag:s2] =	dma.local @!p0 [hbm:s0], s1  }
0x128: {  	s0 =	simm.s32 @!p0 $0x11  }
0x129: {  	_ =	swait.ge @!p0 [sflag:s0], s1  }
0x12a: {  	s1 =	ssub.s32 @!p0 $0x0, s1;
	[sflag:s0] =	ssyncset.done @!p0 $0x0  }
0x12b: {  	[sflag:s0] =	ssyncadd.s32 @!p0 s1  }
0x12c: {  	[bflag:$0x3] =	sbarrier.arrive $0xFFFF  }
0x12d: {  	_ =	shalt  }

</sc_bundles>
